<compile_context>
chip_gen: v7x
topology: tpu7x:2x2x1
jax: 0.10.2.dev20260603
libtpu: 0.0.44.dev20260713+nightly
codegen_flags: <defaults>
</compile_context>

<pallas_src>
import functools

import jax
import jax.numpy as jnp
from jax import lax
from jax.experimental import pallas as pl
from jax.experimental.pallas import tpu as pltpu
from jax.experimental.pallas import tpu_sc as plsc

NUM_NODES = 100000
NUM_SEGMENTS = 512
D = 128

NC = 2
NS = 16
NW = NC * NS
L = 16
DJ = D // L

G = 16
NGROUPS = NUM_NODES // G
GQ, GR = divmod(NGROUPS, NW)
MAX_GROUPS = GQ + 1
IDX_MAIN = GQ * G
IDX_PAD = MAX_GROUPS * G

R = 3
CH = 128
CH_G = CH // G
NCH = (MAX_GROUPS + CH_G - 1) // CH_G
PART_SIZES = sorted({sz for sz in (GQ * G % CH, (GQ + 1) * G % CH) if sz})
SUMW = NUM_SEGMENTS * D
CNTW = NUM_SEGMENTS * L


def _sc_partial(v_flat, batch):
  mesh = plsc.VectorSubcoreMesh(core_axis_name="c", subcore_axis_name="s")

  @functools.partial(
      pl.kernel,
      out_type=[
          jax.ShapeDtypeStruct((NW * SUMW,), jnp.float32),
          jax.ShapeDtypeStruct((NW, CNTW), jnp.float32),
      ],
      mesh=mesh,
      scratch_types=[
          pltpu.VMEM((IDX_PAD,), jnp.int32),
          pltpu.VMEM((R * CH * D,), jnp.float32),
          pltpu.VMEM((SUMW,), jnp.float32),
          pltpu.VMEM((CNTW,), jnp.float32),
          pltpu.SemaphoreType.DMA((R,)),
          pltpu.SemaphoreType.DMA((2,)),
      ],
  )
  def k(v_hbm, b_hbm, psum_hbm, pcnt_hbm, idx_v, ring, loc_s, loc_c, sems,
        isems):
    cid = lax.axis_index("c")
    sid = lax.axis_index("s")
    wid = sid * NC + cid

    base_group = wid * GQ + jnp.minimum(wid, GR)
    ngroups = GQ + jnp.where(wid < GR, 1, 0)
    row_base = base_group * G
    nrows = ngroups * G

    zeros = jnp.zeros((L,), jnp.float32)
    ones = jnp.ones((L,), jnp.float32)
    sixteens = jnp.full((L,), 16.0)

    def issue(c, slot):
      @pl.when((c + 1) * CH <= nrows)
      def _():
        pltpu.async_copy(
            v_hbm.at[pl.ds((row_base + c * CH) * D, CH * D)],
            ring.at[pl.ds(slot * CH * D, CH * D)], sems.at[slot])

      for sz in PART_SIZES:
        @pl.when(nrows - c * CH == sz)
        def _(sz=sz):
          pltpu.async_copy(
              v_hbm.at[pl.ds((row_base + c * CH) * D, sz * D)],
              ring.at[pl.ds(slot * CH * D, sz * D)], sems.at[slot])

    def wait_chunk(c, slot):
      @pl.when((c + 1) * CH <= nrows)
      def _():
        pltpu.make_async_copy(
            v_hbm.at[pl.ds((row_base + c * CH) * D, CH * D)],
            ring.at[pl.ds(slot * CH * D, CH * D)], sems.at[slot]).wait()

      for sz in PART_SIZES:
        @pl.when(nrows - c * CH == sz)
        def _(sz=sz):
          pltpu.make_async_copy(
              v_hbm.at[pl.ds((row_base + c * CH) * D, sz * D)],
              ring.at[pl.ds(slot * CH * D, sz * D)], sems.at[slot]).wait()

    for p in range(R - 1):
      issue(jnp.int32(p), p)

    idx_main_cp = pltpu.make_async_copy(
        b_hbm.at[pl.ds(row_base, IDX_MAIN)],
        idx_v.at[pl.ds(0, IDX_MAIN)], isems.at[0])
    idx_main_cp.start()
    idx_tail_cp = pltpu.make_async_copy(
        b_hbm.at[pl.ds(row_base + IDX_MAIN, G)],
        idx_v.at[pl.ds(IDX_MAIN, G)], isems.at[1])

    @pl.when(wid < GR)
    def _():
      idx_tail_cp.start()

    def fillz(i, _):
      for j in range(DJ):
        loc_s[pl.ds(i * D + j * L, L)] = zeros
      loc_c[pl.ds(i * L, L)] = zeros
      return 0

    lax.fori_loop(0, NUM_SEGMENTS, fillz, 0)

    idx_main_cp.wait()

    @pl.when(wid < GR)
    def _():
      idx_tail_cp.wait()

    def group_body(b, c):
      slot = lax.rem(c, R)
      valid = c * CH_G + b < ngroups
      idxv = idx_v[pl.ds(c * CH + b * G, G)]
      first = idxv[0]
      last = idxv[G - 1]
      base = slot * (CH * D) + b * (G * D)

      @pl.when(valid & (first == last))
      def _():
        acc = [ring[pl.ds(base + j * L, L)] for j in range(DJ)]
        for r in range(1, G):
          acc = [acc[j] + ring[pl.ds(base + r * D + j * L, L)]
                 for j in range(DJ)]
        sbase = first * D
        for j in range(DJ):
          loc_s[pl.ds(sbase + j * L, L)] = (
              loc_s[pl.ds(sbase + j * L, L)] + acc[j])
        loc_c[pl.ds(first * L, L)] = loc_c[pl.ds(first * L, L)] + sixteens

      @pl.when(valid & (first != last))
      def _():
        for r in range(G):
          s_r = idxv[r]
          rbase = s_r * D
          for j in range(DJ):
            loc_s[pl.ds(rbase + j * L, L)] = (
                loc_s[pl.ds(rbase + j * L, L)]
                + ring[pl.ds(base + r * D + j * L, L)])
          loc_c[pl.ds(s_r * L, L)] = loc_c[pl.ds(s_r * L, L)] + ones

      return c

    def chunk_body(c, _):
      wait_chunk(c, lax.rem(c, R))
      issue(c + (R - 1), lax.rem(c + (R - 1), R))
      lax.fori_loop(0, CH_G, group_body, c)
      return 0

    lax.fori_loop(0, NCH, chunk_body, 0)

    out_s = pltpu.make_async_copy(
        loc_s, psum_hbm.at[pl.ds(wid * SUMW, SUMW)], isems.at[0])
    out_c = pltpu.make_async_copy(loc_c, pcnt_hbm.at[wid], isems.at[1])
    out_s.start()
    out_c.start()
    out_s.wait()
    out_c.wait()

  return k(v_flat, batch)


def _combine_body(u_ref, ps_ref, pc_ref, o_ref):
  s = jnp.sum(ps_ref[...], axis=0)
  c = jnp.sum(pc_ref[...], axis=0)
  cnt = jnp.maximum(c[:, 0:1], 1.0)
  o_ref[...] = u_ref[...] + s / cnt


SEG_BLK = 128


def kernel(u, v, batch):
  batch = batch.astype(jnp.int32)
  psum, pcnt = _sc_partial(v.reshape(-1), batch)
  psum = psum.reshape(NW, NUM_SEGMENTS, D)
  pcnt = pcnt.reshape(NW, NUM_SEGMENTS, L)
  nblk = NUM_SEGMENTS // SEG_BLK
  return pl.pallas_call(
      _combine_body,
      grid=(nblk,),
      in_specs=[
          pl.BlockSpec((SEG_BLK, D), lambda i: (i, 0)),
          pl.BlockSpec((NW, SEG_BLK, D), lambda i: (0, i, 0)),
          pl.BlockSpec((NW, SEG_BLK, L), lambda i: (0, i, 0)),
      ],
      out_specs=pl.BlockSpec((SEG_BLK, D), lambda i: (i, 0)),
      out_shape=jax.ShapeDtypeStruct((NUM_SEGMENTS, D), jnp.float32),
  )(u, psum, pcnt)

# --- scband reference (transcript-rebuilt; emitter-appended) ---
"""Pipeline reference for scband-update-u-86827058856750 (READ-ONLY COPY).

The authoritative reference and input builder live on the scoring server;
editing this copy changes nothing except your own understanding.
"""

import jax, jax.numpy as jnp
import numpy as np

NUM_NODES = 100000
NUM_SEGMENTS = 512
D = 128


def setup_inputs(seed: int = 0) -> dict:
    key = jax.random.key(seed)
    k1, k2, k3 = jax.random.split(key, 3)
    u = jax.random.normal(k1, (NUM_SEGMENTS, D), dtype=jnp.float32)
    v = jax.random.normal(k2, (NUM_NODES, D), dtype=jnp.float32)
    batch = jnp.sort(jax.random.randint(k3, (NUM_NODES,), 0, NUM_SEGMENTS, dtype=jnp.int64))
    return {"u": u, "v": v, "batch": batch}


def reference(u, v, batch):
    # scatter(v, batch, dim=0, reduce='mean') followed by u += result
    num_segments = u.shape[0]
    sums = jax.ops.segment_sum(v, batch, num_segments=num_segments)
    counts = jax.ops.segment_sum(jnp.ones((v.shape[0],), dtype=v.dtype), batch, num_segments=num_segments)
    counts = jnp.clip(counts, 1.0, None)
    mean = sums / counts[:, None]
    return u + mean

if __name__ == "__main__":
    import jax
    _d = setup_inputs()
    print(jax.jit(kernel)(*tuple(_d.values())))

</pallas_src>

<mosaic_0001>
#map = affine_map<(d0, d1) -> (0)>
#map1 = affine_map<(d0, d1) -> (0, 0)>
module attributes {stable_mosaic.version = 14 : i64} {
  func.func @k(%arg0: i32, %arg1: i32, %arg2: memref<12800000xf32, #tpu.memory_space<hbm>>, %arg3: memref<100000xi32, #tpu.memory_space<hbm>>, %arg4: memref<2097152xf32, #tpu.memory_space<hbm>>, %arg5: memref<32x8192xf32, #tpu.memory_space<hbm>>, %arg6: memref<3136xi32, #tpu.memory_space<vmem>>, %arg7: memref<49152xf32, #tpu.memory_space<vmem>>, %arg8: memref<65536xf32, #tpu.memory_space<vmem>>, %arg9: memref<8192xf32, #tpu.memory_space<vmem>>, %arg10: memref<3x!tpu.dma_semaphore, #tpu.memory_space<semaphore_mem>>, %arg11: memref<2x!tpu.dma_semaphore, #tpu.memory_space<semaphore_mem>>) attributes {dimension_semantics = [#tpu.dimension_semantics<core_parallel>, #tpu.dimension_semantics<subcore_parallel>], iteration_bounds = array<i64: 2, 16>, scalar_prefetch = 0 : i64, scratch_operands = 6 : i64, tpu.core_type = #tpu.core_type<sc_vector_subcore>, window_params = [{transform_indices = #map}, {transform_indices = #map}, {transform_indices = #map}, {transform_indices = #map1}]} {
    %mul3A = arith.constant 2 : i32
    %mul3A_0 = arith.muli %arg1, %mul3A : i32
    %add3A = arith.addi %mul3A_0, %arg0 : i32
    %mul3A_1 = arith.constant 195 : i32
    %mul3A_2 = arith.muli %add3A, %mul3A_1 : i32
    %min3A = arith.constant 10 : i32
    %min3A_3 = arith.minsi %add3A, %min3A : i32
    %add3A_4 = arith.addi %mul3A_2, %min3A_3 : i32
    %lt3A = arith.constant 10 : i32
    %lt3A_5 = arith.cmpi slt, %add3A, %lt3A : i32
    %jit3A = arith.constant 1 : i32
    %jit3A_6 = arith.constant 0 : i32
    %select_n3A = arith.select %lt3A_5, %jit3A, %jit3A_6 : i32
    %add3A_7 = arith.constant 195 : i32
    %add3A_8 = arith.addi %add3A_7, %select_n3A : i32
    %mul3A_9 = arith.constant 16 : i32
    %mul3A_10 = arith.muli %add3A_4, %mul3A_9 : i32
    %mul3A_11 = arith.constant 16 : i32
    %mul3A_12 = arith.muli %add3A_8, %mul3A_11 : i32
    %broadcast_in_dim3A = arith.constant 0.000000e+00 : f32
    %broadcast_in_dim3A_13 = vector.broadcast %broadcast_in_dim3A : f32 to vector<16xf32>
    %broadcast_in_dim3A_14 = arith.constant 1.000000e+00 : f32
    %broadcast_in_dim3A_15 = vector.broadcast %broadcast_in_dim3A_14 : f32 to vector<16xf32>
    %broadcast_in_dim3A_16 = arith.constant 1.600000e+01 : f32
    %broadcast_in_dim3A_17 = vector.broadcast %broadcast_in_dim3A_16 : f32 to vector<16xf32>
    %add3A_18 = arith.constant 0 : i32
    %add3A_19 = arith.constant 1 : i32
    %add3A_20 = arith.addi %add3A_18, %add3A_19 : i32
    %mul3A_21 = arith.constant 128 : i32
    %mul3A_22 = arith.muli %add3A_20, %mul3A_21 : i32
    %le3A = arith.cmpi sle, %mul3A_22, %mul3A_12 : i32
    %convert_element_type3A = arith.extui %le3A : i1 to i32
    %cond3A = arith.constant 0 : i32
    %cond3A_23 = arith.constant 0 : i32
    %cond3A_24 = arith.cmpi ne, %convert_element_type3A, %cond3A_23 : i32
    scf.if %cond3A_24 {
      %mul3A_146 = arith.constant 128 : i32
      %mul3A_147 = arith.muli %cond3A, %mul3A_146 : i32
      %add3A_148 = arith.addi %mul3A_10, %mul3A_147 : i32
      %mul3A_149 = arith.constant 128 : i32
      %mul3A_150 = arith.muli %add3A_148, %mul3A_149 : i32
      %dma_start3A_151 = arith.constant 0 : i32
      %dma_start3A_152 = arith.constant 0 : i32
      %dma_start3A_153 = tpu.memref_slice %arg7[%dma_start3A_152] : memref<49152xf32, #tpu.memory_space<vmem>> -> memref<16384xf32, #tpu.memory_space<vmem>>
      %dma_start3A_154 = tpu.memref_slice %arg2[%mul3A_150] : memref<12800000xf32, #tpu.memory_space<hbm>> -> memref<16384xf32, #tpu.memory_space<hbm>>
      %dma_start3A_155 = tpu.memref_slice %arg10[%dma_start3A_151] : memref<3x!tpu.dma_semaphore, #tpu.memory_space<semaphore_mem>> -> memref<1x!tpu.dma_semaphore, #tpu.memory_space<semaphore_mem>>
      %dma_start3A_156 = tpu.memref_squeeze %dma_start3A_155 : memref<1x!tpu.dma_semaphore, #tpu.memory_space<semaphore_mem>> -> memref<!tpu.dma_semaphore, #tpu.memory_space<semaphore_mem>>
      %dma_start3A_157 = arith.constant 0 : i32
      %dma_start3A_158 = tpu.memref_slice %arg7[%dma_start3A_157] : memref<49152xf32, #tpu.memory_space<vmem>> -> memref<16384xf32, #tpu.memory_space<vmem>>
      %dma_start3A_159 = tpu.memref_slice %arg2[%mul3A_150] : memref<12800000xf32, #tpu.memory_space<hbm>> -> memref<16384xf32, #tpu.memory_space<hbm>>
      tpu.enqueue_dma source(%dma_start3A_159 : memref<16384xf32, #tpu.memory_space<hbm>>) target(%dma_start3A_158 : memref<16384xf32, #tpu.memory_space<vmem>>) target_semaphore(%dma_start3A_156 : memref<!tpu.dma_semaphore, #tpu.memory_space<semaphore_mem>>)
    } else {
    }
    %mul3A_25 = arith.constant 0 : i32
    %mul3A_26 = arith.constant 128 : i32
    %mul3A_27 = arith.muli %mul3A_25, %mul3A_26 : i32
    %sub3A = arith.subi %mul3A_12, %mul3A_27 : i32
    %eq3A = arith.constant 48 : i32
    %eq3A_28 = arith.cmpi eq, %sub3A, %eq3A : i32
    %convert_element_type3A_29 = arith.extui %eq3A_28 : i1 to i32
    %cond3A_30 = arith.constant 0 : i32
    %cond3A_31 = arith.constant 0 : i32
    %cond3A_32 = arith.cmpi ne, %convert_element_type3A_29, %cond3A_31 : i32
    scf.if %cond3A_32 {
      %mul3A_146 = arith.constant 128 : i32
      %mul3A_147 = arith.muli %cond3A_30, %mul3A_146 : i32
      %add3A_148 = arith.addi %mul3A_10, %mul3A_147 : i32
      %mul3A_149 = arith.constant 128 : i32
      %mul3A_150 = arith.muli %add3A_148, %mul3A_149 : i32
      %dma_start3A_151 = arith.constant 0 : i32
      %dma_start3A_152 = arith.constant 0 : i32
      %dma_start3A_153 = tpu.memref_slice %arg7[%dma_start3A_152] : memref<49152xf32, #tpu.memory_space<vmem>> -> memref<6144xf32, #tpu.memory_space<vmem>>
      %dma_start3A_154 = tpu.memref_slice %arg2[%mul3A_150] : memref<12800000xf32, #tpu.memory_space<hbm>> -> memref<6144xf32, #tpu.memory_space<hbm>>
      %dma_start3A_155 = tpu.memref_slice %arg10[%dma_start3A_151] : memref<3x!tpu.dma_semaphore, #tpu.memory_space<semaphore_mem>> -> memref<1x!tpu.dma_semaphore, #tpu.memory_space<semaphore_mem>>
      %dma_start3A_156 = tpu.memref_squeeze %dma_start3A_155 : memref<1x!tpu.dma_semaphore, #tpu.memory_space<semaphore_mem>> -> memref<!tpu.dma_semaphore, #tpu.memory_space<semaphore_mem>>
      %dma_start3A_157 = arith.constant 0 : i32
      %dma_start3A_158 = tpu.memref_slice %arg7[%dma_start3A_157] : memref<49152xf32, #tpu.memory_space<vmem>> -> memref<6144xf32, #tpu.memory_space<vmem>>
      %dma_start3A_159 = tpu.memref_slice %arg2[%mul3A_150] : memref<12800000xf32, #tpu.memory_space<hbm>> -> memref<6144xf32, #tpu.memory_space<hbm>>
      tpu.enqueue_dma source(%dma_start3A_159 : memref<6144xf32, #tpu.memory_space<hbm>>) target(%dma_start3A_158 : memref<6144xf32, #tpu.memory_space<vmem>>) target_semaphore(%dma_start3A_156 : memref<!tpu.dma_semaphore, #tpu.memory_space<semaphore_mem>>)
    } else {
    }
    %mul3A_33 = arith.constant 0 : i32
    %mul3A_34 = arith.constant 128 : i32
    %mul3A_35 = arith.muli %mul3A_33, %mul3A_34 : i32
    %sub3A_36 = arith.subi %mul3A_12, %mul3A_35 : i32
    %eq3A_37 = arith.constant 64 : i32
    %eq3A_38 = arith.cmpi eq, %sub3A_36, %eq3A_37 : i32
    %convert_element_type3A_39 = arith.extui %eq3A_38 : i1 to i32
    %cond3A_40 = arith.constant 0 : i32
    %cond3A_41 = arith.constant 0 : i32
    %cond3A_42 = arith.cmpi ne, %convert_element_type3A_39, %cond3A_41 : i32
    scf.if %cond3A_42 {
      %mul3A_146 = arith.constant 128 : i32
      %mul3A_147 = arith.muli %cond3A_40, %mul3A_146 : i32
      %add3A_148 = arith.addi %mul3A_10, %mul3A_147 : i32
      %mul3A_149 = arith.constant 128 : i32
      %mul3A_150 = arith.muli %add3A_148, %mul3A_149 : i32
      %dma_start3A_151 = arith.constant 0 : i32
      %dma_start3A_152 = arith.constant 0 : i32
      %dma_start3A_153 = tpu.memref_slice %arg7[%dma_start3A_152] : memref<49152xf32, #tpu.memory_space<vmem>> -> memref<8192xf32, #tpu.memory_space<vmem>>
      %dma_start3A_154 = tpu.memref_slice %arg2[%mul3A_150] : memref<12800000xf32, #tpu.memory_space<hbm>> -> memref<8192xf32, #tpu.memory_space<hbm>>
      %dma_start3A_155 = tpu.memref_slice %arg10[%dma_start3A_151] : memref<3x!tpu.dma_semaphore, #tpu.memory_space<semaphore_mem>> -> memref<1x!tpu.dma_semaphore, #tpu.memory_space<semaphore_mem>>
      %dma_start3A_156 = tpu.memref_squeeze %dma_start3A_155 : memref<1x!tpu.dma_semaphore, #tpu.memory_space<semaphore_mem>> -> memref<!tpu.dma_semaphore, #tpu.memory_space<semaphore_mem>>
      %dma_start3A_157 = arith.constant 0 : i32
      %dma_start3A_158 = tpu.memref_slice %arg7[%dma_start3A_157] : memref<49152xf32, #tpu.memory_space<vmem>> -> memref<8192xf32, #tpu.memory_space<vmem>>
      %dma_start3A_159 = tpu.memref_slice %arg2[%mul3A_150] : memref<12800000xf32, #tpu.memory_space<hbm>> -> memref<8192xf32, #tpu.memory_space<hbm>>
      tpu.enqueue_dma source(%dma_start3A_159 : memref<8192xf32, #tpu.memory_space<hbm>>) target(%dma_start3A_158 : memref<8192xf32, #tpu.memory_space<vmem>>) target_semaphore(%dma_start3A_156 : memref<!tpu.dma_semaphore, #tpu.memory_space<semaphore_mem>>)
    } else {
    }
    %add3A_43 = arith.constant 1 : i32
    %add3A_44 = arith.constant 1 : i32
    %add3A_45 = arith.addi %add3A_43, %add3A_44 : i32
    %mul3A_46 = arith.constant 128 : i32
    %mul3A_47 = arith.muli %add3A_45, %mul3A_46 : i32
    %le3A_48 = arith.cmpi sle, %mul3A_47, %mul3A_12 : i32
    %convert_element_type3A_49 = arith.extui %le3A_48 : i1 to i32
    %cond3A_50 = arith.constant 1 : i32
    %cond3A_51 = arith.constant 0 : i32
    %cond3A_52 = arith.cmpi ne, %convert_element_type3A_49, %cond3A_51 : i32
    scf.if %cond3A_52 {
      %mul3A_146 = arith.constant 128 : i32
      %mul3A_147 = arith.muli %cond3A_50, %mul3A_146 : i32
      %add3A_148 = arith.addi %mul3A_10, %mul3A_147 : i32
      %mul3A_149 = arith.constant 128 : i32
      %mul3A_150 = arith.muli %add3A_148, %mul3A_149 : i32
      %dma_start3A_151 = arith.constant 1 : i32
      %dma_start3A_152 = arith.constant 16384 : i32
      %dma_start3A_153 = tpu.memref_slice %arg7[%dma_start3A_152] : memref<49152xf32, #tpu.memory_space<vmem>> -> memref<16384xf32, #tpu.memory_space<vmem>>
      %dma_start3A_154 = tpu.memref_slice %arg2[%mul3A_150] : memref<12800000xf32, #tpu.memory_space<hbm>> -> memref<16384xf32, #tpu.memory_space<hbm>>
      %dma_start3A_155 = tpu.memref_slice %arg10[%dma_start3A_151] : memref<3x!tpu.dma_semaphore, #tpu.memory_space<semaphore_mem>> -> memref<1x!tpu.dma_semaphore, #tpu.memory_space<semaphore_mem>>
      %dma_start3A_156 = tpu.memref_squeeze %dma_start3A_155 : memref<1x!tpu.dma_semaphore, #tpu.memory_space<semaphore_mem>> -> memref<!tpu.dma_semaphore, #tpu.memory_space<semaphore_mem>>
      %dma_start3A_157 = arith.constant 16384 : i32
      %dma_start3A_158 = tpu.memref_slice %arg7[%dma_start3A_157] : memref<49152xf32, #tpu.memory_space<vmem>> -> memref<16384xf32, #tpu.memory_space<vmem>>
      %dma_start3A_159 = tpu.memref_slice %arg2[%mul3A_150] : memref<12800000xf32, #tpu.memory_space<hbm>> -> memref<16384xf32, #tpu.memory_space<hbm>>
      tpu.enqueue_dma source(%dma_start3A_159 : memref<16384xf32, #tpu.memory_space<hbm>>) target(%dma_start3A_158 : memref<16384xf32, #tpu.memory_space<vmem>>) target_semaphore(%dma_start3A_156 : memref<!tpu.dma_semaphore, #tpu.memory_space<semaphore_mem>>)
    } else {
    }
    %mul3A_53 = arith.constant 1 : i32
    %mul3A_54 = arith.constant 128 : i32
    %mul3A_55 = arith.muli %mul3A_53, %mul3A_54 : i32
    %sub3A_56 = arith.subi %mul3A_12, %mul3A_55 : i32
    %eq3A_57 = arith.constant 48 : i32
    %eq3A_58 = arith.cmpi eq, %sub3A_56, %eq3A_57 : i32
    %convert_element_type3A_59 = arith.extui %eq3A_58 : i1 to i32
    %cond3A_60 = arith.constant 1 : i32
    %cond3A_61 = arith.constant 0 : i32
    %cond3A_62 = arith.cmpi ne, %convert_element_type3A_59, %cond3A_61 : i32
    scf.if %cond3A_62 {
      %mul3A_146 = arith.constant 128 : i32
      %mul3A_147 = arith.muli %cond3A_60, %mul3A_146 : i32
      %add3A_148 = arith.addi %mul3A_10, %mul3A_147 : i32
      %mul3A_149 = arith.constant 128 : i32
      %mul3A_150 = arith.muli %add3A_148, %mul3A_149 : i32
      %dma_start3A_151 = arith.constant 1 : i32
      %dma_start3A_152 = arith.constant 16384 : i32
      %dma_start3A_153 = tpu.memref_slice %arg7[%dma_start3A_152] : memref<49152xf32, #tpu.memory_space<vmem>> -> memref<6144xf32, #tpu.memory_space<vmem>>
      %dma_start3A_154 = tpu.memref_slice %arg2[%mul3A_150] : memref<12800000xf32, #tpu.memory_space<hbm>> -> memref<6144xf32, #tpu.memory_space<hbm>>
      %dma_start3A_155 = tpu.memref_slice %arg10[%dma_start3A_151] : memref<3x!tpu.dma_semaphore, #tpu.memory_space<semaphore_mem>> -> memref<1x!tpu.dma_semaphore, #tpu.memory_space<semaphore_mem>>
      %dma_start3A_156 = tpu.memref_squeeze %dma_start3A_155 : memref<1x!tpu.dma_semaphore, #tpu.memory_space<semaphore_mem>> -> memref<!tpu.dma_semaphore, #tpu.memory_space<semaphore_mem>>
      %dma_start3A_157 = arith.constant 16384 : i32
      %dma_start3A_158 = tpu.memref_slice %arg7[%dma_start3A_157] : memref<49152xf32, #tpu.memory_space<vmem>> -> memref<6144xf32, #tpu.memory_space<vmem>>
      %dma_start3A_159 = tpu.memref_slice %arg2[%mul3A_150] : memref<12800000xf32, #tpu.memory_space<hbm>> -> memref<6144xf32, #tpu.memory_space<hbm>>
      tpu.enqueue_dma source(%dma_start3A_159 : memref<6144xf32, #tpu.memory_space<hbm>>) target(%dma_start3A_158 : memref<6144xf32, #tpu.memory_space<vmem>>) target_semaphore(%dma_start3A_156 : memref<!tpu.dma_semaphore, #tpu.memory_space<semaphore_mem>>)
    } else {
    }
    %mul3A_63 = arith.constant 1 : i32
    %mul3A_64 = arith.constant 128 : i32
    %mul3A_65 = arith.muli %mul3A_63, %mul3A_64 : i32
    %sub3A_66 = arith.subi %mul3A_12, %mul3A_65 : i32
    %eq3A_67 = arith.constant 64 : i32
    %eq3A_68 = arith.cmpi eq, %sub3A_66, %eq3A_67 : i32
    %convert_element_type3A_69 = arith.extui %eq3A_68 : i1 to i32
    %cond3A_70 = arith.constant 1 : i32
    %cond3A_71 = arith.constant 0 : i32
    %cond3A_72 = arith.cmpi ne, %convert_element_type3A_69, %cond3A_71 : i32
    scf.if %cond3A_72 {
      %mul3A_146 = arith.constant 128 : i32
      %mul3A_147 = arith.muli %cond3A_70, %mul3A_146 : i32
      %add3A_148 = arith.addi %mul3A_10, %mul3A_147 : i32
      %mul3A_149 = arith.constant 128 : i32
      %mul3A_150 = arith.muli %add3A_148, %mul3A_149 : i32
      %dma_start3A_151 = arith.constant 1 : i32
      %dma_start3A_152 = arith.constant 16384 : i32
      %dma_start3A_153 = tpu.memref_slice %arg7[%dma_start3A_152] : memref<49152xf32, #tpu.memory_space<vmem>> -> memref<8192xf32, #tpu.memory_space<vmem>>
      %dma_start3A_154 = tpu.memref_slice %arg2[%mul3A_150] : memref<12800000xf32, #tpu.memory_space<hbm>> -> memref<8192xf32, #tpu.memory_space<hbm>>
      %dma_start3A_155 = tpu.memref_slice %arg10[%dma_start3A_151] : memref<3x!tpu.dma_semaphore, #tpu.memory_space<semaphore_mem>> -> memref<1x!tpu.dma_semaphore, #tpu.memory_space<semaphore_mem>>
      %dma_start3A_156 = tpu.memref_squeeze %dma_start3A_155 : memref<1x!tpu.dma_semaphore, #tpu.memory_space<semaphore_mem>> -> memref<!tpu.dma_semaphore, #tpu.memory_space<semaphore_mem>>
      %dma_start3A_157 = arith.constant 16384 : i32
      %dma_start3A_158 = tpu.memref_slice %arg7[%dma_start3A_157] : memref<49152xf32, #tpu.memory_space<vmem>> -> memref<8192xf32, #tpu.memory_space<vmem>>
      %dma_start3A_159 = tpu.memref_slice %arg2[%mul3A_150] : memref<12800000xf32, #tpu.memory_space<hbm>> -> memref<8192xf32, #tpu.memory_space<hbm>>
      tpu.enqueue_dma source(%dma_start3A_159 : memref<8192xf32, #tpu.memory_space<hbm>>) target(%dma_start3A_158 : memref<8192xf32, #tpu.memory_space<vmem>>) target_semaphore(%dma_start3A_156 : memref<!tpu.dma_semaphore, #tpu.memory_space<semaphore_mem>>)
    } else {
    }
    %dma_start3A = arith.constant 0 : i32
    %dma_start3A_73 = arith.constant 0 : i32
    %dma_start3A_74 = tpu.memref_slice %arg6[%dma_start3A_73] : memref<3136xi32, #tpu.memory_space<vmem>> -> memref<3120xi32, #tpu.memory_space<vmem>>
    %dma_start3A_75 = tpu.memref_slice %arg3[%mul3A_10] : memref<100000xi32, #tpu.memory_space<hbm>> -> memref<3120xi32, #tpu.memory_space<hbm>>
    %dma_start3A_76 = tpu.memref_slice %arg11[%dma_start3A] : memref<2x!tpu.dma_semaphore, #tpu.memory_space<semaphore_mem>> -> memref<1x!tpu.dma_semaphore, #tpu.memory_space<semaphore_mem>>
    %dma_start3A_77 = tpu.memref_squeeze %dma_start3A_76 : memref<1x!tpu.dma_semaphore, #tpu.memory_space<semaphore_mem>> -> memref<!tpu.dma_semaphore, #tpu.memory_space<semaphore_mem>>
    %dma_start3A_78 = arith.constant 0 : i32
    %dma_start3A_79 = tpu.memref_slice %arg6[%dma_start3A_78] : memref<3136xi32, #tpu.memory_space<vmem>> -> memref<3120xi32, #tpu.memory_space<vmem>>
    %dma_start3A_80 = tpu.memref_slice %arg3[%mul3A_10] : memref<100000xi32, #tpu.memory_space<hbm>> -> memref<3120xi32, #tpu.memory_space<hbm>>
    tpu.enqueue_dma source(%dma_start3A_80 : memref<3120xi32, #tpu.memory_space<hbm>>) target(%dma_start3A_79 : memref<3120xi32, #tpu.memory_space<vmem>>) target_semaphore(%dma_start3A_77 : memref<!tpu.dma_semaphore, #tpu.memory_space<semaphore_mem>>)
    %add3A_81 = arith.constant 3120 : i32
    %add3A_82 = arith.addi %mul3A_10, %add3A_81 : i32
    %lt3A_83 = arith.constant 10 : i32
    %lt3A_84 = arith.cmpi slt, %add3A, %lt3A_83 : i32
    %convert_element_type3A_85 = arith.extui %lt3A_84 : i1 to i32
    %cond3A_86 = arith.constant 1 : i32
    %cond3A_87 = arith.constant 0 : i32
    %cond3A_88 = arith.cmpi ne, %convert_element_type3A_85, %cond3A_87 : i32
    scf.if %cond3A_88 {
      %dma_start3A_146 = arith.constant 3120 : i32
      %dma_start3A_147 = tpu.memref_slice %arg6[%dma_start3A_146] : memref<3136xi32, #tpu.memory_space<vmem>> -> memref<16xi32, #tpu.memory_space<vmem>>
      %dma_start3A_148 = tpu.memref_slice %arg3[%add3A_82] : memref<100000xi32, #tpu.memory_space<hbm>> -> memref<16xi32, #tpu.memory_space<hbm>>
      %dma_start3A_149 = tpu.memref_slice %arg11[%cond3A_86] : memref<2x!tpu.dma_semaphore, #tpu.memory_space<semaphore_mem>> -> memref<1x!tpu.dma_semaphore, #tpu.memory_space<semaphore_mem>>
      %dma_start3A_150 = tpu.memref_squeeze %dma_start3A_149 : memref<1x!tpu.dma_semaphore, #tpu.memory_space<semaphore_mem>> -> memref<!tpu.dma_semaphore, #tpu.memory_space<semaphore_mem>>
      %dma_start3A_151 = arith.constant 3120 : i32
      %dma_start3A_152 = tpu.memref_slice %arg6[%dma_start3A_151] : memref<3136xi32, #tpu.memory_space<vmem>> -> memref<16xi32, #tpu.memory_space<vmem>>
      %dma_start3A_153 = tpu.memref_slice %arg3[%add3A_82] : memref<100000xi32, #tpu.memory_space<hbm>> -> memref<16xi32, #tpu.memory_space<hbm>>
      tpu.enqueue_dma source(%dma_start3A_153 : memref<16xi32, #tpu.memory_space<hbm>>) target(%dma_start3A_152 : memref<16xi32, #tpu.memory_space<vmem>>) target_semaphore(%dma_start3A_150 : memref<!tpu.dma_semaphore, #tpu.memory_space<semaphore_mem>>)
    } else {
    }
    %scan3A = arith.constant 0 : i32
    %scan3A_89 = arith.constant 0 : i32
    %scan3A_90 = arith.constant 512 : i32
    %scan3A_91 = arith.addi %scan3A_89, %scan3A_90 : i32
    %scan3A_92 = arith.constant 1 : i32
    %scan3A_93 = scf.for %scan3A_146 = %scan3A_89 to %scan3A_91 step %scan3A_92 iter_args(%scan3A_147 = %scan3A) -> (i32)  : i32 {
      %mul3A_148 = arith.constant 128 : i32
      %mul3A_149 = arith.muli %scan3A_146, %mul3A_148 : i32
      %add3A_150 = arith.constant 0 : i32
      %add3A_151 = arith.addi %mul3A_149, %add3A_150 : i32
      %swap3A = arith.index_cast %add3A_151 : i32 to index
      %swap3A_152 = tpu.vector_load %arg8[%swap3A] {strides = array<i32>} : memref<65536xf32, #tpu.memory_space<vmem>>, vector<16xf32>,
      %swap3A_153 = vector.shape_cast %swap3A_152 : vector<16xf32> to vector<16xf32>
      %swap3A_154 = vector.shape_cast %broadcast_in_dim3A_13 : vector<16xf32> to vector<16xf32>
      tpu.vector_store %arg8[%swap3A], %swap3A_154 {strides = array<i32>} : memref<65536xf32, #tpu.memory_space<vmem>>, vector<16xf32>,
      %mul3A_155 = arith.constant 128 : i32
      %mul3A_156 = arith.muli %scan3A_146, %mul3A_155 : i32
      %add3A_157 = arith.constant 16 : i32
      %add3A_158 = arith.addi %mul3A_156, %add3A_157 : i32
      %swap3A_159 = arith.index_cast %add3A_158 : i32 to index
      %swap3A_160 = tpu.vector_load %arg8[%swap3A_159] {strides = array<i32>} : memref<65536xf32, #tpu.memory_space<vmem>>, vector<16xf32>,
      %swap3A_161 = vector.shape_cast %swap3A_160 : vector<16xf32> to vector<16xf32>
      %swap3A_162 = vector.shape_cast %broadcast_in_dim3A_13 : vector<16xf32> to vector<16xf32>
      tpu.vector_store %arg8[%swap3A_159], %swap3A_162 {strides = array<i32>} : memref<65536xf32, #tpu.memory_space<vmem>>, vector<16xf32>,
      %mul3A_163 = arith.constant 128 : i32
      %mul3A_164 = arith.muli %scan3A_146, %mul3A_163 : i32
      %add3A_165 = arith.constant 32 : i32
      %add3A_166 = arith.addi %mul3A_164, %add3A_165 : i32
      %swap3A_167 = arith.index_cast %add3A_166 : i32 to index
      %swap3A_168 = tpu.vector_load %arg8[%swap3A_167] {strides = array<i32>} : memref<65536xf32, #tpu.memory_space<vmem>>, vector<16xf32>,
      %swap3A_169 = vector.shape_cast %swap3A_168 : vector<16xf32> to vector<16xf32>
      %swap3A_170 = vector.shape_cast %broadcast_in_dim3A_13 : vector<16xf32> to vector<16xf32>
      tpu.vector_store %arg8[%swap3A_167], %swap3A_170 {strides = array<i32>} : memref<65536xf32, #tpu.memory_space<vmem>>, vector<16xf32>,
      %mul3A_171 = arith.constant 128 : i32
      %mul3A_172 = arith.muli %scan3A_146, %mul3A_171 : i32
      %add3A_173 = arith.constant 48 : i32
      %add3A_174 = arith.addi %mul3A_172, %add3A_173 : i32
      %swap3A_175 = arith.index_cast %add3A_174 : i32 to index
      %swap3A_176 = tpu.vector_load %arg8[%swap3A_175] {strides = array<i32>} : memref<65536xf32, #tpu.memory_space<vmem>>, vector<16xf32>,
      %swap3A_177 = vector.shape_cast %swap3A_176 : vector<16xf32> to vector<16xf32>
      %swap3A_178 = vector.shape_cast %broadcast_in_dim3A_13 : vector<16xf32> to vector<16xf32>
      tpu.vector_store %arg8[%swap3A_175], %swap3A_178 {strides = array<i32>} : memref<65536xf32, #tpu.memory_space<vmem>>, vector<16xf32>,
      %mul3A_179 = arith.constant 128 : i32
      %mul3A_180 = arith.muli %scan3A_146, %mul3A_179 : i32
      %add3A_181 = arith.constant 64 : i32
      %add3A_182 = arith.addi %mul3A_180, %add3A_181 : i32
      %swap3A_183 = arith.index_cast %add3A_182 : i32 to index
      %swap3A_184 = tpu.vector_load %arg8[%swap3A_183] {strides = array<i32>} : memref<65536xf32, #tpu.memory_space<vmem>>, vector<16xf32>,
      %swap3A_185 = vector.shape_cast %swap3A_184 : vector<16xf32> to vector<16xf32>
      %swap3A_186 = vector.shape_cast %broadcast_in_dim3A_13 : vector<16xf32> to vector<16xf32>
      tpu.vector_store %arg8[%swap3A_183], %swap3A_186 {strides = array<i32>} : memref<65536xf32, #tpu.memory_space<vmem>>, vector<16xf32>,
      %mul3A_187 = arith.constant 128 : i32
      %mul3A_188 = arith.muli %scan3A_146, %mul3A_187 : i32
      %add3A_189 = arith.constant 80 : i32
      %add3A_190 = arith.addi %mul3A_188, %add3A_189 : i32
      %swap3A_191 = arith.index_cast %add3A_190 : i32 to index
      %swap3A_192 = tpu.vector_load %arg8[%swap3A_191] {strides = array<i32>} : memref<65536xf32, #tpu.memory_space<vmem>>, vector<16xf32>,
      %swap3A_193 = vector.shape_cast %swap3A_192 : vector<16xf32> to vector<16xf32>
      %swap3A_194 = vector.shape_cast %broadcast_in_dim3A_13 : vector<16xf32> to vector<16xf32>
      tpu.vector_store %arg8[%swap3A_191], %swap3A_194 {strides = array<i32>} : memref<65536xf32, #tpu.memory_space<vmem>>, vector<16xf32>,
      %mul3A_195 = arith.constant 128 : i32
      %mul3A_196 = arith.muli %scan3A_146, %mul3A_195 : i32
      %add3A_197 = arith.constant 96 : i32
      %add3A_198 = arith.addi %mul3A_196, %add3A_197 : i32
      %swap3A_199 = arith.index_cast %add3A_198 : i32 to index
      %swap3A_200 = tpu.vector_load %arg8[%swap3A_199] {strides = array<i32>} : memref<65536xf32, #tpu.memory_space<vmem>>, vector<16xf32>,
      %swap3A_201 = vector.shape_cast %swap3A_200 : vector<16xf32> to vector<16xf32>
      %swap3A_202 = vector.shape_cast %broadcast_in_dim3A_13 : vector<16xf32> to vector<16xf32>
      tpu.vector_store %arg8[%swap3A_199], %swap3A_202 {strides = array<i32>} : memref<65536xf32, #tpu.memory_space<vmem>>, vector<16xf32>,
      %mul3A_203 = arith.constant 128 : i32
      %mul3A_204 = arith.muli %scan3A_146, %mul3A_203 : i32
      %add3A_205 = arith.constant 112 : i32
      %add3A_206 = arith.addi %mul3A_204, %add3A_205 : i32
      %swap3A_207 = arith.index_cast %add3A_206 : i32 to index
      %swap3A_208 = tpu.vector_load %arg8[%swap3A_207] {strides = array<i32>} : memref<65536xf32, #tpu.memory_space<vmem>>, vector<16xf32>,
      %swap3A_209 = vector.shape_cast %swap3A_208 : vector<16xf32> to vector<16xf32>
      %swap3A_210 = vector.shape_cast %broadcast_in_dim3A_13 : vector<16xf32> to vector<16xf32>
      tpu.vector_store %arg8[%swap3A_207], %swap3A_210 {strides = array<i32>} : memref<65536xf32, #tpu.memory_space<vmem>>, vector<16xf32>,
      %mul3A_211 = arith.constant 16 : i32
      %mul3A_212 = arith.muli %scan3A_146, %mul3A_211 : i32
      %swap3A_213 = arith.index_cast %mul3A_212 : i32 to index
      %swap3A_214 = tpu.vector_load %arg9[%swap3A_213] {strides = array<i32>} : memref<8192xf32, #tpu.memory_space<vmem>>, vector<16xf32>,
      %swap3A_215 = vector.shape_cast %swap3A_214 : vector<16xf32> to vector<16xf32>
      %swap3A_216 = vector.shape_cast %broadcast_in_dim3A_13 : vector<16xf32> to vector<16xf32>
      tpu.vector_store %arg9[%swap3A_213], %swap3A_216 {strides = array<i32>} : memref<8192xf32, #tpu.memory_space<vmem>>, vector<16xf32>,
      %scan3A_217 = arith.constant 0 : i32
      scf.yield %scan3A_217 : i32
    }
    %scan3A_94 = arith.constant 512 : i32
    %dma_wait3A = arith.constant 0 : i32
    %dma_wait3A_95 = arith.constant 0 : i32
    %dma_wait3A_96 = tpu.memref_slice %arg6[%dma_wait3A_95] : memref<3136xi32, #tpu.memory_space<vmem>> -> memref<3120xi32, #tpu.memory_space<vmem>>
    %dma_wait3A_97 = tpu.memref_slice %arg3[%mul3A_10] : memref<100000xi32, #tpu.memory_space<hbm>> -> memref<3120xi32, #tpu.memory_space<hbm>>
    %dma_wait3A_98 = tpu.memref_slice %arg11[%dma_wait3A] : memref<2x!tpu.dma_semaphore, #tpu.memory_space<semaphore_mem>> -> memref<1x!tpu.dma_semaphore, #tpu.memory_space<semaphore_mem>>
    %dma_wait3A_99 = tpu.memref_squeeze %dma_wait3A_98 : memref<1x!tpu.dma_semaphore, #tpu.memory_space<semaphore_mem>> -> memref<!tpu.dma_semaphore, #tpu.memory_space<semaphore_mem>>
    %dma_wait3A_100 = arith.constant 0 : i32
    %dma_wait3A_101 = tpu.memref_slice %arg6[%dma_wait3A_100] : memref<3136xi32, #tpu.memory_space<vmem>> -> memref<3120xi32, #tpu.memory_space<vmem>>
    %dma_wait3A_102 = tpu.memref_slice %arg3[%mul3A_10] : memref<100000xi32, #tpu.memory_space<hbm>> -> memref<3120xi32, #tpu.memory_space<hbm>>
    tpu.wait_dma2 semaphore(%dma_wait3A_99 : memref<!tpu.dma_semaphore, #tpu.memory_space<semaphore_mem>>) src(%dma_wait3A_102 : memref<3120xi32, #tpu.memory_space<hbm>>) dst(%dma_wait3A_101 : memref<3120xi32, #tpu.memory_space<vmem>>)
    %lt3A_103 = arith.constant 10 : i32
    %lt3A_104 = arith.cmpi slt, %add3A, %lt3A_103 : i32
    %convert_element_type3A_105 = arith.extui %lt3A_104 : i1 to i32
    %cond3A_106 = arith.constant 1 : i32
    %cond3A_107 = arith.constant 0 : i32
    %cond3A_108 = arith.cmpi ne, %convert_element_type3A_105, %cond3A_107 : i32
    scf.if %cond3A_108 {
      %dma_wait3A_146 = arith.constant 3120 : i32
      %dma_wait3A_147 = tpu.memref_slice %arg6[%dma_wait3A_146] : memref<3136xi32, #tpu.memory_space<vmem>> -> memref<16xi32, #tpu.memory_space<vmem>>
      %dma_wait3A_148 = tpu.memref_slice %arg3[%add3A_82] : memref<100000xi32, #tpu.memory_space<hbm>> -> memref<16xi32, #tpu.memory_space<hbm>>
      %dma_wait3A_149 = tpu.memref_slice %arg11[%cond3A_106] : memref<2x!tpu.dma_semaphore, #tpu.memory_space<semaphore_mem>> -> memref<1x!tpu.dma_semaphore, #tpu.memory_space<semaphore_mem>>
      %dma_wait3A_150 = tpu.memref_squeeze %dma_wait3A_149 : memref<1x!tpu.dma_semaphore, #tpu.memory_space<semaphore_mem>> -> memref<!tpu.dma_semaphore, #tpu.memory_space<semaphore_mem>>
      %dma_wait3A_151 = arith.constant 3120 : i32
      %dma_wait3A_152 = tpu.memref_slice %arg6[%dma_wait3A_151] : memref<3136xi32, #tpu.memory_space<vmem>> -> memref<16xi32, #tpu.memory_space<vmem>>
      %dma_wait3A_153 = tpu.memref_slice %arg3[%add3A_82] : memref<100000xi32, #tpu.memory_space<hbm>> -> memref<16xi32, #tpu.memory_space<hbm>>
      tpu.wait_dma2 semaphore(%dma_wait3A_150 : memref<!tpu.dma_semaphore, #tpu.memory_space<semaphore_mem>>) src(%dma_wait3A_153 : memref<16xi32, #tpu.memory_space<hbm>>) dst(%dma_wait3A_152 : memref<16xi32, #tpu.memory_space<vmem>>)
    } else {
    }
    %scan3A_109 = arith.constant 0 : i32
    %scan3A_110 = arith.constant 0 : i32
    %scan3A_111 = arith.constant 25 : i32
    %scan3A_112 = arith.addi %scan3A_110, %scan3A_111 : i32
    %scan3A_113 = arith.constant 1 : i32
    %scan3A_114 = scf.for %scan3A_146 = %scan3A_110 to %scan3A_112 step %scan3A_113 iter_args(%scan3A_147 = %scan3A_109) -> (i32)  : i32 {
      %rem3A = arith.constant 3 : i32
      %rem3A_148 = arith.remsi %scan3A_146, %rem3A : i32
      %add3A_149 = arith.constant 1 : i32
      %add3A_150 = arith.addi %scan3A_146, %add3A_149 : i32
      %mul3A_151 = arith.constant 128 : i32
      %mul3A_152 = arith.muli %add3A_150, %mul3A_151 : i32
      %le3A_153 = arith.cmpi sle, %mul3A_152, %mul3A_12 : i32
      %convert_element_type3A_154 = arith.extui %le3A_153 : i1 to i32
      %cond3A_155 = arith.constant 0 : i32
      %cond3A_156 = arith.cmpi ne, %convert_element_type3A_154, %cond3A_155 : i32
      scf.if %cond3A_156 {
        %mul3A_209 = arith.constant 128 : i32
        %mul3A_210 = arith.muli %scan3A_146, %mul3A_209 : i32
        %add3A_211 = arith.addi %mul3A_10, %mul3A_210 : i32
        %mul3A_212 = arith.constant 128 : i32
        %mul3A_213 = arith.muli %add3A_211, %mul3A_212 : i32
        %mul3A_214 = arith.constant 128 : i32
        %mul3A_215 = arith.muli %rem3A_148, %mul3A_214 : i32
        %mul3A_216 = arith.constant 128 : i32
        %mul3A_217 = arith.muli %mul3A_215, %mul3A_216 : i32
        %dma_wait3A_218 = tpu.memref_slice %arg7[%mul3A_217] : memref<49152xf32, #tpu.memory_space<vmem>> -> memref<16384xf32, #tpu.memory_space<vmem>>
        %dma_wait3A_219 = tpu.memref_slice %arg2[%mul3A_213] : memref<12800000xf32, #tpu.memory_space<hbm>> -> memref<16384xf32, #tpu.memory_space<hbm>>
        %dma_wait3A_220 = tpu.memref_slice %arg10[%rem3A_148] : memref<3x!tpu.dma_semaphore, #tpu.memory_space<semaphore_mem>> -> memref<1x!tpu.dma_semaphore, #tpu.memory_space<semaphore_mem>>
        %dma_wait3A_221 = tpu.memref_squeeze %dma_wait3A_220 : memref<1x!tpu.dma_semaphore, #tpu.memory_space<semaphore_mem>> -> memref<!tpu.dma_semaphore, #tpu.memory_space<semaphore_mem>>
        %dma_wait3A_222 = tpu.memref_slice %arg7[%mul3A_217] : memref<49152xf32, #tpu.memory_space<vmem>> -> memref<16384xf32, #tpu.memory_space<vmem>>
        %dma_wait3A_223 = tpu.memref_slice %arg2[%mul3A_213] : memref<12800000xf32, #tpu.memory_space<hbm>> -> memref<16384xf32, #tpu.memory_space<hbm>>
        tpu.wait_dma2 semaphore(%dma_wait3A_221 : memref<!tpu.dma_semaphore, #tpu.memory_space<semaphore_mem>>) src(%dma_wait3A_223 : memref<16384xf32, #tpu.memory_space<hbm>>) dst(%dma_wait3A_222 : memref<16384xf32, #tpu.memory_space<vmem>>)
      } else {
      }
      %mul3A_157 = arith.constant 128 : i32
      %mul3A_158 = arith.muli %scan3A_146, %mul3A_157 : i32
      %sub3A_159 = arith.subi %mul3A_12, %mul3A_158 : i32
      %eq3A_160 = arith.constant 48 : i32
      %eq3A_161 = arith.cmpi eq, %sub3A_159, %eq3A_160 : i32
      %convert_element_type3A_162 = arith.extui %eq3A_161 : i1 to i32
      %cond3A_163 = arith.constant 0 : i32
      %cond3A_164 = arith.cmpi ne, %convert_element_type3A_162, %cond3A_163 : i32
      scf.if %cond3A_164 {
        %mul3A_209 = arith.constant 128 : i32
        %mul3A_210 = arith.muli %scan3A_146, %mul3A_209 : i32
        %add3A_211 = arith.addi %mul3A_10, %mul3A_210 : i32
        %mul3A_212 = arith.constant 128 : i32
        %mul3A_213 = arith.muli %add3A_211, %mul3A_212 : i32
        %mul3A_214 = arith.constant 128 : i32
        %mul3A_215 = arith.muli %rem3A_148, %mul3A_214 : i32
        %mul3A_216 = arith.constant 128 : i32
        %mul3A_217 = arith.muli %mul3A_215, %mul3A_216 : i32
        %dma_wait3A_218 = tpu.memref_slice %arg7[%mul3A_217] : memref<49152xf32, #tpu.memory_space<vmem>> -> memref<6144xf32, #tpu.memory_space<vmem>>
        %dma_wait3A_219 = tpu.memref_slice %arg2[%mul3A_213] : memref<12800000xf32, #tpu.memory_space<hbm>> -> memref<6144xf32, #tpu.memory_space<hbm>>
        %dma_wait3A_220 = tpu.memref_slice %arg10[%rem3A_148] : memref<3x!tpu.dma_semaphore, #tpu.memory_space<semaphore_mem>> -> memref<1x!tpu.dma_semaphore, #tpu.memory_space<semaphore_mem>>
        %dma_wait3A_221 = tpu.memref_squeeze %dma_wait3A_220 : memref<1x!tpu.dma_semaphore, #tpu.memory_space<semaphore_mem>> -> memref<!tpu.dma_semaphore, #tpu.memory_space<semaphore_mem>>
        %dma_wait3A_222 = tpu.memref_slice %arg7[%mul3A_217] : memref<49152xf32, #tpu.memory_space<vmem>> -> memref<6144xf32, #tpu.memory_space<vmem>>
        %dma_wait3A_223 = tpu.memref_slice %arg2[%mul3A_213] : memref<12800000xf32, #tpu.memory_space<hbm>> -> memref<6144xf32, #tpu.memory_space<hbm>>
        tpu.wait_dma2 semaphore(%dma_wait3A_221 : memref<!tpu.dma_semaphore, #tpu.memory_space<semaphore_mem>>) src(%dma_wait3A_223 : memref<6144xf32, #tpu.memory_space<hbm>>) dst(%dma_wait3A_222 : memref<6144xf32, #tpu.memory_space<vmem>>)
      } else {
      }
      %mul3A_165 = arith.constant 128 : i32
      %mul3A_166 = arith.muli %scan3A_146, %mul3A_165 : i32
      %sub3A_167 = arith.subi %mul3A_12, %mul3A_166 : i32
      %eq3A_168 = arith.constant 64 : i32
      %eq3A_169 = arith.cmpi eq, %sub3A_167, %eq3A_168 : i32
      %convert_element_type3A_170 = arith.extui %eq3A_169 : i1 to i32
      %cond3A_171 = arith.constant 0 : i32
      %cond3A_172 = arith.cmpi ne, %convert_element_type3A_170, %cond3A_171 : i32
      scf.if %cond3A_172 {
        %mul3A_209 = arith.constant 128 : i32
        %mul3A_210 = arith.muli %scan3A_146, %mul3A_209 : i32
        %add3A_211 = arith.addi %mul3A_10, %mul3A_210 : i32
        %mul3A_212 = arith.constant 128 : i32
        %mul3A_213 = arith.muli %add3A_211, %mul3A_212 : i32
        %mul3A_214 = arith.constant 128 : i32
        %mul3A_215 = arith.muli %rem3A_148, %mul3A_214 : i32
        %mul3A_216 = arith.constant 128 : i32
        %mul3A_217 = arith.muli %mul3A_215, %mul3A_216 : i32
        %dma_wait3A_218 = tpu.memref_slice %arg7[%mul3A_217] : memref<49152xf32, #tpu.memory_space<vmem>> -> memref<8192xf32, #tpu.memory_space<vmem>>
        %dma_wait3A_219 = tpu.memref_slice %arg2[%mul3A_213] : memref<12800000xf32, #tpu.memory_space<hbm>> -> memref<8192xf32, #tpu.memory_space<hbm>>
        %dma_wait3A_220 = tpu.memref_slice %arg10[%rem3A_148] : memref<3x!tpu.dma_semaphore, #tpu.memory_space<semaphore_mem>> -> memref<1x!tpu.dma_semaphore, #tpu.memory_space<semaphore_mem>>
        %dma_wait3A_221 = tpu.memref_squeeze %dma_wait3A_220 : memref<1x!tpu.dma_semaphore, #tpu.memory_space<semaphore_mem>> -> memref<!tpu.dma_semaphore, #tpu.memory_space<semaphore_mem>>
        %dma_wait3A_222 = tpu.memref_slice %arg7[%mul3A_217] : memref<49152xf32, #tpu.memory_space<vmem>> -> memref<8192xf32, #tpu.memory_space<vmem>>
        %dma_wait3A_223 = tpu.memref_slice %arg2[%mul3A_213] : memref<12800000xf32, #tpu.memory_space<hbm>> -> memref<8192xf32, #tpu.memory_space<hbm>>
        tpu.wait_dma2 semaphore(%dma_wait3A_221 : memref<!tpu.dma_semaphore, #tpu.memory_space<semaphore_mem>>) src(%dma_wait3A_223 : memref<8192xf32, #tpu.memory_space<hbm>>) dst(%dma_wait3A_222 : memref<8192xf32, #tpu.memory_space<vmem>>)
      } else {
      }
      %add3A_173 = arith.constant 2 : i32
      %add3A_174 = arith.addi %scan3A_146, %add3A_173 : i32
      %add3A_175 = arith.constant 2 : i32
      %add3A_176 = arith.addi %scan3A_146, %add3A_175 : i32
      %rem3A_177 = arith.constant 3 : i32
      %rem3A_178 = arith.remsi %add3A_176, %rem3A_177 : i32
      %add3A_179 = arith.constant 1 : i32
      %add3A_180 = arith.addi %add3A_174, %add3A_179 : i32
      %mul3A_181 = arith.constant 128 : i32
      %mul3A_182 = arith.muli %add3A_180, %mul3A_181 : i32
      %le3A_183 = arith.cmpi sle, %mul3A_182, %mul3A_12 : i32
      %convert_element_type3A_184 = arith.extui %le3A_183 : i1 to i32
      %cond3A_185 = arith.constant 0 : i32
      %cond3A_186 = arith.cmpi ne, %convert_element_type3A_184, %cond3A_185 : i32
      scf.if %cond3A_186 {
        %mul3A_209 = arith.constant 128 : i32
        %mul3A_210 = arith.muli %add3A_174, %mul3A_209 : i32
        %add3A_211 = arith.addi %mul3A_10, %mul3A_210 : i32
        %mul3A_212 = arith.constant 128 : i32
        %mul3A_213 = arith.muli %add3A_211, %mul3A_212 : i32
        %mul3A_214 = arith.constant 128 : i32
        %mul3A_215 = arith.muli %rem3A_178, %mul3A_214 : i32
        %mul3A_216 = arith.constant 128 : i32
        %mul3A_217 = arith.muli %mul3A_215, %mul3A_216 : i32
        %dma_start3A_218 = tpu.memref_slice %arg7[%mul3A_217] : memref<49152xf32, #tpu.memory_space<vmem>> -> memref<16384xf32, #tpu.memory_space<vmem>>
        %dma_start3A_219 = tpu.memref_slice %arg2[%mul3A_213] : memref<12800000xf32, #tpu.memory_space<hbm>> -> memref<16384xf32, #tpu.memory_space<hbm>>
        %dma_start3A_220 = tpu.memref_slice %arg10[%rem3A_178] : memref<3x!tpu.dma_semaphore, #tpu.memory_space<semaphore_mem>> -> memref<1x!tpu.dma_semaphore, #tpu.memory_space<semaphore_mem>>
        %dma_start3A_221 = tpu.memref_squeeze %dma_start3A_220 : memref<1x!tpu.dma_semaphore, #tpu.memory_space<semaphore_mem>> -> memref<!tpu.dma_semaphore, #tpu.memory_space<semaphore_mem>>
        %dma_start3A_222 = tpu.memref_slice %arg7[%mul3A_217] : memref<49152xf32, #tpu.memory_space<vmem>> -> memref<16384xf32, #tpu.memory_space<vmem>>
        %dma_start3A_223 = tpu.memref_slice %arg2[%mul3A_213] : memref<12800000xf32, #tpu.memory_space<hbm>> -> memref<16384xf32, #tpu.memory_space<hbm>>
        tpu.enqueue_dma source(%dma_start3A_223 : memref<16384xf32, #tpu.memory_space<hbm>>) target(%dma_start3A_222 : memref<16384xf32, #tpu.memory_space<vmem>>) target_semaphore(%dma_start3A_221 : memref<!tpu.dma_semaphore, #tpu.memory_space<semaphore_mem>>)
      } else {
      }
      %mul3A_187 = arith.constant 128 : i32
      %mul3A_188 = arith.muli %add3A_174, %mul3A_187 : i32
      %sub3A_189 = arith.subi %mul3A_12, %mul3A_188 : i32
      %eq3A_190 = arith.constant 48 : i32
      %eq3A_191 = arith.cmpi eq, %sub3A_189, %eq3A_190 : i32
      %convert_element_type3A_192 = arith.extui %eq3A_191 : i1 to i32
      %cond3A_193 = arith.constant 0 : i32
      %cond3A_194 = arith.cmpi ne, %convert_element_type3A_192, %cond3A_193 : i32
      scf.if %cond3A_194 {
        %mul3A_209 = arith.constant 128 : i32
        %mul3A_210 = arith.muli %add3A_174, %mul3A_209 : i32
        %add3A_211 = arith.addi %mul3A_10, %mul3A_210 : i32
        %mul3A_212 = arith.constant 128 : i32
        %mul3A_213 = arith.muli %add3A_211, %mul3A_212 : i32
        %mul3A_214 = arith.constant 128 : i32
        %mul3A_215 = arith.muli %rem3A_178, %mul3A_214 : i32
        %mul3A_216 = arith.constant 128 : i32
        %mul3A_217 = arith.muli %mul3A_215, %mul3A_216 : i32
        %dma_start3A_218 = tpu.memref_slice %arg7[%mul3A_217] : memref<49152xf32, #tpu.memory_space<vmem>> -> memref<6144xf32, #tpu.memory_space<vmem>>
        %dma_start3A_219 = tpu.memref_slice %arg2[%mul3A_213] : memref<12800000xf32, #tpu.memory_space<hbm>> -> memref<6144xf32, #tpu.memory_space<hbm>>
        %dma_start3A_220 = tpu.memref_slice %arg10[%rem3A_178] : memref<3x!tpu.dma_semaphore, #tpu.memory_space<semaphore_mem>> -> memref<1x!tpu.dma_semaphore, #tpu.memory_space<semaphore_mem>>
        %dma_start3A_221 = tpu.memref_squeeze %dma_start3A_220 : memref<1x!tpu.dma_semaphore, #tpu.memory_space<semaphore_mem>> -> memref<!tpu.dma_semaphore, #tpu.memory_space<semaphore_mem>>
        %dma_start3A_222 = tpu.memref_slice %arg7[%mul3A_217] : memref<49152xf32, #tpu.memory_space<vmem>> -> memref<6144xf32, #tpu.memory_space<vmem>>
        %dma_start3A_223 = tpu.memref_slice %arg2[%mul3A_213] : memref<12800000xf32, #tpu.memory_space<hbm>> -> memref<6144xf32, #tpu.memory_space<hbm>>
        tpu.enqueue_dma source(%dma_start3A_223 : memref<6144xf32, #tpu.memory_space<hbm>>) target(%dma_start3A_222 : memref<6144xf32, #tpu.memory_space<vmem>>) target_semaphore(%dma_start3A_221 : memref<!tpu.dma_semaphore, #tpu.memory_space<semaphore_mem>>)
      } else {
      }
      %mul3A_195 = arith.constant 128 : i32
      %mul3A_196 = arith.muli %add3A_174, %mul3A_195 : i32
      %sub3A_197 = arith.subi %mul3A_12, %mul3A_196 : i32
      %eq3A_198 = arith.constant 64 : i32
      %eq3A_199 = arith.cmpi eq, %sub3A_197, %eq3A_198 : i32
      %convert_element_type3A_200 = arith.extui %eq3A_199 : i1 to i32
      %cond3A_201 = arith.constant 0 : i32
      %cond3A_202 = arith.cmpi ne, %convert_element_type3A_200, %cond3A_201 : i32
      scf.if %cond3A_202 {
        %mul3A_209 = arith.constant 128 : i32
        %mul3A_210 = arith.muli %add3A_174, %mul3A_209 : i32
        %add3A_211 = arith.addi %mul3A_10, %mul3A_210 : i32
        %mul3A_212 = arith.constant 128 : i32
        %mul3A_213 = arith.muli %add3A_211, %mul3A_212 : i32
        %mul3A_214 = arith.constant 128 : i32
        %mul3A_215 = arith.muli %rem3A_178, %mul3A_214 : i32
        %mul3A_216 = arith.constant 128 : i32
        %mul3A_217 = arith.muli %mul3A_215, %mul3A_216 : i32
        %dma_start3A_218 = tpu.memref_slice %arg7[%mul3A_217] : memref<49152xf32, #tpu.memory_space<vmem>> -> memref<8192xf32, #tpu.memory_space<vmem>>
        %dma_start3A_219 = tpu.memref_slice %arg2[%mul3A_213] : memref<12800000xf32, #tpu.memory_space<hbm>> -> memref<8192xf32, #tpu.memory_space<hbm>>
        %dma_start3A_220 = tpu.memref_slice %arg10[%rem3A_178] : memref<3x!tpu.dma_semaphore, #tpu.memory_space<semaphore_mem>> -> memref<1x!tpu.dma_semaphore, #tpu.memory_space<semaphore_mem>>
        %dma_start3A_221 = tpu.memref_squeeze %dma_start3A_220 : memref<1x!tpu.dma_semaphore, #tpu.memory_space<semaphore_mem>> -> memref<!tpu.dma_semaphore, #tpu.memory_space<semaphore_mem>>
        %dma_start3A_222 = tpu.memref_slice %arg7[%mul3A_217] : memref<49152xf32, #tpu.memory_space<vmem>> -> memref<8192xf32, #tpu.memory_space<vmem>>
        %dma_start3A_223 = tpu.memref_slice %arg2[%mul3A_213] : memref<12800000xf32, #tpu.memory_space<hbm>> -> memref<8192xf32, #tpu.memory_space<hbm>>
        tpu.enqueue_dma source(%dma_start3A_223 : memref<8192xf32, #tpu.memory_space<hbm>>) target(%dma_start3A_222 : memref<8192xf32, #tpu.memory_space<vmem>>) target_semaphore(%dma_start3A_221 : memref<!tpu.dma_semaphore, #tpu.memory_space<semaphore_mem>>)
      } else {
      }
      %scan3A_203 = arith.constant 0 : i32
      %scan3A_204 = arith.constant 8 : i32
      %scan3A_205 = arith.addi %scan3A_203, %scan3A_204 : i32
      %scan3A_206 = arith.constant 1 : i32
      scf.for %scan3A_209 = %scan3A_203 to %scan3A_205 step %scan3A_206  : i32 {
        %rem3A_210 = arith.constant 3 : i32
        %rem3A_211 = arith.remsi %scan3A_146, %rem3A_210 : i32
        %mul3A_212 = arith.constant 8 : i32
        %mul3A_213 = arith.muli %scan3A_146, %mul3A_212 : i32
        %add3A_214 = arith.addi %mul3A_213, %scan3A_209 : i32
        %lt3A_215 = arith.cmpi slt, %add3A_214, %add3A_8 : i32
        %mul3A_216 = arith.constant 128 : i32
        %mul3A_217 = arith.muli %scan3A_146, %mul3A_216 : i32
        %mul3A_218 = arith.constant 16 : i32
        %mul3A_219 = arith.muli %scan3A_209, %mul3A_218 : i32
        %add3A_220 = arith.addi %mul3A_217, %mul3A_219 : i32
        %get3A = arith.index_cast %add3A_220 : i32 to index
        %get3A_221 = tpu.vector_load %arg6[%get3A] {strides = array<i32>} : memref<3136xi32, #tpu.memory_space<vmem>>, vector<16xi32>,
        %get3A_222 = vector.shape_cast %get3A_221 : vector<16xi32> to vector<16xi32>
        %slice3A = vector.extract_strided_slice %get3A_222 {offsets = [0], sizes = [1], strides = [1]} : vector<16xi32> to vector<1xi32>
        %squeeze3A = vector.extract %slice3A[0] : i32 from vector<1xi32>
        %slice3A_223 = vector.extract_strided_slice %get3A_222 {offsets = [15], sizes = [1], strides = [1]} : vector<16xi32> to vector<1xi32>
        %squeeze3A_224 = vector.extract %slice3A_223[0] : i32 from vector<1xi32>
        %mul3A_225 = arith.constant 16384 : i32
        %mul3A_226 = arith.muli %rem3A_211, %mul3A_225 : i32
        %mul3A_227 = arith.constant 2048 : i32
        %mul3A_228 = arith.muli %scan3A_209, %mul3A_227 : i32
        %add3A_229 = arith.addi %mul3A_226, %mul3A_228 : i32
        %eq3A_230 = arith.cmpi eq, %squeeze3A, %squeeze3A_224 : i32
        %and3A = arith.andi %lt3A_215, %eq3A_230 : i1
        %convert_element_type3A_231 = arith.extui %and3A : i1 to i32
        %cond3A_232 = arith.constant 0 : i32
        %cond3A_233 = arith.cmpi ne, %convert_element_type3A_231, %cond3A_232 : i32
        scf.if %cond3A_233 {
          %add3A_238 = arith.constant 0 : i32
          %add3A_239 = arith.addi %add3A_229, %add3A_238 : i32
          %get3A_240 = arith.index_cast %add3A_239 : i32 to index
          %get3A_241 = tpu.vector_load %arg7[%get3A_240] {strides = array<i32>} : memref<49152xf32, #tpu.memory_space<vmem>>, vector<16xf32>,
          %get3A_242 = vector.shape_cast %get3A_241 : vector<16xf32> to vector<16xf32>
          %add3A_243 = arith.constant 16 : i32
          %add3A_244 = arith.addi %add3A_229, %add3A_243 : i32
          %get3A_245 = arith.index_cast %add3A_244 : i32 to index
          %get3A_246 = tpu.vector_load %arg7[%get3A_245] {strides = array<i32>} : memref<49152xf32, #tpu.memory_space<vmem>>, vector<16xf32>,
          %get3A_247 = vector.shape_cast %get3A_246 : vector<16xf32> to vector<16xf32>
          %add3A_248 = arith.constant 32 : i32
          %add3A_249 = arith.addi %add3A_229, %add3A_248 : i32
          %get3A_250 = arith.index_cast %add3A_249 : i32 to index
          %get3A_251 = tpu.vector_load %arg7[%get3A_250] {strides = array<i32>} : memref<49152xf32, #tpu.memory_space<vmem>>, vector<16xf32>,
          %get3A_252 = vector.shape_cast %get3A_251 : vector<16xf32> to vector<16xf32>
          %add3A_253 = arith.constant 48 : i32
          %add3A_254 = arith.addi %add3A_229, %add3A_253 : i32
          %get3A_255 = arith.index_cast %add3A_254 : i32 to index
          %get3A_256 = tpu.vector_load %arg7[%get3A_255] {strides = array<i32>} : memref<49152xf32, #tpu.memory_space<vmem>>, vector<16xf32>,
          %get3A_257 = vector.shape_cast %get3A_256 : vector<16xf32> to vector<16xf32>
          %add3A_258 = arith.constant 64 : i32
          %add3A_259 = arith.addi %add3A_229, %add3A_258 : i32
          %get3A_260 = arith.index_cast %add3A_259 : i32 to index
          %get3A_261 = tpu.vector_load %arg7[%get3A_260] {strides = array<i32>} : memref<49152xf32, #tpu.memory_space<vmem>>, vector<16xf32>,
          %get3A_262 = vector.shape_cast %get3A_261 : vector<16xf32> to vector<16xf32>
          %add3A_263 = arith.constant 80 : i32
          %add3A_264 = arith.addi %add3A_229, %add3A_263 : i32
          %get3A_265 = arith.index_cast %add3A_264 : i32 to index
          %get3A_266 = tpu.vector_load %arg7[%get3A_265] {strides = array<i32>} : memref<49152xf32, #tpu.memory_space<vmem>>, vector<16xf32>,
          %get3A_267 = vector.shape_cast %get3A_266 : vector<16xf32> to vector<16xf32>
          %add3A_268 = arith.constant 96 : i32
          %add3A_269 = arith.addi %add3A_229, %add3A_268 : i32
          %get3A_270 = arith.index_cast %add3A_269 : i32 to index
          %get3A_271 = tpu.vector_load %arg7[%get3A_270] {strides = array<i32>} : memref<49152xf32, #tpu.memory_space<vmem>>, vector<16xf32>,
          %get3A_272 = vector.shape_cast %get3A_271 : vector<16xf32> to vector<16xf32>
          %add3A_273 = arith.constant 112 : i32
          %add3A_274 = arith.addi %add3A_229, %add3A_273 : i32
          %get3A_275 = arith.index_cast %add3A_274 : i32 to index
          %get3A_276 = tpu.vector_load %arg7[%get3A_275] {strides = array<i32>} : memref<49152xf32, #tpu.memory_space<vmem>>, vector<16xf32>,
          %get3A_277 = vector.shape_cast %get3A_276 : vector<16xf32> to vector<16xf32>
          %add3A_278 = arith.constant 128 : i32
          %add3A_279 = arith.addi %add3A_229, %add3A_278 : i32
          %add3A_280 = arith.constant 0 : i32
          %add3A_281 = arith.addi %add3A_279, %add3A_280 : i32
          %get3A_282 = arith.index_cast %add3A_281 : i32 to index
          %get3A_283 = tpu.vector_load %arg7[%get3A_282] {strides = array<i32>} : memref<49152xf32, #tpu.memory_space<vmem>>, vector<16xf32>,
          %get3A_284 = vector.shape_cast %get3A_283 : vector<16xf32> to vector<16xf32>
          %add3A_285 = arith.addf %get3A_242, %get3A_284 : vector<16xf32>
          %add3A_286 = arith.constant 128 : i32
          %add3A_287 = arith.addi %add3A_229, %add3A_286 : i32
          %add3A_288 = arith.constant 16 : i32
          %add3A_289 = arith.addi %add3A_287, %add3A_288 : i32
          %get3A_290 = arith.index_cast %add3A_289 : i32 to index
          %get3A_291 = tpu.vector_load %arg7[%get3A_290] {strides = array<i32>} : memref<49152xf32, #tpu.memory_space<vmem>>, vector<16xf32>,
          %get3A_292 = vector.shape_cast %get3A_291 : vector<16xf32> to vector<16xf32>
          %add3A_293 = arith.addf %get3A_247, %get3A_292 : vector<16xf32>
          %add3A_294 = arith.constant 128 : i32
          %add3A_295 = arith.addi %add3A_229, %add3A_294 : i32
          %add3A_296 = arith.constant 32 : i32
          %add3A_297 = arith.addi %add3A_295, %add3A_296 : i32
          %get3A_298 = arith.index_cast %add3A_297 : i32 to index
          %get3A_299 = tpu.vector_load %arg7[%get3A_298] {strides = array<i32>} : memref<49152xf32, #tpu.memory_space<vmem>>, vector<16xf32>,
          %get3A_300 = vector.shape_cast %get3A_299 : vector<16xf32> to vector<16xf32>
          %add3A_301 = arith.addf %get3A_252, %get3A_300 : vector<16xf32>
          %add3A_302 = arith.constant 128 : i32
          %add3A_303 = arith.addi %add3A_229, %add3A_302 : i32
          %add3A_304 = arith.constant 48 : i32
          %add3A_305 = arith.addi %add3A_303, %add3A_304 : i32
          %get3A_306 = arith.index_cast %add3A_305 : i32 to index
          %get3A_307 = tpu.vector_load %arg7[%get3A_306] {strides = array<i32>} : memref<49152xf32, #tpu.memory_space<vmem>>, vector<16xf32>,
          %get3A_308 = vector.shape_cast %get3A_307 : vector<16xf32> to vector<16xf32>
          %add3A_309 = arith.addf %get3A_257, %get3A_308 : vector<16xf32>
          %add3A_310 = arith.constant 128 : i32
          %add3A_311 = arith.addi %add3A_229, %add3A_310 : i32
          %add3A_312 = arith.constant 64 : i32
          %add3A_313 = arith.addi %add3A_311, %add3A_312 : i32
          %get3A_314 = arith.index_cast %add3A_313 : i32 to index
          %get3A_315 = tpu.vector_load %arg7[%get3A_314] {strides = array<i32>} : memref<49152xf32, #tpu.memory_space<vmem>>, vector<16xf32>,
          %get3A_316 = vector.shape_cast %get3A_315 : vector<16xf32> to vector<16xf32>
          %add3A_317 = arith.addf %get3A_262, %get3A_316 : vector<16xf32>
          %add3A_318 = arith.constant 128 : i32
          %add3A_319 = arith.addi %add3A_229, %add3A_318 : i32
          %add3A_320 = arith.constant 80 : i32
          %add3A_321 = arith.addi %add3A_319, %add3A_320 : i32
          %get3A_322 = arith.index_cast %add3A_321 : i32 to index
          %get3A_323 = tpu.vector_load %arg7[%get3A_322] {strides = array<i32>} : memref<49152xf32, #tpu.memory_space<vmem>>, vector<16xf32>,
          %get3A_324 = vector.shape_cast %get3A_323 : vector<16xf32> to vector<16xf32>
          %add3A_325 = arith.addf %get3A_267, %get3A_324 : vector<16xf32>
          %add3A_326 = arith.constant 128 : i32
          %add3A_327 = arith.addi %add3A_229, %add3A_326 : i32
          %add3A_328 = arith.constant 96 : i32
          %add3A_329 = arith.addi %add3A_327, %add3A_328 : i32
          %get3A_330 = arith.index_cast %add3A_329 : i32 to index
          %get3A_331 = tpu.vector_load %arg7[%get3A_330] {strides = array<i32>} : memref<49152xf32, #tpu.memory_space<vmem>>, vector<16xf32>,
          %get3A_332 = vector.shape_cast %get3A_331 : vector<16xf32> to vector<16xf32>
          %add3A_333 = arith.addf %get3A_272, %get3A_332 : vector<16xf32>
          %add3A_334 = arith.constant 128 : i32
          %add3A_335 = arith.addi %add3A_229, %add3A_334 : i32
          %add3A_336 = arith.constant 112 : i32
          %add3A_337 = arith.addi %add3A_335, %add3A_336 : i32
          %get3A_338 = arith.index_cast %add3A_337 : i32 to index
          %get3A_339 = tpu.vector_load %arg7[%get3A_338] {strides = array<i32>} : memref<49152xf32, #tpu.memory_space<vmem>>, vector<16xf32>,
          %get3A_340 = vector.shape_cast %get3A_339 : vector<16xf32> to vector<16xf32>
          %add3A_341 = arith.addf %get3A_277, %get3A_340 : vector<16xf32>
          %add3A_342 = arith.constant 256 : i32
          %add3A_343 = arith.addi %add3A_229, %add3A_342 : i32
          %add3A_344 = arith.constant 0 : i32
          %add3A_345 = arith.addi %add3A_343, %add3A_344 : i32
          %get3A_346 = arith.index_cast %add3A_345 : i32 to index
          %get3A_347 = tpu.vector_load %arg7[%get3A_346] {strides = array<i32>} : memref<49152xf32, #tpu.memory_space<vmem>>, vector<16xf32>,
          %get3A_348 = vector.shape_cast %get3A_347 : vector<16xf32> to vector<16xf32>
          %add3A_349 = arith.addf %add3A_285, %get3A_348 : vector<16xf32>
          %add3A_350 = arith.constant 256 : i32
          %add3A_351 = arith.addi %add3A_229, %add3A_350 : i32
          %add3A_352 = arith.constant 16 : i32
          %add3A_353 = arith.addi %add3A_351, %add3A_352 : i32
          %get3A_354 = arith.index_cast %add3A_353 : i32 to index
          %get3A_355 = tpu.vector_load %arg7[%get3A_354] {strides = array<i32>} : memref<49152xf32, #tpu.memory_space<vmem>>, vector<16xf32>,
          %get3A_356 = vector.shape_cast %get3A_355 : vector<16xf32> to vector<16xf32>
          %add3A_357 = arith.addf %add3A_293, %get3A_356 : vector<16xf32>
          %add3A_358 = arith.constant 256 : i32
          %add3A_359 = arith.addi %add3A_229, %add3A_358 : i32
          %add3A_360 = arith.constant 32 : i32
          %add3A_361 = arith.addi %add3A_359, %add3A_360 : i32
          %get3A_362 = arith.index_cast %add3A_361 : i32 to index
          %get3A_363 = tpu.vector_load %arg7[%get3A_362] {strides = array<i32>} : memref<49152xf32, #tpu.memory_space<vmem>>, vector<16xf32>,
          %get3A_364 = vector.shape_cast %get3A_363 : vector<16xf32> to vector<16xf32>
          %add3A_365 = arith.addf %add3A_301, %get3A_364 : vector<16xf32>
          %add3A_366 = arith.constant 256 : i32
          %add3A_367 = arith.addi %add3A_229, %add3A_366 : i32
          %add3A_368 = arith.constant 48 : i32
          %add3A_369 = arith.addi %add3A_367, %add3A_368 : i32
          %get3A_370 = arith.index_cast %add3A_369 : i32 to index
          %get3A_371 = tpu.vector_load %arg7[%get3A_370] {strides = array<i32>} : memref<49152xf32, #tpu.memory_space<vmem>>, vector<16xf32>,
          %get3A_372 = vector.shape_cast %get3A_371 : vector<16xf32> to vector<16xf32>
          %add3A_373 = arith.addf %add3A_309, %get3A_372 : vector<16xf32>
          %add3A_374 = arith.constant 256 : i32
          %add3A_375 = arith.addi %add3A_229, %add3A_374 : i32
          %add3A_376 = arith.constant 64 : i32
          %add3A_377 = arith.addi %add3A_375, %add3A_376 : i32
          %get3A_378 = arith.index_cast %add3A_377 : i32 to index
          %get3A_379 = tpu.vector_load %arg7[%get3A_378] {strides = array<i32>} : memref<49152xf32, #tpu.memory_space<vmem>>, vector<16xf32>,
          %get3A_380 = vector.shape_cast %get3A_379 : vector<16xf32> to vector<16xf32>
          %add3A_381 = arith.addf %add3A_317, %get3A_380 : vector<16xf32>
          %add3A_382 = arith.constant 256 : i32
          %add3A_383 = arith.addi %add3A_229, %add3A_382 : i32
          %add3A_384 = arith.constant 80 : i32
          %add3A_385 = arith.addi %add3A_383, %add3A_384 : i32
          %get3A_386 = arith.index_cast %add3A_385 : i32 to index
          %get3A_387 = tpu.vector_load %arg7[%get3A_386] {strides = array<i32>} : memref<49152xf32, #tpu.memory_space<vmem>>, vector<16xf32>,
          %get3A_388 = vector.shape_cast %get3A_387 : vector<16xf32> to vector<16xf32>
          %add3A_389 = arith.addf %add3A_325, %get3A_388 : vector<16xf32>
          %add3A_390 = arith.constant 256 : i32
          %add3A_391 = arith.addi %add3A_229, %add3A_390 : i32
          %add3A_392 = arith.constant 96 : i32
          %add3A_393 = arith.addi %add3A_391, %add3A_392 : i32
          %get3A_394 = arith.index_cast %add3A_393 : i32 to index
          %get3A_395 = tpu.vector_load %arg7[%get3A_394] {strides = array<i32>} : memref<49152xf32, #tpu.memory_space<vmem>>, vector<16xf32>,
          %get3A_396 = vector.shape_cast %get3A_395 : vector<16xf32> to vector<16xf32>
          %add3A_397 = arith.addf %add3A_333, %get3A_396 : vector<16xf32>
          %add3A_398 = arith.constant 256 : i32
          %add3A_399 = arith.addi %add3A_229, %add3A_398 : i32
          %add3A_400 = arith.constant 112 : i32
          %add3A_401 = arith.addi %add3A_399, %add3A_400 : i32
          %get3A_402 = arith.index_cast %add3A_401 : i32 to index
          %get3A_403 = tpu.vector_load %arg7[%get3A_402] {strides = array<i32>} : memref<49152xf32, #tpu.memory_space<vmem>>, vector<16xf32>,
          %get3A_404 = vector.shape_cast %get3A_403 : vector<16xf32> to vector<16xf32>
          %add3A_405 = arith.addf %add3A_341, %get3A_404 : vector<16xf32>
          %add3A_406 = arith.constant 384 : i32
          %add3A_407 = arith.addi %add3A_229, %add3A_406 : i32
          %add3A_408 = arith.constant 0 : i32
          %add3A_409 = arith.addi %add3A_407, %add3A_408 : i32
          %get3A_410 = arith.index_cast %add3A_409 : i32 to index
          %get3A_411 = tpu.vector_load %arg7[%get3A_410] {strides = array<i32>} : memref<49152xf32, #tpu.memory_space<vmem>>, vector<16xf32>,
          %get3A_412 = vector.shape_cast %get3A_411 : vector<16xf32> to vector<16xf32>
          %add3A_413 = arith.addf %add3A_349, %get3A_412 : vector<16xf32>
          %add3A_414 = arith.constant 384 : i32
          %add3A_415 = arith.addi %add3A_229, %add3A_414 : i32
          %add3A_416 = arith.constant 16 : i32
          %add3A_417 = arith.addi %add3A_415, %add3A_416 : i32
          %get3A_418 = arith.index_cast %add3A_417 : i32 to index
          %get3A_419 = tpu.vector_load %arg7[%get3A_418] {strides = array<i32>} : memref<49152xf32, #tpu.memory_space<vmem>>, vector<16xf32>,
          %get3A_420 = vector.shape_cast %get3A_419 : vector<16xf32> to vector<16xf32>
          %add3A_421 = arith.addf %add3A_357, %get3A_420 : vector<16xf32>
          %add3A_422 = arith.constant 384 : i32
          %add3A_423 = arith.addi %add3A_229, %add3A_422 : i32
          %add3A_424 = arith.constant 32 : i32
          %add3A_425 = arith.addi %add3A_423, %add3A_424 : i32
          %get3A_426 = arith.index_cast %add3A_425 : i32 to index
          %get3A_427 = tpu.vector_load %arg7[%get3A_426] {strides = array<i32>} : memref<49152xf32, #tpu.memory_space<vmem>>, vector<16xf32>,
          %get3A_428 = vector.shape_cast %get3A_427 : vector<16xf32> to vector<16xf32>
          %add3A_429 = arith.addf %add3A_365, %get3A_428 : vector<16xf32>
          %add3A_430 = arith.constant 384 : i32
          %add3A_431 = arith.addi %add3A_229, %add3A_430 : i32
          %add3A_432 = arith.constant 48 : i32
          %add3A_433 = arith.addi %add3A_431, %add3A_432 : i32
          %get3A_434 = arith.index_cast %add3A_433 : i32 to index
          %get3A_435 = tpu.vector_load %arg7[%get3A_434] {strides = array<i32>} : memref<49152xf32, #tpu.memory_space<vmem>>, vector<16xf32>,
          %get3A_436 = vector.shape_cast %get3A_435 : vector<16xf32> to vector<16xf32>
          %add3A_437 = arith.addf %add3A_373, %get3A_436 : vector<16xf32>
          %add3A_438 = arith.constant 384 : i32
          %add3A_439 = arith.addi %add3A_229, %add3A_438 : i32
          %add3A_440 = arith.constant 64 : i32
          %add3A_441 = arith.addi %add3A_439, %add3A_440 : i32
          %get3A_442 = arith.index_cast %add3A_441 : i32 to index
          %get3A_443 = tpu.vector_load %arg7[%get3A_442] {strides = array<i32>} : memref<49152xf32, #tpu.memory_space<vmem>>, vector<16xf32>,
          %get3A_444 = vector.shape_cast %get3A_443 : vector<16xf32> to vector<16xf32>
          %add3A_445 = arith.addf %add3A_381, %get3A_444 : vector<16xf32>
          %add3A_446 = arith.constant 384 : i32
          %add3A_447 = arith.addi %add3A_229, %add3A_446 : i32
          %add3A_448 = arith.constant 80 : i32
          %add3A_449 = arith.addi %add3A_447, %add3A_448 : i32
          %get3A_450 = arith.index_cast %add3A_449 : i32 to index
          %get3A_451 = tpu.vector_load %arg7[%get3A_450] {strides = array<i32>} : memref<49152xf32, #tpu.memory_space<vmem>>, vector<16xf32>,
          %get3A_452 = vector.shape_cast %get3A_451 : vector<16xf32> to vector<16xf32>
          %add3A_453 = arith.addf %add3A_389, %get3A_452 : vector<16xf32>
          %add3A_454 = arith.constant 384 : i32
          %add3A_455 = arith.addi %add3A_229, %add3A_454 : i32
          %add3A_456 = arith.constant 96 : i32
          %add3A_457 = arith.addi %add3A_455, %add3A_456 : i32
          %get3A_458 = arith.index_cast %add3A_457 : i32 to index
          %get3A_459 = tpu.vector_load %arg7[%get3A_458] {strides = array<i32>} : memref<49152xf32, #tpu.memory_space<vmem>>, vector<16xf32>,
          %get3A_460 = vector.shape_cast %get3A_459 : vector<16xf32> to vector<16xf32>
          %add3A_461 = arith.addf %add3A_397, %get3A_460 : vector<16xf32>
          %add3A_462 = arith.constant 384 : i32
          %add3A_463 = arith.addi %add3A_229, %add3A_462 : i32
          %add3A_464 = arith.constant 112 : i32
          %add3A_465 = arith.addi %add3A_463, %add3A_464 : i32
          %get3A_466 = arith.index_cast %add3A_465 : i32 to index
          %get3A_467 = tpu.vector_load %arg7[%get3A_466] {strides = array<i32>} : memref<49152xf32, #tpu.memory_space<vmem>>, vector<16xf32>,
          %get3A_468 = vector.shape_cast %get3A_467 : vector<16xf32> to vector<16xf32>
          %add3A_469 = arith.addf %add3A_405, %get3A_468 : vector<16xf32>
          %add3A_470 = arith.constant 512 : i32
          %add3A_471 = arith.addi %add3A_229, %add3A_470 : i32
          %add3A_472 = arith.constant 0 : i32
          %add3A_473 = arith.addi %add3A_471, %add3A_472 : i32
          %get3A_474 = arith.index_cast %add3A_473 : i32 to index
          %get3A_475 = tpu.vector_load %arg7[%get3A_474] {strides = array<i32>} : memref<49152xf32, #tpu.memory_space<vmem>>, vector<16xf32>,
          %get3A_476 = vector.shape_cast %get3A_475 : vector<16xf32> to vector<16xf32>
          %add3A_477 = arith.addf %add3A_413, %get3A_476 : vector<16xf32>
          %add3A_478 = arith.constant 512 : i32
          %add3A_479 = arith.addi %add3A_229, %add3A_478 : i32
          %add3A_480 = arith.constant 16 : i32
          %add3A_481 = arith.addi %add3A_479, %add3A_480 : i32
          %get3A_482 = arith.index_cast %add3A_481 : i32 to index
          %get3A_483 = tpu.vector_load %arg7[%get3A_482] {strides = array<i32>} : memref<49152xf32, #tpu.memory_space<vmem>>, vector<16xf32>,
          %get3A_484 = vector.shape_cast %get3A_483 : vector<16xf32> to vector<16xf32>
          %add3A_485 = arith.addf %add3A_421, %get3A_484 : vector<16xf32>
          %add3A_486 = arith.constant 512 : i32
          %add3A_487 = arith.addi %add3A_229, %add3A_486 : i32
          %add3A_488 = arith.constant 32 : i32
          %add3A_489 = arith.addi %add3A_487, %add3A_488 : i32
          %get3A_490 = arith.index_cast %add3A_489 : i32 to index
          %get3A_491 = tpu.vector_load %arg7[%get3A_490] {strides = array<i32>} : memref<49152xf32, #tpu.memory_space<vmem>>, vector<16xf32>,
          %get3A_492 = vector.shape_cast %get3A_491 : vector<16xf32> to vector<16xf32>
          %add3A_493 = arith.addf %add3A_429, %get3A_492 : vector<16xf32>
          %add3A_494 = arith.constant 512 : i32
          %add3A_495 = arith.addi %add3A_229, %add3A_494 : i32
          %add3A_496 = arith.constant 48 : i32
          %add3A_497 = arith.addi %add3A_495, %add3A_496 : i32
          %get3A_498 = arith.index_cast %add3A_497 : i32 to index
          %get3A_499 = tpu.vector_load %arg7[%get3A_498] {strides = array<i32>} : memref<49152xf32, #tpu.memory_space<vmem>>, vector<16xf32>,
          %get3A_500 = vector.shape_cast %get3A_499 : vector<16xf32> to vector<16xf32>
          %add3A_501 = arith.addf %add3A_437, %get3A_500 : vector<16xf32>
          %add3A_502 = arith.constant 512 : i32
          %add3A_503 = arith.addi %add3A_229, %add3A_502 : i32
          %add3A_504 = arith.constant 64 : i32
          %add3A_505 = arith.addi %add3A_503, %add3A_504 : i32
          %get3A_506 = arith.index_cast %add3A_505 : i32 to index
          %get3A_507 = tpu.vector_load %arg7[%get3A_506] {strides = array<i32>} : memref<49152xf32, #tpu.memory_space<vmem>>, vector<16xf32>,
          %get3A_508 = vector.shape_cast %get3A_507 : vector<16xf32> to vector<16xf32>
          %add3A_509 = arith.addf %add3A_445, %get3A_508 : vector<16xf32>
          %add3A_510 = arith.constant 512 : i32
          %add3A_511 = arith.addi %add3A_229, %add3A_510 : i32
          %add3A_512 = arith.constant 80 : i32
          %add3A_513 = arith.addi %add3A_511, %add3A_512 : i32
          %get3A_514 = arith.index_cast %add3A_513 : i32 to index
          %get3A_515 = tpu.vector_load %arg7[%get3A_514] {strides = array<i32>} : memref<49152xf32, #tpu.memory_space<vmem>>, vector<16xf32>,
          %get3A_516 = vector.shape_cast %get3A_515 : vector<16xf32> to vector<16xf32>
          %add3A_517 = arith.addf %add3A_453, %get3A_516 : vector<16xf32>
          %add3A_518 = arith.constant 512 : i32
          %add3A_519 = arith.addi %add3A_229, %add3A_518 : i32
          %add3A_520 = arith.constant 96 : i32
          %add3A_521 = arith.addi %add3A_519, %add3A_520 : i32
          %get3A_522 = arith.index_cast %add3A_521 : i32 to index
          %get3A_523 = tpu.vector_load %arg7[%get3A_522] {strides = array<i32>} : memref<49152xf32, #tpu.memory_space<vmem>>, vector<16xf32>,
          %get3A_524 = vector.shape_cast %get3A_523 : vector<16xf32> to vector<16xf32>
          %add3A_525 = arith.addf %add3A_461, %get3A_524 : vector<16xf32>
          %add3A_526 = arith.constant 512 : i32
          %add3A_527 = arith.addi %add3A_229, %add3A_526 : i32
          %add3A_528 = arith.constant 112 : i32
          %add3A_529 = arith.addi %add3A_527, %add3A_528 : i32
          %get3A_530 = arith.index_cast %add3A_529 : i32 to index
          %get3A_531 = tpu.vector_load %arg7[%get3A_530] {strides = array<i32>} : memref<49152xf32, #tpu.memory_space<vmem>>, vector<16xf32>,
          %get3A_532 = vector.shape_cast %get3A_531 : vector<16xf32> to vector<16xf32>
          %add3A_533 = arith.addf %add3A_469, %get3A_532 : vector<16xf32>
          %add3A_534 = arith.constant 640 : i32
          %add3A_535 = arith.addi %add3A_229, %add3A_534 : i32
          %add3A_536 = arith.constant 0 : i32
          %add3A_537 = arith.addi %add3A_535, %add3A_536 : i32
          %get3A_538 = arith.index_cast %add3A_537 : i32 to index
          %get3A_539 = tpu.vector_load %arg7[%get3A_538] {strides = array<i32>} : memref<49152xf32, #tpu.memory_space<vmem>>, vector<16xf32>,
          %get3A_540 = vector.shape_cast %get3A_539 : vector<16xf32> to vector<16xf32>
          %add3A_541 = arith.addf %add3A_477, %get3A_540 : vector<16xf32>
          %add3A_542 = arith.constant 640 : i32
          %add3A_543 = arith.addi %add3A_229, %add3A_542 : i32
          %add3A_544 = arith.constant 16 : i32
          %add3A_545 = arith.addi %add3A_543, %add3A_544 : i32
          %get3A_546 = arith.index_cast %add3A_545 : i32 to index
          %get3A_547 = tpu.vector_load %arg7[%get3A_546] {strides = array<i32>} : memref<49152xf32, #tpu.memory_space<vmem>>, vector<16xf32>,
          %get3A_548 = vector.shape_cast %get3A_547 : vector<16xf32> to vector<16xf32>
          %add3A_549 = arith.addf %add3A_485, %get3A_548 : vector<16xf32>
          %add3A_550 = arith.constant 640 : i32
          %add3A_551 = arith.addi %add3A_229, %add3A_550 : i32
          %add3A_552 = arith.constant 32 : i32
          %add3A_553 = arith.addi %add3A_551, %add3A_552 : i32
          %get3A_554 = arith.index_cast %add3A_553 : i32 to index
          %get3A_555 = tpu.vector_load %arg7[%get3A_554] {strides = array<i32>} : memref<49152xf32, #tpu.memory_space<vmem>>, vector<16xf32>,
          %get3A_556 = vector.shape_cast %get3A_555 : vector<16xf32> to vector<16xf32>
          %add3A_557 = arith.addf %add3A_493, %get3A_556 : vector<16xf32>
          %add3A_558 = arith.constant 640 : i32
          %add3A_559 = arith.addi %add3A_229, %add3A_558 : i32
          %add3A_560 = arith.constant 48 : i32
          %add3A_561 = arith.addi %add3A_559, %add3A_560 : i32
          %get3A_562 = arith.index_cast %add3A_561 : i32 to index
          %get3A_563 = tpu.vector_load %arg7[%get3A_562] {strides = array<i32>} : memref<49152xf32, #tpu.memory_space<vmem>>, vector<16xf32>,
          %get3A_564 = vector.shape_cast %get3A_563 : vector<16xf32> to vector<16xf32>
          %add3A_565 = arith.addf %add3A_501, %get3A_564 : vector<16xf32>
          %add3A_566 = arith.constant 640 : i32
          %add3A_567 = arith.addi %add3A_229, %add3A_566 : i32
          %add3A_568 = arith.constant 64 : i32
          %add3A_569 = arith.addi %add3A_567, %add3A_568 : i32
          %get3A_570 = arith.index_cast %add3A_569 : i32 to index
          %get3A_571 = tpu.vector_load %arg7[%get3A_570] {strides = array<i32>} : memref<49152xf32, #tpu.memory_space<vmem>>, vector<16xf32>,
          %get3A_572 = vector.shape_cast %get3A_571 : vector<16xf32> to vector<16xf32>
          %add3A_573 = arith.addf %add3A_509, %get3A_572 : vector<16xf32>
          %add3A_574 = arith.constant 640 : i32
          %add3A_575 = arith.addi %add3A_229, %add3A_574 : i32
          %add3A_576 = arith.constant 80 : i32
          %add3A_577 = arith.addi %add3A_575, %add3A_576 : i32
          %get3A_578 = arith.index_cast %add3A_577 : i32 to index
          %get3A_579 = tpu.vector_load %arg7[%get3A_578] {strides = array<i32>} : memref<49152xf32, #tpu.memory_space<vmem>>, vector<16xf32>,
          %get3A_580 = vector.shape_cast %get3A_579 : vector<16xf32> to vector<16xf32>
          %add3A_581 = arith.addf %add3A_517, %get3A_580 : vector<16xf32>
          %add3A_582 = arith.constant 640 : i32
          %add3A_583 = arith.addi %add3A_229, %add3A_582 : i32
          %add3A_584 = arith.constant 96 : i32
          %add3A_585 = arith.addi %add3A_583, %add3A_584 : i32
          %get3A_586 = arith.index_cast %add3A_585 : i32 to index
          %get3A_587 = tpu.vector_load %arg7[%get3A_586] {strides = array<i32>} : memref<49152xf32, #tpu.memory_space<vmem>>, vector<16xf32>,
          %get3A_588 = vector.shape_cast %get3A_587 : vector<16xf32> to vector<16xf32>
          %add3A_589 = arith.addf %add3A_525, %get3A_588 : vector<16xf32>
          %add3A_590 = arith.constant 640 : i32
          %add3A_591 = arith.addi %add3A_229, %add3A_590 : i32
          %add3A_592 = arith.constant 112 : i32
          %add3A_593 = arith.addi %add3A_591, %add3A_592 : i32
          %get3A_594 = arith.index_cast %add3A_593 : i32 to index
          %get3A_595 = tpu.vector_load %arg7[%get3A_594] {strides = array<i32>} : memref<49152xf32, #tpu.memory_space<vmem>>, vector<16xf32>,
          %get3A_596 = vector.shape_cast %get3A_595 : vector<16xf32> to vector<16xf32>
          %add3A_597 = arith.addf %add3A_533, %get3A_596 : vector<16xf32>
          %add3A_598 = arith.constant 768 : i32
          %add3A_599 = arith.addi %add3A_229, %add3A_598 : i32
          %add3A_600 = arith.constant 0 : i32
          %add3A_601 = arith.addi %add3A_599, %add3A_600 : i32
          %get3A_602 = arith.index_cast %add3A_601 : i32 to index
          %get3A_603 = tpu.vector_load %arg7[%get3A_602] {strides = array<i32>} : memref<49152xf32, #tpu.memory_space<vmem>>, vector<16xf32>,
          %get3A_604 = vector.shape_cast %get3A_603 : vector<16xf32> to vector<16xf32>
          %add3A_605 = arith.addf %add3A_541, %get3A_604 : vector<16xf32>
          %add3A_606 = arith.constant 768 : i32
          %add3A_607 = arith.addi %add3A_229, %add3A_606 : i32
          %add3A_608 = arith.constant 16 : i32
          %add3A_609 = arith.addi %add3A_607, %add3A_608 : i32
          %get3A_610 = arith.index_cast %add3A_609 : i32 to index
          %get3A_611 = tpu.vector_load %arg7[%get3A_610] {strides = array<i32>} : memref<49152xf32, #tpu.memory_space<vmem>>, vector<16xf32>,
          %get3A_612 = vector.shape_cast %get3A_611 : vector<16xf32> to vector<16xf32>
          %add3A_613 = arith.addf %add3A_549, %get3A_612 : vector<16xf32>
          %add3A_614 = arith.constant 768 : i32
          %add3A_615 = arith.addi %add3A_229, %add3A_614 : i32
          %add3A_616 = arith.constant 32 : i32
          %add3A_617 = arith.addi %add3A_615, %add3A_616 : i32
          %get3A_618 = arith.index_cast %add3A_617 : i32 to index
          %get3A_619 = tpu.vector_load %arg7[%get3A_618] {strides = array<i32>} : memref<49152xf32, #tpu.memory_space<vmem>>, vector<16xf32>,
          %get3A_620 = vector.shape_cast %get3A_619 : vector<16xf32> to vector<16xf32>
          %add3A_621 = arith.addf %add3A_557, %get3A_620 : vector<16xf32>
          %add3A_622 = arith.constant 768 : i32
          %add3A_623 = arith.addi %add3A_229, %add3A_622 : i32
          %add3A_624 = arith.constant 48 : i32
          %add3A_625 = arith.addi %add3A_623, %add3A_624 : i32
          %get3A_626 = arith.index_cast %add3A_625 : i32 to index
          %get3A_627 = tpu.vector_load %arg7[%get3A_626] {strides = array<i32>} : memref<49152xf32, #tpu.memory_space<vmem>>, vector<16xf32>,
          %get3A_628 = vector.shape_cast %get3A_627 : vector<16xf32> to vector<16xf32>
          %add3A_629 = arith.addf %add3A_565, %get3A_628 : vector<16xf32>
          %add3A_630 = arith.constant 768 : i32
          %add3A_631 = arith.addi %add3A_229, %add3A_630 : i32
          %add3A_632 = arith.constant 64 : i32
          %add3A_633 = arith.addi %add3A_631, %add3A_632 : i32
          %get3A_634 = arith.index_cast %add3A_633 : i32 to index
          %get3A_635 = tpu.vector_load %arg7[%get3A_634] {strides = array<i32>} : memref<49152xf32, #tpu.memory_space<vmem>>, vector<16xf32>,
          %get3A_636 = vector.shape_cast %get3A_635 : vector<16xf32> to vector<16xf32>
          %add3A_637 = arith.addf %add3A_573, %get3A_636 : vector<16xf32>
          %add3A_638 = arith.constant 768 : i32
          %add3A_639 = arith.addi %add3A_229, %add3A_638 : i32
          %add3A_640 = arith.constant 80 : i32
          %add3A_641 = arith.addi %add3A_639, %add3A_640 : i32
          %get3A_642 = arith.index_cast %add3A_641 : i32 to index
          %get3A_643 = tpu.vector_load %arg7[%get3A_642] {strides = array<i32>} : memref<49152xf32, #tpu.memory_space<vmem>>, vector<16xf32>,
          %get3A_644 = vector.shape_cast %get3A_643 : vector<16xf32> to vector<16xf32>
          %add3A_645 = arith.addf %add3A_581, %get3A_644 : vector<16xf32>
          %add3A_646 = arith.constant 768 : i32
          %add3A_647 = arith.addi %add3A_229, %add3A_646 : i32
          %add3A_648 = arith.constant 96 : i32
          %add3A_649 = arith.addi %add3A_647, %add3A_648 : i32
          %get3A_650 = arith.index_cast %add3A_649 : i32 to index
          %get3A_651 = tpu.vector_load %arg7[%get3A_650] {strides = array<i32>} : memref<49152xf32, #tpu.memory_space<vmem>>, vector<16xf32>,
          %get3A_652 = vector.shape_cast %get3A_651 : vector<16xf32> to vector<16xf32>
          %add3A_653 = arith.addf %add3A_589, %get3A_652 : vector<16xf32>
          %add3A_654 = arith.constant 768 : i32
          %add3A_655 = arith.addi %add3A_229, %add3A_654 : i32
          %add3A_656 = arith.constant 112 : i32
          %add3A_657 = arith.addi %add3A_655, %add3A_656 : i32
          %get3A_658 = arith.index_cast %add3A_657 : i32 to index
          %get3A_659 = tpu.vector_load %arg7[%get3A_658] {strides = array<i32>} : memref<49152xf32, #tpu.memory_space<vmem>>, vector<16xf32>,
          %get3A_660 = vector.shape_cast %get3A_659 : vector<16xf32> to vector<16xf32>
          %add3A_661 = arith.addf %add3A_597, %get3A_660 : vector<16xf32>
          %add3A_662 = arith.constant 896 : i32
          %add3A_663 = arith.addi %add3A_229, %add3A_662 : i32
          %add3A_664 = arith.constant 0 : i32
          %add3A_665 = arith.addi %add3A_663, %add3A_664 : i32
          %get3A_666 = arith.index_cast %add3A_665 : i32 to index
          %get3A_667 = tpu.vector_load %arg7[%get3A_666] {strides = array<i32>} : memref<49152xf32, #tpu.memory_space<vmem>>, vector<16xf32>,
          %get3A_668 = vector.shape_cast %get3A_667 : vector<16xf32> to vector<16xf32>
          %add3A_669 = arith.addf %add3A_605, %get3A_668 : vector<16xf32>
          %add3A_670 = arith.constant 896 : i32
          %add3A_671 = arith.addi %add3A_229, %add3A_670 : i32
          %add3A_672 = arith.constant 16 : i32
          %add3A_673 = arith.addi %add3A_671, %add3A_672 : i32
          %get3A_674 = arith.index_cast %add3A_673 : i32 to index
          %get3A_675 = tpu.vector_load %arg7[%get3A_674] {strides = array<i32>} : memref<49152xf32, #tpu.memory_space<vmem>>, vector<16xf32>,
          %get3A_676 = vector.shape_cast %get3A_675 : vector<16xf32> to vector<16xf32>
          %add3A_677 = arith.addf %add3A_613, %get3A_676 : vector<16xf32>
          %add3A_678 = arith.constant 896 : i32
          %add3A_679 = arith.addi %add3A_229, %add3A_678 : i32
          %add3A_680 = arith.constant 32 : i32
          %add3A_681 = arith.addi %add3A_679, %add3A_680 : i32
          %get3A_682 = arith.index_cast %add3A_681 : i32 to index
          %get3A_683 = tpu.vector_load %arg7[%get3A_682] {strides = array<i32>} : memref<49152xf32, #tpu.memory_space<vmem>>, vector<16xf32>,
          %get3A_684 = vector.shape_cast %get3A_683 : vector<16xf32> to vector<16xf32>
          %add3A_685 = arith.addf %add3A_621, %get3A_684 : vector<16xf32>
          %add3A_686 = arith.constant 896 : i32
          %add3A_687 = arith.addi %add3A_229, %add3A_686 : i32
          %add3A_688 = arith.constant 48 : i32
          %add3A_689 = arith.addi %add3A_687, %add3A_688 : i32
          %get3A_690 = arith.index_cast %add3A_689 : i32 to index
          %get3A_691 = tpu.vector_load %arg7[%get3A_690] {strides = array<i32>} : memref<49152xf32, #tpu.memory_space<vmem>>, vector<16xf32>,
          %get3A_692 = vector.shape_cast %get3A_691 : vector<16xf32> to vector<16xf32>
          %add3A_693 = arith.addf %add3A_629, %get3A_692 : vector<16xf32>
          %add3A_694 = arith.constant 896 : i32
          %add3A_695 = arith.addi %add3A_229, %add3A_694 : i32
          %add3A_696 = arith.constant 64 : i32
          %add3A_697 = arith.addi %add3A_695, %add3A_696 : i32
          %get3A_698 = arith.index_cast %add3A_697 : i32 to index
          %get3A_699 = tpu.vector_load %arg7[%get3A_698] {strides = array<i32>} : memref<49152xf32, #tpu.memory_space<vmem>>, vector<16xf32>,
          %get3A_700 = vector.shape_cast %get3A_699 : vector<16xf32> to vector<16xf32>
          %add3A_701 = arith.addf %add3A_637, %get3A_700 : vector<16xf32>
          %add3A_702 = arith.constant 896 : i32
          %add3A_703 = arith.addi %add3A_229, %add3A_702 : i32
          %add3A_704 = arith.constant 80 : i32
          %add3A_705 = arith.addi %add3A_703, %add3A_704 : i32
          %get3A_706 = arith.index_cast %add3A_705 : i32 to index
          %get3A_707 = tpu.vector_load %arg7[%get3A_706] {strides = array<i32>} : memref<49152xf32, #tpu.memory_space<vmem>>, vector<16xf32>,
          %get3A_708 = vector.shape_cast %get3A_707 : vector<16xf32> to vector<16xf32>
          %add3A_709 = arith.addf %add3A_645, %get3A_708 : vector<16xf32>
          %add3A_710 = arith.constant 896 : i32
          %add3A_711 = arith.addi %add3A_229, %add3A_710 : i32
          %add3A_712 = arith.constant 96 : i32
          %add3A_713 = arith.addi %add3A_711, %add3A_712 : i32
          %get3A_714 = arith.index_cast %add3A_713 : i32 to index
          %get3A_715 = tpu.vector_load %arg7[%get3A_714] {strides = array<i32>} : memref<49152xf32, #tpu.memory_space<vmem>>, vector<16xf32>,
          %get3A_716 = vector.shape_cast %get3A_715 : vector<16xf32> to vector<16xf32>
          %add3A_717 = arith.addf %add3A_653, %get3A_716 : vector<16xf32>
          %add3A_718 = arith.constant 896 : i32
          %add3A_719 = arith.addi %add3A_229, %add3A_718 : i32
          %add3A_720 = arith.constant 112 : i32
          %add3A_721 = arith.addi %add3A_719, %add3A_720 : i32
          %get3A_722 = arith.index_cast %add3A_721 : i32 to index
          %get3A_723 = tpu.vector_load %arg7[%get3A_722] {strides = array<i32>} : memref<49152xf32, #tpu.memory_space<vmem>>, vector<16xf32>,
          %get3A_724 = vector.shape_cast %get3A_723 : vector<16xf32> to vector<16xf32>
          %add3A_725 = arith.addf %add3A_661, %get3A_724 : vector<16xf32>
          %add3A_726 = arith.constant 1024 : i32
          %add3A_727 = arith.addi %add3A_229, %add3A_726 : i32
          %add3A_728 = arith.constant 0 : i32
          %add3A_729 = arith.addi %add3A_727, %add3A_728 : i32
          %get3A_730 = arith.index_cast %add3A_729 : i32 to index
          %get3A_731 = tpu.vector_load %arg7[%get3A_730] {strides = array<i32>} : memref<49152xf32, #tpu.memory_space<vmem>>, vector<16xf32>,
          %get3A_732 = vector.shape_cast %get3A_731 : vector<16xf32> to vector<16xf32>
          %add3A_733 = arith.addf %add3A_669, %get3A_732 : vector<16xf32>
          %add3A_734 = arith.constant 1024 : i32
          %add3A_735 = arith.addi %add3A_229, %add3A_734 : i32
          %add3A_736 = arith.constant 16 : i32
          %add3A_737 = arith.addi %add3A_735, %add3A_736 : i32
          %get3A_738 = arith.index_cast %add3A_737 : i32 to index
          %get3A_739 = tpu.vector_load %arg7[%get3A_738] {strides = array<i32>} : memref<49152xf32, #tpu.memory_space<vmem>>, vector<16xf32>,
          %get3A_740 = vector.shape_cast %get3A_739 : vector<16xf32> to vector<16xf32>
          %add3A_741 = arith.addf %add3A_677, %get3A_740 : vector<16xf32>
          %add3A_742 = arith.constant 1024 : i32
          %add3A_743 = arith.addi %add3A_229, %add3A_742 : i32
          %add3A_744 = arith.constant 32 : i32
          %add3A_745 = arith.addi %add3A_743, %add3A_744 : i32
          %get3A_746 = arith.index_cast %add3A_745 : i32 to index
          %get3A_747 = tpu.vector_load %arg7[%get3A_746] {strides = array<i32>} : memref<49152xf32, #tpu.memory_space<vmem>>, vector<16xf32>,
          %get3A_748 = vector.shape_cast %get3A_747 : vector<16xf32> to vector<16xf32>
          %add3A_749 = arith.addf %add3A_685, %get3A_748 : vector<16xf32>
          %add3A_750 = arith.constant 1024 : i32
          %add3A_751 = arith.addi %add3A_229, %add3A_750 : i32
          %add3A_752 = arith.constant 48 : i32
          %add3A_753 = arith.addi %add3A_751, %add3A_752 : i32
          %get3A_754 = arith.index_cast %add3A_753 : i32 to index
          %get3A_755 = tpu.vector_load %arg7[%get3A_754] {strides = array<i32>} : memref<49152xf32, #tpu.memory_space<vmem>>, vector<16xf32>,
          %get3A_756 = vector.shape_cast %get3A_755 : vector<16xf32> to vector<16xf32>
          %add3A_757 = arith.addf %add3A_693, %get3A_756 : vector<16xf32>
          %add3A_758 = arith.constant 1024 : i32
          %add3A_759 = arith.addi %add3A_229, %add3A_758 : i32
          %add3A_760 = arith.constant 64 : i32
          %add3A_761 = arith.addi %add3A_759, %add3A_760 : i32
          %get3A_762 = arith.index_cast %add3A_761 : i32 to index
          %get3A_763 = tpu.vector_load %arg7[%get3A_762] {strides = array<i32>} : memref<49152xf32, #tpu.memory_space<vmem>>, vector<16xf32>,
          %get3A_764 = vector.shape_cast %get3A_763 : vector<16xf32> to vector<16xf32>
          %add3A_765 = arith.addf %add3A_701, %get3A_764 : vector<16xf32>
          %add3A_766 = arith.constant 1024 : i32
          %add3A_767 = arith.addi %add3A_229, %add3A_766 : i32
          %add3A_768 = arith.constant 80 : i32
          %add3A_769 = arith.addi %add3A_767, %add3A_768 : i32
          %get3A_770 = arith.index_cast %add3A_769 : i32 to index
          %get3A_771 = tpu.vector_load %arg7[%get3A_770] {strides = array<i32>} : memref<49152xf32, #tpu.memory_space<vmem>>, vector<16xf32>,
          %get3A_772 = vector.shape_cast %get3A_771 : vector<16xf32> to vector<16xf32>
          %add3A_773 = arith.addf %add3A_709, %get3A_772 : vector<16xf32>
          %add3A_774 = arith.constant 1024 : i32
          %add3A_775 = arith.addi %add3A_229, %add3A_774 : i32
          %add3A_776 = arith.constant 96 : i32
          %add3A_777 = arith.addi %add3A_775, %add3A_776 : i32
          %get3A_778 = arith.index_cast %add3A_777 : i32 to index
          %get3A_779 = tpu.vector_load %arg7[%get3A_778] {strides = array<i32>} : memref<49152xf32, #tpu.memory_space<vmem>>, vector<16xf32>,
          %get3A_780 = vector.shape_cast %get3A_779 : vector<16xf32> to vector<16xf32>
          %add3A_781 = arith.addf %add3A_717, %get3A_780 : vector<16xf32>
          %add3A_782 = arith.constant 1024 : i32
          %add3A_783 = arith.addi %add3A_229, %add3A_782 : i32
          %add3A_784 = arith.constant 112 : i32
          %add3A_785 = arith.addi %add3A_783, %add3A_784 : i32
          %get3A_786 = arith.index_cast %add3A_785 : i32 to index
          %get3A_787 = tpu.vector_load %arg7[%get3A_786] {strides = array<i32>} : memref<49152xf32, #tpu.memory_space<vmem>>, vector<16xf32>,
          %get3A_788 = vector.shape_cast %get3A_787 : vector<16xf32> to vector<16xf32>
          %add3A_789 = arith.addf %add3A_725, %get3A_788 : vector<16xf32>
          %add3A_790 = arith.constant 1152 : i32
          %add3A_791 = arith.addi %add3A_229, %add3A_790 : i32
          %add3A_792 = arith.constant 0 : i32
          %add3A_793 = arith.addi %add3A_791, %add3A_792 : i32
          %get3A_794 = arith.index_cast %add3A_793 : i32 to index
          %get3A_795 = tpu.vector_load %arg7[%get3A_794] {strides = array<i32>} : memref<49152xf32, #tpu.memory_space<vmem>>, vector<16xf32>,
          %get3A_796 = vector.shape_cast %get3A_795 : vector<16xf32> to vector<16xf32>
          %add3A_797 = arith.addf %add3A_733, %get3A_796 : vector<16xf32>
          %add3A_798 = arith.constant 1152 : i32
          %add3A_799 = arith.addi %add3A_229, %add3A_798 : i32
          %add3A_800 = arith.constant 16 : i32
          %add3A_801 = arith.addi %add3A_799, %add3A_800 : i32
          %get3A_802 = arith.index_cast %add3A_801 : i32 to index
          %get3A_803 = tpu.vector_load %arg7[%get3A_802] {strides = array<i32>} : memref<49152xf32, #tpu.memory_space<vmem>>, vector<16xf32>,
          %get3A_804 = vector.shape_cast %get3A_803 : vector<16xf32> to vector<16xf32>
          %add3A_805 = arith.addf %add3A_741, %get3A_804 : vector<16xf32>
          %add3A_806 = arith.constant 1152 : i32
          %add3A_807 = arith.addi %add3A_229, %add3A_806 : i32
          %add3A_808 = arith.constant 32 : i32
          %add3A_809 = arith.addi %add3A_807, %add3A_808 : i32
          %get3A_810 = arith.index_cast %add3A_809 : i32 to index
          %get3A_811 = tpu.vector_load %arg7[%get3A_810] {strides = array<i32>} : memref<49152xf32, #tpu.memory_space<vmem>>, vector<16xf32>,
          %get3A_812 = vector.shape_cast %get3A_811 : vector<16xf32> to vector<16xf32>
          %add3A_813 = arith.addf %add3A_749, %get3A_812 : vector<16xf32>
          %add3A_814 = arith.constant 1152 : i32
          %add3A_815 = arith.addi %add3A_229, %add3A_814 : i32
          %add3A_816 = arith.constant 48 : i32
          %add3A_817 = arith.addi %add3A_815, %add3A_816 : i32
          %get3A_818 = arith.index_cast %add3A_817 : i32 to index
          %get3A_819 = tpu.vector_load %arg7[%get3A_818] {strides = array<i32>} : memref<49152xf32, #tpu.memory_space<vmem>>, vector<16xf32>,
          %get3A_820 = vector.shape_cast %get3A_819 : vector<16xf32> to vector<16xf32>
          %add3A_821 = arith.addf %add3A_757, %get3A_820 : vector<16xf32>
          %add3A_822 = arith.constant 1152 : i32
          %add3A_823 = arith.addi %add3A_229, %add3A_822 : i32
          %add3A_824 = arith.constant 64 : i32
          %add3A_825 = arith.addi %add3A_823, %add3A_824 : i32
          %get3A_826 = arith.index_cast %add3A_825 : i32 to index
          %get3A_827 = tpu.vector_load %arg7[%get3A_826] {strides = array<i32>} : memref<49152xf32, #tpu.memory_space<vmem>>, vector<16xf32>,
          %get3A_828 = vector.shape_cast %get3A_827 : vector<16xf32> to vector<16xf32>
          %add3A_829 = arith.addf %add3A_765, %get3A_828 : vector<16xf32>
          %add3A_830 = arith.constant 1152 : i32
          %add3A_831 = arith.addi %add3A_229, %add3A_830 : i32
          %add3A_832 = arith.constant 80 : i32
          %add3A_833 = arith.addi %add3A_831, %add3A_832 : i32
          %get3A_834 = arith.index_cast %add3A_833 : i32 to index
          %get3A_835 = tpu.vector_load %arg7[%get3A_834] {strides = array<i32>} : memref<49152xf32, #tpu.memory_space<vmem>>, vector<16xf32>,
          %get3A_836 = vector.shape_cast %get3A_835 : vector<16xf32> to vector<16xf32>
          %add3A_837 = arith.addf %add3A_773, %get3A_836 : vector<16xf32>
          %add3A_838 = arith.constant 1152 : i32
          %add3A_839 = arith.addi %add3A_229, %add3A_838 : i32
          %add3A_840 = arith.constant 96 : i32
          %add3A_841 = arith.addi %add3A_839, %add3A_840 : i32
          %get3A_842 = arith.index_cast %add3A_841 : i32 to index
          %get3A_843 = tpu.vector_load %arg7[%get3A_842] {strides = array<i32>} : memref<49152xf32, #tpu.memory_space<vmem>>, vector<16xf32>,
          %get3A_844 = vector.shape_cast %get3A_843 : vector<16xf32> to vector<16xf32>
          %add3A_845 = arith.addf %add3A_781, %get3A_844 : vector<16xf32>
          %add3A_846 = arith.constant 1152 : i32
          %add3A_847 = arith.addi %add3A_229, %add3A_846 : i32
          %add3A_848 = arith.constant 112 : i32
          %add3A_849 = arith.addi %add3A_847, %add3A_848 : i32
          %get3A_850 = arith.index_cast %add3A_849 : i32 to index
          %get3A_851 = tpu.vector_load %arg7[%get3A_850] {strides = array<i32>} : memref<49152xf32, #tpu.memory_space<vmem>>, vector<16xf32>,
          %get3A_852 = vector.shape_cast %get3A_851 : vector<16xf32> to vector<16xf32>
          %add3A_853 = arith.addf %add3A_789, %get3A_852 : vector<16xf32>
          %add3A_854 = arith.constant 1280 : i32
          %add3A_855 = arith.addi %add3A_229, %add3A_854 : i32
          %add3A_856 = arith.constant 0 : i32
          %add3A_857 = arith.addi %add3A_855, %add3A_856 : i32
          %get3A_858 = arith.index_cast %add3A_857 : i32 to index
          %get3A_859 = tpu.vector_load %arg7[%get3A_858] {strides = array<i32>} : memref<49152xf32, #tpu.memory_space<vmem>>, vector<16xf32>,
          %get3A_860 = vector.shape_cast %get3A_859 : vector<16xf32> to vector<16xf32>
          %add3A_861 = arith.addf %add3A_797, %get3A_860 : vector<16xf32>
          %add3A_862 = arith.constant 1280 : i32
          %add3A_863 = arith.addi %add3A_229, %add3A_862 : i32
          %add3A_864 = arith.constant 16 : i32
          %add3A_865 = arith.addi %add3A_863, %add3A_864 : i32
          %get3A_866 = arith.index_cast %add3A_865 : i32 to index
          %get3A_867 = tpu.vector_load %arg7[%get3A_866] {strides = array<i32>} : memref<49152xf32, #tpu.memory_space<vmem>>, vector<16xf32>,
          %get3A_868 = vector.shape_cast %get3A_867 : vector<16xf32> to vector<16xf32>
          %add3A_869 = arith.addf %add3A_805, %get3A_868 : vector<16xf32>
          %add3A_870 = arith.constant 1280 : i32
          %add3A_871 = arith.addi %add3A_229, %add3A_870 : i32
          %add3A_872 = arith.constant 32 : i32
          %add3A_873 = arith.addi %add3A_871, %add3A_872 : i32
          %get3A_874 = arith.index_cast %add3A_873 : i32 to index
          %get3A_875 = tpu.vector_load %arg7[%get3A_874] {strides = array<i32>} : memref<49152xf32, #tpu.memory_space<vmem>>, vector<16xf32>,
          %get3A_876 = vector.shape_cast %get3A_875 : vector<16xf32> to vector<16xf32>
          %add3A_877 = arith.addf %add3A_813, %get3A_876 : vector<16xf32>
          %add3A_878 = arith.constant 1280 : i32
          %add3A_879 = arith.addi %add3A_229, %add3A_878 : i32
          %add3A_880 = arith.constant 48 : i32
          %add3A_881 = arith.addi %add3A_879, %add3A_880 : i32
          %get3A_882 = arith.index_cast %add3A_881 : i32 to index
          %get3A_883 = tpu.vector_load %arg7[%get3A_882] {strides = array<i32>} : memref<49152xf32, #tpu.memory_space<vmem>>, vector<16xf32>,
          %get3A_884 = vector.shape_cast %get3A_883 : vector<16xf32> to vector<16xf32>
          %add3A_885 = arith.addf %add3A_821, %get3A_884 : vector<16xf32>
          %add3A_886 = arith.constant 1280 : i32
          %add3A_887 = arith.addi %add3A_229, %add3A_886 : i32
          %add3A_888 = arith.constant 64 : i32
          %add3A_889 = arith.addi %add3A_887, %add3A_888 : i32
          %get3A_890 = arith.index_cast %add3A_889 : i32 to index
          %get3A_891 = tpu.vector_load %arg7[%get3A_890] {strides = array<i32>} : memref<49152xf32, #tpu.memory_space<vmem>>, vector<16xf32>,
          %get3A_892 = vector.shape_cast %get3A_891 : vector<16xf32> to vector<16xf32>
          %add3A_893 = arith.addf %add3A_829, %get3A_892 : vector<16xf32>
          %add3A_894 = arith.constant 1280 : i32
          %add3A_895 = arith.addi %add3A_229, %add3A_894 : i32
          %add3A_896 = arith.constant 80 : i32
          %add3A_897 = arith.addi %add3A_895, %add3A_896 : i32
          %get3A_898 = arith.index_cast %add3A_897 : i32 to index
          %get3A_899 = tpu.vector_load %arg7[%get3A_898] {strides = array<i32>} : memref<49152xf32, #tpu.memory_space<vmem>>, vector<16xf32>,
          %get3A_900 = vector.shape_cast %get3A_899 : vector<16xf32> to vector<16xf32>
          %add3A_901 = arith.addf %add3A_837, %get3A_900 : vector<16xf32>
          %add3A_902 = arith.constant 1280 : i32
          %add3A_903 = arith.addi %add3A_229, %add3A_902 : i32
          %add3A_904 = arith.constant 96 : i32
          %add3A_905 = arith.addi %add3A_903, %add3A_904 : i32
          %get3A_906 = arith.index_cast %add3A_905 : i32 to index
          %get3A_907 = tpu.vector_load %arg7[%get3A_906] {strides = array<i32>} : memref<49152xf32, #tpu.memory_space<vmem>>, vector<16xf32>,
          %get3A_908 = vector.shape_cast %get3A_907 : vector<16xf32> to vector<16xf32>
          %add3A_909 = arith.addf %add3A_845, %get3A_908 : vector<16xf32>
          %add3A_910 = arith.constant 1280 : i32
          %add3A_911 = arith.addi %add3A_229, %add3A_910 : i32
          %add3A_912 = arith.constant 112 : i32
          %add3A_913 = arith.addi %add3A_911, %add3A_912 : i32
          %get3A_914 = arith.index_cast %add3A_913 : i32 to index
          %get3A_915 = tpu.vector_load %arg7[%get3A_914] {strides = array<i32>} : memref<49152xf32, #tpu.memory_space<vmem>>, vector<16xf32>,
          %get3A_916 = vector.shape_cast %get3A_915 : vector<16xf32> to vector<16xf32>
          %add3A_917 = arith.addf %add3A_853, %get3A_916 : vector<16xf32>
          %add3A_918 = arith.constant 1408 : i32
          %add3A_919 = arith.addi %add3A_229, %add3A_918 : i32
          %add3A_920 = arith.constant 0 : i32
          %add3A_921 = arith.addi %add3A_919, %add3A_920 : i32
          %get3A_922 = arith.index_cast %add3A_921 : i32 to index
          %get3A_923 = tpu.vector_load %arg7[%get3A_922] {strides = array<i32>} : memref<49152xf32, #tpu.memory_space<vmem>>, vector<16xf32>,
          %get3A_924 = vector.shape_cast %get3A_923 : vector<16xf32> to vector<16xf32>
          %add3A_925 = arith.addf %add3A_861, %get3A_924 : vector<16xf32>
          %add3A_926 = arith.constant 1408 : i32
          %add3A_927 = arith.addi %add3A_229, %add3A_926 : i32
          %add3A_928 = arith.constant 16 : i32
          %add3A_929 = arith.addi %add3A_927, %add3A_928 : i32
          %get3A_930 = arith.index_cast %add3A_929 : i32 to index
          %get3A_931 = tpu.vector_load %arg7[%get3A_930] {strides = array<i32>} : memref<49152xf32, #tpu.memory_space<vmem>>, vector<16xf32>,
          %get3A_932 = vector.shape_cast %get3A_931 : vector<16xf32> to vector<16xf32>
          %add3A_933 = arith.addf %add3A_869, %get3A_932 : vector<16xf32>
          %add3A_934 = arith.constant 1408 : i32
          %add3A_935 = arith.addi %add3A_229, %add3A_934 : i32
          %add3A_936 = arith.constant 32 : i32
          %add3A_937 = arith.addi %add3A_935, %add3A_936 : i32
          %get3A_938 = arith.index_cast %add3A_937 : i32 to index
          %get3A_939 = tpu.vector_load %arg7[%get3A_938] {strides = array<i32>} : memref<49152xf32, #tpu.memory_space<vmem>>, vector<16xf32>,
          %get3A_940 = vector.shape_cast %get3A_939 : vector<16xf32> to vector<16xf32>
          %add3A_941 = arith.addf %add3A_877, %get3A_940 : vector<16xf32>
          %add3A_942 = arith.constant 1408 : i32
          %add3A_943 = arith.addi %add3A_229, %add3A_942 : i32
          %add3A_944 = arith.constant 48 : i32
          %add3A_945 = arith.addi %add3A_943, %add3A_944 : i32
          %get3A_946 = arith.index_cast %add3A_945 : i32 to index
          %get3A_947 = tpu.vector_load %arg7[%get3A_946] {strides = array<i32>} : memref<49152xf32, #tpu.memory_space<vmem>>, vector<16xf32>,
          %get3A_948 = vector.shape_cast %get3A_947 : vector<16xf32> to vector<16xf32>
          %add3A_949 = arith.addf %add3A_885, %get3A_948 : vector<16xf32>
          %add3A_950 = arith.constant 1408 : i32
          %add3A_951 = arith.addi %add3A_229, %add3A_950 : i32
          %add3A_952 = arith.constant 64 : i32
          %add3A_953 = arith.addi %add3A_951, %add3A_952 : i32
          %get3A_954 = arith.index_cast %add3A_953 : i32 to index
          %get3A_955 = tpu.vector_load %arg7[%get3A_954] {strides = array<i32>} : memref<49152xf32, #tpu.memory_space<vmem>>, vector<16xf32>,
          %get3A_956 = vector.shape_cast %get3A_955 : vector<16xf32> to vector<16xf32>
          %add3A_957 = arith.addf %add3A_893, %get3A_956 : vector<16xf32>
          %add3A_958 = arith.constant 1408 : i32
          %add3A_959 = arith.addi %add3A_229, %add3A_958 : i32
          %add3A_960 = arith.constant 80 : i32
          %add3A_961 = arith.addi %add3A_959, %add3A_960 : i32
          %get3A_962 = arith.index_cast %add3A_961 : i32 to index
          %get3A_963 = tpu.vector_load %arg7[%get3A_962] {strides = array<i32>} : memref<49152xf32, #tpu.memory_space<vmem>>, vector<16xf32>,
          %get3A_964 = vector.shape_cast %get3A_963 : vector<16xf32> to vector<16xf32>
          %add3A_965 = arith.addf %add3A_901, %get3A_964 : vector<16xf32>
          %add3A_966 = arith.constant 1408 : i32
          %add3A_967 = arith.addi %add3A_229, %add3A_966 : i32
          %add3A_968 = arith.constant 96 : i32
          %add3A_969 = arith.addi %add3A_967, %add3A_968 : i32
          %get3A_970 = arith.index_cast %add3A_969 : i32 to index
          %get3A_971 = tpu.vector_load %arg7[%get3A_970] {strides = array<i32>} : memref<49152xf32, #tpu.memory_space<vmem>>, vector<16xf32>,
          %get3A_972 = vector.shape_cast %get3A_971 : vector<16xf32> to vector<16xf32>
          %add3A_973 = arith.addf %add3A_909, %get3A_972 : vector<16xf32>
          %add3A_974 = arith.constant 1408 : i32
          %add3A_975 = arith.addi %add3A_229, %add3A_974 : i32
          %add3A_976 = arith.constant 112 : i32
          %add3A_977 = arith.addi %add3A_975, %add3A_976 : i32
          %get3A_978 = arith.index_cast %add3A_977 : i32 to index
          %get3A_979 = tpu.vector_load %arg7[%get3A_978] {strides = array<i32>} : memref<49152xf32, #tpu.memory_space<vmem>>, vector<16xf32>,
          %get3A_980 = vector.shape_cast %get3A_979 : vector<16xf32> to vector<16xf32>
          %add3A_981 = arith.addf %add3A_917, %get3A_980 : vector<16xf32>
          %add3A_982 = arith.constant 1536 : i32
          %add3A_983 = arith.addi %add3A_229, %add3A_982 : i32
          %add3A_984 = arith.constant 0 : i32
          %add3A_985 = arith.addi %add3A_983, %add3A_984 : i32
          %get3A_986 = arith.index_cast %add3A_985 : i32 to index
          %get3A_987 = tpu.vector_load %arg7[%get3A_986] {strides = array<i32>} : memref<49152xf32, #tpu.memory_space<vmem>>, vector<16xf32>,
          %get3A_988 = vector.shape_cast %get3A_987 : vector<16xf32> to vector<16xf32>
          %add3A_989 = arith.addf %add3A_925, %get3A_988 : vector<16xf32>
          %add3A_990 = arith.constant 1536 : i32
          %add3A_991 = arith.addi %add3A_229, %add3A_990 : i32
          %add3A_992 = arith.constant 16 : i32
          %add3A_993 = arith.addi %add3A_991, %add3A_992 : i32
          %get3A_994 = arith.index_cast %add3A_993 : i32 to index
          %get3A_995 = tpu.vector_load %arg7[%get3A_994] {strides = array<i32>} : memref<49152xf32, #tpu.memory_space<vmem>>, vector<16xf32>,
          %get3A_996 = vector.shape_cast %get3A_995 : vector<16xf32> to vector<16xf32>
          %add3A_997 = arith.addf %add3A_933, %get3A_996 : vector<16xf32>
          %add3A_998 = arith.constant 1536 : i32
          %add3A_999 = arith.addi %add3A_229, %add3A_998 : i32
          %add3A_1000 = arith.constant 32 : i32
          %add3A_1001 = arith.addi %add3A_999, %add3A_1000 : i32
          %get3A_1002 = arith.index_cast %add3A_1001 : i32 to index
          %get3A_1003 = tpu.vector_load %arg7[%get3A_1002] {strides = array<i32>} : memref<49152xf32, #tpu.memory_space<vmem>>, vector<16xf32>,
          %get3A_1004 = vector.shape_cast %get3A_1003 : vector<16xf32> to vector<16xf32>
          %add3A_1005 = arith.addf %add3A_941, %get3A_1004 : vector<16xf32>
          %add3A_1006 = arith.constant 1536 : i32
          %add3A_1007 = arith.addi %add3A_229, %add3A_1006 : i32
          %add3A_1008 = arith.constant 48 : i32
          %add3A_1009 = arith.addi %add3A_1007, %add3A_1008 : i32
          %get3A_1010 = arith.index_cast %add3A_1009 : i32 to index
          %get3A_1011 = tpu.vector_load %arg7[%get3A_1010] {strides = array<i32>} : memref<49152xf32, #tpu.memory_space<vmem>>, vector<16xf32>,
          %get3A_1012 = vector.shape_cast %get3A_1011 : vector<16xf32> to vector<16xf32>
          %add3A_1013 = arith.addf %add3A_949, %get3A_1012 : vector<16xf32>
          %add3A_1014 = arith.constant 1536 : i32
          %add3A_1015 = arith.addi %add3A_229, %add3A_1014 : i32
          %add3A_1016 = arith.constant 64 : i32
          %add3A_1017 = arith.addi %add3A_1015, %add3A_1016 : i32
          %get3A_1018 = arith.index_cast %add3A_1017 : i32 to index
          %get3A_1019 = tpu.vector_load %arg7[%get3A_1018] {strides = array<i32>} : memref<49152xf32, #tpu.memory_space<vmem>>, vector<16xf32>,
          %get3A_1020 = vector.shape_cast %get3A_1019 : vector<16xf32> to vector<16xf32>
          %add3A_1021 = arith.addf %add3A_957, %get3A_1020 : vector<16xf32>
          %add3A_1022 = arith.constant 1536 : i32
          %add3A_1023 = arith.addi %add3A_229, %add3A_1022 : i32
          %add3A_1024 = arith.constant 80 : i32
          %add3A_1025 = arith.addi %add3A_1023, %add3A_1024 : i32
          %get3A_1026 = arith.index_cast %add3A_1025 : i32 to index
          %get3A_1027 = tpu.vector_load %arg7[%get3A_1026] {strides = array<i32>} : memref<49152xf32, #tpu.memory_space<vmem>>, vector<16xf32>,
          %get3A_1028 = vector.shape_cast %get3A_1027 : vector<16xf32> to vector<16xf32>
          %add3A_1029 = arith.addf %add3A_965, %get3A_1028 : vector<16xf32>
          %add3A_1030 = arith.constant 1536 : i32
          %add3A_1031 = arith.addi %add3A_229, %add3A_1030 : i32
          %add3A_1032 = arith.constant 96 : i32
          %add3A_1033 = arith.addi %add3A_1031, %add3A_1032 : i32
          %get3A_1034 = arith.index_cast %add3A_1033 : i32 to index
          %get3A_1035 = tpu.vector_load %arg7[%get3A_1034] {strides = array<i32>} : memref<49152xf32, #tpu.memory_space<vmem>>, vector<16xf32>,
          %get3A_1036 = vector.shape_cast %get3A_1035 : vector<16xf32> to vector<16xf32>
          %add3A_1037 = arith.addf %add3A_973, %get3A_1036 : vector<16xf32>
          %add3A_1038 = arith.constant 1536 : i32
          %add3A_1039 = arith.addi %add3A_229, %add3A_1038 : i32
          %add3A_1040 = arith.constant 112 : i32
          %add3A_1041 = arith.addi %add3A_1039, %add3A_1040 : i32
          %get3A_1042 = arith.index_cast %add3A_1041 : i32 to index
          %get3A_1043 = tpu.vector_load %arg7[%get3A_1042] {strides = array<i32>} : memref<49152xf32, #tpu.memory_space<vmem>>, vector<16xf32>,
          %get3A_1044 = vector.shape_cast %get3A_1043 : vector<16xf32> to vector<16xf32>
          %add3A_1045 = arith.addf %add3A_981, %get3A_1044 : vector<16xf32>
          %add3A_1046 = arith.constant 1664 : i32
          %add3A_1047 = arith.addi %add3A_229, %add3A_1046 : i32
          %add3A_1048 = arith.constant 0 : i32
          %add3A_1049 = arith.addi %add3A_1047, %add3A_1048 : i32
          %get3A_1050 = arith.index_cast %add3A_1049 : i32 to index
          %get3A_1051 = tpu.vector_load %arg7[%get3A_1050] {strides = array<i32>} : memref<49152xf32, #tpu.memory_space<vmem>>, vector<16xf32>,
          %get3A_1052 = vector.shape_cast %get3A_1051 : vector<16xf32> to vector<16xf32>
          %add3A_1053 = arith.addf %add3A_989, %get3A_1052 : vector<16xf32>
          %add3A_1054 = arith.constant 1664 : i32
          %add3A_1055 = arith.addi %add3A_229, %add3A_1054 : i32
          %add3A_1056 = arith.constant 16 : i32
          %add3A_1057 = arith.addi %add3A_1055, %add3A_1056 : i32
          %get3A_1058 = arith.index_cast %add3A_1057 : i32 to index
          %get3A_1059 = tpu.vector_load %arg7[%get3A_1058] {strides = array<i32>} : memref<49152xf32, #tpu.memory_space<vmem>>, vector<16xf32>,
          %get3A_1060 = vector.shape_cast %get3A_1059 : vector<16xf32> to vector<16xf32>
          %add3A_1061 = arith.addf %add3A_997, %get3A_1060 : vector<16xf32>
          %add3A_1062 = arith.constant 1664 : i32
          %add3A_1063 = arith.addi %add3A_229, %add3A_1062 : i32
          %add3A_1064 = arith.constant 32 : i32
          %add3A_1065 = arith.addi %add3A_1063, %add3A_1064 : i32
          %get3A_1066 = arith.index_cast %add3A_1065 : i32 to index
          %get3A_1067 = tpu.vector_load %arg7[%get3A_1066] {strides = array<i32>} : memref<49152xf32, #tpu.memory_space<vmem>>, vector<16xf32>,
          %get3A_1068 = vector.shape_cast %get3A_1067 : vector<16xf32> to vector<16xf32>
          %add3A_1069 = arith.addf %add3A_1005, %get3A_1068 : vector<16xf32>
          %add3A_1070 = arith.constant 1664 : i32
          %add3A_1071 = arith.addi %add3A_229, %add3A_1070 : i32
          %add3A_1072 = arith.constant 48 : i32
          %add3A_1073 = arith.addi %add3A_1071, %add3A_1072 : i32
          %get3A_1074 = arith.index_cast %add3A_1073 : i32 to index
          %get3A_1075 = tpu.vector_load %arg7[%get3A_1074] {strides = array<i32>} : memref<49152xf32, #tpu.memory_space<vmem>>, vector<16xf32>,
          %get3A_1076 = vector.shape_cast %get3A_1075 : vector<16xf32> to vector<16xf32>
          %add3A_1077 = arith.addf %add3A_1013, %get3A_1076 : vector<16xf32>
          %add3A_1078 = arith.constant 1664 : i32
          %add3A_1079 = arith.addi %add3A_229, %add3A_1078 : i32
          %add3A_1080 = arith.constant 64 : i32
          %add3A_1081 = arith.addi %add3A_1079, %add3A_1080 : i32
          %get3A_1082 = arith.index_cast %add3A_1081 : i32 to index
          %get3A_1083 = tpu.vector_load %arg7[%get3A_1082] {strides = array<i32>} : memref<49152xf32, #tpu.memory_space<vmem>>, vector<16xf32>,
          %get3A_1084 = vector.shape_cast %get3A_1083 : vector<16xf32> to vector<16xf32>
          %add3A_1085 = arith.addf %add3A_1021, %get3A_1084 : vector<16xf32>
          %add3A_1086 = arith.constant 1664 : i32
          %add3A_1087 = arith.addi %add3A_229, %add3A_1086 : i32
          %add3A_1088 = arith.constant 80 : i32
          %add3A_1089 = arith.addi %add3A_1087, %add3A_1088 : i32
          %get3A_1090 = arith.index_cast %add3A_1089 : i32 to index
          %get3A_1091 = tpu.vector_load %arg7[%get3A_1090] {strides = array<i32>} : memref<49152xf32, #tpu.memory_space<vmem>>, vector<16xf32>,
          %get3A_1092 = vector.shape_cast %get3A_1091 : vector<16xf32> to vector<16xf32>
          %add3A_1093 = arith.addf %add3A_1029, %get3A_1092 : vector<16xf32>
          %add3A_1094 = arith.constant 1664 : i32
          %add3A_1095 = arith.addi %add3A_229, %add3A_1094 : i32
          %add3A_1096 = arith.constant 96 : i32
          %add3A_1097 = arith.addi %add3A_1095, %add3A_1096 : i32
          %get3A_1098 = arith.index_cast %add3A_1097 : i32 to index
          %get3A_1099 = tpu.vector_load %arg7[%get3A_1098] {strides = array<i32>} : memref<49152xf32, #tpu.memory_space<vmem>>, vector<16xf32>,
          %get3A_1100 = vector.shape_cast %get3A_1099 : vector<16xf32> to vector<16xf32>
          %add3A_1101 = arith.addf %add3A_1037, %get3A_1100 : vector<16xf32>
          %add3A_1102 = arith.constant 1664 : i32
          %add3A_1103 = arith.addi %add3A_229, %add3A_1102 : i32
          %add3A_1104 = arith.constant 112 : i32
          %add3A_1105 = arith.addi %add3A_1103, %add3A_1104 : i32
          %get3A_1106 = arith.index_cast %add3A_1105 : i32 to index
          %get3A_1107 = tpu.vector_load %arg7[%get3A_1106] {strides = array<i32>} : memref<49152xf32, #tpu.memory_space<vmem>>, vector<16xf32>,
          %get3A_1108 = vector.shape_cast %get3A_1107 : vector<16xf32> to vector<16xf32>
          %add3A_1109 = arith.addf %add3A_1045, %get3A_1108 : vector<16xf32>
          %add3A_1110 = arith.constant 1792 : i32
          %add3A_1111 = arith.addi %add3A_229, %add3A_1110 : i32
          %add3A_1112 = arith.constant 0 : i32
          %add3A_1113 = arith.addi %add3A_1111, %add3A_1112 : i32
          %get3A_1114 = arith.index_cast %add3A_1113 : i32 to index
          %get3A_1115 = tpu.vector_load %arg7[%get3A_1114] {strides = array<i32>} : memref<49152xf32, #tpu.memory_space<vmem>>, vector<16xf32>,
          %get3A_1116 = vector.shape_cast %get3A_1115 : vector<16xf32> to vector<16xf32>
          %add3A_1117 = arith.addf %add3A_1053, %get3A_1116 : vector<16xf32>
          %add3A_1118 = arith.constant 1792 : i32
          %add3A_1119 = arith.addi %add3A_229, %add3A_1118 : i32
          %add3A_1120 = arith.constant 16 : i32
          %add3A_1121 = arith.addi %add3A_1119, %add3A_1120 : i32
          %get3A_1122 = arith.index_cast %add3A_1121 : i32 to index
          %get3A_1123 = tpu.vector_load %arg7[%get3A_1122] {strides = array<i32>} : memref<49152xf32, #tpu.memory_space<vmem>>, vector<16xf32>,
          %get3A_1124 = vector.shape_cast %get3A_1123 : vector<16xf32> to vector<16xf32>
          %add3A_1125 = arith.addf %add3A_1061, %get3A_1124 : vector<16xf32>
          %add3A_1126 = arith.constant 1792 : i32
          %add3A_1127 = arith.addi %add3A_229, %add3A_1126 : i32
          %add3A_1128 = arith.constant 32 : i32
          %add3A_1129 = arith.addi %add3A_1127, %add3A_1128 : i32
          %get3A_1130 = arith.index_cast %add3A_1129 : i32 to index
          %get3A_1131 = tpu.vector_load %arg7[%get3A_1130] {strides = array<i32>} : memref<49152xf32, #tpu.memory_space<vmem>>, vector<16xf32>,
          %get3A_1132 = vector.shape_cast %get3A_1131 : vector<16xf32> to vector<16xf32>
          %add3A_1133 = arith.addf %add3A_1069, %get3A_1132 : vector<16xf32>
          %add3A_1134 = arith.constant 1792 : i32
          %add3A_1135 = arith.addi %add3A_229, %add3A_1134 : i32
          %add3A_1136 = arith.constant 48 : i32
          %add3A_1137 = arith.addi %add3A_1135, %add3A_1136 : i32
          %get3A_1138 = arith.index_cast %add3A_1137 : i32 to index
          %get3A_1139 = tpu.vector_load %arg7[%get3A_1138] {strides = array<i32>} : memref<49152xf32, #tpu.memory_space<vmem>>, vector<16xf32>,
          %get3A_1140 = vector.shape_cast %get3A_1139 : vector<16xf32> to vector<16xf32>
          %add3A_1141 = arith.addf %add3A_1077, %get3A_1140 : vector<16xf32>
          %add3A_1142 = arith.constant 1792 : i32
          %add3A_1143 = arith.addi %add3A_229, %add3A_1142 : i32
          %add3A_1144 = arith.constant 64 : i32
          %add3A_1145 = arith.addi %add3A_1143, %add3A_1144 : i32
          %get3A_1146 = arith.index_cast %add3A_1145 : i32 to index
          %get3A_1147 = tpu.vector_load %arg7[%get3A_1146] {strides = array<i32>} : memref<49152xf32, #tpu.memory_space<vmem>>, vector<16xf32>,
          %get3A_1148 = vector.shape_cast %get3A_1147 : vector<16xf32> to vector<16xf32>
          %add3A_1149 = arith.addf %add3A_1085, %get3A_1148 : vector<16xf32>
          %add3A_1150 = arith.constant 1792 : i32
          %add3A_1151 = arith.addi %add3A_229, %add3A_1150 : i32
          %add3A_1152 = arith.constant 80 : i32
          %add3A_1153 = arith.addi %add3A_1151, %add3A_1152 : i32
          %get3A_1154 = arith.index_cast %add3A_1153 : i32 to index
          %get3A_1155 = tpu.vector_load %arg7[%get3A_1154] {strides = array<i32>} : memref<49152xf32, #tpu.memory_space<vmem>>, vector<16xf32>,
          %get3A_1156 = vector.shape_cast %get3A_1155 : vector<16xf32> to vector<16xf32>
          %add3A_1157 = arith.addf %add3A_1093, %get3A_1156 : vector<16xf32>
          %add3A_1158 = arith.constant 1792 : i32
          %add3A_1159 = arith.addi %add3A_229, %add3A_1158 : i32
          %add3A_1160 = arith.constant 96 : i32
          %add3A_1161 = arith.addi %add3A_1159, %add3A_1160 : i32
          %get3A_1162 = arith.index_cast %add3A_1161 : i32 to index
          %get3A_1163 = tpu.vector_load %arg7[%get3A_1162] {strides = array<i32>} : memref<49152xf32, #tpu.memory_space<vmem>>, vector<16xf32>,
          %get3A_1164 = vector.shape_cast %get3A_1163 : vector<16xf32> to vector<16xf32>
          %add3A_1165 = arith.addf %add3A_1101, %get3A_1164 : vector<16xf32>
          %add3A_1166 = arith.constant 1792 : i32
          %add3A_1167 = arith.addi %add3A_229, %add3A_1166 : i32
          %add3A_1168 = arith.constant 112 : i32
          %add3A_1169 = arith.addi %add3A_1167, %add3A_1168 : i32
          %get3A_1170 = arith.index_cast %add3A_1169 : i32 to index
          %get3A_1171 = tpu.vector_load %arg7[%get3A_1170] {strides = array<i32>} : memref<49152xf32, #tpu.memory_space<vmem>>, vector<16xf32>,
          %get3A_1172 = vector.shape_cast %get3A_1171 : vector<16xf32> to vector<16xf32>
          %add3A_1173 = arith.addf %add3A_1109, %get3A_1172 : vector<16xf32>
          %add3A_1174 = arith.constant 1920 : i32
          %add3A_1175 = arith.addi %add3A_229, %add3A_1174 : i32
          %add3A_1176 = arith.constant 0 : i32
          %add3A_1177 = arith.addi %add3A_1175, %add3A_1176 : i32
          %get3A_1178 = arith.index_cast %add3A_1177 : i32 to index
          %get3A_1179 = tpu.vector_load %arg7[%get3A_1178] {strides = array<i32>} : memref<49152xf32, #tpu.memory_space<vmem>>, vector<16xf32>,
          %get3A_1180 = vector.shape_cast %get3A_1179 : vector<16xf32> to vector<16xf32>
          %add3A_1181 = arith.addf %add3A_1117, %get3A_1180 : vector<16xf32>
          %add3A_1182 = arith.constant 1920 : i32
          %add3A_1183 = arith.addi %add3A_229, %add3A_1182 : i32
          %add3A_1184 = arith.constant 16 : i32
          %add3A_1185 = arith.addi %add3A_1183, %add3A_1184 : i32
          %get3A_1186 = arith.index_cast %add3A_1185 : i32 to index
          %get3A_1187 = tpu.vector_load %arg7[%get3A_1186] {strides = array<i32>} : memref<49152xf32, #tpu.memory_space<vmem>>, vector<16xf32>,
          %get3A_1188 = vector.shape_cast %get3A_1187 : vector<16xf32> to vector<16xf32>
          %add3A_1189 = arith.addf %add3A_1125, %get3A_1188 : vector<16xf32>
          %add3A_1190 = arith.constant 1920 : i32
          %add3A_1191 = arith.addi %add3A_229, %add3A_1190 : i32
          %add3A_1192 = arith.constant 32 : i32
          %add3A_1193 = arith.addi %add3A_1191, %add3A_1192 : i32
          %get3A_1194 = arith.index_cast %add3A_1193 : i32 to index
          %get3A_1195 = tpu.vector_load %arg7[%get3A_1194] {strides = array<i32>} : memref<49152xf32, #tpu.memory_space<vmem>>, vector<16xf32>,
          %get3A_1196 = vector.shape_cast %get3A_1195 : vector<16xf32> to vector<16xf32>
          %add3A_1197 = arith.addf %add3A_1133, %get3A_1196 : vector<16xf32>
          %add3A_1198 = arith.constant 1920 : i32
          %add3A_1199 = arith.addi %add3A_229, %add3A_1198 : i32
          %add3A_1200 = arith.constant 48 : i32
          %add3A_1201 = arith.addi %add3A_1199, %add3A_1200 : i32
          %get3A_1202 = arith.index_cast %add3A_1201 : i32 to index
          %get3A_1203 = tpu.vector_load %arg7[%get3A_1202] {strides = array<i32>} : memref<49152xf32, #tpu.memory_space<vmem>>, vector<16xf32>,
          %get3A_1204 = vector.shape_cast %get3A_1203 : vector<16xf32> to vector<16xf32>
          %add3A_1205 = arith.addf %add3A_1141, %get3A_1204 : vector<16xf32>
          %add3A_1206 = arith.constant 1920 : i32
          %add3A_1207 = arith.addi %add3A_229, %add3A_1206 : i32
          %add3A_1208 = arith.constant 64 : i32
          %add3A_1209 = arith.addi %add3A_1207, %add3A_1208 : i32
          %get3A_1210 = arith.index_cast %add3A_1209 : i32 to index
          %get3A_1211 = tpu.vector_load %arg7[%get3A_1210] {strides = array<i32>} : memref<49152xf32, #tpu.memory_space<vmem>>, vector<16xf32>,
          %get3A_1212 = vector.shape_cast %get3A_1211 : vector<16xf32> to vector<16xf32>
          %add3A_1213 = arith.addf %add3A_1149, %get3A_1212 : vector<16xf32>
          %add3A_1214 = arith.constant 1920 : i32
          %add3A_1215 = arith.addi %add3A_229, %add3A_1214 : i32
          %add3A_1216 = arith.constant 80 : i32
          %add3A_1217 = arith.addi %add3A_1215, %add3A_1216 : i32
          %get3A_1218 = arith.index_cast %add3A_1217 : i32 to index
          %get3A_1219 = tpu.vector_load %arg7[%get3A_1218] {strides = array<i32>} : memref<49152xf32, #tpu.memory_space<vmem>>, vector<16xf32>,
          %get3A_1220 = vector.shape_cast %get3A_1219 : vector<16xf32> to vector<16xf32>
          %add3A_1221 = arith.addf %add3A_1157, %get3A_1220 : vector<16xf32>
          %add3A_1222 = arith.constant 1920 : i32
          %add3A_1223 = arith.addi %add3A_229, %add3A_1222 : i32
          %add3A_1224 = arith.constant 96 : i32
          %add3A_1225 = arith.addi %add3A_1223, %add3A_1224 : i32
          %get3A_1226 = arith.index_cast %add3A_1225 : i32 to index
          %get3A_1227 = tpu.vector_load %arg7[%get3A_1226] {strides = array<i32>} : memref<49152xf32, #tpu.memory_space<vmem>>, vector<16xf32>,
          %get3A_1228 = vector.shape_cast %get3A_1227 : vector<16xf32> to vector<16xf32>
          %add3A_1229 = arith.addf %add3A_1165, %get3A_1228 : vector<16xf32>
          %add3A_1230 = arith.constant 1920 : i32
          %add3A_1231 = arith.addi %add3A_229, %add3A_1230 : i32
          %add3A_1232 = arith.constant 112 : i32
          %add3A_1233 = arith.addi %add3A_1231, %add3A_1232 : i32
          %get3A_1234 = arith.index_cast %add3A_1233 : i32 to index
          %get3A_1235 = tpu.vector_load %arg7[%get3A_1234] {strides = array<i32>} : memref<49152xf32, #tpu.memory_space<vmem>>, vector<16xf32>,
          %get3A_1236 = vector.shape_cast %get3A_1235 : vector<16xf32> to vector<16xf32>
          %add3A_1237 = arith.addf %add3A_1173, %get3A_1236 : vector<16xf32>
          %mul3A_1238 = arith.constant 128 : i32
          %mul3A_1239 = arith.muli %squeeze3A, %mul3A_1238 : i32
          %add3A_1240 = arith.constant 0 : i32
          %add3A_1241 = arith.addi %mul3A_1239, %add3A_1240 : i32
          %get3A_1242 = arith.index_cast %add3A_1241 : i32 to index
          %get3A_1243 = tpu.vector_load %arg8[%get3A_1242] {strides = array<i32>} : memref<65536xf32, #tpu.memory_space<vmem>>, vector<16xf32>,
          %get3A_1244 = vector.shape_cast %get3A_1243 : vector<16xf32> to vector<16xf32>
          %add3A_1245 = arith.addf %get3A_1244, %add3A_1181 : vector<16xf32>
          %add3A_1246 = arith.constant 0 : i32
          %add3A_1247 = arith.addi %mul3A_1239, %add3A_1246 : i32
          %swap3A = arith.index_cast %add3A_1247 : i32 to index
          %swap3A_1248 = tpu.vector_load %arg8[%swap3A] {strides = array<i32>} : memref<65536xf32, #tpu.memory_space<vmem>>, vector<16xf32>,
          %swap3A_1249 = vector.shape_cast %swap3A_1248 : vector<16xf32> to vector<16xf32>
          %swap3A_1250 = vector.shape_cast %add3A_1245 : vector<16xf32> to vector<16xf32>
          tpu.vector_store %arg8[%swap3A], %swap3A_1250 {strides = array<i32>} : memref<65536xf32, #tpu.memory_space<vmem>>, vector<16xf32>,
          %add3A_1251 = arith.constant 16 : i32
          %add3A_1252 = arith.addi %mul3A_1239, %add3A_1251 : i32
          %get3A_1253 = arith.index_cast %add3A_1252 : i32 to index
          %get3A_1254 = tpu.vector_load %arg8[%get3A_1253] {strides = array<i32>} : memref<65536xf32, #tpu.memory_space<vmem>>, vector<16xf32>,
          %get3A_1255 = vector.shape_cast %get3A_1254 : vector<16xf32> to vector<16xf32>
          %add3A_1256 = arith.addf %get3A_1255, %add3A_1189 : vector<16xf32>
          %add3A_1257 = arith.constant 16 : i32
          %add3A_1258 = arith.addi %mul3A_1239, %add3A_1257 : i32
          %swap3A_1259 = arith.index_cast %add3A_1258 : i32 to index
          %swap3A_1260 = tpu.vector_load %arg8[%swap3A_1259] {strides = array<i32>} : memref<65536xf32, #tpu.memory_space<vmem>>, vector<16xf32>,
          %swap3A_1261 = vector.shape_cast %swap3A_1260 : vector<16xf32> to vector<16xf32>
          %swap3A_1262 = vector.shape_cast %add3A_1256 : vector<16xf32> to vector<16xf32>
          tpu.vector_store %arg8[%swap3A_1259], %swap3A_1262 {strides = array<i32>} : memref<65536xf32, #tpu.memory_space<vmem>>, vector<16xf32>,
          %add3A_1263 = arith.constant 32 : i32
          %add3A_1264 = arith.addi %mul3A_1239, %add3A_1263 : i32
          %get3A_1265 = arith.index_cast %add3A_1264 : i32 to index
          %get3A_1266 = tpu.vector_load %arg8[%get3A_1265] {strides = array<i32>} : memref<65536xf32, #tpu.memory_space<vmem>>, vector<16xf32>,
          %get3A_1267 = vector.shape_cast %get3A_1266 : vector<16xf32> to vector<16xf32>
          %add3A_1268 = arith.addf %get3A_1267, %add3A_1197 : vector<16xf32>
          %add3A_1269 = arith.constant 32 : i32
          %add3A_1270 = arith.addi %mul3A_1239, %add3A_1269 : i32
          %swap3A_1271 = arith.index_cast %add3A_1270 : i32 to index
          %swap3A_1272 = tpu.vector_load %arg8[%swap3A_1271] {strides = array<i32>} : memref<65536xf32, #tpu.memory_space<vmem>>, vector<16xf32>,
          %swap3A_1273 = vector.shape_cast %swap3A_1272 : vector<16xf32> to vector<16xf32>
          %swap3A_1274 = vector.shape_cast %add3A_1268 : vector<16xf32> to vector<16xf32>
          tpu.vector_store %arg8[%swap3A_1271], %swap3A_1274 {strides = array<i32>} : memref<65536xf32, #tpu.memory_space<vmem>>, vector<16xf32>,
          %add3A_1275 = arith.constant 48 : i32
          %add3A_1276 = arith.addi %mul3A_1239, %add3A_1275 : i32
          %get3A_1277 = arith.index_cast %add3A_1276 : i32 to index
          %get3A_1278 = tpu.vector_load %arg8[%get3A_1277] {strides = array<i32>} : memref<65536xf32, #tpu.memory_space<vmem>>, vector<16xf32>,
          %get3A_1279 = vector.shape_cast %get3A_1278 : vector<16xf32> to vector<16xf32>
          %add3A_1280 = arith.addf %get3A_1279, %add3A_1205 : vector<16xf32>
          %add3A_1281 = arith.constant 48 : i32
          %add3A_1282 = arith.addi %mul3A_1239, %add3A_1281 : i32
          %swap3A_1283 = arith.index_cast %add3A_1282 : i32 to index
          %swap3A_1284 = tpu.vector_load %arg8[%swap3A_1283] {strides = array<i32>} : memref<65536xf32, #tpu.memory_space<vmem>>, vector<16xf32>,
          %swap3A_1285 = vector.shape_cast %swap3A_1284 : vector<16xf32> to vector<16xf32>
          %swap3A_1286 = vector.shape_cast %add3A_1280 : vector<16xf32> to vector<16xf32>
          tpu.vector_store %arg8[%swap3A_1283], %swap3A_1286 {strides = array<i32>} : memref<65536xf32, #tpu.memory_space<vmem>>, vector<16xf32>,
          %add3A_1287 = arith.constant 64 : i32
          %add3A_1288 = arith.addi %mul3A_1239, %add3A_1287 : i32
          %get3A_1289 = arith.index_cast %add3A_1288 : i32 to index
          %get3A_1290 = tpu.vector_load %arg8[%get3A_1289] {strides = array<i32>} : memref<65536xf32, #tpu.memory_space<vmem>>, vector<16xf32>,
          %get3A_1291 = vector.shape_cast %get3A_1290 : vector<16xf32> to vector<16xf32>
          %add3A_1292 = arith.addf %get3A_1291, %add3A_1213 : vector<16xf32>
          %add3A_1293 = arith.constant 64 : i32
          %add3A_1294 = arith.addi %mul3A_1239, %add3A_1293 : i32
          %swap3A_1295 = arith.index_cast %add3A_1294 : i32 to index
          %swap3A_1296 = tpu.vector_load %arg8[%swap3A_1295] {strides = array<i32>} : memref<65536xf32, #tpu.memory_space<vmem>>, vector<16xf32>,
          %swap3A_1297 = vector.shape_cast %swap3A_1296 : vector<16xf32> to vector<16xf32>
          %swap3A_1298 = vector.shape_cast %add3A_1292 : vector<16xf32> to vector<16xf32>
          tpu.vector_store %arg8[%swap3A_1295], %swap3A_1298 {strides = array<i32>} : memref<65536xf32, #tpu.memory_space<vmem>>, vector<16xf32>,
          %add3A_1299 = arith.constant 80 : i32
          %add3A_1300 = arith.addi %mul3A_1239, %add3A_1299 : i32
          %get3A_1301 = arith.index_cast %add3A_1300 : i32 to index
          %get3A_1302 = tpu.vector_load %arg8[%get3A_1301] {strides = array<i32>} : memref<65536xf32, #tpu.memory_space<vmem>>, vector<16xf32>,
          %get3A_1303 = vector.shape_cast %get3A_1302 : vector<16xf32> to vector<16xf32>
          %add3A_1304 = arith.addf %get3A_1303, %add3A_1221 : vector<16xf32>
          %add3A_1305 = arith.constant 80 : i32
          %add3A_1306 = arith.addi %mul3A_1239, %add3A_1305 : i32
          %swap3A_1307 = arith.index_cast %add3A_1306 : i32 to index
          %swap3A_1308 = tpu.vector_load %arg8[%swap3A_1307] {strides = array<i32>} : memref<65536xf32, #tpu.memory_space<vmem>>, vector<16xf32>,
          %swap3A_1309 = vector.shape_cast %swap3A_1308 : vector<16xf32> to vector<16xf32>
          %swap3A_1310 = vector.shape_cast %add3A_1304 : vector<16xf32> to vector<16xf32>
          tpu.vector_store %arg8[%swap3A_1307], %swap3A_1310 {strides = array<i32>} : memref<65536xf32, #tpu.memory_space<vmem>>, vector<16xf32>,
          %add3A_1311 = arith.constant 96 : i32
          %add3A_1312 = arith.addi %mul3A_1239, %add3A_1311 : i32
          %get3A_1313 = arith.index_cast %add3A_1312 : i32 to index
          %get3A_1314 = tpu.vector_load %arg8[%get3A_1313] {strides = array<i32>} : memref<65536xf32, #tpu.memory_space<vmem>>, vector<16xf32>,
          %get3A_1315 = vector.shape_cast %get3A_1314 : vector<16xf32> to vector<16xf32>
          %add3A_1316 = arith.addf %get3A_1315, %add3A_1229 : vector<16xf32>
          %add3A_1317 = arith.constant 96 : i32
          %add3A_1318 = arith.addi %mul3A_1239, %add3A_1317 : i32
          %swap3A_1319 = arith.index_cast %add3A_1318 : i32 to index
          %swap3A_1320 = tpu.vector_load %arg8[%swap3A_1319] {strides = array<i32>} : memref<65536xf32, #tpu.memory_space<vmem>>, vector<16xf32>,
          %swap3A_1321 = vector.shape_cast %swap3A_1320 : vector<16xf32> to vector<16xf32>
          %swap3A_1322 = vector.shape_cast %add3A_1316 : vector<16xf32> to vector<16xf32>
          tpu.vector_store %arg8[%swap3A_1319], %swap3A_1322 {strides = array<i32>} : memref<65536xf32, #tpu.memory_space<vmem>>, vector<16xf32>,
          %add3A_1323 = arith.constant 112 : i32
          %add3A_1324 = arith.addi %mul3A_1239, %add3A_1323 : i32
          %get3A_1325 = arith.index_cast %add3A_1324 : i32 to index
          %get3A_1326 = tpu.vector_load %arg8[%get3A_1325] {strides = array<i32>} : memref<65536xf32, #tpu.memory_space<vmem>>, vector<16xf32>,
          %get3A_1327 = vector.shape_cast %get3A_1326 : vector<16xf32> to vector<16xf32>
          %add3A_1328 = arith.addf %get3A_1327, %add3A_1237 : vector<16xf32>
          %add3A_1329 = arith.constant 112 : i32
          %add3A_1330 = arith.addi %mul3A_1239, %add3A_1329 : i32
          %swap3A_1331 = arith.index_cast %add3A_1330 : i32 to index
          %swap3A_1332 = tpu.vector_load %arg8[%swap3A_1331] {strides = array<i32>} : memref<65536xf32, #tpu.memory_space<vmem>>, vector<16xf32>,
          %swap3A_1333 = vector.shape_cast %swap3A_1332 : vector<16xf32> to vector<16xf32>
          %swap3A_1334 = vector.shape_cast %add3A_1328 : vector<16xf32> to vector<16xf32>
          tpu.vector_store %arg8[%swap3A_1331], %swap3A_1334 {strides = array<i32>} : memref<65536xf32, #tpu.memory_space<vmem>>, vector<16xf32>,
          %mul3A_1335 = arith.constant 16 : i32
          %mul3A_1336 = arith.muli %squeeze3A, %mul3A_1335 : i32
          %get3A_1337 = arith.index_cast %mul3A_1336 : i32 to index
          %get3A_1338 = tpu.vector_load %arg9[%get3A_1337] {strides = array<i32>} : memref<8192xf32, #tpu.memory_space<vmem>>, vector<16xf32>,
          %get3A_1339 = vector.shape_cast %get3A_1338 : vector<16xf32> to vector<16xf32>
          %add3A_1340 = arith.addf %get3A_1339, %broadcast_in_dim3A_17 : vector<16xf32>
          %mul3A_1341 = arith.constant 16 : i32
          %mul3A_1342 = arith.muli %squeeze3A, %mul3A_1341 : i32
          %swap3A_1343 = arith.index_cast %mul3A_1342 : i32 to index
          %swap3A_1344 = tpu.vector_load %arg9[%swap3A_1343] {strides = array<i32>} : memref<8192xf32, #tpu.memory_space<vmem>>, vector<16xf32>,
          %swap3A_1345 = vector.shape_cast %swap3A_1344 : vector<16xf32> to vector<16xf32>
          %swap3A_1346 = vector.shape_cast %add3A_1340 : vector<16xf32> to vector<16xf32>
          tpu.vector_store %arg9[%swap3A_1343], %swap3A_1346 {strides = array<i32>} : memref<8192xf32, #tpu.memory_space<vmem>>, vector<16xf32>,
        } else {
        }
        %ne3A = arith.cmpi ne, %squeeze3A, %squeeze3A_224 : i32
        %and3A_234 = arith.andi %lt3A_215, %ne3A : i1
        %convert_element_type3A_235 = arith.extui %and3A_234 : i1 to i32
        %cond3A_236 = arith.constant 0 : i32
        %cond3A_237 = arith.cmpi ne, %convert_element_type3A_235, %cond3A_236 : i32
        scf.if %cond3A_237 {
          %slice3A_238 = vector.extract_strided_slice %get3A_222 {offsets = [0], sizes = [1], strides = [1]} : vector<16xi32> to vector<1xi32>
          %squeeze3A_239 = vector.extract %slice3A_238[0] : i32 from vector<1xi32>
          %mul3A_240 = arith.constant 128 : i32
          %mul3A_241 = arith.muli %squeeze3A_239, %mul3A_240 : i32
          %add3A_242 = arith.constant 0 : i32
          %add3A_243 = arith.addi %mul3A_241, %add3A_242 : i32
          %get3A_244 = arith.index_cast %add3A_243 : i32 to index
          %get3A_245 = tpu.vector_load %arg8[%get3A_244] {strides = array<i32>} : memref<65536xf32, #tpu.memory_space<vmem>>, vector<16xf32>,
          %get3A_246 = vector.shape_cast %get3A_245 : vector<16xf32> to vector<16xf32>
          %add3A_247 = arith.constant 0 : i32
          %add3A_248 = arith.addi %add3A_229, %add3A_247 : i32
          %add3A_249 = arith.constant 0 : i32
          %add3A_250 = arith.addi %add3A_248, %add3A_249 : i32
          %get3A_251 = arith.index_cast %add3A_250 : i32 to index
          %get3A_252 = tpu.vector_load %arg7[%get3A_251] {strides = array<i32>} : memref<49152xf32, #tpu.memory_space<vmem>>, vector<16xf32>,
          %get3A_253 = vector.shape_cast %get3A_252 : vector<16xf32> to vector<16xf32>
          %add3A_254 = arith.addf %get3A_246, %get3A_253 : vector<16xf32>
          %add3A_255 = arith.constant 0 : i32
          %add3A_256 = arith.addi %mul3A_241, %add3A_255 : i32
          %swap3A = arith.index_cast %add3A_256 : i32 to index
          %swap3A_257 = tpu.vector_load %arg8[%swap3A] {strides = array<i32>} : memref<65536xf32, #tpu.memory_space<vmem>>, vector<16xf32>,
          %swap3A_258 = vector.shape_cast %swap3A_257 : vector<16xf32> to vector<16xf32>
          %swap3A_259 = vector.shape_cast %add3A_254 : vector<16xf32> to vector<16xf32>
          tpu.vector_store %arg8[%swap3A], %swap3A_259 {strides = array<i32>} : memref<65536xf32, #tpu.memory_space<vmem>>, vector<16xf32>,
          %add3A_260 = arith.constant 16 : i32
          %add3A_261 = arith.addi %mul3A_241, %add3A_260 : i32
          %get3A_262 = arith.index_cast %add3A_261 : i32 to index
          %get3A_263 = tpu.vector_load %arg8[%get3A_262] {strides = array<i32>} : memref<65536xf32, #tpu.memory_space<vmem>>, vector<16xf32>,
          %get3A_264 = vector.shape_cast %get3A_263 : vector<16xf32> to vector<16xf32>
          %add3A_265 = arith.constant 0 : i32
          %add3A_266 = arith.addi %add3A_229, %add3A_265 : i32
          %add3A_267 = arith.constant 16 : i32
          %add3A_268 = arith.addi %add3A_266, %add3A_267 : i32
          %get3A_269 = arith.index_cast %add3A_268 : i32 to index
          %get3A_270 = tpu.vector_load %arg7[%get3A_269] {strides = array<i32>} : memref<49152xf32, #tpu.memory_space<vmem>>, vector<16xf32>,
          %get3A_271 = vector.shape_cast %get3A_270 : vector<16xf32> to vector<16xf32>
          %add3A_272 = arith.addf %get3A_264, %get3A_271 : vector<16xf32>
          %add3A_273 = arith.constant 16 : i32
          %add3A_274 = arith.addi %mul3A_241, %add3A_273 : i32
          %swap3A_275 = arith.index_cast %add3A_274 : i32 to index
          %swap3A_276 = tpu.vector_load %arg8[%swap3A_275] {strides = array<i32>} : memref<65536xf32, #tpu.memory_space<vmem>>, vector<16xf32>,
          %swap3A_277 = vector.shape_cast %swap3A_276 : vector<16xf32> to vector<16xf32>
          %swap3A_278 = vector.shape_cast %add3A_272 : vector<16xf32> to vector<16xf32>
          tpu.vector_store %arg8[%swap3A_275], %swap3A_278 {strides = array<i32>} : memref<65536xf32, #tpu.memory_space<vmem>>, vector<16xf32>,
          %add3A_279 = arith.constant 32 : i32
          %add3A_280 = arith.addi %mul3A_241, %add3A_279 : i32
          %get3A_281 = arith.index_cast %add3A_280 : i32 to index
          %get3A_282 = tpu.vector_load %arg8[%get3A_281] {strides = array<i32>} : memref<65536xf32, #tpu.memory_space<vmem>>, vector<16xf32>,
          %get3A_283 = vector.shape_cast %get3A_282 : vector<16xf32> to vector<16xf32>
          %add3A_284 = arith.constant 0 : i32
          %add3A_285 = arith.addi %add3A_229, %add3A_284 : i32
          %add3A_286 = arith.constant 32 : i32
          %add3A_287 = arith.addi %add3A_285, %add3A_286 : i32
          %get3A_288 = arith.index_cast %add3A_287 : i32 to index
          %get3A_289 = tpu.vector_load %arg7[%get3A_288] {strides = array<i32>} : memref<49152xf32, #tpu.memory_space<vmem>>, vector<16xf32>,
          %get3A_290 = vector.shape_cast %get3A_289 : vector<16xf32> to vector<16xf32>
          %add3A_291 = arith.addf %get3A_283, %get3A_290 : vector<16xf32>
          %add3A_292 = arith.constant 32 : i32
          %add3A_293 = arith.addi %mul3A_241, %add3A_292 : i32
          %swap3A_294 = arith.index_cast %add3A_293 : i32 to index
          %swap3A_295 = tpu.vector_load %arg8[%swap3A_294] {strides = array<i32>} : memref<65536xf32, #tpu.memory_space<vmem>>, vector<16xf32>,
          %swap3A_296 = vector.shape_cast %swap3A_295 : vector<16xf32> to vector<16xf32>
          %swap3A_297 = vector.shape_cast %add3A_291 : vector<16xf32> to vector<16xf32>
          tpu.vector_store %arg8[%swap3A_294], %swap3A_297 {strides = array<i32>} : memref<65536xf32, #tpu.memory_space<vmem>>, vector<16xf32>,
          %add3A_298 = arith.constant 48 : i32
          %add3A_299 = arith.addi %mul3A_241, %add3A_298 : i32
          %get3A_300 = arith.index_cast %add3A_299 : i32 to index
          %get3A_301 = tpu.vector_load %arg8[%get3A_300] {strides = array<i32>} : memref<65536xf32, #tpu.memory_space<vmem>>, vector<16xf32>,
          %get3A_302 = vector.shape_cast %get3A_301 : vector<16xf32> to vector<16xf32>
          %add3A_303 = arith.constant 0 : i32
          %add3A_304 = arith.addi %add3A_229, %add3A_303 : i32
          %add3A_305 = arith.constant 48 : i32
          %add3A_306 = arith.addi %add3A_304, %add3A_305 : i32
          %get3A_307 = arith.index_cast %add3A_306 : i32 to index
          %get3A_308 = tpu.vector_load %arg7[%get3A_307] {strides = array<i32>} : memref<49152xf32, #tpu.memory_space<vmem>>, vector<16xf32>,
          %get3A_309 = vector.shape_cast %get3A_308 : vector<16xf32> to vector<16xf32>
          %add3A_310 = arith.addf %get3A_302, %get3A_309 : vector<16xf32>
          %add3A_311 = arith.constant 48 : i32
          %add3A_312 = arith.addi %mul3A_241, %add3A_311 : i32
          %swap3A_313 = arith.index_cast %add3A_312 : i32 to index
          %swap3A_314 = tpu.vector_load %arg8[%swap3A_313] {strides = array<i32>} : memref<65536xf32, #tpu.memory_space<vmem>>, vector<16xf32>,
          %swap3A_315 = vector.shape_cast %swap3A_314 : vector<16xf32> to vector<16xf32>
          %swap3A_316 = vector.shape_cast %add3A_310 : vector<16xf32> to vector<16xf32>
          tpu.vector_store %arg8[%swap3A_313], %swap3A_316 {strides = array<i32>} : memref<65536xf32, #tpu.memory_space<vmem>>, vector<16xf32>,
          %add3A_317 = arith.constant 64 : i32
          %add3A_318 = arith.addi %mul3A_241, %add3A_317 : i32
          %get3A_319 = arith.index_cast %add3A_318 : i32 to index
          %get3A_320 = tpu.vector_load %arg8[%get3A_319] {strides = array<i32>} : memref<65536xf32, #tpu.memory_space<vmem>>, vector<16xf32>,
          %get3A_321 = vector.shape_cast %get3A_320 : vector<16xf32> to vector<16xf32>
          %add3A_322 = arith.constant 0 : i32
          %add3A_323 = arith.addi %add3A_229, %add3A_322 : i32
          %add3A_324 = arith.constant 64 : i32
          %add3A_325 = arith.addi %add3A_323, %add3A_324 : i32
          %get3A_326 = arith.index_cast %add3A_325 : i32 to index
          %get3A_327 = tpu.vector_load %arg7[%get3A_326] {strides = array<i32>} : memref<49152xf32, #tpu.memory_space<vmem>>, vector<16xf32>,
          %get3A_328 = vector.shape_cast %get3A_327 : vector<16xf32> to vector<16xf32>
          %add3A_329 = arith.addf %get3A_321, %get3A_328 : vector<16xf32>
          %add3A_330 = arith.constant 64 : i32
          %add3A_331 = arith.addi %mul3A_241, %add3A_330 : i32
          %swap3A_332 = arith.index_cast %add3A_331 : i32 to index
          %swap3A_333 = tpu.vector_load %arg8[%swap3A_332] {strides = array<i32>} : memref<65536xf32, #tpu.memory_space<vmem>>, vector<16xf32>,
          %swap3A_334 = vector.shape_cast %swap3A_333 : vector<16xf32> to vector<16xf32>
          %swap3A_335 = vector.shape_cast %add3A_329 : vector<16xf32> to vector<16xf32>
          tpu.vector_store %arg8[%swap3A_332], %swap3A_335 {strides = array<i32>} : memref<65536xf32, #tpu.memory_space<vmem>>, vector<16xf32>,
          %add3A_336 = arith.constant 80 : i32
          %add3A_337 = arith.addi %mul3A_241, %add3A_336 : i32
          %get3A_338 = arith.index_cast %add3A_337 : i32 to index
          %get3A_339 = tpu.vector_load %arg8[%get3A_338] {strides = array<i32>} : memref<65536xf32, #tpu.memory_space<vmem>>, vector<16xf32>,
          %get3A_340 = vector.shape_cast %get3A_339 : vector<16xf32> to vector<16xf32>
          %add3A_341 = arith.constant 0 : i32
          %add3A_342 = arith.addi %add3A_229, %add3A_341 : i32
          %add3A_343 = arith.constant 80 : i32
          %add3A_344 = arith.addi %add3A_342, %add3A_343 : i32
          %get3A_345 = arith.index_cast %add3A_344 : i32 to index
          %get3A_346 = tpu.vector_load %arg7[%get3A_345] {strides = array<i32>} : memref<49152xf32, #tpu.memory_space<vmem>>, vector<16xf32>,
          %get3A_347 = vector.shape_cast %get3A_346 : vector<16xf32> to vector<16xf32>
          %add3A_348 = arith.addf %get3A_340, %get3A_347 : vector<16xf32>
          %add3A_349 = arith.constant 80 : i32
          %add3A_350 = arith.addi %mul3A_241, %add3A_349 : i32
          %swap3A_351 = arith.index_cast %add3A_350 : i32 to index
          %swap3A_352 = tpu.vector_load %arg8[%swap3A_351] {strides = array<i32>} : memref<65536xf32, #tpu.memory_space<vmem>>, vector<16xf32>,
          %swap3A_353 = vector.shape_cast %swap3A_352 : vector<16xf32> to vector<16xf32>
          %swap3A_354 = vector.shape_cast %add3A_348 : vector<16xf32> to vector<16xf32>
          tpu.vector_store %arg8[%swap3A_351], %swap3A_354 {strides = array<i32>} : memref<65536xf32, #tpu.memory_space<vmem>>, vector<16xf32>,
          %add3A_355 = arith.constant 96 : i32
          %add3A_356 = arith.addi %mul3A_241, %add3A_355 : i32
          %get3A_357 = arith.index_cast %add3A_356 : i32 to index
          %get3A_358 = tpu.vector_load %arg8[%get3A_357] {strides = array<i32>} : memref<65536xf32, #tpu.memory_space<vmem>>, vector<16xf32>,
          %get3A_359 = vector.shape_cast %get3A_358 : vector<16xf32> to vector<16xf32>
          %add3A_360 = arith.constant 0 : i32
          %add3A_361 = arith.addi %add3A_229, %add3A_360 : i32
          %add3A_362 = arith.constant 96 : i32
          %add3A_363 = arith.addi %add3A_361, %add3A_362 : i32
          %get3A_364 = arith.index_cast %add3A_363 : i32 to index
          %get3A_365 = tpu.vector_load %arg7[%get3A_364] {strides = array<i32>} : memref<49152xf32, #tpu.memory_space<vmem>>, vector<16xf32>,
          %get3A_366 = vector.shape_cast %get3A_365 : vector<16xf32> to vector<16xf32>
          %add3A_367 = arith.addf %get3A_359, %get3A_366 : vector<16xf32>
          %add3A_368 = arith.constant 96 : i32
          %add3A_369 = arith.addi %mul3A_241, %add3A_368 : i32
          %swap3A_370 = arith.index_cast %add3A_369 : i32 to index
          %swap3A_371 = tpu.vector_load %arg8[%swap3A_370] {strides = array<i32>} : memref<65536xf32, #tpu.memory_space<vmem>>, vector<16xf32>,
          %swap3A_372 = vector.shape_cast %swap3A_371 : vector<16xf32> to vector<16xf32>
          %swap3A_373 = vector.shape_cast %add3A_367 : vector<16xf32> to vector<16xf32>
          tpu.vector_store %arg8[%swap3A_370], %swap3A_373 {strides = array<i32>} : memref<65536xf32, #tpu.memory_space<vmem>>, vector<16xf32>,
          %add3A_374 = arith.constant 112 : i32
          %add3A_375 = arith.addi %mul3A_241, %add3A_374 : i32
          %get3A_376 = arith.index_cast %add3A_375 : i32 to index
          %get3A_377 = tpu.vector_load %arg8[%get3A_376] {strides = array<i32>} : memref<65536xf32, #tpu.memory_space<vmem>>, vector<16xf32>,
          %get3A_378 = vector.shape_cast %get3A_377 : vector<16xf32> to vector<16xf32>
          %add3A_379 = arith.constant 0 : i32
          %add3A_380 = arith.addi %add3A_229, %add3A_379 : i32
          %add3A_381 = arith.constant 112 : i32
          %add3A_382 = arith.addi %add3A_380, %add3A_381 : i32
          %get3A_383 = arith.index_cast %add3A_382 : i32 to index
          %get3A_384 = tpu.vector_load %arg7[%get3A_383] {strides = array<i32>} : memref<49152xf32, #tpu.memory_space<vmem>>, vector<16xf32>,
          %get3A_385 = vector.shape_cast %get3A_384 : vector<16xf32> to vector<16xf32>
          %add3A_386 = arith.addf %get3A_378, %get3A_385 : vector<16xf32>
          %add3A_387 = arith.constant 112 : i32
          %add3A_388 = arith.addi %mul3A_241, %add3A_387 : i32
          %swap3A_389 = arith.index_cast %add3A_388 : i32 to index
          %swap3A_390 = tpu.vector_load %arg8[%swap3A_389] {strides = array<i32>} : memref<65536xf32, #tpu.memory_space<vmem>>, vector<16xf32>,
          %swap3A_391 = vector.shape_cast %swap3A_390 : vector<16xf32> to vector<16xf32>
          %swap3A_392 = vector.shape_cast %add3A_386 : vector<16xf32> to vector<16xf32>
          tpu.vector_store %arg8[%swap3A_389], %swap3A_392 {strides = array<i32>} : memref<65536xf32, #tpu.memory_space<vmem>>, vector<16xf32>,
          %mul3A_393 = arith.constant 16 : i32
          %mul3A_394 = arith.muli %squeeze3A_239, %mul3A_393 : i32
          %get3A_395 = arith.index_cast %mul3A_394 : i32 to index
          %get3A_396 = tpu.vector_load %arg9[%get3A_395] {strides = array<i32>} : memref<8192xf32, #tpu.memory_space<vmem>>, vector<16xf32>,
          %get3A_397 = vector.shape_cast %get3A_396 : vector<16xf32> to vector<16xf32>
          %add3A_398 = arith.addf %get3A_397, %broadcast_in_dim3A_15 : vector<16xf32>
          %mul3A_399 = arith.constant 16 : i32
          %mul3A_400 = arith.muli %squeeze3A_239, %mul3A_399 : i32
          %swap3A_401 = arith.index_cast %mul3A_400 : i32 to index
          %swap3A_402 = tpu.vector_load %arg9[%swap3A_401] {strides = array<i32>} : memref<8192xf32, #tpu.memory_space<vmem>>, vector<16xf32>,
          %swap3A_403 = vector.shape_cast %swap3A_402 : vector<16xf32> to vector<16xf32>
          %swap3A_404 = vector.shape_cast %add3A_398 : vector<16xf32> to vector<16xf32>
          tpu.vector_store %arg9[%swap3A_401], %swap3A_404 {strides = array<i32>} : memref<8192xf32, #tpu.memory_space<vmem>>, vector<16xf32>,
          %slice3A_405 = vector.extract_strided_slice %get3A_222 {offsets = [1], sizes = [1], strides = [1]} : vector<16xi32> to vector<1xi32>
          %squeeze3A_406 = vector.extract %slice3A_405[0] : i32 from vector<1xi32>
          %mul3A_407 = arith.constant 128 : i32
          %mul3A_408 = arith.muli %squeeze3A_406, %mul3A_407 : i32
          %add3A_409 = arith.constant 0 : i32
          %add3A_410 = arith.addi %mul3A_408, %add3A_409 : i32
          %get3A_411 = arith.index_cast %add3A_410 : i32 to index
          %get3A_412 = tpu.vector_load %arg8[%get3A_411] {strides = array<i32>} : memref<65536xf32, #tpu.memory_space<vmem>>, vector<16xf32>,
          %get3A_413 = vector.shape_cast %get3A_412 : vector<16xf32> to vector<16xf32>
          %add3A_414 = arith.constant 128 : i32
          %add3A_415 = arith.addi %add3A_229, %add3A_414 : i32
          %add3A_416 = arith.constant 0 : i32
          %add3A_417 = arith.addi %add3A_415, %add3A_416 : i32
          %get3A_418 = arith.index_cast %add3A_417 : i32 to index
          %get3A_419 = tpu.vector_load %arg7[%get3A_418] {strides = array<i32>} : memref<49152xf32, #tpu.memory_space<vmem>>, vector<16xf32>,
          %get3A_420 = vector.shape_cast %get3A_419 : vector<16xf32> to vector<16xf32>
          %add3A_421 = arith.addf %get3A_413, %get3A_420 : vector<16xf32>
          %add3A_422 = arith.constant 0 : i32
          %add3A_423 = arith.addi %mul3A_408, %add3A_422 : i32
          %swap3A_424 = arith.index_cast %add3A_423 : i32 to index
          %swap3A_425 = tpu.vector_load %arg8[%swap3A_424] {strides = array<i32>} : memref<65536xf32, #tpu.memory_space<vmem>>, vector<16xf32>,
          %swap3A_426 = vector.shape_cast %swap3A_425 : vector<16xf32> to vector<16xf32>
          %swap3A_427 = vector.shape_cast %add3A_421 : vector<16xf32> to vector<16xf32>
          tpu.vector_store %arg8[%swap3A_424], %swap3A_427 {strides = array<i32>} : memref<65536xf32, #tpu.memory_space<vmem>>, vector<16xf32>,
          %add3A_428 = arith.constant 16 : i32
          %add3A_429 = arith.addi %mul3A_408, %add3A_428 : i32
          %get3A_430 = arith.index_cast %add3A_429 : i32 to index
          %get3A_431 = tpu.vector_load %arg8[%get3A_430] {strides = array<i32>} : memref<65536xf32, #tpu.memory_space<vmem>>, vector<16xf32>,
          %get3A_432 = vector.shape_cast %get3A_431 : vector<16xf32> to vector<16xf32>
          %add3A_433 = arith.constant 128 : i32
          %add3A_434 = arith.addi %add3A_229, %add3A_433 : i32
          %add3A_435 = arith.constant 16 : i32
          %add3A_436 = arith.addi %add3A_434, %add3A_435 : i32
          %get3A_437 = arith.index_cast %add3A_436 : i32 to index
          %get3A_438 = tpu.vector_load %arg7[%get3A_437] {strides = array<i32>} : memref<49152xf32, #tpu.memory_space<vmem>>, vector<16xf32>,
          %get3A_439 = vector.shape_cast %get3A_438 : vector<16xf32> to vector<16xf32>
          %add3A_440 = arith.addf %get3A_432, %get3A_439 : vector<16xf32>
          %add3A_441 = arith.constant 16 : i32
          %add3A_442 = arith.addi %mul3A_408, %add3A_441 : i32
          %swap3A_443 = arith.index_cast %add3A_442 : i32 to index
          %swap3A_444 = tpu.vector_load %arg8[%swap3A_443] {strides = array<i32>} : memref<65536xf32, #tpu.memory_space<vmem>>, vector<16xf32>,
          %swap3A_445 = vector.shape_cast %swap3A_444 : vector<16xf32> to vector<16xf32>
          %swap3A_446 = vector.shape_cast %add3A_440 : vector<16xf32> to vector<16xf32>
          tpu.vector_store %arg8[%swap3A_443], %swap3A_446 {strides = array<i32>} : memref<65536xf32, #tpu.memory_space<vmem>>, vector<16xf32>,
          %add3A_447 = arith.constant 32 : i32
          %add3A_448 = arith.addi %mul3A_408, %add3A_447 : i32
          %get3A_449 = arith.index_cast %add3A_448 : i32 to index
          %get3A_450 = tpu.vector_load %arg8[%get3A_449] {strides = array<i32>} : memref<65536xf32, #tpu.memory_space<vmem>>, vector<16xf32>,
          %get3A_451 = vector.shape_cast %get3A_450 : vector<16xf32> to vector<16xf32>
          %add3A_452 = arith.constant 128 : i32
          %add3A_453 = arith.addi %add3A_229, %add3A_452 : i32
          %add3A_454 = arith.constant 32 : i32
          %add3A_455 = arith.addi %add3A_453, %add3A_454 : i32
          %get3A_456 = arith.index_cast %add3A_455 : i32 to index
          %get3A_457 = tpu.vector_load %arg7[%get3A_456] {strides = array<i32>} : memref<49152xf32, #tpu.memory_space<vmem>>, vector<16xf32>,
          %get3A_458 = vector.shape_cast %get3A_457 : vector<16xf32> to vector<16xf32>
          %add3A_459 = arith.addf %get3A_451, %get3A_458 : vector<16xf32>
          %add3A_460 = arith.constant 32 : i32
          %add3A_461 = arith.addi %mul3A_408, %add3A_460 : i32
          %swap3A_462 = arith.index_cast %add3A_461 : i32 to index
          %swap3A_463 = tpu.vector_load %arg8[%swap3A_462] {strides = array<i32>} : memref<65536xf32, #tpu.memory_space<vmem>>, vector<16xf32>,
          %swap3A_464 = vector.shape_cast %swap3A_463 : vector<16xf32> to vector<16xf32>
          %swap3A_465 = vector.shape_cast %add3A_459 : vector<16xf32> to vector<16xf32>
          tpu.vector_store %arg8[%swap3A_462], %swap3A_465 {strides = array<i32>} : memref<65536xf32, #tpu.memory_space<vmem>>, vector<16xf32>,
          %add3A_466 = arith.constant 48 : i32
          %add3A_467 = arith.addi %mul3A_408, %add3A_466 : i32
          %get3A_468 = arith.index_cast %add3A_467 : i32 to index
          %get3A_469 = tpu.vector_load %arg8[%get3A_468] {strides = array<i32>} : memref<65536xf32, #tpu.memory_space<vmem>>, vector<16xf32>,
          %get3A_470 = vector.shape_cast %get3A_469 : vector<16xf32> to vector<16xf32>
          %add3A_471 = arith.constant 128 : i32
          %add3A_472 = arith.addi %add3A_229, %add3A_471 : i32
          %add3A_473 = arith.constant 48 : i32
          %add3A_474 = arith.addi %add3A_472, %add3A_473 : i32
          %get3A_475 = arith.index_cast %add3A_474 : i32 to index
          %get3A_476 = tpu.vector_load %arg7[%get3A_475] {strides = array<i32>} : memref<49152xf32, #tpu.memory_space<vmem>>, vector<16xf32>,
          %get3A_477 = vector.shape_cast %get3A_476 : vector<16xf32> to vector<16xf32>
          %add3A_478 = arith.addf %get3A_470, %get3A_477 : vector<16xf32>
          %add3A_479 = arith.constant 48 : i32
          %add3A_480 = arith.addi %mul3A_408, %add3A_479 : i32
          %swap3A_481 = arith.index_cast %add3A_480 : i32 to index
          %swap3A_482 = tpu.vector_load %arg8[%swap3A_481] {strides = array<i32>} : memref<65536xf32, #tpu.memory_space<vmem>>, vector<16xf32>,
          %swap3A_483 = vector.shape_cast %swap3A_482 : vector<16xf32> to vector<16xf32>
          %swap3A_484 = vector.shape_cast %add3A_478 : vector<16xf32> to vector<16xf32>
          tpu.vector_store %arg8[%swap3A_481], %swap3A_484 {strides = array<i32>} : memref<65536xf32, #tpu.memory_space<vmem>>, vector<16xf32>,
          %add3A_485 = arith.constant 64 : i32
          %add3A_486 = arith.addi %mul3A_408, %add3A_485 : i32
          %get3A_487 = arith.index_cast %add3A_486 : i32 to index
          %get3A_488 = tpu.vector_load %arg8[%get3A_487] {strides = array<i32>} : memref<65536xf32, #tpu.memory_space<vmem>>, vector<16xf32>,
          %get3A_489 = vector.shape_cast %get3A_488 : vector<16xf32> to vector<16xf32>
          %add3A_490 = arith.constant 128 : i32
          %add3A_491 = arith.addi %add3A_229, %add3A_490 : i32
          %add3A_492 = arith.constant 64 : i32
          %add3A_493 = arith.addi %add3A_491, %add3A_492 : i32
          %get3A_494 = arith.index_cast %add3A_493 : i32 to index
          %get3A_495 = tpu.vector_load %arg7[%get3A_494] {strides = array<i32>} : memref<49152xf32, #tpu.memory_space<vmem>>, vector<16xf32>,
          %get3A_496 = vector.shape_cast %get3A_495 : vector<16xf32> to vector<16xf32>
          %add3A_497 = arith.addf %get3A_489, %get3A_496 : vector<16xf32>
          %add3A_498 = arith.constant 64 : i32
          %add3A_499 = arith.addi %mul3A_408, %add3A_498 : i32
          %swap3A_500 = arith.index_cast %add3A_499 : i32 to index
          %swap3A_501 = tpu.vector_load %arg8[%swap3A_500] {strides = array<i32>} : memref<65536xf32, #tpu.memory_space<vmem>>, vector<16xf32>,
          %swap3A_502 = vector.shape_cast %swap3A_501 : vector<16xf32> to vector<16xf32>
          %swap3A_503 = vector.shape_cast %add3A_497 : vector<16xf32> to vector<16xf32>
          tpu.vector_store %arg8[%swap3A_500], %swap3A_503 {strides = array<i32>} : memref<65536xf32, #tpu.memory_space<vmem>>, vector<16xf32>,
          %add3A_504 = arith.constant 80 : i32
          %add3A_505 = arith.addi %mul3A_408, %add3A_504 : i32
          %get3A_506 = arith.index_cast %add3A_505 : i32 to index
          %get3A_507 = tpu.vector_load %arg8[%get3A_506] {strides = array<i32>} : memref<65536xf32, #tpu.memory_space<vmem>>, vector<16xf32>,
          %get3A_508 = vector.shape_cast %get3A_507 : vector<16xf32> to vector<16xf32>
          %add3A_509 = arith.constant 128 : i32
          %add3A_510 = arith.addi %add3A_229, %add3A_509 : i32
          %add3A_511 = arith.constant 80 : i32
          %add3A_512 = arith.addi %add3A_510, %add3A_511 : i32
          %get3A_513 = arith.index_cast %add3A_512 : i32 to index
          %get3A_514 = tpu.vector_load %arg7[%get3A_513] {strides = array<i32>} : memref<49152xf32, #tpu.memory_space<vmem>>, vector<16xf32>,
          %get3A_515 = vector.shape_cast %get3A_514 : vector<16xf32> to vector<16xf32>
          %add3A_516 = arith.addf %get3A_508, %get3A_515 : vector<16xf32>
          %add3A_517 = arith.constant 80 : i32
          %add3A_518 = arith.addi %mul3A_408, %add3A_517 : i32
          %swap3A_519 = arith.index_cast %add3A_518 : i32 to index
          %swap3A_520 = tpu.vector_load %arg8[%swap3A_519] {strides = array<i32>} : memref<65536xf32, #tpu.memory_space<vmem>>, vector<16xf32>,
          %swap3A_521 = vector.shape_cast %swap3A_520 : vector<16xf32> to vector<16xf32>
          %swap3A_522 = vector.shape_cast %add3A_516 : vector<16xf32> to vector<16xf32>
          tpu.vector_store %arg8[%swap3A_519], %swap3A_522 {strides = array<i32>} : memref<65536xf32, #tpu.memory_space<vmem>>, vector<16xf32>,
          %add3A_523 = arith.constant 96 : i32
          %add3A_524 = arith.addi %mul3A_408, %add3A_523 : i32
          %get3A_525 = arith.index_cast %add3A_524 : i32 to index
          %get3A_526 = tpu.vector_load %arg8[%get3A_525] {strides = array<i32>} : memref<65536xf32, #tpu.memory_space<vmem>>, vector<16xf32>,
          %get3A_527 = vector.shape_cast %get3A_526 : vector<16xf32> to vector<16xf32>
          %add3A_528 = arith.constant 128 : i32
          %add3A_529 = arith.addi %add3A_229, %add3A_528 : i32
          %add3A_530 = arith.constant 96 : i32
          %add3A_531 = arith.addi %add3A_529, %add3A_530 : i32
          %get3A_532 = arith.index_cast %add3A_531 : i32 to index
          %get3A_533 = tpu.vector_load %arg7[%get3A_532] {strides = array<i32>} : memref<49152xf32, #tpu.memory_space<vmem>>, vector<16xf32>,
          %get3A_534 = vector.shape_cast %get3A_533 : vector<16xf32> to vector<16xf32>
          %add3A_535 = arith.addf %get3A_527, %get3A_534 : vector<16xf32>
          %add3A_536 = arith.constant 96 : i32
          %add3A_537 = arith.addi %mul3A_408, %add3A_536 : i32
          %swap3A_538 = arith.index_cast %add3A_537 : i32 to index
          %swap3A_539 = tpu.vector_load %arg8[%swap3A_538] {strides = array<i32>} : memref<65536xf32, #tpu.memory_space<vmem>>, vector<16xf32>,
          %swap3A_540 = vector.shape_cast %swap3A_539 : vector<16xf32> to vector<16xf32>
          %swap3A_541 = vector.shape_cast %add3A_535 : vector<16xf32> to vector<16xf32>
          tpu.vector_store %arg8[%swap3A_538], %swap3A_541 {strides = array<i32>} : memref<65536xf32, #tpu.memory_space<vmem>>, vector<16xf32>,
          %add3A_542 = arith.constant 112 : i32
          %add3A_543 = arith.addi %mul3A_408, %add3A_542 : i32
          %get3A_544 = arith.index_cast %add3A_543 : i32 to index
          %get3A_545 = tpu.vector_load %arg8[%get3A_544] {strides = array<i32>} : memref<65536xf32, #tpu.memory_space<vmem>>, vector<16xf32>,
          %get3A_546 = vector.shape_cast %get3A_545 : vector<16xf32> to vector<16xf32>
          %add3A_547 = arith.constant 128 : i32
          %add3A_548 = arith.addi %add3A_229, %add3A_547 : i32
          %add3A_549 = arith.constant 112 : i32
          %add3A_550 = arith.addi %add3A_548, %add3A_549 : i32
          %get3A_551 = arith.index_cast %add3A_550 : i32 to index
          %get3A_552 = tpu.vector_load %arg7[%get3A_551] {strides = array<i32>} : memref<49152xf32, #tpu.memory_space<vmem>>, vector<16xf32>,
          %get3A_553 = vector.shape_cast %get3A_552 : vector<16xf32> to vector<16xf32>
          %add3A_554 = arith.addf %get3A_546, %get3A_553 : vector<16xf32>
          %add3A_555 = arith.constant 112 : i32
          %add3A_556 = arith.addi %mul3A_408, %add3A_555 : i32
          %swap3A_557 = arith.index_cast %add3A_556 : i32 to index
          %swap3A_558 = tpu.vector_load %arg8[%swap3A_557] {strides = array<i32>} : memref<65536xf32, #tpu.memory_space<vmem>>, vector<16xf32>,
          %swap3A_559 = vector.shape_cast %swap3A_558 : vector<16xf32> to vector<16xf32>
          %swap3A_560 = vector.shape_cast %add3A_554 : vector<16xf32> to vector<16xf32>
          tpu.vector_store %arg8[%swap3A_557], %swap3A_560 {strides = array<i32>} : memref<65536xf32, #tpu.memory_space<vmem>>, vector<16xf32>,
          %mul3A_561 = arith.constant 16 : i32
          %mul3A_562 = arith.muli %squeeze3A_406, %mul3A_561 : i32
          %get3A_563 = arith.index_cast %mul3A_562 : i32 to index
          %get3A_564 = tpu.vector_load %arg9[%get3A_563] {strides = array<i32>} : memref<8192xf32, #tpu.memory_space<vmem>>, vector<16xf32>,
          %get3A_565 = vector.shape_cast %get3A_564 : vector<16xf32> to vector<16xf32>
          %add3A_566 = arith.addf %get3A_565, %broadcast_in_dim3A_15 : vector<16xf32>
          %mul3A_567 = arith.constant 16 : i32
          %mul3A_568 = arith.muli %squeeze3A_406, %mul3A_567 : i32
          %swap3A_569 = arith.index_cast %mul3A_568 : i32 to index
          %swap3A_570 = tpu.vector_load %arg9[%swap3A_569] {strides = array<i32>} : memref<8192xf32, #tpu.memory_space<vmem>>, vector<16xf32>,
          %swap3A_571 = vector.shape_cast %swap3A_570 : vector<16xf32> to vector<16xf32>
          %swap3A_572 = vector.shape_cast %add3A_566 : vector<16xf32> to vector<16xf32>
          tpu.vector_store %arg9[%swap3A_569], %swap3A_572 {strides = array<i32>} : memref<8192xf32, #tpu.memory_space<vmem>>, vector<16xf32>,
          %slice3A_573 = vector.extract_strided_slice %get3A_222 {offsets = [2], sizes = [1], strides = [1]} : vector<16xi32> to vector<1xi32>
          %squeeze3A_574 = vector.extract %slice3A_573[0] : i32 from vector<1xi32>
          %mul3A_575 = arith.constant 128 : i32
          %mul3A_576 = arith.muli %squeeze3A_574, %mul3A_575 : i32
          %add3A_577 = arith.constant 0 : i32
          %add3A_578 = arith.addi %mul3A_576, %add3A_577 : i32
          %get3A_579 = arith.index_cast %add3A_578 : i32 to index
          %get3A_580 = tpu.vector_load %arg8[%get3A_579] {strides = array<i32>} : memref<65536xf32, #tpu.memory_space<vmem>>, vector<16xf32>,
          %get3A_581 = vector.shape_cast %get3A_580 : vector<16xf32> to vector<16xf32>
          %add3A_582 = arith.constant 256 : i32
          %add3A_583 = arith.addi %add3A_229, %add3A_582 : i32
          %add3A_584 = arith.constant 0 : i32
          %add3A_585 = arith.addi %add3A_583, %add3A_584 : i32
          %get3A_586 = arith.index_cast %add3A_585 : i32 to index
          %get3A_587 = tpu.vector_load %arg7[%get3A_586] {strides = array<i32>} : memref<49152xf32, #tpu.memory_space<vmem>>, vector<16xf32>,
          %get3A_588 = vector.shape_cast %get3A_587 : vector<16xf32> to vector<16xf32>
          %add3A_589 = arith.addf %get3A_581, %get3A_588 : vector<16xf32>
          %add3A_590 = arith.constant 0 : i32
          %add3A_591 = arith.addi %mul3A_576, %add3A_590 : i32
          %swap3A_592 = arith.index_cast %add3A_591 : i32 to index
          %swap3A_593 = tpu.vector_load %arg8[%swap3A_592] {strides = array<i32>} : memref<65536xf32, #tpu.memory_space<vmem>>, vector<16xf32>,
          %swap3A_594 = vector.shape_cast %swap3A_593 : vector<16xf32> to vector<16xf32>
          %swap3A_595 = vector.shape_cast %add3A_589 : vector<16xf32> to vector<16xf32>
          tpu.vector_store %arg8[%swap3A_592], %swap3A_595 {strides = array<i32>} : memref<65536xf32, #tpu.memory_space<vmem>>, vector<16xf32>,
          %add3A_596 = arith.constant 16 : i32
          %add3A_597 = arith.addi %mul3A_576, %add3A_596 : i32
          %get3A_598 = arith.index_cast %add3A_597 : i32 to index
          %get3A_599 = tpu.vector_load %arg8[%get3A_598] {strides = array<i32>} : memref<65536xf32, #tpu.memory_space<vmem>>, vector<16xf32>,
          %get3A_600 = vector.shape_cast %get3A_599 : vector<16xf32> to vector<16xf32>
          %add3A_601 = arith.constant 256 : i32
          %add3A_602 = arith.addi %add3A_229, %add3A_601 : i32
          %add3A_603 = arith.constant 16 : i32
          %add3A_604 = arith.addi %add3A_602, %add3A_603 : i32
          %get3A_605 = arith.index_cast %add3A_604 : i32 to index
          %get3A_606 = tpu.vector_load %arg7[%get3A_605] {strides = array<i32>} : memref<49152xf32, #tpu.memory_space<vmem>>, vector<16xf32>,
          %get3A_607 = vector.shape_cast %get3A_606 : vector<16xf32> to vector<16xf32>
          %add3A_608 = arith.addf %get3A_600, %get3A_607 : vector<16xf32>
          %add3A_609 = arith.constant 16 : i32
          %add3A_610 = arith.addi %mul3A_576, %add3A_609 : i32
          %swap3A_611 = arith.index_cast %add3A_610 : i32 to index
          %swap3A_612 = tpu.vector_load %arg8[%swap3A_611] {strides = array<i32>} : memref<65536xf32, #tpu.memory_space<vmem>>, vector<16xf32>,
          %swap3A_613 = vector.shape_cast %swap3A_612 : vector<16xf32> to vector<16xf32>
          %swap3A_614 = vector.shape_cast %add3A_608 : vector<16xf32> to vector<16xf32>
          tpu.vector_store %arg8[%swap3A_611], %swap3A_614 {strides = array<i32>} : memref<65536xf32, #tpu.memory_space<vmem>>, vector<16xf32>,
          %add3A_615 = arith.constant 32 : i32
          %add3A_616 = arith.addi %mul3A_576, %add3A_615 : i32
          %get3A_617 = arith.index_cast %add3A_616 : i32 to index
          %get3A_618 = tpu.vector_load %arg8[%get3A_617] {strides = array<i32>} : memref<65536xf32, #tpu.memory_space<vmem>>, vector<16xf32>,
          %get3A_619 = vector.shape_cast %get3A_618 : vector<16xf32> to vector<16xf32>
          %add3A_620 = arith.constant 256 : i32
          %add3A_621 = arith.addi %add3A_229, %add3A_620 : i32
          %add3A_622 = arith.constant 32 : i32
          %add3A_623 = arith.addi %add3A_621, %add3A_622 : i32
          %get3A_624 = arith.index_cast %add3A_623 : i32 to index
          %get3A_625 = tpu.vector_load %arg7[%get3A_624] {strides = array<i32>} : memref<49152xf32, #tpu.memory_space<vmem>>, vector<16xf32>,
          %get3A_626 = vector.shape_cast %get3A_625 : vector<16xf32> to vector<16xf32>
          %add3A_627 = arith.addf %get3A_619, %get3A_626 : vector<16xf32>
          %add3A_628 = arith.constant 32 : i32
          %add3A_629 = arith.addi %mul3A_576, %add3A_628 : i32
          %swap3A_630 = arith.index_cast %add3A_629 : i32 to index
          %swap3A_631 = tpu.vector_load %arg8[%swap3A_630] {strides = array<i32>} : memref<65536xf32, #tpu.memory_space<vmem>>, vector<16xf32>,
          %swap3A_632 = vector.shape_cast %swap3A_631 : vector<16xf32> to vector<16xf32>
          %swap3A_633 = vector.shape_cast %add3A_627 : vector<16xf32> to vector<16xf32>
          tpu.vector_store %arg8[%swap3A_630], %swap3A_633 {strides = array<i32>} : memref<65536xf32, #tpu.memory_space<vmem>>, vector<16xf32>,
          %add3A_634 = arith.constant 48 : i32
          %add3A_635 = arith.addi %mul3A_576, %add3A_634 : i32
          %get3A_636 = arith.index_cast %add3A_635 : i32 to index
          %get3A_637 = tpu.vector_load %arg8[%get3A_636] {strides = array<i32>} : memref<65536xf32, #tpu.memory_space<vmem>>, vector<16xf32>,
          %get3A_638 = vector.shape_cast %get3A_637 : vector<16xf32> to vector<16xf32>
          %add3A_639 = arith.constant 256 : i32
          %add3A_640 = arith.addi %add3A_229, %add3A_639 : i32
          %add3A_641 = arith.constant 48 : i32
          %add3A_642 = arith.addi %add3A_640, %add3A_641 : i32
          %get3A_643 = arith.index_cast %add3A_642 : i32 to index
          %get3A_644 = tpu.vector_load %arg7[%get3A_643] {strides = array<i32>} : memref<49152xf32, #tpu.memory_space<vmem>>, vector<16xf32>,
          %get3A_645 = vector.shape_cast %get3A_644 : vector<16xf32> to vector<16xf32>
          %add3A_646 = arith.addf %get3A_638, %get3A_645 : vector<16xf32>
          %add3A_647 = arith.constant 48 : i32
          %add3A_648 = arith.addi %mul3A_576, %add3A_647 : i32
          %swap3A_649 = arith.index_cast %add3A_648 : i32 to index
          %swap3A_650 = tpu.vector_load %arg8[%swap3A_649] {strides = array<i32>} : memref<65536xf32, #tpu.memory_space<vmem>>, vector<16xf32>,
          %swap3A_651 = vector.shape_cast %swap3A_650 : vector<16xf32> to vector<16xf32>
          %swap3A_652 = vector.shape_cast %add3A_646 : vector<16xf32> to vector<16xf32>
          tpu.vector_store %arg8[%swap3A_649], %swap3A_652 {strides = array<i32>} : memref<65536xf32, #tpu.memory_space<vmem>>, vector<16xf32>,
          %add3A_653 = arith.constant 64 : i32
          %add3A_654 = arith.addi %mul3A_576, %add3A_653 : i32
          %get3A_655 = arith.index_cast %add3A_654 : i32 to index
          %get3A_656 = tpu.vector_load %arg8[%get3A_655] {strides = array<i32>} : memref<65536xf32, #tpu.memory_space<vmem>>, vector<16xf32>,
          %get3A_657 = vector.shape_cast %get3A_656 : vector<16xf32> to vector<16xf32>
          %add3A_658 = arith.constant 256 : i32
          %add3A_659 = arith.addi %add3A_229, %add3A_658 : i32
          %add3A_660 = arith.constant 64 : i32
          %add3A_661 = arith.addi %add3A_659, %add3A_660 : i32
          %get3A_662 = arith.index_cast %add3A_661 : i32 to index
          %get3A_663 = tpu.vector_load %arg7[%get3A_662] {strides = array<i32>} : memref<49152xf32, #tpu.memory_space<vmem>>, vector<16xf32>,
          %get3A_664 = vector.shape_cast %get3A_663 : vector<16xf32> to vector<16xf32>
          %add3A_665 = arith.addf %get3A_657, %get3A_664 : vector<16xf32>
          %add3A_666 = arith.constant 64 : i32
          %add3A_667 = arith.addi %mul3A_576, %add3A_666 : i32
          %swap3A_668 = arith.index_cast %add3A_667 : i32 to index
          %swap3A_669 = tpu.vector_load %arg8[%swap3A_668] {strides = array<i32>} : memref<65536xf32, #tpu.memory_space<vmem>>, vector<16xf32>,
          %swap3A_670 = vector.shape_cast %swap3A_669 : vector<16xf32> to vector<16xf32>
          %swap3A_671 = vector.shape_cast %add3A_665 : vector<16xf32> to vector<16xf32>
          tpu.vector_store %arg8[%swap3A_668], %swap3A_671 {strides = array<i32>} : memref<65536xf32, #tpu.memory_space<vmem>>, vector<16xf32>,
          %add3A_672 = arith.constant 80 : i32
          %add3A_673 = arith.addi %mul3A_576, %add3A_672 : i32
          %get3A_674 = arith.index_cast %add3A_673 : i32 to index
          %get3A_675 = tpu.vector_load %arg8[%get3A_674] {strides = array<i32>} : memref<65536xf32, #tpu.memory_space<vmem>>, vector<16xf32>,
          %get3A_676 = vector.shape_cast %get3A_675 : vector<16xf32> to vector<16xf32>
          %add3A_677 = arith.constant 256 : i32
          %add3A_678 = arith.addi %add3A_229, %add3A_677 : i32
          %add3A_679 = arith.constant 80 : i32
          %add3A_680 = arith.addi %add3A_678, %add3A_679 : i32
          %get3A_681 = arith.index_cast %add3A_680 : i32 to index
          %get3A_682 = tpu.vector_load %arg7[%get3A_681] {strides = array<i32>} : memref<49152xf32, #tpu.memory_space<vmem>>, vector<16xf32>,
          %get3A_683 = vector.shape_cast %get3A_682 : vector<16xf32> to vector<16xf32>
          %add3A_684 = arith.addf %get3A_676, %get3A_683 : vector<16xf32>
          %add3A_685 = arith.constant 80 : i32
          %add3A_686 = arith.addi %mul3A_576, %add3A_685 : i32
          %swap3A_687 = arith.index_cast %add3A_686 : i32 to index
          %swap3A_688 = tpu.vector_load %arg8[%swap3A_687] {strides = array<i32>} : memref<65536xf32, #tpu.memory_space<vmem>>, vector<16xf32>,
          %swap3A_689 = vector.shape_cast %swap3A_688 : vector<16xf32> to vector<16xf32>
          %swap3A_690 = vector.shape_cast %add3A_684 : vector<16xf32> to vector<16xf32>
          tpu.vector_store %arg8[%swap3A_687], %swap3A_690 {strides = array<i32>} : memref<65536xf32, #tpu.memory_space<vmem>>, vector<16xf32>,
          %add3A_691 = arith.constant 96 : i32
          %add3A_692 = arith.addi %mul3A_576, %add3A_691 : i32
          %get3A_693 = arith.index_cast %add3A_692 : i32 to index
          %get3A_694 = tpu.vector_load %arg8[%get3A_693] {strides = array<i32>} : memref<65536xf32, #tpu.memory_space<vmem>>, vector<16xf32>,
          %get3A_695 = vector.shape_cast %get3A_694 : vector<16xf32> to vector<16xf32>
          %add3A_696 = arith.constant 256 : i32
          %add3A_697 = arith.addi %add3A_229, %add3A_696 : i32
          %add3A_698 = arith.constant 96 : i32
          %add3A_699 = arith.addi %add3A_697, %add3A_698 : i32
          %get3A_700 = arith.index_cast %add3A_699 : i32 to index
          %get3A_701 = tpu.vector_load %arg7[%get3A_700] {strides = array<i32>} : memref<49152xf32, #tpu.memory_space<vmem>>, vector<16xf32>,
          %get3A_702 = vector.shape_cast %get3A_701 : vector<16xf32> to vector<16xf32>
          %add3A_703 = arith.addf %get3A_695, %get3A_702 : vector<16xf32>
          %add3A_704 = arith.constant 96 : i32
          %add3A_705 = arith.addi %mul3A_576, %add3A_704 : i32
          %swap3A_706 = arith.index_cast %add3A_705 : i32 to index
          %swap3A_707 = tpu.vector_load %arg8[%swap3A_706] {strides = array<i32>} : memref<65536xf32, #tpu.memory_space<vmem>>, vector<16xf32>,
          %swap3A_708 = vector.shape_cast %swap3A_707 : vector<16xf32> to vector<16xf32>
          %swap3A_709 = vector.shape_cast %add3A_703 : vector<16xf32> to vector<16xf32>
          tpu.vector_store %arg8[%swap3A_706], %swap3A_709 {strides = array<i32>} : memref<65536xf32, #tpu.memory_space<vmem>>, vector<16xf32>,
          %add3A_710 = arith.constant 112 : i32
          %add3A_711 = arith.addi %mul3A_576, %add3A_710 : i32
          %get3A_712 = arith.index_cast %add3A_711 : i32 to index
          %get3A_713 = tpu.vector_load %arg8[%get3A_712] {strides = array<i32>} : memref<65536xf32, #tpu.memory_space<vmem>>, vector<16xf32>,
          %get3A_714 = vector.shape_cast %get3A_713 : vector<16xf32> to vector<16xf32>
          %add3A_715 = arith.constant 256 : i32
          %add3A_716 = arith.addi %add3A_229, %add3A_715 : i32
          %add3A_717 = arith.constant 112 : i32
          %add3A_718 = arith.addi %add3A_716, %add3A_717 : i32
          %get3A_719 = arith.index_cast %add3A_718 : i32 to index
          %get3A_720 = tpu.vector_load %arg7[%get3A_719] {strides = array<i32>} : memref<49152xf32, #tpu.memory_space<vmem>>, vector<16xf32>,
          %get3A_721 = vector.shape_cast %get3A_720 : vector<16xf32> to vector<16xf32>
          %add3A_722 = arith.addf %get3A_714, %get3A_721 : vector<16xf32>
          %add3A_723 = arith.constant 112 : i32
          %add3A_724 = arith.addi %mul3A_576, %add3A_723 : i32
          %swap3A_725 = arith.index_cast %add3A_724 : i32 to index
          %swap3A_726 = tpu.vector_load %arg8[%swap3A_725] {strides = array<i32>} : memref<65536xf32, #tpu.memory_space<vmem>>, vector<16xf32>,
          %swap3A_727 = vector.shape_cast %swap3A_726 : vector<16xf32> to vector<16xf32>
          %swap3A_728 = vector.shape_cast %add3A_722 : vector<16xf32> to vector<16xf32>
          tpu.vector_store %arg8[%swap3A_725], %swap3A_728 {strides = array<i32>} : memref<65536xf32, #tpu.memory_space<vmem>>, vector<16xf32>,
          %mul3A_729 = arith.constant 16 : i32
          %mul3A_730 = arith.muli %squeeze3A_574, %mul3A_729 : i32
          %get3A_731 = arith.index_cast %mul3A_730 : i32 to index
          %get3A_732 = tpu.vector_load %arg9[%get3A_731] {strides = array<i32>} : memref<8192xf32, #tpu.memory_space<vmem>>, vector<16xf32>,
          %get3A_733 = vector.shape_cast %get3A_732 : vector<16xf32> to vector<16xf32>
          %add3A_734 = arith.addf %get3A_733, %broadcast_in_dim3A_15 : vector<16xf32>
          %mul3A_735 = arith.constant 16 : i32
          %mul3A_736 = arith.muli %squeeze3A_574, %mul3A_735 : i32
          %swap3A_737 = arith.index_cast %mul3A_736 : i32 to index
          %swap3A_738 = tpu.vector_load %arg9[%swap3A_737] {strides = array<i32>} : memref<8192xf32, #tpu.memory_space<vmem>>, vector<16xf32>,
          %swap3A_739 = vector.shape_cast %swap3A_738 : vector<16xf32> to vector<16xf32>
          %swap3A_740 = vector.shape_cast %add3A_734 : vector<16xf32> to vector<16xf32>
          tpu.vector_store %arg9[%swap3A_737], %swap3A_740 {strides = array<i32>} : memref<8192xf32, #tpu.memory_space<vmem>>, vector<16xf32>,
          %slice3A_741 = vector.extract_strided_slice %get3A_222 {offsets = [3], sizes = [1], strides = [1]} : vector<16xi32> to vector<1xi32>
          %squeeze3A_742 = vector.extract %slice3A_741[0] : i32 from vector<1xi32>
          %mul3A_743 = arith.constant 128 : i32
          %mul3A_744 = arith.muli %squeeze3A_742, %mul3A_743 : i32
          %add3A_745 = arith.constant 0 : i32
          %add3A_746 = arith.addi %mul3A_744, %add3A_745 : i32
          %get3A_747 = arith.index_cast %add3A_746 : i32 to index
          %get3A_748 = tpu.vector_load %arg8[%get3A_747] {strides = array<i32>} : memref<65536xf32, #tpu.memory_space<vmem>>, vector<16xf32>,
          %get3A_749 = vector.shape_cast %get3A_748 : vector<16xf32> to vector<16xf32>
          %add3A_750 = arith.constant 384 : i32
          %add3A_751 = arith.addi %add3A_229, %add3A_750 : i32
          %add3A_752 = arith.constant 0 : i32
          %add3A_753 = arith.addi %add3A_751, %add3A_752 : i32
          %get3A_754 = arith.index_cast %add3A_753 : i32 to index
          %get3A_755 = tpu.vector_load %arg7[%get3A_754] {strides = array<i32>} : memref<49152xf32, #tpu.memory_space<vmem>>, vector<16xf32>,
          %get3A_756 = vector.shape_cast %get3A_755 : vector<16xf32> to vector<16xf32>
          %add3A_757 = arith.addf %get3A_749, %get3A_756 : vector<16xf32>
          %add3A_758 = arith.constant 0 : i32
          %add3A_759 = arith.addi %mul3A_744, %add3A_758 : i32
          %swap3A_760 = arith.index_cast %add3A_759 : i32 to index
          %swap3A_761 = tpu.vector_load %arg8[%swap3A_760] {strides = array<i32>} : memref<65536xf32, #tpu.memory_space<vmem>>, vector<16xf32>,
          %swap3A_762 = vector.shape_cast %swap3A_761 : vector<16xf32> to vector<16xf32>
          %swap3A_763 = vector.shape_cast %add3A_757 : vector<16xf32> to vector<16xf32>
          tpu.vector_store %arg8[%swap3A_760], %swap3A_763 {strides = array<i32>} : memref<65536xf32, #tpu.memory_space<vmem>>, vector<16xf32>,
          %add3A_764 = arith.constant 16 : i32
          %add3A_765 = arith.addi %mul3A_744, %add3A_764 : i32
          %get3A_766 = arith.index_cast %add3A_765 : i32 to index
          %get3A_767 = tpu.vector_load %arg8[%get3A_766] {strides = array<i32>} : memref<65536xf32, #tpu.memory_space<vmem>>, vector<16xf32>,
          %get3A_768 = vector.shape_cast %get3A_767 : vector<16xf32> to vector<16xf32>
          %add3A_769 = arith.constant 384 : i32
          %add3A_770 = arith.addi %add3A_229, %add3A_769 : i32
          %add3A_771 = arith.constant 16 : i32
          %add3A_772 = arith.addi %add3A_770, %add3A_771 : i32
          %get3A_773 = arith.index_cast %add3A_772 : i32 to index
          %get3A_774 = tpu.vector_load %arg7[%get3A_773] {strides = array<i32>} : memref<49152xf32, #tpu.memory_space<vmem>>, vector<16xf32>,
          %get3A_775 = vector.shape_cast %get3A_774 : vector<16xf32> to vector<16xf32>
          %add3A_776 = arith.addf %get3A_768, %get3A_775 : vector<16xf32>
          %add3A_777 = arith.constant 16 : i32
          %add3A_778 = arith.addi %mul3A_744, %add3A_777 : i32
          %swap3A_779 = arith.index_cast %add3A_778 : i32 to index
          %swap3A_780 = tpu.vector_load %arg8[%swap3A_779] {strides = array<i32>} : memref<65536xf32, #tpu.memory_space<vmem>>, vector<16xf32>,
          %swap3A_781 = vector.shape_cast %swap3A_780 : vector<16xf32> to vector<16xf32>
          %swap3A_782 = vector.shape_cast %add3A_776 : vector<16xf32> to vector<16xf32>
          tpu.vector_store %arg8[%swap3A_779], %swap3A_782 {strides = array<i32>} : memref<65536xf32, #tpu.memory_space<vmem>>, vector<16xf32>,
          %add3A_783 = arith.constant 32 : i32
          %add3A_784 = arith.addi %mul3A_744, %add3A_783 : i32
          %get3A_785 = arith.index_cast %add3A_784 : i32 to index
          %get3A_786 = tpu.vector_load %arg8[%get3A_785] {strides = array<i32>} : memref<65536xf32, #tpu.memory_space<vmem>>, vector<16xf32>,
          %get3A_787 = vector.shape_cast %get3A_786 : vector<16xf32> to vector<16xf32>
          %add3A_788 = arith.constant 384 : i32
          %add3A_789 = arith.addi %add3A_229, %add3A_788 : i32
          %add3A_790 = arith.constant 32 : i32
          %add3A_791 = arith.addi %add3A_789, %add3A_790 : i32
          %get3A_792 = arith.index_cast %add3A_791 : i32 to index
          %get3A_793 = tpu.vector_load %arg7[%get3A_792] {strides = array<i32>} : memref<49152xf32, #tpu.memory_space<vmem>>, vector<16xf32>,
          %get3A_794 = vector.shape_cast %get3A_793 : vector<16xf32> to vector<16xf32>
          %add3A_795 = arith.addf %get3A_787, %get3A_794 : vector<16xf32>
          %add3A_796 = arith.constant 32 : i32
          %add3A_797 = arith.addi %mul3A_744, %add3A_796 : i32
          %swap3A_798 = arith.index_cast %add3A_797 : i32 to index
          %swap3A_799 = tpu.vector_load %arg8[%swap3A_798] {strides = array<i32>} : memref<65536xf32, #tpu.memory_space<vmem>>, vector<16xf32>,
          %swap3A_800 = vector.shape_cast %swap3A_799 : vector<16xf32> to vector<16xf32>
          %swap3A_801 = vector.shape_cast %add3A_795 : vector<16xf32> to vector<16xf32>
          tpu.vector_store %arg8[%swap3A_798], %swap3A_801 {strides = array<i32>} : memref<65536xf32, #tpu.memory_space<vmem>>, vector<16xf32>,
          %add3A_802 = arith.constant 48 : i32
          %add3A_803 = arith.addi %mul3A_744, %add3A_802 : i32
          %get3A_804 = arith.index_cast %add3A_803 : i32 to index
          %get3A_805 = tpu.vector_load %arg8[%get3A_804] {strides = array<i32>} : memref<65536xf32, #tpu.memory_space<vmem>>, vector<16xf32>,
          %get3A_806 = vector.shape_cast %get3A_805 : vector<16xf32> to vector<16xf32>
          %add3A_807 = arith.constant 384 : i32
          %add3A_808 = arith.addi %add3A_229, %add3A_807 : i32
          %add3A_809 = arith.constant 48 : i32
          %add3A_810 = arith.addi %add3A_808, %add3A_809 : i32
          %get3A_811 = arith.index_cast %add3A_810 : i32 to index
          %get3A_812 = tpu.vector_load %arg7[%get3A_811] {strides = array<i32>} : memref<49152xf32, #tpu.memory_space<vmem>>, vector<16xf32>,
          %get3A_813 = vector.shape_cast %get3A_812 : vector<16xf32> to vector<16xf32>
          %add3A_814 = arith.addf %get3A_806, %get3A_813 : vector<16xf32>
          %add3A_815 = arith.constant 48 : i32
          %add3A_816 = arith.addi %mul3A_744, %add3A_815 : i32
          %swap3A_817 = arith.index_cast %add3A_816 : i32 to index
          %swap3A_818 = tpu.vector_load %arg8[%swap3A_817] {strides = array<i32>} : memref<65536xf32, #tpu.memory_space<vmem>>, vector<16xf32>,
          %swap3A_819 = vector.shape_cast %swap3A_818 : vector<16xf32> to vector<16xf32>
          %swap3A_820 = vector.shape_cast %add3A_814 : vector<16xf32> to vector<16xf32>
          tpu.vector_store %arg8[%swap3A_817], %swap3A_820 {strides = array<i32>} : memref<65536xf32, #tpu.memory_space<vmem>>, vector<16xf32>,
          %add3A_821 = arith.constant 64 : i32
          %add3A_822 = arith.addi %mul3A_744, %add3A_821 : i32
          %get3A_823 = arith.index_cast %add3A_822 : i32 to index
          %get3A_824 = tpu.vector_load %arg8[%get3A_823] {strides = array<i32>} : memref<65536xf32, #tpu.memory_space<vmem>>, vector<16xf32>,
          %get3A_825 = vector.shape_cast %get3A_824 : vector<16xf32> to vector<16xf32>
          %add3A_826 = arith.constant 384 : i32
          %add3A_827 = arith.addi %add3A_229, %add3A_826 : i32
          %add3A_828 = arith.constant 64 : i32
          %add3A_829 = arith.addi %add3A_827, %add3A_828 : i32
          %get3A_830 = arith.index_cast %add3A_829 : i32 to index
          %get3A_831 = tpu.vector_load %arg7[%get3A_830] {strides = array<i32>} : memref<49152xf32, #tpu.memory_space<vmem>>, vector<16xf32>,
          %get3A_832 = vector.shape_cast %get3A_831 : vector<16xf32> to vector<16xf32>
          %add3A_833 = arith.addf %get3A_825, %get3A_832 : vector<16xf32>
          %add3A_834 = arith.constant 64 : i32
          %add3A_835 = arith.addi %mul3A_744, %add3A_834 : i32
          %swap3A_836 = arith.index_cast %add3A_835 : i32 to index
          %swap3A_837 = tpu.vector_load %arg8[%swap3A_836] {strides = array<i32>} : memref<65536xf32, #tpu.memory_space<vmem>>, vector<16xf32>,
          %swap3A_838 = vector.shape_cast %swap3A_837 : vector<16xf32> to vector<16xf32>
          %swap3A_839 = vector.shape_cast %add3A_833 : vector<16xf32> to vector<16xf32>
          tpu.vector_store %arg8[%swap3A_836], %swap3A_839 {strides = array<i32>} : memref<65536xf32, #tpu.memory_space<vmem>>, vector<16xf32>,
          %add3A_840 = arith.constant 80 : i32
          %add3A_841 = arith.addi %mul3A_744, %add3A_840 : i32
          %get3A_842 = arith.index_cast %add3A_841 : i32 to index
          %get3A_843 = tpu.vector_load %arg8[%get3A_842] {strides = array<i32>} : memref<65536xf32, #tpu.memory_space<vmem>>, vector<16xf32>,
          %get3A_844 = vector.shape_cast %get3A_843 : vector<16xf32> to vector<16xf32>
          %add3A_845 = arith.constant 384 : i32
          %add3A_846 = arith.addi %add3A_229, %add3A_845 : i32
          %add3A_847 = arith.constant 80 : i32
          %add3A_848 = arith.addi %add3A_846, %add3A_847 : i32
          %get3A_849 = arith.index_cast %add3A_848 : i32 to index
          %get3A_850 = tpu.vector_load %arg7[%get3A_849] {strides = array<i32>} : memref<49152xf32, #tpu.memory_space<vmem>>, vector<16xf32>,
          %get3A_851 = vector.shape_cast %get3A_850 : vector<16xf32> to vector<16xf32>
          %add3A_852 = arith.addf %get3A_844, %get3A_851 : vector<16xf32>
          %add3A_853 = arith.constant 80 : i32
          %add3A_854 = arith.addi %mul3A_744, %add3A_853 : i32
          %swap3A_855 = arith.index_cast %add3A_854 : i32 to index
          %swap3A_856 = tpu.vector_load %arg8[%swap3A_855] {strides = array<i32>} : memref<65536xf32, #tpu.memory_space<vmem>>, vector<16xf32>,
          %swap3A_857 = vector.shape_cast %swap3A_856 : vector<16xf32> to vector<16xf32>
          %swap3A_858 = vector.shape_cast %add3A_852 : vector<16xf32> to vector<16xf32>
          tpu.vector_store %arg8[%swap3A_855], %swap3A_858 {strides = array<i32>} : memref<65536xf32, #tpu.memory_space<vmem>>, vector<16xf32>,
          %add3A_859 = arith.constant 96 : i32
          %add3A_860 = arith.addi %mul3A_744, %add3A_859 : i32
          %get3A_861 = arith.index_cast %add3A_860 : i32 to index
          %get3A_862 = tpu.vector_load %arg8[%get3A_861] {strides = array<i32>} : memref<65536xf32, #tpu.memory_space<vmem>>, vector<16xf32>,
          %get3A_863 = vector.shape_cast %get3A_862 : vector<16xf32> to vector<16xf32>
          %add3A_864 = arith.constant 384 : i32
          %add3A_865 = arith.addi %add3A_229, %add3A_864 : i32
          %add3A_866 = arith.constant 96 : i32
          %add3A_867 = arith.addi %add3A_865, %add3A_866 : i32
          %get3A_868 = arith.index_cast %add3A_867 : i32 to index
          %get3A_869 = tpu.vector_load %arg7[%get3A_868] {strides = array<i32>} : memref<49152xf32, #tpu.memory_space<vmem>>, vector<16xf32>,
          %get3A_870 = vector.shape_cast %get3A_869 : vector<16xf32> to vector<16xf32>
          %add3A_871 = arith.addf %get3A_863, %get3A_870 : vector<16xf32>
          %add3A_872 = arith.constant 96 : i32
          %add3A_873 = arith.addi %mul3A_744, %add3A_872 : i32
          %swap3A_874 = arith.index_cast %add3A_873 : i32 to index
          %swap3A_875 = tpu.vector_load %arg8[%swap3A_874] {strides = array<i32>} : memref<65536xf32, #tpu.memory_space<vmem>>, vector<16xf32>,
          %swap3A_876 = vector.shape_cast %swap3A_875 : vector<16xf32> to vector<16xf32>
          %swap3A_877 = vector.shape_cast %add3A_871 : vector<16xf32> to vector<16xf32>
          tpu.vector_store %arg8[%swap3A_874], %swap3A_877 {strides = array<i32>} : memref<65536xf32, #tpu.memory_space<vmem>>, vector<16xf32>,
          %add3A_878 = arith.constant 112 : i32
          %add3A_879 = arith.addi %mul3A_744, %add3A_878 : i32
          %get3A_880 = arith.index_cast %add3A_879 : i32 to index
          %get3A_881 = tpu.vector_load %arg8[%get3A_880] {strides = array<i32>} : memref<65536xf32, #tpu.memory_space<vmem>>, vector<16xf32>,
          %get3A_882 = vector.shape_cast %get3A_881 : vector<16xf32> to vector<16xf32>
          %add3A_883 = arith.constant 384 : i32
          %add3A_884 = arith.addi %add3A_229, %add3A_883 : i32
          %add3A_885 = arith.constant 112 : i32
          %add3A_886 = arith.addi %add3A_884, %add3A_885 : i32
          %get3A_887 = arith.index_cast %add3A_886 : i32 to index
          %get3A_888 = tpu.vector_load %arg7[%get3A_887] {strides = array<i32>} : memref<49152xf32, #tpu.memory_space<vmem>>, vector<16xf32>,
          %get3A_889 = vector.shape_cast %get3A_888 : vector<16xf32> to vector<16xf32>
          %add3A_890 = arith.addf %get3A_882, %get3A_889 : vector<16xf32>
          %add3A_891 = arith.constant 112 : i32
          %add3A_892 = arith.addi %mul3A_744, %add3A_891 : i32
          %swap3A_893 = arith.index_cast %add3A_892 : i32 to index
          %swap3A_894 = tpu.vector_load %arg8[%swap3A_893] {strides = array<i32>} : memref<65536xf32, #tpu.memory_space<vmem>>, vector<16xf32>,
          %swap3A_895 = vector.shape_cast %swap3A_894 : vector<16xf32> to vector<16xf32>
          %swap3A_896 = vector.shape_cast %add3A_890 : vector<16xf32> to vector<16xf32>
          tpu.vector_store %arg8[%swap3A_893], %swap3A_896 {strides = array<i32>} : memref<65536xf32, #tpu.memory_space<vmem>>, vector<16xf32>,
          %mul3A_897 = arith.constant 16 : i32
          %mul3A_898 = arith.muli %squeeze3A_742, %mul3A_897 : i32
          %get3A_899 = arith.index_cast %mul3A_898 : i32 to index
          %get3A_900 = tpu.vector_load %arg9[%get3A_899] {strides = array<i32>} : memref<8192xf32, #tpu.memory_space<vmem>>, vector<16xf32>,
          %get3A_901 = vector.shape_cast %get3A_900 : vector<16xf32> to vector<16xf32>
          %add3A_902 = arith.addf %get3A_901, %broadcast_in_dim3A_15 : vector<16xf32>
          %mul3A_903 = arith.constant 16 : i32
          %mul3A_904 = arith.muli %squeeze3A_742, %mul3A_903 : i32
          %swap3A_905 = arith.index_cast %mul3A_904 : i32 to index
          %swap3A_906 = tpu.vector_load %arg9[%swap3A_905] {strides = array<i32>} : memref<8192xf32, #tpu.memory_space<vmem>>, vector<16xf32>,
          %swap3A_907 = vector.shape_cast %swap3A_906 : vector<16xf32> to vector<16xf32>
          %swap3A_908 = vector.shape_cast %add3A_902 : vector<16xf32> to vector<16xf32>
          tpu.vector_store %arg9[%swap3A_905], %swap3A_908 {strides = array<i32>} : memref<8192xf32, #tpu.memory_space<vmem>>, vector<16xf32>,
          %slice3A_909 = vector.extract_strided_slice %get3A_222 {offsets = [4], sizes = [1], strides = [1]} : vector<16xi32> to vector<1xi32>
          %squeeze3A_910 = vector.extract %slice3A_909[0] : i32 from vector<1xi32>
          %mul3A_911 = arith.constant 128 : i32
          %mul3A_912 = arith.muli %squeeze3A_910, %mul3A_911 : i32
          %add3A_913 = arith.constant 0 : i32
          %add3A_914 = arith.addi %mul3A_912, %add3A_913 : i32
          %get3A_915 = arith.index_cast %add3A_914 : i32 to index
          %get3A_916 = tpu.vector_load %arg8[%get3A_915] {strides = array<i32>} : memref<65536xf32, #tpu.memory_space<vmem>>, vector<16xf32>,
          %get3A_917 = vector.shape_cast %get3A_916 : vector<16xf32> to vector<16xf32>
          %add3A_918 = arith.constant 512 : i32
          %add3A_919 = arith.addi %add3A_229, %add3A_918 : i32
          %add3A_920 = arith.constant 0 : i32
          %add3A_921 = arith.addi %add3A_919, %add3A_920 : i32
          %get3A_922 = arith.index_cast %add3A_921 : i32 to index
          %get3A_923 = tpu.vector_load %arg7[%get3A_922] {strides = array<i32>} : memref<49152xf32, #tpu.memory_space<vmem>>, vector<16xf32>,
          %get3A_924 = vector.shape_cast %get3A_923 : vector<16xf32> to vector<16xf32>
          %add3A_925 = arith.addf %get3A_917, %get3A_924 : vector<16xf32>
          %add3A_926 = arith.constant 0 : i32
          %add3A_927 = arith.addi %mul3A_912, %add3A_926 : i32
          %swap3A_928 = arith.index_cast %add3A_927 : i32 to index
          %swap3A_929 = tpu.vector_load %arg8[%swap3A_928] {strides = array<i32>} : memref<65536xf32, #tpu.memory_space<vmem>>, vector<16xf32>,
          %swap3A_930 = vector.shape_cast %swap3A_929 : vector<16xf32> to vector<16xf32>
          %swap3A_931 = vector.shape_cast %add3A_925 : vector<16xf32> to vector<16xf32>
          tpu.vector_store %arg8[%swap3A_928], %swap3A_931 {strides = array<i32>} : memref<65536xf32, #tpu.memory_space<vmem>>, vector<16xf32>,
          %add3A_932 = arith.constant 16 : i32
          %add3A_933 = arith.addi %mul3A_912, %add3A_932 : i32
          %get3A_934 = arith.index_cast %add3A_933 : i32 to index
          %get3A_935 = tpu.vector_load %arg8[%get3A_934] {strides = array<i32>} : memref<65536xf32, #tpu.memory_space<vmem>>, vector<16xf32>,
          %get3A_936 = vector.shape_cast %get3A_935 : vector<16xf32> to vector<16xf32>
          %add3A_937 = arith.constant 512 : i32
          %add3A_938 = arith.addi %add3A_229, %add3A_937 : i32
          %add3A_939 = arith.constant 16 : i32
          %add3A_940 = arith.addi %add3A_938, %add3A_939 : i32
          %get3A_941 = arith.index_cast %add3A_940 : i32 to index
          %get3A_942 = tpu.vector_load %arg7[%get3A_941] {strides = array<i32>} : memref<49152xf32, #tpu.memory_space<vmem>>, vector<16xf32>,
          %get3A_943 = vector.shape_cast %get3A_942 : vector<16xf32> to vector<16xf32>
          %add3A_944 = arith.addf %get3A_936, %get3A_943 : vector<16xf32>
          %add3A_945 = arith.constant 16 : i32
          %add3A_946 = arith.addi %mul3A_912, %add3A_945 : i32
          %swap3A_947 = arith.index_cast %add3A_946 : i32 to index
          %swap3A_948 = tpu.vector_load %arg8[%swap3A_947] {strides = array<i32>} : memref<65536xf32, #tpu.memory_space<vmem>>, vector<16xf32>,
          %swap3A_949 = vector.shape_cast %swap3A_948 : vector<16xf32> to vector<16xf32>
          %swap3A_950 = vector.shape_cast %add3A_944 : vector<16xf32> to vector<16xf32>
          tpu.vector_store %arg8[%swap3A_947], %swap3A_950 {strides = array<i32>} : memref<65536xf32, #tpu.memory_space<vmem>>, vector<16xf32>,
          %add3A_951 = arith.constant 32 : i32
          %add3A_952 = arith.addi %mul3A_912, %add3A_951 : i32
          %get3A_953 = arith.index_cast %add3A_952 : i32 to index
          %get3A_954 = tpu.vector_load %arg8[%get3A_953] {strides = array<i32>} : memref<65536xf32, #tpu.memory_space<vmem>>, vector<16xf32>,
          %get3A_955 = vector.shape_cast %get3A_954 : vector<16xf32> to vector<16xf32>
          %add3A_956 = arith.constant 512 : i32
          %add3A_957 = arith.addi %add3A_229, %add3A_956 : i32
          %add3A_958 = arith.constant 32 : i32
          %add3A_959 = arith.addi %add3A_957, %add3A_958 : i32
          %get3A_960 = arith.index_cast %add3A_959 : i32 to index
          %get3A_961 = tpu.vector_load %arg7[%get3A_960] {strides = array<i32>} : memref<49152xf32, #tpu.memory_space<vmem>>, vector<16xf32>,
          %get3A_962 = vector.shape_cast %get3A_961 : vector<16xf32> to vector<16xf32>
          %add3A_963 = arith.addf %get3A_955, %get3A_962 : vector<16xf32>
          %add3A_964 = arith.constant 32 : i32
          %add3A_965 = arith.addi %mul3A_912, %add3A_964 : i32
          %swap3A_966 = arith.index_cast %add3A_965 : i32 to index
          %swap3A_967 = tpu.vector_load %arg8[%swap3A_966] {strides = array<i32>} : memref<65536xf32, #tpu.memory_space<vmem>>, vector<16xf32>,
          %swap3A_968 = vector.shape_cast %swap3A_967 : vector<16xf32> to vector<16xf32>
          %swap3A_969 = vector.shape_cast %add3A_963 : vector<16xf32> to vector<16xf32>
          tpu.vector_store %arg8[%swap3A_966], %swap3A_969 {strides = array<i32>} : memref<65536xf32, #tpu.memory_space<vmem>>, vector<16xf32>,
          %add3A_970 = arith.constant 48 : i32
          %add3A_971 = arith.addi %mul3A_912, %add3A_970 : i32
          %get3A_972 = arith.index_cast %add3A_971 : i32 to index
          %get3A_973 = tpu.vector_load %arg8[%get3A_972] {strides = array<i32>} : memref<65536xf32, #tpu.memory_space<vmem>>, vector<16xf32>,
          %get3A_974 = vector.shape_cast %get3A_973 : vector<16xf32> to vector<16xf32>
          %add3A_975 = arith.constant 512 : i32
          %add3A_976 = arith.addi %add3A_229, %add3A_975 : i32
          %add3A_977 = arith.constant 48 : i32
          %add3A_978 = arith.addi %add3A_976, %add3A_977 : i32
          %get3A_979 = arith.index_cast %add3A_978 : i32 to index
          %get3A_980 = tpu.vector_load %arg7[%get3A_979] {strides = array<i32>} : memref<49152xf32, #tpu.memory_space<vmem>>, vector<16xf32>,
          %get3A_981 = vector.shape_cast %get3A_980 : vector<16xf32> to vector<16xf32>
          %add3A_982 = arith.addf %get3A_974, %get3A_981 : vector<16xf32>
          %add3A_983 = arith.constant 48 : i32
          %add3A_984 = arith.addi %mul3A_912, %add3A_983 : i32
          %swap3A_985 = arith.index_cast %add3A_984 : i32 to index
          %swap3A_986 = tpu.vector_load %arg8[%swap3A_985] {strides = array<i32>} : memref<65536xf32, #tpu.memory_space<vmem>>, vector<16xf32>,
          %swap3A_987 = vector.shape_cast %swap3A_986 : vector<16xf32> to vector<16xf32>
          %swap3A_988 = vector.shape_cast %add3A_982 : vector<16xf32> to vector<16xf32>
          tpu.vector_store %arg8[%swap3A_985], %swap3A_988 {strides = array<i32>} : memref<65536xf32, #tpu.memory_space<vmem>>, vector<16xf32>,
          %add3A_989 = arith.constant 64 : i32
          %add3A_990 = arith.addi %mul3A_912, %add3A_989 : i32
          %get3A_991 = arith.index_cast %add3A_990 : i32 to index
          %get3A_992 = tpu.vector_load %arg8[%get3A_991] {strides = array<i32>} : memref<65536xf32, #tpu.memory_space<vmem>>, vector<16xf32>,
          %get3A_993 = vector.shape_cast %get3A_992 : vector<16xf32> to vector<16xf32>
          %add3A_994 = arith.constant 512 : i32
          %add3A_995 = arith.addi %add3A_229, %add3A_994 : i32
          %add3A_996 = arith.constant 64 : i32
          %add3A_997 = arith.addi %add3A_995, %add3A_996 : i32
          %get3A_998 = arith.index_cast %add3A_997 : i32 to index
          %get3A_999 = tpu.vector_load %arg7[%get3A_998] {strides = array<i32>} : memref<49152xf32, #tpu.memory_space<vmem>>, vector<16xf32>,
          %get3A_1000 = vector.shape_cast %get3A_999 : vector<16xf32> to vector<16xf32>
          %add3A_1001 = arith.addf %get3A_993, %get3A_1000 : vector<16xf32>
          %add3A_1002 = arith.constant 64 : i32
          %add3A_1003 = arith.addi %mul3A_912, %add3A_1002 : i32
          %swap3A_1004 = arith.index_cast %add3A_1003 : i32 to index
          %swap3A_1005 = tpu.vector_load %arg8[%swap3A_1004] {strides = array<i32>} : memref<65536xf32, #tpu.memory_space<vmem>>, vector<16xf32>,
          %swap3A_1006 = vector.shape_cast %swap3A_1005 : vector<16xf32> to vector<16xf32>
          %swap3A_1007 = vector.shape_cast %add3A_1001 : vector<16xf32> to vector<16xf32>
          tpu.vector_store %arg8[%swap3A_1004], %swap3A_1007 {strides = array<i32>} : memref<65536xf32, #tpu.memory_space<vmem>>, vector<16xf32>,
          %add3A_1008 = arith.constant 80 : i32
          %add3A_1009 = arith.addi %mul3A_912, %add3A_1008 : i32
          %get3A_1010 = arith.index_cast %add3A_1009 : i32 to index
          %get3A_1011 = tpu.vector_load %arg8[%get3A_1010] {strides = array<i32>} : memref<65536xf32, #tpu.memory_space<vmem>>, vector<16xf32>,
          %get3A_1012 = vector.shape_cast %get3A_1011 : vector<16xf32> to vector<16xf32>
          %add3A_1013 = arith.constant 512 : i32
          %add3A_1014 = arith.addi %add3A_229, %add3A_1013 : i32
          %add3A_1015 = arith.constant 80 : i32
          %add3A_1016 = arith.addi %add3A_1014, %add3A_1015 : i32
          %get3A_1017 = arith.index_cast %add3A_1016 : i32 to index
          %get3A_1018 = tpu.vector_load %arg7[%get3A_1017] {strides = array<i32>} : memref<49152xf32, #tpu.memory_space<vmem>>, vector<16xf32>,
          %get3A_1019 = vector.shape_cast %get3A_1018 : vector<16xf32> to vector<16xf32>
          %add3A_1020 = arith.addf %get3A_1012, %get3A_1019 : vector<16xf32>
          %add3A_1021 = arith.constant 80 : i32
          %add3A_1022 = arith.addi %mul3A_912, %add3A_1021 : i32
          %swap3A_1023 = arith.index_cast %add3A_1022 : i32 to index
          %swap3A_1024 = tpu.vector_load %arg8[%swap3A_1023] {strides = array<i32>} : memref<65536xf32, #tpu.memory_space<vmem>>, vector<16xf32>,
          %swap3A_1025 = vector.shape_cast %swap3A_1024 : vector<16xf32> to vector<16xf32>
          %swap3A_1026 = vector.shape_cast %add3A_1020 : vector<16xf32> to vector<16xf32>
          tpu.vector_store %arg8[%swap3A_1023], %swap3A_1026 {strides = array<i32>} : memref<65536xf32, #tpu.memory_space<vmem>>, vector<16xf32>,
          %add3A_1027 = arith.constant 96 : i32
          %add3A_1028 = arith.addi %mul3A_912, %add3A_1027 : i32
          %get3A_1029 = arith.index_cast %add3A_1028 : i32 to index
          %get3A_1030 = tpu.vector_load %arg8[%get3A_1029] {strides = array<i32>} : memref<65536xf32, #tpu.memory_space<vmem>>, vector<16xf32>,
          %get3A_1031 = vector.shape_cast %get3A_1030 : vector<16xf32> to vector<16xf32>
          %add3A_1032 = arith.constant 512 : i32
          %add3A_1033 = arith.addi %add3A_229, %add3A_1032 : i32
          %add3A_1034 = arith.constant 96 : i32
          %add3A_1035 = arith.addi %add3A_1033, %add3A_1034 : i32
          %get3A_1036 = arith.index_cast %add3A_1035 : i32 to index
          %get3A_1037 = tpu.vector_load %arg7[%get3A_1036] {strides = array<i32>} : memref<49152xf32, #tpu.memory_space<vmem>>, vector<16xf32>,
          %get3A_1038 = vector.shape_cast %get3A_1037 : vector<16xf32> to vector<16xf32>
          %add3A_1039 = arith.addf %get3A_1031, %get3A_1038 : vector<16xf32>
          %add3A_1040 = arith.constant 96 : i32
          %add3A_1041 = arith.addi %mul3A_912, %add3A_1040 : i32
          %swap3A_1042 = arith.index_cast %add3A_1041 : i32 to index
          %swap3A_1043 = tpu.vector_load %arg8[%swap3A_1042] {strides = array<i32>} : memref<65536xf32, #tpu.memory_space<vmem>>, vector<16xf32>,
          %swap3A_1044 = vector.shape_cast %swap3A_1043 : vector<16xf32> to vector<16xf32>
          %swap3A_1045 = vector.shape_cast %add3A_1039 : vector<16xf32> to vector<16xf32>
          tpu.vector_store %arg8[%swap3A_1042], %swap3A_1045 {strides = array<i32>} : memref<65536xf32, #tpu.memory_space<vmem>>, vector<16xf32>,
          %add3A_1046 = arith.constant 112 : i32
          %add3A_1047 = arith.addi %mul3A_912, %add3A_1046 : i32
          %get3A_1048 = arith.index_cast %add3A_1047 : i32 to index
          %get3A_1049 = tpu.vector_load %arg8[%get3A_1048] {strides = array<i32>} : memref<65536xf32, #tpu.memory_space<vmem>>, vector<16xf32>,
          %get3A_1050 = vector.shape_cast %get3A_1049 : vector<16xf32> to vector<16xf32>
          %add3A_1051 = arith.constant 512 : i32
          %add3A_1052 = arith.addi %add3A_229, %add3A_1051 : i32
          %add3A_1053 = arith.constant 112 : i32
          %add3A_1054 = arith.addi %add3A_1052, %add3A_1053 : i32
          %get3A_1055 = arith.index_cast %add3A_1054 : i32 to index
          %get3A_1056 = tpu.vector_load %arg7[%get3A_1055] {strides = array<i32>} : memref<49152xf32, #tpu.memory_space<vmem>>, vector<16xf32>,
          %get3A_1057 = vector.shape_cast %get3A_1056 : vector<16xf32> to vector<16xf32>
          %add3A_1058 = arith.addf %get3A_1050, %get3A_1057 : vector<16xf32>
          %add3A_1059 = arith.constant 112 : i32
          %add3A_1060 = arith.addi %mul3A_912, %add3A_1059 : i32
          %swap3A_1061 = arith.index_cast %add3A_1060 : i32 to index
          %swap3A_1062 = tpu.vector_load %arg8[%swap3A_1061] {strides = array<i32>} : memref<65536xf32, #tpu.memory_space<vmem>>, vector<16xf32>,
          %swap3A_1063 = vector.shape_cast %swap3A_1062 : vector<16xf32> to vector<16xf32>
          %swap3A_1064 = vector.shape_cast %add3A_1058 : vector<16xf32> to vector<16xf32>
          tpu.vector_store %arg8[%swap3A_1061], %swap3A_1064 {strides = array<i32>} : memref<65536xf32, #tpu.memory_space<vmem>>, vector<16xf32>,
          %mul3A_1065 = arith.constant 16 : i32
          %mul3A_1066 = arith.muli %squeeze3A_910, %mul3A_1065 : i32
          %get3A_1067 = arith.index_cast %mul3A_1066 : i32 to index
          %get3A_1068 = tpu.vector_load %arg9[%get3A_1067] {strides = array<i32>} : memref<8192xf32, #tpu.memory_space<vmem>>, vector<16xf32>,
          %get3A_1069 = vector.shape_cast %get3A_1068 : vector<16xf32> to vector<16xf32>
          %add3A_1070 = arith.addf %get3A_1069, %broadcast_in_dim3A_15 : vector<16xf32>
          %mul3A_1071 = arith.constant 16 : i32
          %mul3A_1072 = arith.muli %squeeze3A_910, %mul3A_1071 : i32
          %swap3A_1073 = arith.index_cast %mul3A_1072 : i32 to index
          %swap3A_1074 = tpu.vector_load %arg9[%swap3A_1073] {strides = array<i32>} : memref<8192xf32, #tpu.memory_space<vmem>>, vector<16xf32>,
          %swap3A_1075 = vector.shape_cast %swap3A_1074 : vector<16xf32> to vector<16xf32>
          %swap3A_1076 = vector.shape_cast %add3A_1070 : vector<16xf32> to vector<16xf32>
          tpu.vector_store %arg9[%swap3A_1073], %swap3A_1076 {strides = array<i32>} : memref<8192xf32, #tpu.memory_space<vmem>>, vector<16xf32>,
          %slice3A_1077 = vector.extract_strided_slice %get3A_222 {offsets = [5], sizes = [1], strides = [1]} : vector<16xi32> to vector<1xi32>
          %squeeze3A_1078 = vector.extract %slice3A_1077[0] : i32 from vector<1xi32>
          %mul3A_1079 = arith.constant 128 : i32
          %mul3A_1080 = arith.muli %squeeze3A_1078, %mul3A_1079 : i32
          %add3A_1081 = arith.constant 0 : i32
          %add3A_1082 = arith.addi %mul3A_1080, %add3A_1081 : i32
          %get3A_1083 = arith.index_cast %add3A_1082 : i32 to index
          %get3A_1084 = tpu.vector_load %arg8[%get3A_1083] {strides = array<i32>} : memref<65536xf32, #tpu.memory_space<vmem>>, vector<16xf32>,
          %get3A_1085 = vector.shape_cast %get3A_1084 : vector<16xf32> to vector<16xf32>
          %add3A_1086 = arith.constant 640 : i32
          %add3A_1087 = arith.addi %add3A_229, %add3A_1086 : i32
          %add3A_1088 = arith.constant 0 : i32
          %add3A_1089 = arith.addi %add3A_1087, %add3A_1088 : i32
          %get3A_1090 = arith.index_cast %add3A_1089 : i32 to index
          %get3A_1091 = tpu.vector_load %arg7[%get3A_1090] {strides = array<i32>} : memref<49152xf32, #tpu.memory_space<vmem>>, vector<16xf32>,
          %get3A_1092 = vector.shape_cast %get3A_1091 : vector<16xf32> to vector<16xf32>
          %add3A_1093 = arith.addf %get3A_1085, %get3A_1092 : vector<16xf32>
          %add3A_1094 = arith.constant 0 : i32
          %add3A_1095 = arith.addi %mul3A_1080, %add3A_1094 : i32
          %swap3A_1096 = arith.index_cast %add3A_1095 : i32 to index
          %swap3A_1097 = tpu.vector_load %arg8[%swap3A_1096] {strides = array<i32>} : memref<65536xf32, #tpu.memory_space<vmem>>, vector<16xf32>,
          %swap3A_1098 = vector.shape_cast %swap3A_1097 : vector<16xf32> to vector<16xf32>
          %swap3A_1099 = vector.shape_cast %add3A_1093 : vector<16xf32> to vector<16xf32>
          tpu.vector_store %arg8[%swap3A_1096], %swap3A_1099 {strides = array<i32>} : memref<65536xf32, #tpu.memory_space<vmem>>, vector<16xf32>,
          %add3A_1100 = arith.constant 16 : i32
          %add3A_1101 = arith.addi %mul3A_1080, %add3A_1100 : i32
          %get3A_1102 = arith.index_cast %add3A_1101 : i32 to index
          %get3A_1103 = tpu.vector_load %arg8[%get3A_1102] {strides = array<i32>} : memref<65536xf32, #tpu.memory_space<vmem>>, vector<16xf32>,
          %get3A_1104 = vector.shape_cast %get3A_1103 : vector<16xf32> to vector<16xf32>
          %add3A_1105 = arith.constant 640 : i32
          %add3A_1106 = arith.addi %add3A_229, %add3A_1105 : i32
          %add3A_1107 = arith.constant 16 : i32
          %add3A_1108 = arith.addi %add3A_1106, %add3A_1107 : i32
          %get3A_1109 = arith.index_cast %add3A_1108 : i32 to index
          %get3A_1110 = tpu.vector_load %arg7[%get3A_1109] {strides = array<i32>} : memref<49152xf32, #tpu.memory_space<vmem>>, vector<16xf32>,
          %get3A_1111 = vector.shape_cast %get3A_1110 : vector<16xf32> to vector<16xf32>
          %add3A_1112 = arith.addf %get3A_1104, %get3A_1111 : vector<16xf32>
          %add3A_1113 = arith.constant 16 : i32
          %add3A_1114 = arith.addi %mul3A_1080, %add3A_1113 : i32
          %swap3A_1115 = arith.index_cast %add3A_1114 : i32 to index
          %swap3A_1116 = tpu.vector_load %arg8[%swap3A_1115] {strides = array<i32>} : memref<65536xf32, #tpu.memory_space<vmem>>, vector<16xf32>,
          %swap3A_1117 = vector.shape_cast %swap3A_1116 : vector<16xf32> to vector<16xf32>
          %swap3A_1118 = vector.shape_cast %add3A_1112 : vector<16xf32> to vector<16xf32>
          tpu.vector_store %arg8[%swap3A_1115], %swap3A_1118 {strides = array<i32>} : memref<65536xf32, #tpu.memory_space<vmem>>, vector<16xf32>,
          %add3A_1119 = arith.constant 32 : i32
          %add3A_1120 = arith.addi %mul3A_1080, %add3A_1119 : i32
          %get3A_1121 = arith.index_cast %add3A_1120 : i32 to index
          %get3A_1122 = tpu.vector_load %arg8[%get3A_1121] {strides = array<i32>} : memref<65536xf32, #tpu.memory_space<vmem>>, vector<16xf32>,
          %get3A_1123 = vector.shape_cast %get3A_1122 : vector<16xf32> to vector<16xf32>
          %add3A_1124 = arith.constant 640 : i32
          %add3A_1125 = arith.addi %add3A_229, %add3A_1124 : i32
          %add3A_1126 = arith.constant 32 : i32
          %add3A_1127 = arith.addi %add3A_1125, %add3A_1126 : i32
          %get3A_1128 = arith.index_cast %add3A_1127 : i32 to index
          %get3A_1129 = tpu.vector_load %arg7[%get3A_1128] {strides = array<i32>} : memref<49152xf32, #tpu.memory_space<vmem>>, vector<16xf32>,
          %get3A_1130 = vector.shape_cast %get3A_1129 : vector<16xf32> to vector<16xf32>
          %add3A_1131 = arith.addf %get3A_1123, %get3A_1130 : vector<16xf32>
          %add3A_1132 = arith.constant 32 : i32
          %add3A_1133 = arith.addi %mul3A_1080, %add3A_1132 : i32
          %swap3A_1134 = arith.index_cast %add3A_1133 : i32 to index
          %swap3A_1135 = tpu.vector_load %arg8[%swap3A_1134] {strides = array<i32>} : memref<65536xf32, #tpu.memory_space<vmem>>, vector<16xf32>,
          %swap3A_1136 = vector.shape_cast %swap3A_1135 : vector<16xf32> to vector<16xf32>
          %swap3A_1137 = vector.shape_cast %add3A_1131 : vector<16xf32> to vector<16xf32>
          tpu.vector_store %arg8[%swap3A_1134], %swap3A_1137 {strides = array<i32>} : memref<65536xf32, #tpu.memory_space<vmem>>, vector<16xf32>,
          %add3A_1138 = arith.constant 48 : i32
          %add3A_1139 = arith.addi %mul3A_1080, %add3A_1138 : i32
          %get3A_1140 = arith.index_cast %add3A_1139 : i32 to index
          %get3A_1141 = tpu.vector_load %arg8[%get3A_1140] {strides = array<i32>} : memref<65536xf32, #tpu.memory_space<vmem>>, vector<16xf32>,
          %get3A_1142 = vector.shape_cast %get3A_1141 : vector<16xf32> to vector<16xf32>
          %add3A_1143 = arith.constant 640 : i32
          %add3A_1144 = arith.addi %add3A_229, %add3A_1143 : i32
          %add3A_1145 = arith.constant 48 : i32
          %add3A_1146 = arith.addi %add3A_1144, %add3A_1145 : i32
          %get3A_1147 = arith.index_cast %add3A_1146 : i32 to index
          %get3A_1148 = tpu.vector_load %arg7[%get3A_1147] {strides = array<i32>} : memref<49152xf32, #tpu.memory_space<vmem>>, vector<16xf32>,
          %get3A_1149 = vector.shape_cast %get3A_1148 : vector<16xf32> to vector<16xf32>
          %add3A_1150 = arith.addf %get3A_1142, %get3A_1149 : vector<16xf32>
          %add3A_1151 = arith.constant 48 : i32
          %add3A_1152 = arith.addi %mul3A_1080, %add3A_1151 : i32
          %swap3A_1153 = arith.index_cast %add3A_1152 : i32 to index
          %swap3A_1154 = tpu.vector_load %arg8[%swap3A_1153] {strides = array<i32>} : memref<65536xf32, #tpu.memory_space<vmem>>, vector<16xf32>,
          %swap3A_1155 = vector.shape_cast %swap3A_1154 : vector<16xf32> to vector<16xf32>
          %swap3A_1156 = vector.shape_cast %add3A_1150 : vector<16xf32> to vector<16xf32>
          tpu.vector_store %arg8[%swap3A_1153], %swap3A_1156 {strides = array<i32>} : memref<65536xf32, #tpu.memory_space<vmem>>, vector<16xf32>,
          %add3A_1157 = arith.constant 64 : i32
          %add3A_1158 = arith.addi %mul3A_1080, %add3A_1157 : i32
          %get3A_1159 = arith.index_cast %add3A_1158 : i32 to index
          %get3A_1160 = tpu.vector_load %arg8[%get3A_1159] {strides = array<i32>} : memref<65536xf32, #tpu.memory_space<vmem>>, vector<16xf32>,
          %get3A_1161 = vector.shape_cast %get3A_1160 : vector<16xf32> to vector<16xf32>
          %add3A_1162 = arith.constant 640 : i32
          %add3A_1163 = arith.addi %add3A_229, %add3A_1162 : i32
          %add3A_1164 = arith.constant 64 : i32
          %add3A_1165 = arith.addi %add3A_1163, %add3A_1164 : i32
          %get3A_1166 = arith.index_cast %add3A_1165 : i32 to index
          %get3A_1167 = tpu.vector_load %arg7[%get3A_1166] {strides = array<i32>} : memref<49152xf32, #tpu.memory_space<vmem>>, vector<16xf32>,
          %get3A_1168 = vector.shape_cast %get3A_1167 : vector<16xf32> to vector<16xf32>
          %add3A_1169 = arith.addf %get3A_1161, %get3A_1168 : vector<16xf32>
          %add3A_1170 = arith.constant 64 : i32
          %add3A_1171 = arith.addi %mul3A_1080, %add3A_1170 : i32
          %swap3A_1172 = arith.index_cast %add3A_1171 : i32 to index
          %swap3A_1173 = tpu.vector_load %arg8[%swap3A_1172] {strides = array<i32>} : memref<65536xf32, #tpu.memory_space<vmem>>, vector<16xf32>,
          %swap3A_1174 = vector.shape_cast %swap3A_1173 : vector<16xf32> to vector<16xf32>
          %swap3A_1175 = vector.shape_cast %add3A_1169 : vector<16xf32> to vector<16xf32>
          tpu.vector_store %arg8[%swap3A_1172], %swap3A_1175 {strides = array<i32>} : memref<65536xf32, #tpu.memory_space<vmem>>, vector<16xf32>,
          %add3A_1176 = arith.constant 80 : i32
          %add3A_1177 = arith.addi %mul3A_1080, %add3A_1176 : i32
          %get3A_1178 = arith.index_cast %add3A_1177 : i32 to index
          %get3A_1179 = tpu.vector_load %arg8[%get3A_1178] {strides = array<i32>} : memref<65536xf32, #tpu.memory_space<vmem>>, vector<16xf32>,
          %get3A_1180 = vector.shape_cast %get3A_1179 : vector<16xf32> to vector<16xf32>
          %add3A_1181 = arith.constant 640 : i32
          %add3A_1182 = arith.addi %add3A_229, %add3A_1181 : i32
          %add3A_1183 = arith.constant 80 : i32
          %add3A_1184 = arith.addi %add3A_1182, %add3A_1183 : i32
          %get3A_1185 = arith.index_cast %add3A_1184 : i32 to index
          %get3A_1186 = tpu.vector_load %arg7[%get3A_1185] {strides = array<i32>} : memref<49152xf32, #tpu.memory_space<vmem>>, vector<16xf32>,
          %get3A_1187 = vector.shape_cast %get3A_1186 : vector<16xf32> to vector<16xf32>
          %add3A_1188 = arith.addf %get3A_1180, %get3A_1187 : vector<16xf32>
          %add3A_1189 = arith.constant 80 : i32
          %add3A_1190 = arith.addi %mul3A_1080, %add3A_1189 : i32
          %swap3A_1191 = arith.index_cast %add3A_1190 : i32 to index
          %swap3A_1192 = tpu.vector_load %arg8[%swap3A_1191] {strides = array<i32>} : memref<65536xf32, #tpu.memory_space<vmem>>, vector<16xf32>,
          %swap3A_1193 = vector.shape_cast %swap3A_1192 : vector<16xf32> to vector<16xf32>
          %swap3A_1194 = vector.shape_cast %add3A_1188 : vector<16xf32> to vector<16xf32>
          tpu.vector_store %arg8[%swap3A_1191], %swap3A_1194 {strides = array<i32>} : memref<65536xf32, #tpu.memory_space<vmem>>, vector<16xf32>,
          %add3A_1195 = arith.constant 96 : i32
          %add3A_1196 = arith.addi %mul3A_1080, %add3A_1195 : i32
          %get3A_1197 = arith.index_cast %add3A_1196 : i32 to index
          %get3A_1198 = tpu.vector_load %arg8[%get3A_1197] {strides = array<i32>} : memref<65536xf32, #tpu.memory_space<vmem>>, vector<16xf32>,
          %get3A_1199 = vector.shape_cast %get3A_1198 : vector<16xf32> to vector<16xf32>
          %add3A_1200 = arith.constant 640 : i32
          %add3A_1201 = arith.addi %add3A_229, %add3A_1200 : i32
          %add3A_1202 = arith.constant 96 : i32
          %add3A_1203 = arith.addi %add3A_1201, %add3A_1202 : i32
          %get3A_1204 = arith.index_cast %add3A_1203 : i32 to index
          %get3A_1205 = tpu.vector_load %arg7[%get3A_1204] {strides = array<i32>} : memref<49152xf32, #tpu.memory_space<vmem>>, vector<16xf32>,
          %get3A_1206 = vector.shape_cast %get3A_1205 : vector<16xf32> to vector<16xf32>
          %add3A_1207 = arith.addf %get3A_1199, %get3A_1206 : vector<16xf32>
          %add3A_1208 = arith.constant 96 : i32
          %add3A_1209 = arith.addi %mul3A_1080, %add3A_1208 : i32
          %swap3A_1210 = arith.index_cast %add3A_1209 : i32 to index
          %swap3A_1211 = tpu.vector_load %arg8[%swap3A_1210] {strides = array<i32>} : memref<65536xf32, #tpu.memory_space<vmem>>, vector<16xf32>,
          %swap3A_1212 = vector.shape_cast %swap3A_1211 : vector<16xf32> to vector<16xf32>
          %swap3A_1213 = vector.shape_cast %add3A_1207 : vector<16xf32> to vector<16xf32>
          tpu.vector_store %arg8[%swap3A_1210], %swap3A_1213 {strides = array<i32>} : memref<65536xf32, #tpu.memory_space<vmem>>, vector<16xf32>,
          %add3A_1214 = arith.constant 112 : i32
          %add3A_1215 = arith.addi %mul3A_1080, %add3A_1214 : i32
          %get3A_1216 = arith.index_cast %add3A_1215 : i32 to index
          %get3A_1217 = tpu.vector_load %arg8[%get3A_1216] {strides = array<i32>} : memref<65536xf32, #tpu.memory_space<vmem>>, vector<16xf32>,
          %get3A_1218 = vector.shape_cast %get3A_1217 : vector<16xf32> to vector<16xf32>
          %add3A_1219 = arith.constant 640 : i32
          %add3A_1220 = arith.addi %add3A_229, %add3A_1219 : i32
          %add3A_1221 = arith.constant 112 : i32
          %add3A_1222 = arith.addi %add3A_1220, %add3A_1221 : i32
          %get3A_1223 = arith.index_cast %add3A_1222 : i32 to index
          %get3A_1224 = tpu.vector_load %arg7[%get3A_1223] {strides = array<i32>} : memref<49152xf32, #tpu.memory_space<vmem>>, vector<16xf32>,
          %get3A_1225 = vector.shape_cast %get3A_1224 : vector<16xf32> to vector<16xf32>
          %add3A_1226 = arith.addf %get3A_1218, %get3A_1225 : vector<16xf32>
          %add3A_1227 = arith.constant 112 : i32
          %add3A_1228 = arith.addi %mul3A_1080, %add3A_1227 : i32
          %swap3A_1229 = arith.index_cast %add3A_1228 : i32 to index
          %swap3A_1230 = tpu.vector_load %arg8[%swap3A_1229] {strides = array<i32>} : memref<65536xf32, #tpu.memory_space<vmem>>, vector<16xf32>,
          %swap3A_1231 = vector.shape_cast %swap3A_1230 : vector<16xf32> to vector<16xf32>
          %swap3A_1232 = vector.shape_cast %add3A_1226 : vector<16xf32> to vector<16xf32>
          tpu.vector_store %arg8[%swap3A_1229], %swap3A_1232 {strides = array<i32>} : memref<65536xf32, #tpu.memory_space<vmem>>, vector<16xf32>,
          %mul3A_1233 = arith.constant 16 : i32
          %mul3A_1234 = arith.muli %squeeze3A_1078, %mul3A_1233 : i32
          %get3A_1235 = arith.index_cast %mul3A_1234 : i32 to index
          %get3A_1236 = tpu.vector_load %arg9[%get3A_1235] {strides = array<i32>} : memref<8192xf32, #tpu.memory_space<vmem>>, vector<16xf32>,
          %get3A_1237 = vector.shape_cast %get3A_1236 : vector<16xf32> to vector<16xf32>
          %add3A_1238 = arith.addf %get3A_1237, %broadcast_in_dim3A_15 : vector<16xf32>
          %mul3A_1239 = arith.constant 16 : i32
          %mul3A_1240 = arith.muli %squeeze3A_1078, %mul3A_1239 : i32
          %swap3A_1241 = arith.index_cast %mul3A_1240 : i32 to index
          %swap3A_1242 = tpu.vector_load %arg9[%swap3A_1241] {strides = array<i32>} : memref<8192xf32, #tpu.memory_space<vmem>>, vector<16xf32>,
          %swap3A_1243 = vector.shape_cast %swap3A_1242 : vector<16xf32> to vector<16xf32>
          %swap3A_1244 = vector.shape_cast %add3A_1238 : vector<16xf32> to vector<16xf32>
          tpu.vector_store %arg9[%swap3A_1241], %swap3A_1244 {strides = array<i32>} : memref<8192xf32, #tpu.memory_space<vmem>>, vector<16xf32>,
          %slice3A_1245 = vector.extract_strided_slice %get3A_222 {offsets = [6], sizes = [1], strides = [1]} : vector<16xi32> to vector<1xi32>
          %squeeze3A_1246 = vector.extract %slice3A_1245[0] : i32 from vector<1xi32>
          %mul3A_1247 = arith.constant 128 : i32
          %mul3A_1248 = arith.muli %squeeze3A_1246, %mul3A_1247 : i32
          %add3A_1249 = arith.constant 0 : i32
          %add3A_1250 = arith.addi %mul3A_1248, %add3A_1249 : i32
          %get3A_1251 = arith.index_cast %add3A_1250 : i32 to index
          %get3A_1252 = tpu.vector_load %arg8[%get3A_1251] {strides = array<i32>} : memref<65536xf32, #tpu.memory_space<vmem>>, vector<16xf32>,
          %get3A_1253 = vector.shape_cast %get3A_1252 : vector<16xf32> to vector<16xf32>
          %add3A_1254 = arith.constant 768 : i32
          %add3A_1255 = arith.addi %add3A_229, %add3A_1254 : i32
          %add3A_1256 = arith.constant 0 : i32
          %add3A_1257 = arith.addi %add3A_1255, %add3A_1256 : i32
          %get3A_1258 = arith.index_cast %add3A_1257 : i32 to index
          %get3A_1259 = tpu.vector_load %arg7[%get3A_1258] {strides = array<i32>} : memref<49152xf32, #tpu.memory_space<vmem>>, vector<16xf32>,
          %get3A_1260 = vector.shape_cast %get3A_1259 : vector<16xf32> to vector<16xf32>
          %add3A_1261 = arith.addf %get3A_1253, %get3A_1260 : vector<16xf32>
          %add3A_1262 = arith.constant 0 : i32
          %add3A_1263 = arith.addi %mul3A_1248, %add3A_1262 : i32
          %swap3A_1264 = arith.index_cast %add3A_1263 : i32 to index
          %swap3A_1265 = tpu.vector_load %arg8[%swap3A_1264] {strides = array<i32>} : memref<65536xf32, #tpu.memory_space<vmem>>, vector<16xf32>,
          %swap3A_1266 = vector.shape_cast %swap3A_1265 : vector<16xf32> to vector<16xf32>
          %swap3A_1267 = vector.shape_cast %add3A_1261 : vector<16xf32> to vector<16xf32>
          tpu.vector_store %arg8[%swap3A_1264], %swap3A_1267 {strides = array<i32>} : memref<65536xf32, #tpu.memory_space<vmem>>, vector<16xf32>,
          %add3A_1268 = arith.constant 16 : i32
          %add3A_1269 = arith.addi %mul3A_1248, %add3A_1268 : i32
          %get3A_1270 = arith.index_cast %add3A_1269 : i32 to index
          %get3A_1271 = tpu.vector_load %arg8[%get3A_1270] {strides = array<i32>} : memref<65536xf32, #tpu.memory_space<vmem>>, vector<16xf32>,
          %get3A_1272 = vector.shape_cast %get3A_1271 : vector<16xf32> to vector<16xf32>
          %add3A_1273 = arith.constant 768 : i32
          %add3A_1274 = arith.addi %add3A_229, %add3A_1273 : i32
          %add3A_1275 = arith.constant 16 : i32
          %add3A_1276 = arith.addi %add3A_1274, %add3A_1275 : i32
          %get3A_1277 = arith.index_cast %add3A_1276 : i32 to index
          %get3A_1278 = tpu.vector_load %arg7[%get3A_1277] {strides = array<i32>} : memref<49152xf32, #tpu.memory_space<vmem>>, vector<16xf32>,
          %get3A_1279 = vector.shape_cast %get3A_1278 : vector<16xf32> to vector<16xf32>
          %add3A_1280 = arith.addf %get3A_1272, %get3A_1279 : vector<16xf32>
          %add3A_1281 = arith.constant 16 : i32
          %add3A_1282 = arith.addi %mul3A_1248, %add3A_1281 : i32
          %swap3A_1283 = arith.index_cast %add3A_1282 : i32 to index
          %swap3A_1284 = tpu.vector_load %arg8[%swap3A_1283] {strides = array<i32>} : memref<65536xf32, #tpu.memory_space<vmem>>, vector<16xf32>,
          %swap3A_1285 = vector.shape_cast %swap3A_1284 : vector<16xf32> to vector<16xf32>
          %swap3A_1286 = vector.shape_cast %add3A_1280 : vector<16xf32> to vector<16xf32>
          tpu.vector_store %arg8[%swap3A_1283], %swap3A_1286 {strides = array<i32>} : memref<65536xf32, #tpu.memory_space<vmem>>, vector<16xf32>,
          %add3A_1287 = arith.constant 32 : i32
          %add3A_1288 = arith.addi %mul3A_1248, %add3A_1287 : i32
          %get3A_1289 = arith.index_cast %add3A_1288 : i32 to index
          %get3A_1290 = tpu.vector_load %arg8[%get3A_1289] {strides = array<i32>} : memref<65536xf32, #tpu.memory_space<vmem>>, vector<16xf32>,
          %get3A_1291 = vector.shape_cast %get3A_1290 : vector<16xf32> to vector<16xf32>
          %add3A_1292 = arith.constant 768 : i32
          %add3A_1293 = arith.addi %add3A_229, %add3A_1292 : i32
          %add3A_1294 = arith.constant 32 : i32
          %add3A_1295 = arith.addi %add3A_1293, %add3A_1294 : i32
          %get3A_1296 = arith.index_cast %add3A_1295 : i32 to index
          %get3A_1297 = tpu.vector_load %arg7[%get3A_1296] {strides = array<i32>} : memref<49152xf32, #tpu.memory_space<vmem>>, vector<16xf32>,
          %get3A_1298 = vector.shape_cast %get3A_1297 : vector<16xf32> to vector<16xf32>
          %add3A_1299 = arith.addf %get3A_1291, %get3A_1298 : vector<16xf32>
          %add3A_1300 = arith.constant 32 : i32
          %add3A_1301 = arith.addi %mul3A_1248, %add3A_1300 : i32
          %swap3A_1302 = arith.index_cast %add3A_1301 : i32 to index
          %swap3A_1303 = tpu.vector_load %arg8[%swap3A_1302] {strides = array<i32>} : memref<65536xf32, #tpu.memory_space<vmem>>, vector<16xf32>,
          %swap3A_1304 = vector.shape_cast %swap3A_1303 : vector<16xf32> to vector<16xf32>
          %swap3A_1305 = vector.shape_cast %add3A_1299 : vector<16xf32> to vector<16xf32>
          tpu.vector_store %arg8[%swap3A_1302], %swap3A_1305 {strides = array<i32>} : memref<65536xf32, #tpu.memory_space<vmem>>, vector<16xf32>,
          %add3A_1306 = arith.constant 48 : i32
          %add3A_1307 = arith.addi %mul3A_1248, %add3A_1306 : i32
          %get3A_1308 = arith.index_cast %add3A_1307 : i32 to index
          %get3A_1309 = tpu.vector_load %arg8[%get3A_1308] {strides = array<i32>} : memref<65536xf32, #tpu.memory_space<vmem>>, vector<16xf32>,
          %get3A_1310 = vector.shape_cast %get3A_1309 : vector<16xf32> to vector<16xf32>
          %add3A_1311 = arith.constant 768 : i32
          %add3A_1312 = arith.addi %add3A_229, %add3A_1311 : i32
          %add3A_1313 = arith.constant 48 : i32
          %add3A_1314 = arith.addi %add3A_1312, %add3A_1313 : i32
          %get3A_1315 = arith.index_cast %add3A_1314 : i32 to index
          %get3A_1316 = tpu.vector_load %arg7[%get3A_1315] {strides = array<i32>} : memref<49152xf32, #tpu.memory_space<vmem>>, vector<16xf32>,
          %get3A_1317 = vector.shape_cast %get3A_1316 : vector<16xf32> to vector<16xf32>
          %add3A_1318 = arith.addf %get3A_1310, %get3A_1317 : vector<16xf32>
          %add3A_1319 = arith.constant 48 : i32
          %add3A_1320 = arith.addi %mul3A_1248, %add3A_1319 : i32
          %swap3A_1321 = arith.index_cast %add3A_1320 : i32 to index
          %swap3A_1322 = tpu.vector_load %arg8[%swap3A_1321] {strides = array<i32>} : memref<65536xf32, #tpu.memory_space<vmem>>, vector<16xf32>,
          %swap3A_1323 = vector.shape_cast %swap3A_1322 : vector<16xf32> to vector<16xf32>
          %swap3A_1324 = vector.shape_cast %add3A_1318 : vector<16xf32> to vector<16xf32>
          tpu.vector_store %arg8[%swap3A_1321], %swap3A_1324 {strides = array<i32>} : memref<65536xf32, #tpu.memory_space<vmem>>, vector<16xf32>,
          %add3A_1325 = arith.constant 64 : i32
          %add3A_1326 = arith.addi %mul3A_1248, %add3A_1325 : i32
          %get3A_1327 = arith.index_cast %add3A_1326 : i32 to index
          %get3A_1328 = tpu.vector_load %arg8[%get3A_1327] {strides = array<i32>} : memref<65536xf32, #tpu.memory_space<vmem>>, vector<16xf32>,
          %get3A_1329 = vector.shape_cast %get3A_1328 : vector<16xf32> to vector<16xf32>
          %add3A_1330 = arith.constant 768 : i32
          %add3A_1331 = arith.addi %add3A_229, %add3A_1330 : i32
          %add3A_1332 = arith.constant 64 : i32
          %add3A_1333 = arith.addi %add3A_1331, %add3A_1332 : i32
          %get3A_1334 = arith.index_cast %add3A_1333 : i32 to index
          %get3A_1335 = tpu.vector_load %arg7[%get3A_1334] {strides = array<i32>} : memref<49152xf32, #tpu.memory_space<vmem>>, vector<16xf32>,
          %get3A_1336 = vector.shape_cast %get3A_1335 : vector<16xf32> to vector<16xf32>
          %add3A_1337 = arith.addf %get3A_1329, %get3A_1336 : vector<16xf32>
          %add3A_1338 = arith.constant 64 : i32
          %add3A_1339 = arith.addi %mul3A_1248, %add3A_1338 : i32
          %swap3A_1340 = arith.index_cast %add3A_1339 : i32 to index
          %swap3A_1341 = tpu.vector_load %arg8[%swap3A_1340] {strides = array<i32>} : memref<65536xf32, #tpu.memory_space<vmem>>, vector<16xf32>,
          %swap3A_1342 = vector.shape_cast %swap3A_1341 : vector<16xf32> to vector<16xf32>
          %swap3A_1343 = vector.shape_cast %add3A_1337 : vector<16xf32> to vector<16xf32>
          tpu.vector_store %arg8[%swap3A_1340], %swap3A_1343 {strides = array<i32>} : memref<65536xf32, #tpu.memory_space<vmem>>, vector<16xf32>,
          %add3A_1344 = arith.constant 80 : i32
          %add3A_1345 = arith.addi %mul3A_1248, %add3A_1344 : i32
          %get3A_1346 = arith.index_cast %add3A_1345 : i32 to index
          %get3A_1347 = tpu.vector_load %arg8[%get3A_1346] {strides = array<i32>} : memref<65536xf32, #tpu.memory_space<vmem>>, vector<16xf32>,
          %get3A_1348 = vector.shape_cast %get3A_1347 : vector<16xf32> to vector<16xf32>
          %add3A_1349 = arith.constant 768 : i32
          %add3A_1350 = arith.addi %add3A_229, %add3A_1349 : i32
          %add3A_1351 = arith.constant 80 : i32
          %add3A_1352 = arith.addi %add3A_1350, %add3A_1351 : i32
          %get3A_1353 = arith.index_cast %add3A_1352 : i32 to index
          %get3A_1354 = tpu.vector_load %arg7[%get3A_1353] {strides = array<i32>} : memref<49152xf32, #tpu.memory_space<vmem>>, vector<16xf32>,
          %get3A_1355 = vector.shape_cast %get3A_1354 : vector<16xf32> to vector<16xf32>
          %add3A_1356 = arith.addf %get3A_1348, %get3A_1355 : vector<16xf32>
          %add3A_1357 = arith.constant 80 : i32
          %add3A_1358 = arith.addi %mul3A_1248, %add3A_1357 : i32
          %swap3A_1359 = arith.index_cast %add3A_1358 : i32 to index
          %swap3A_1360 = tpu.vector_load %arg8[%swap3A_1359] {strides = array<i32>} : memref<65536xf32, #tpu.memory_space<vmem>>, vector<16xf32>,
          %swap3A_1361 = vector.shape_cast %swap3A_1360 : vector<16xf32> to vector<16xf32>
          %swap3A_1362 = vector.shape_cast %add3A_1356 : vector<16xf32> to vector<16xf32>
          tpu.vector_store %arg8[%swap3A_1359], %swap3A_1362 {strides = array<i32>} : memref<65536xf32, #tpu.memory_space<vmem>>, vector<16xf32>,
          %add3A_1363 = arith.constant 96 : i32
          %add3A_1364 = arith.addi %mul3A_1248, %add3A_1363 : i32
          %get3A_1365 = arith.index_cast %add3A_1364 : i32 to index
          %get3A_1366 = tpu.vector_load %arg8[%get3A_1365] {strides = array<i32>} : memref<65536xf32, #tpu.memory_space<vmem>>, vector<16xf32>,
          %get3A_1367 = vector.shape_cast %get3A_1366 : vector<16xf32> to vector<16xf32>
          %add3A_1368 = arith.constant 768 : i32
          %add3A_1369 = arith.addi %add3A_229, %add3A_1368 : i32
          %add3A_1370 = arith.constant 96 : i32
          %add3A_1371 = arith.addi %add3A_1369, %add3A_1370 : i32
          %get3A_1372 = arith.index_cast %add3A_1371 : i32 to index
          %get3A_1373 = tpu.vector_load %arg7[%get3A_1372] {strides = array<i32>} : memref<49152xf32, #tpu.memory_space<vmem>>, vector<16xf32>,
          %get3A_1374 = vector.shape_cast %get3A_1373 : vector<16xf32> to vector<16xf32>
          %add3A_1375 = arith.addf %get3A_1367, %get3A_1374 : vector<16xf32>
          %add3A_1376 = arith.constant 96 : i32
          %add3A_1377 = arith.addi %mul3A_1248, %add3A_1376 : i32
          %swap3A_1378 = arith.index_cast %add3A_1377 : i32 to index
          %swap3A_1379 = tpu.vector_load %arg8[%swap3A_1378] {strides = array<i32>} : memref<65536xf32, #tpu.memory_space<vmem>>, vector<16xf32>,
          %swap3A_1380 = vector.shape_cast %swap3A_1379 : vector<16xf32> to vector<16xf32>
          %swap3A_1381 = vector.shape_cast %add3A_1375 : vector<16xf32> to vector<16xf32>
          tpu.vector_store %arg8[%swap3A_1378], %swap3A_1381 {strides = array<i32>} : memref<65536xf32, #tpu.memory_space<vmem>>, vector<16xf32>,
          %add3A_1382 = arith.constant 112 : i32
          %add3A_1383 = arith.addi %mul3A_1248, %add3A_1382 : i32
          %get3A_1384 = arith.index_cast %add3A_1383 : i32 to index
          %get3A_1385 = tpu.vector_load %arg8[%get3A_1384] {strides = array<i32>} : memref<65536xf32, #tpu.memory_space<vmem>>, vector<16xf32>,
          %get3A_1386 = vector.shape_cast %get3A_1385 : vector<16xf32> to vector<16xf32>
          %add3A_1387 = arith.constant 768 : i32
          %add3A_1388 = arith.addi %add3A_229, %add3A_1387 : i32
          %add3A_1389 = arith.constant 112 : i32
          %add3A_1390 = arith.addi %add3A_1388, %add3A_1389 : i32
          %get3A_1391 = arith.index_cast %add3A_1390 : i32 to index
          %get3A_1392 = tpu.vector_load %arg7[%get3A_1391] {strides = array<i32>} : memref<49152xf32, #tpu.memory_space<vmem>>, vector<16xf32>,
          %get3A_1393 = vector.shape_cast %get3A_1392 : vector<16xf32> to vector<16xf32>
          %add3A_1394 = arith.addf %get3A_1386, %get3A_1393 : vector<16xf32>
          %add3A_1395 = arith.constant 112 : i32
          %add3A_1396 = arith.addi %mul3A_1248, %add3A_1395 : i32
          %swap3A_1397 = arith.index_cast %add3A_1396 : i32 to index
          %swap3A_1398 = tpu.vector_load %arg8[%swap3A_1397] {strides = array<i32>} : memref<65536xf32, #tpu.memory_space<vmem>>, vector<16xf32>,
          %swap3A_1399 = vector.shape_cast %swap3A_1398 : vector<16xf32> to vector<16xf32>
          %swap3A_1400 = vector.shape_cast %add3A_1394 : vector<16xf32> to vector<16xf32>
          tpu.vector_store %arg8[%swap3A_1397], %swap3A_1400 {strides = array<i32>} : memref<65536xf32, #tpu.memory_space<vmem>>, vector<16xf32>,
          %mul3A_1401 = arith.constant 16 : i32
          %mul3A_1402 = arith.muli %squeeze3A_1246, %mul3A_1401 : i32
          %get3A_1403 = arith.index_cast %mul3A_1402 : i32 to index
          %get3A_1404 = tpu.vector_load %arg9[%get3A_1403] {strides = array<i32>} : memref<8192xf32, #tpu.memory_space<vmem>>, vector<16xf32>,
          %get3A_1405 = vector.shape_cast %get3A_1404 : vector<16xf32> to vector<16xf32>
          %add3A_1406 = arith.addf %get3A_1405, %broadcast_in_dim3A_15 : vector<16xf32>
          %mul3A_1407 = arith.constant 16 : i32
          %mul3A_1408 = arith.muli %squeeze3A_1246, %mul3A_1407 : i32
          %swap3A_1409 = arith.index_cast %mul3A_1408 : i32 to index
          %swap3A_1410 = tpu.vector_load %arg9[%swap3A_1409] {strides = array<i32>} : memref<8192xf32, #tpu.memory_space<vmem>>, vector<16xf32>,
          %swap3A_1411 = vector.shape_cast %swap3A_1410 : vector<16xf32> to vector<16xf32>
          %swap3A_1412 = vector.shape_cast %add3A_1406 : vector<16xf32> to vector<16xf32>
          tpu.vector_store %arg9[%swap3A_1409], %swap3A_1412 {strides = array<i32>} : memref<8192xf32, #tpu.memory_space<vmem>>, vector<16xf32>,
          %slice3A_1413 = vector.extract_strided_slice %get3A_222 {offsets = [7], sizes = [1], strides = [1]} : vector<16xi32> to vector<1xi32>
          %squeeze3A_1414 = vector.extract %slice3A_1413[0] : i32 from vector<1xi32>
          %mul3A_1415 = arith.constant 128 : i32
          %mul3A_1416 = arith.muli %squeeze3A_1414, %mul3A_1415 : i32
          %add3A_1417 = arith.constant 0 : i32
          %add3A_1418 = arith.addi %mul3A_1416, %add3A_1417 : i32
          %get3A_1419 = arith.index_cast %add3A_1418 : i32 to index
          %get3A_1420 = tpu.vector_load %arg8[%get3A_1419] {strides = array<i32>} : memref<65536xf32, #tpu.memory_space<vmem>>, vector<16xf32>,
          %get3A_1421 = vector.shape_cast %get3A_1420 : vector<16xf32> to vector<16xf32>
          %add3A_1422 = arith.constant 896 : i32
          %add3A_1423 = arith.addi %add3A_229, %add3A_1422 : i32
          %add3A_1424 = arith.constant 0 : i32
          %add3A_1425 = arith.addi %add3A_1423, %add3A_1424 : i32
          %get3A_1426 = arith.index_cast %add3A_1425 : i32 to index
          %get3A_1427 = tpu.vector_load %arg7[%get3A_1426] {strides = array<i32>} : memref<49152xf32, #tpu.memory_space<vmem>>, vector<16xf32>,
          %get3A_1428 = vector.shape_cast %get3A_1427 : vector<16xf32> to vector<16xf32>
          %add3A_1429 = arith.addf %get3A_1421, %get3A_1428 : vector<16xf32>
          %add3A_1430 = arith.constant 0 : i32
          %add3A_1431 = arith.addi %mul3A_1416, %add3A_1430 : i32
          %swap3A_1432 = arith.index_cast %add3A_1431 : i32 to index
          %swap3A_1433 = tpu.vector_load %arg8[%swap3A_1432] {strides = array<i32>} : memref<65536xf32, #tpu.memory_space<vmem>>, vector<16xf32>,
          %swap3A_1434 = vector.shape_cast %swap3A_1433 : vector<16xf32> to vector<16xf32>
          %swap3A_1435 = vector.shape_cast %add3A_1429 : vector<16xf32> to vector<16xf32>
          tpu.vector_store %arg8[%swap3A_1432], %swap3A_1435 {strides = array<i32>} : memref<65536xf32, #tpu.memory_space<vmem>>, vector<16xf32>,
          %add3A_1436 = arith.constant 16 : i32
          %add3A_1437 = arith.addi %mul3A_1416, %add3A_1436 : i32
          %get3A_1438 = arith.index_cast %add3A_1437 : i32 to index
          %get3A_1439 = tpu.vector_load %arg8[%get3A_1438] {strides = array<i32>} : memref<65536xf32, #tpu.memory_space<vmem>>, vector<16xf32>,
          %get3A_1440 = vector.shape_cast %get3A_1439 : vector<16xf32> to vector<16xf32>
          %add3A_1441 = arith.constant 896 : i32
          %add3A_1442 = arith.addi %add3A_229, %add3A_1441 : i32
          %add3A_1443 = arith.constant 16 : i32
          %add3A_1444 = arith.addi %add3A_1442, %add3A_1443 : i32
          %get3A_1445 = arith.index_cast %add3A_1444 : i32 to index
          %get3A_1446 = tpu.vector_load %arg7[%get3A_1445] {strides = array<i32>} : memref<49152xf32, #tpu.memory_space<vmem>>, vector<16xf32>,
          %get3A_1447 = vector.shape_cast %get3A_1446 : vector<16xf32> to vector<16xf32>
          %add3A_1448 = arith.addf %get3A_1440, %get3A_1447 : vector<16xf32>
          %add3A_1449 = arith.constant 16 : i32
          %add3A_1450 = arith.addi %mul3A_1416, %add3A_1449 : i32
          %swap3A_1451 = arith.index_cast %add3A_1450 : i32 to index
          %swap3A_1452 = tpu.vector_load %arg8[%swap3A_1451] {strides = array<i32>} : memref<65536xf32, #tpu.memory_space<vmem>>, vector<16xf32>,
          %swap3A_1453 = vector.shape_cast %swap3A_1452 : vector<16xf32> to vector<16xf32>
          %swap3A_1454 = vector.shape_cast %add3A_1448 : vector<16xf32> to vector<16xf32>
          tpu.vector_store %arg8[%swap3A_1451], %swap3A_1454 {strides = array<i32>} : memref<65536xf32, #tpu.memory_space<vmem>>, vector<16xf32>,
          %add3A_1455 = arith.constant 32 : i32
          %add3A_1456 = arith.addi %mul3A_1416, %add3A_1455 : i32
          %get3A_1457 = arith.index_cast %add3A_1456 : i32 to index
          %get3A_1458 = tpu.vector_load %arg8[%get3A_1457] {strides = array<i32>} : memref<65536xf32, #tpu.memory_space<vmem>>, vector<16xf32>,
          %get3A_1459 = vector.shape_cast %get3A_1458 : vector<16xf32> to vector<16xf32>
          %add3A_1460 = arith.constant 896 : i32
          %add3A_1461 = arith.addi %add3A_229, %add3A_1460 : i32
          %add3A_1462 = arith.constant 32 : i32
          %add3A_1463 = arith.addi %add3A_1461, %add3A_1462 : i32
          %get3A_1464 = arith.index_cast %add3A_1463 : i32 to index
          %get3A_1465 = tpu.vector_load %arg7[%get3A_1464] {strides = array<i32>} : memref<49152xf32, #tpu.memory_space<vmem>>, vector<16xf32>,
          %get3A_1466 = vector.shape_cast %get3A_1465 : vector<16xf32> to vector<16xf32>
          %add3A_1467 = arith.addf %get3A_1459, %get3A_1466 : vector<16xf32>
          %add3A_1468 = arith.constant 32 : i32
          %add3A_1469 = arith.addi %mul3A_1416, %add3A_1468 : i32
          %swap3A_1470 = arith.index_cast %add3A_1469 : i32 to index
          %swap3A_1471 = tpu.vector_load %arg8[%swap3A_1470] {strides = array<i32>} : memref<65536xf32, #tpu.memory_space<vmem>>, vector<16xf32>,
          %swap3A_1472 = vector.shape_cast %swap3A_1471 : vector<16xf32> to vector<16xf32>
          %swap3A_1473 = vector.shape_cast %add3A_1467 : vector<16xf32> to vector<16xf32>
          tpu.vector_store %arg8[%swap3A_1470], %swap3A_1473 {strides = array<i32>} : memref<65536xf32, #tpu.memory_space<vmem>>, vector<16xf32>,
          %add3A_1474 = arith.constant 48 : i32
          %add3A_1475 = arith.addi %mul3A_1416, %add3A_1474 : i32
          %get3A_1476 = arith.index_cast %add3A_1475 : i32 to index
          %get3A_1477 = tpu.vector_load %arg8[%get3A_1476] {strides = array<i32>} : memref<65536xf32, #tpu.memory_space<vmem>>, vector<16xf32>,
          %get3A_1478 = vector.shape_cast %get3A_1477 : vector<16xf32> to vector<16xf32>
          %add3A_1479 = arith.constant 896 : i32
          %add3A_1480 = arith.addi %add3A_229, %add3A_1479 : i32
          %add3A_1481 = arith.constant 48 : i32
          %add3A_1482 = arith.addi %add3A_1480, %add3A_1481 : i32
          %get3A_1483 = arith.index_cast %add3A_1482 : i32 to index
          %get3A_1484 = tpu.vector_load %arg7[%get3A_1483] {strides = array<i32>} : memref<49152xf32, #tpu.memory_space<vmem>>, vector<16xf32>,
          %get3A_1485 = vector.shape_cast %get3A_1484 : vector<16xf32> to vector<16xf32>
          %add3A_1486 = arith.addf %get3A_1478, %get3A_1485 : vector<16xf32>
          %add3A_1487 = arith.constant 48 : i32
          %add3A_1488 = arith.addi %mul3A_1416, %add3A_1487 : i32
          %swap3A_1489 = arith.index_cast %add3A_1488 : i32 to index
          %swap3A_1490 = tpu.vector_load %arg8[%swap3A_1489] {strides = array<i32>} : memref<65536xf32, #tpu.memory_space<vmem>>, vector<16xf32>,
          %swap3A_1491 = vector.shape_cast %swap3A_1490 : vector<16xf32> to vector<16xf32>
          %swap3A_1492 = vector.shape_cast %add3A_1486 : vector<16xf32> to vector<16xf32>
          tpu.vector_store %arg8[%swap3A_1489], %swap3A_1492 {strides = array<i32>} : memref<65536xf32, #tpu.memory_space<vmem>>, vector<16xf32>,
          %add3A_1493 = arith.constant 64 : i32
          %add3A_1494 = arith.addi %mul3A_1416, %add3A_1493 : i32
          %get3A_1495 = arith.index_cast %add3A_1494 : i32 to index
          %get3A_1496 = tpu.vector_load %arg8[%get3A_1495] {strides = array<i32>} : memref<65536xf32, #tpu.memory_space<vmem>>, vector<16xf32>,
          %get3A_1497 = vector.shape_cast %get3A_1496 : vector<16xf32> to vector<16xf32>
          %add3A_1498 = arith.constant 896 : i32
          %add3A_1499 = arith.addi %add3A_229, %add3A_1498 : i32
          %add3A_1500 = arith.constant 64 : i32
          %add3A_1501 = arith.addi %add3A_1499, %add3A_1500 : i32
          %get3A_1502 = arith.index_cast %add3A_1501 : i32 to index
          %get3A_1503 = tpu.vector_load %arg7[%get3A_1502] {strides = array<i32>} : memref<49152xf32, #tpu.memory_space<vmem>>, vector<16xf32>,
          %get3A_1504 = vector.shape_cast %get3A_1503 : vector<16xf32> to vector<16xf32>
          %add3A_1505 = arith.addf %get3A_1497, %get3A_1504 : vector<16xf32>
          %add3A_1506 = arith.constant 64 : i32
          %add3A_1507 = arith.addi %mul3A_1416, %add3A_1506 : i32
          %swap3A_1508 = arith.index_cast %add3A_1507 : i32 to index
          %swap3A_1509 = tpu.vector_load %arg8[%swap3A_1508] {strides = array<i32>} : memref<65536xf32, #tpu.memory_space<vmem>>, vector<16xf32>,
          %swap3A_1510 = vector.shape_cast %swap3A_1509 : vector<16xf32> to vector<16xf32>
          %swap3A_1511 = vector.shape_cast %add3A_1505 : vector<16xf32> to vector<16xf32>
          tpu.vector_store %arg8[%swap3A_1508], %swap3A_1511 {strides = array<i32>} : memref<65536xf32, #tpu.memory_space<vmem>>, vector<16xf32>,
          %add3A_1512 = arith.constant 80 : i32
          %add3A_1513 = arith.addi %mul3A_1416, %add3A_1512 : i32
          %get3A_1514 = arith.index_cast %add3A_1513 : i32 to index
          %get3A_1515 = tpu.vector_load %arg8[%get3A_1514] {strides = array<i32>} : memref<65536xf32, #tpu.memory_space<vmem>>, vector<16xf32>,
          %get3A_1516 = vector.shape_cast %get3A_1515 : vector<16xf32> to vector<16xf32>
          %add3A_1517 = arith.constant 896 : i32
          %add3A_1518 = arith.addi %add3A_229, %add3A_1517 : i32
          %add3A_1519 = arith.constant 80 : i32
          %add3A_1520 = arith.addi %add3A_1518, %add3A_1519 : i32
          %get3A_1521 = arith.index_cast %add3A_1520 : i32 to index
          %get3A_1522 = tpu.vector_load %arg7[%get3A_1521] {strides = array<i32>} : memref<49152xf32, #tpu.memory_space<vmem>>, vector<16xf32>,
          %get3A_1523 = vector.shape_cast %get3A_1522 : vector<16xf32> to vector<16xf32>
          %add3A_1524 = arith.addf %get3A_1516, %get3A_1523 : vector<16xf32>
          %add3A_1525 = arith.constant 80 : i32
          %add3A_1526 = arith.addi %mul3A_1416, %add3A_1525 : i32
          %swap3A_1527 = arith.index_cast %add3A_1526 : i32 to index
          %swap3A_1528 = tpu.vector_load %arg8[%swap3A_1527] {strides = array<i32>} : memref<65536xf32, #tpu.memory_space<vmem>>, vector<16xf32>,
          %swap3A_1529 = vector.shape_cast %swap3A_1528 : vector<16xf32> to vector<16xf32>
          %swap3A_1530 = vector.shape_cast %add3A_1524 : vector<16xf32> to vector<16xf32>
          tpu.vector_store %arg8[%swap3A_1527], %swap3A_1530 {strides = array<i32>} : memref<65536xf32, #tpu.memory_space<vmem>>, vector<16xf32>,
          %add3A_1531 = arith.constant 96 : i32
          %add3A_1532 = arith.addi %mul3A_1416, %add3A_1531 : i32
          %get3A_1533 = arith.index_cast %add3A_1532 : i32 to index
          %get3A_1534 = tpu.vector_load %arg8[%get3A_1533] {strides = array<i32>} : memref<65536xf32, #tpu.memory_space<vmem>>, vector<16xf32>,
          %get3A_1535 = vector.shape_cast %get3A_1534 : vector<16xf32> to vector<16xf32>
          %add3A_1536 = arith.constant 896 : i32
          %add3A_1537 = arith.addi %add3A_229, %add3A_1536 : i32
          %add3A_1538 = arith.constant 96 : i32
          %add3A_1539 = arith.addi %add3A_1537, %add3A_1538 : i32
          %get3A_1540 = arith.index_cast %add3A_1539 : i32 to index
          %get3A_1541 = tpu.vector_load %arg7[%get3A_1540] {strides = array<i32>} : memref<49152xf32, #tpu.memory_space<vmem>>, vector<16xf32>,
          %get3A_1542 = vector.shape_cast %get3A_1541 : vector<16xf32> to vector<16xf32>
          %add3A_1543 = arith.addf %get3A_1535, %get3A_1542 : vector<16xf32>
          %add3A_1544 = arith.constant 96 : i32
          %add3A_1545 = arith.addi %mul3A_1416, %add3A_1544 : i32
          %swap3A_1546 = arith.index_cast %add3A_1545 : i32 to index
          %swap3A_1547 = tpu.vector_load %arg8[%swap3A_1546] {strides = array<i32>} : memref<65536xf32, #tpu.memory_space<vmem>>, vector<16xf32>,
          %swap3A_1548 = vector.shape_cast %swap3A_1547 : vector<16xf32> to vector<16xf32>
          %swap3A_1549 = vector.shape_cast %add3A_1543 : vector<16xf32> to vector<16xf32>
          tpu.vector_store %arg8[%swap3A_1546], %swap3A_1549 {strides = array<i32>} : memref<65536xf32, #tpu.memory_space<vmem>>, vector<16xf32>,
          %add3A_1550 = arith.constant 112 : i32
          %add3A_1551 = arith.addi %mul3A_1416, %add3A_1550 : i32
          %get3A_1552 = arith.index_cast %add3A_1551 : i32 to index
          %get3A_1553 = tpu.vector_load %arg8[%get3A_1552] {strides = array<i32>} : memref<65536xf32, #tpu.memory_space<vmem>>, vector<16xf32>,
          %get3A_1554 = vector.shape_cast %get3A_1553 : vector<16xf32> to vector<16xf32>
          %add3A_1555 = arith.constant 896 : i32
          %add3A_1556 = arith.addi %add3A_229, %add3A_1555 : i32
          %add3A_1557 = arith.constant 112 : i32
          %add3A_1558 = arith.addi %add3A_1556, %add3A_1557 : i32
          %get3A_1559 = arith.index_cast %add3A_1558 : i32 to index
          %get3A_1560 = tpu.vector_load %arg7[%get3A_1559] {strides = array<i32>} : memref<49152xf32, #tpu.memory_space<vmem>>, vector<16xf32>,
          %get3A_1561 = vector.shape_cast %get3A_1560 : vector<16xf32> to vector<16xf32>
          %add3A_1562 = arith.addf %get3A_1554, %get3A_1561 : vector<16xf32>
          %add3A_1563 = arith.constant 112 : i32
          %add3A_1564 = arith.addi %mul3A_1416, %add3A_1563 : i32
          %swap3A_1565 = arith.index_cast %add3A_1564 : i32 to index
          %swap3A_1566 = tpu.vector_load %arg8[%swap3A_1565] {strides = array<i32>} : memref<65536xf32, #tpu.memory_space<vmem>>, vector<16xf32>,
          %swap3A_1567 = vector.shape_cast %swap3A_1566 : vector<16xf32> to vector<16xf32>
          %swap3A_1568 = vector.shape_cast %add3A_1562 : vector<16xf32> to vector<16xf32>
          tpu.vector_store %arg8[%swap3A_1565], %swap3A_1568 {strides = array<i32>} : memref<65536xf32, #tpu.memory_space<vmem>>, vector<16xf32>,
          %mul3A_1569 = arith.constant 16 : i32
          %mul3A_1570 = arith.muli %squeeze3A_1414, %mul3A_1569 : i32
          %get3A_1571 = arith.index_cast %mul3A_1570 : i32 to index
          %get3A_1572 = tpu.vector_load %arg9[%get3A_1571] {strides = array<i32>} : memref<8192xf32, #tpu.memory_space<vmem>>, vector<16xf32>,
          %get3A_1573 = vector.shape_cast %get3A_1572 : vector<16xf32> to vector<16xf32>
          %add3A_1574 = arith.addf %get3A_1573, %broadcast_in_dim3A_15 : vector<16xf32>
          %mul3A_1575 = arith.constant 16 : i32
          %mul3A_1576 = arith.muli %squeeze3A_1414, %mul3A_1575 : i32
          %swap3A_1577 = arith.index_cast %mul3A_1576 : i32 to index
          %swap3A_1578 = tpu.vector_load %arg9[%swap3A_1577] {strides = array<i32>} : memref<8192xf32, #tpu.memory_space<vmem>>, vector<16xf32>,
          %swap3A_1579 = vector.shape_cast %swap3A_1578 : vector<16xf32> to vector<16xf32>
          %swap3A_1580 = vector.shape_cast %add3A_1574 : vector<16xf32> to vector<16xf32>
          tpu.vector_store %arg9[%swap3A_1577], %swap3A_1580 {strides = array<i32>} : memref<8192xf32, #tpu.memory_space<vmem>>, vector<16xf32>,
          %slice3A_1581 = vector.extract_strided_slice %get3A_222 {offsets = [8], sizes = [1], strides = [1]} : vector<16xi32> to vector<1xi32>
          %squeeze3A_1582 = vector.extract %slice3A_1581[0] : i32 from vector<1xi32>
          %mul3A_1583 = arith.constant 128 : i32
          %mul3A_1584 = arith.muli %squeeze3A_1582, %mul3A_1583 : i32
          %add3A_1585 = arith.constant 0 : i32
          %add3A_1586 = arith.addi %mul3A_1584, %add3A_1585 : i32
          %get3A_1587 = arith.index_cast %add3A_1586 : i32 to index
          %get3A_1588 = tpu.vector_load %arg8[%get3A_1587] {strides = array<i32>} : memref<65536xf32, #tpu.memory_space<vmem>>, vector<16xf32>,
          %get3A_1589 = vector.shape_cast %get3A_1588 : vector<16xf32> to vector<16xf32>
          %add3A_1590 = arith.constant 1024 : i32
          %add3A_1591 = arith.addi %add3A_229, %add3A_1590 : i32
          %add3A_1592 = arith.constant 0 : i32
          %add3A_1593 = arith.addi %add3A_1591, %add3A_1592 : i32
          %get3A_1594 = arith.index_cast %add3A_1593 : i32 to index
          %get3A_1595 = tpu.vector_load %arg7[%get3A_1594] {strides = array<i32>} : memref<49152xf32, #tpu.memory_space<vmem>>, vector<16xf32>,
          %get3A_1596 = vector.shape_cast %get3A_1595 : vector<16xf32> to vector<16xf32>
          %add3A_1597 = arith.addf %get3A_1589, %get3A_1596 : vector<16xf32>
          %add3A_1598 = arith.constant 0 : i32
          %add3A_1599 = arith.addi %mul3A_1584, %add3A_1598 : i32
          %swap3A_1600 = arith.index_cast %add3A_1599 : i32 to index
          %swap3A_1601 = tpu.vector_load %arg8[%swap3A_1600] {strides = array<i32>} : memref<65536xf32, #tpu.memory_space<vmem>>, vector<16xf32>,
          %swap3A_1602 = vector.shape_cast %swap3A_1601 : vector<16xf32> to vector<16xf32>
          %swap3A_1603 = vector.shape_cast %add3A_1597 : vector<16xf32> to vector<16xf32>
          tpu.vector_store %arg8[%swap3A_1600], %swap3A_1603 {strides = array<i32>} : memref<65536xf32, #tpu.memory_space<vmem>>, vector<16xf32>,
          %add3A_1604 = arith.constant 16 : i32
          %add3A_1605 = arith.addi %mul3A_1584, %add3A_1604 : i32
          %get3A_1606 = arith.index_cast %add3A_1605 : i32 to index
          %get3A_1607 = tpu.vector_load %arg8[%get3A_1606] {strides = array<i32>} : memref<65536xf32, #tpu.memory_space<vmem>>, vector<16xf32>,
          %get3A_1608 = vector.shape_cast %get3A_1607 : vector<16xf32> to vector<16xf32>
          %add3A_1609 = arith.constant 1024 : i32
          %add3A_1610 = arith.addi %add3A_229, %add3A_1609 : i32
          %add3A_1611 = arith.constant 16 : i32
          %add3A_1612 = arith.addi %add3A_1610, %add3A_1611 : i32
          %get3A_1613 = arith.index_cast %add3A_1612 : i32 to index
          %get3A_1614 = tpu.vector_load %arg7[%get3A_1613] {strides = array<i32>} : memref<49152xf32, #tpu.memory_space<vmem>>, vector<16xf32>,
          %get3A_1615 = vector.shape_cast %get3A_1614 : vector<16xf32> to vector<16xf32>
          %add3A_1616 = arith.addf %get3A_1608, %get3A_1615 : vector<16xf32>
          %add3A_1617 = arith.constant 16 : i32
          %add3A_1618 = arith.addi %mul3A_1584, %add3A_1617 : i32
          %swap3A_1619 = arith.index_cast %add3A_1618 : i32 to index
          %swap3A_1620 = tpu.vector_load %arg8[%swap3A_1619] {strides = array<i32>} : memref<65536xf32, #tpu.memory_space<vmem>>, vector<16xf32>,
          %swap3A_1621 = vector.shape_cast %swap3A_1620 : vector<16xf32> to vector<16xf32>
          %swap3A_1622 = vector.shape_cast %add3A_1616 : vector<16xf32> to vector<16xf32>
          tpu.vector_store %arg8[%swap3A_1619], %swap3A_1622 {strides = array<i32>} : memref<65536xf32, #tpu.memory_space<vmem>>, vector<16xf32>,
          %add3A_1623 = arith.constant 32 : i32
          %add3A_1624 = arith.addi %mul3A_1584, %add3A_1623 : i32
          %get3A_1625 = arith.index_cast %add3A_1624 : i32 to index
          %get3A_1626 = tpu.vector_load %arg8[%get3A_1625] {strides = array<i32>} : memref<65536xf32, #tpu.memory_space<vmem>>, vector<16xf32>,
          %get3A_1627 = vector.shape_cast %get3A_1626 : vector<16xf32> to vector<16xf32>
          %add3A_1628 = arith.constant 1024 : i32
          %add3A_1629 = arith.addi %add3A_229, %add3A_1628 : i32
          %add3A_1630 = arith.constant 32 : i32
          %add3A_1631 = arith.addi %add3A_1629, %add3A_1630 : i32
          %get3A_1632 = arith.index_cast %add3A_1631 : i32 to index
          %get3A_1633 = tpu.vector_load %arg7[%get3A_1632] {strides = array<i32>} : memref<49152xf32, #tpu.memory_space<vmem>>, vector<16xf32>,
          %get3A_1634 = vector.shape_cast %get3A_1633 : vector<16xf32> to vector<16xf32>
          %add3A_1635 = arith.addf %get3A_1627, %get3A_1634 : vector<16xf32>
          %add3A_1636 = arith.constant 32 : i32
          %add3A_1637 = arith.addi %mul3A_1584, %add3A_1636 : i32
          %swap3A_1638 = arith.index_cast %add3A_1637 : i32 to index
          %swap3A_1639 = tpu.vector_load %arg8[%swap3A_1638] {strides = array<i32>} : memref<65536xf32, #tpu.memory_space<vmem>>, vector<16xf32>,
          %swap3A_1640 = vector.shape_cast %swap3A_1639 : vector<16xf32> to vector<16xf32>
          %swap3A_1641 = vector.shape_cast %add3A_1635 : vector<16xf32> to vector<16xf32>
          tpu.vector_store %arg8[%swap3A_1638], %swap3A_1641 {strides = array<i32>} : memref<65536xf32, #tpu.memory_space<vmem>>, vector<16xf32>,
          %add3A_1642 = arith.constant 48 : i32
          %add3A_1643 = arith.addi %mul3A_1584, %add3A_1642 : i32
          %get3A_1644 = arith.index_cast %add3A_1643 : i32 to index
          %get3A_1645 = tpu.vector_load %arg8[%get3A_1644] {strides = array<i32>} : memref<65536xf32, #tpu.memory_space<vmem>>, vector<16xf32>,
          %get3A_1646 = vector.shape_cast %get3A_1645 : vector<16xf32> to vector<16xf32>
          %add3A_1647 = arith.constant 1024 : i32
          %add3A_1648 = arith.addi %add3A_229, %add3A_1647 : i32
          %add3A_1649 = arith.constant 48 : i32
          %add3A_1650 = arith.addi %add3A_1648, %add3A_1649 : i32
          %get3A_1651 = arith.index_cast %add3A_1650 : i32 to index
          %get3A_1652 = tpu.vector_load %arg7[%get3A_1651] {strides = array<i32>} : memref<49152xf32, #tpu.memory_space<vmem>>, vector<16xf32>,
          %get3A_1653 = vector.shape_cast %get3A_1652 : vector<16xf32> to vector<16xf32>
          %add3A_1654 = arith.addf %get3A_1646, %get3A_1653 : vector<16xf32>
          %add3A_1655 = arith.constant 48 : i32
          %add3A_1656 = arith.addi %mul3A_1584, %add3A_1655 : i32
          %swap3A_1657 = arith.index_cast %add3A_1656 : i32 to index
          %swap3A_1658 = tpu.vector_load %arg8[%swap3A_1657] {strides = array<i32>} : memref<65536xf32, #tpu.memory_space<vmem>>, vector<16xf32>,
          %swap3A_1659 = vector.shape_cast %swap3A_1658 : vector<16xf32> to vector<16xf32>
          %swap3A_1660 = vector.shape_cast %add3A_1654 : vector<16xf32> to vector<16xf32>
          tpu.vector_store %arg8[%swap3A_1657], %swap3A_1660 {strides = array<i32>} : memref<65536xf32, #tpu.memory_space<vmem>>, vector<16xf32>,
          %add3A_1661 = arith.constant 64 : i32
          %add3A_1662 = arith.addi %mul3A_1584, %add3A_1661 : i32
          %get3A_1663 = arith.index_cast %add3A_1662 : i32 to index
          %get3A_1664 = tpu.vector_load %arg8[%get3A_1663] {strides = array<i32>} : memref<65536xf32, #tpu.memory_space<vmem>>, vector<16xf32>,
          %get3A_1665 = vector.shape_cast %get3A_1664 : vector<16xf32> to vector<16xf32>
          %add3A_1666 = arith.constant 1024 : i32
          %add3A_1667 = arith.addi %add3A_229, %add3A_1666 : i32
          %add3A_1668 = arith.constant 64 : i32
          %add3A_1669 = arith.addi %add3A_1667, %add3A_1668 : i32
          %get3A_1670 = arith.index_cast %add3A_1669 : i32 to index
          %get3A_1671 = tpu.vector_load %arg7[%get3A_1670] {strides = array<i32>} : memref<49152xf32, #tpu.memory_space<vmem>>, vector<16xf32>,
          %get3A_1672 = vector.shape_cast %get3A_1671 : vector<16xf32> to vector<16xf32>
          %add3A_1673 = arith.addf %get3A_1665, %get3A_1672 : vector<16xf32>
          %add3A_1674 = arith.constant 64 : i32
          %add3A_1675 = arith.addi %mul3A_1584, %add3A_1674 : i32
          %swap3A_1676 = arith.index_cast %add3A_1675 : i32 to index
          %swap3A_1677 = tpu.vector_load %arg8[%swap3A_1676] {strides = array<i32>} : memref<65536xf32, #tpu.memory_space<vmem>>, vector<16xf32>,
          %swap3A_1678 = vector.shape_cast %swap3A_1677 : vector<16xf32> to vector<16xf32>
          %swap3A_1679 = vector.shape_cast %add3A_1673 : vector<16xf32> to vector<16xf32>
          tpu.vector_store %arg8[%swap3A_1676], %swap3A_1679 {strides = array<i32>} : memref<65536xf32, #tpu.memory_space<vmem>>, vector<16xf32>,
          %add3A_1680 = arith.constant 80 : i32
          %add3A_1681 = arith.addi %mul3A_1584, %add3A_1680 : i32
          %get3A_1682 = arith.index_cast %add3A_1681 : i32 to index
          %get3A_1683 = tpu.vector_load %arg8[%get3A_1682] {strides = array<i32>} : memref<65536xf32, #tpu.memory_space<vmem>>, vector<16xf32>,
          %get3A_1684 = vector.shape_cast %get3A_1683 : vector<16xf32> to vector<16xf32>
          %add3A_1685 = arith.constant 1024 : i32
          %add3A_1686 = arith.addi %add3A_229, %add3A_1685 : i32
          %add3A_1687 = arith.constant 80 : i32
          %add3A_1688 = arith.addi %add3A_1686, %add3A_1687 : i32
          %get3A_1689 = arith.index_cast %add3A_1688 : i32 to index
          %get3A_1690 = tpu.vector_load %arg7[%get3A_1689] {strides = array<i32>} : memref<49152xf32, #tpu.memory_space<vmem>>, vector<16xf32>,
          %get3A_1691 = vector.shape_cast %get3A_1690 : vector<16xf32> to vector<16xf32>
          %add3A_1692 = arith.addf %get3A_1684, %get3A_1691 : vector<16xf32>
          %add3A_1693 = arith.constant 80 : i32
          %add3A_1694 = arith.addi %mul3A_1584, %add3A_1693 : i32
          %swap3A_1695 = arith.index_cast %add3A_1694 : i32 to index
          %swap3A_1696 = tpu.vector_load %arg8[%swap3A_1695] {strides = array<i32>} : memref<65536xf32, #tpu.memory_space<vmem>>, vector<16xf32>,
          %swap3A_1697 = vector.shape_cast %swap3A_1696 : vector<16xf32> to vector<16xf32>
          %swap3A_1698 = vector.shape_cast %add3A_1692 : vector<16xf32> to vector<16xf32>
          tpu.vector_store %arg8[%swap3A_1695], %swap3A_1698 {strides = array<i32>} : memref<65536xf32, #tpu.memory_space<vmem>>, vector<16xf32>,
          %add3A_1699 = arith.constant 96 : i32
          %add3A_1700 = arith.addi %mul3A_1584, %add3A_1699 : i32
          %get3A_1701 = arith.index_cast %add3A_1700 : i32 to index
          %get3A_1702 = tpu.vector_load %arg8[%get3A_1701] {strides = array<i32>} : memref<65536xf32, #tpu.memory_space<vmem>>, vector<16xf32>,
          %get3A_1703 = vector.shape_cast %get3A_1702 : vector<16xf32> to vector<16xf32>
          %add3A_1704 = arith.constant 1024 : i32
          %add3A_1705 = arith.addi %add3A_229, %add3A_1704 : i32
          %add3A_1706 = arith.constant 96 : i32
          %add3A_1707 = arith.addi %add3A_1705, %add3A_1706 : i32
          %get3A_1708 = arith.index_cast %add3A_1707 : i32 to index
          %get3A_1709 = tpu.vector_load %arg7[%get3A_1708] {strides = array<i32>} : memref<49152xf32, #tpu.memory_space<vmem>>, vector<16xf32>,
          %get3A_1710 = vector.shape_cast %get3A_1709 : vector<16xf32> to vector<16xf32>
          %add3A_1711 = arith.addf %get3A_1703, %get3A_1710 : vector<16xf32>
          %add3A_1712 = arith.constant 96 : i32
          %add3A_1713 = arith.addi %mul3A_1584, %add3A_1712 : i32
          %swap3A_1714 = arith.index_cast %add3A_1713 : i32 to index
          %swap3A_1715 = tpu.vector_load %arg8[%swap3A_1714] {strides = array<i32>} : memref<65536xf32, #tpu.memory_space<vmem>>, vector<16xf32>,
          %swap3A_1716 = vector.shape_cast %swap3A_1715 : vector<16xf32> to vector<16xf32>
          %swap3A_1717 = vector.shape_cast %add3A_1711 : vector<16xf32> to vector<16xf32>
          tpu.vector_store %arg8[%swap3A_1714], %swap3A_1717 {strides = array<i32>} : memref<65536xf32, #tpu.memory_space<vmem>>, vector<16xf32>,
          %add3A_1718 = arith.constant 112 : i32
          %add3A_1719 = arith.addi %mul3A_1584, %add3A_1718 : i32
          %get3A_1720 = arith.index_cast %add3A_1719 : i32 to index
          %get3A_1721 = tpu.vector_load %arg8[%get3A_1720] {strides = array<i32>} : memref<65536xf32, #tpu.memory_space<vmem>>, vector<16xf32>,
          %get3A_1722 = vector.shape_cast %get3A_1721 : vector<16xf32> to vector<16xf32>
          %add3A_1723 = arith.constant 1024 : i32
          %add3A_1724 = arith.addi %add3A_229, %add3A_1723 : i32
          %add3A_1725 = arith.constant 112 : i32
          %add3A_1726 = arith.addi %add3A_1724, %add3A_1725 : i32
          %get3A_1727 = arith.index_cast %add3A_1726 : i32 to index
          %get3A_1728 = tpu.vector_load %arg7[%get3A_1727] {strides = array<i32>} : memref<49152xf32, #tpu.memory_space<vmem>>, vector<16xf32>,
          %get3A_1729 = vector.shape_cast %get3A_1728 : vector<16xf32> to vector<16xf32>
          %add3A_1730 = arith.addf %get3A_1722, %get3A_1729 : vector<16xf32>
          %add3A_1731 = arith.constant 112 : i32
          %add3A_1732 = arith.addi %mul3A_1584, %add3A_1731 : i32
          %swap3A_1733 = arith.index_cast %add3A_1732 : i32 to index
          %swap3A_1734 = tpu.vector_load %arg8[%swap3A_1733] {strides = array<i32>} : memref<65536xf32, #tpu.memory_space<vmem>>, vector<16xf32>,
          %swap3A_1735 = vector.shape_cast %swap3A_1734 : vector<16xf32> to vector<16xf32>
          %swap3A_1736 = vector.shape_cast %add3A_1730 : vector<16xf32> to vector<16xf32>
          tpu.vector_store %arg8[%swap3A_1733], %swap3A_1736 {strides = array<i32>} : memref<65536xf32, #tpu.memory_space<vmem>>, vector<16xf32>,
          %mul3A_1737 = arith.constant 16 : i32
          %mul3A_1738 = arith.muli %squeeze3A_1582, %mul3A_1737 : i32
          %get3A_1739 = arith.index_cast %mul3A_1738 : i32 to index
          %get3A_1740 = tpu.vector_load %arg9[%get3A_1739] {strides = array<i32>} : memref<8192xf32, #tpu.memory_space<vmem>>, vector<16xf32>,
          %get3A_1741 = vector.shape_cast %get3A_1740 : vector<16xf32> to vector<16xf32>
          %add3A_1742 = arith.addf %get3A_1741, %broadcast_in_dim3A_15 : vector<16xf32>
          %mul3A_1743 = arith.constant 16 : i32
          %mul3A_1744 = arith.muli %squeeze3A_1582, %mul3A_1743 : i32
          %swap3A_1745 = arith.index_cast %mul3A_1744 : i32 to index
          %swap3A_1746 = tpu.vector_load %arg9[%swap3A_1745] {strides = array<i32>} : memref<8192xf32, #tpu.memory_space<vmem>>, vector<16xf32>,
          %swap3A_1747 = vector.shape_cast %swap3A_1746 : vector<16xf32> to vector<16xf32>
          %swap3A_1748 = vector.shape_cast %add3A_1742 : vector<16xf32> to vector<16xf32>
          tpu.vector_store %arg9[%swap3A_1745], %swap3A_1748 {strides = array<i32>} : memref<8192xf32, #tpu.memory_space<vmem>>, vector<16xf32>,
          %slice3A_1749 = vector.extract_strided_slice %get3A_222 {offsets = [9], sizes = [1], strides = [1]} : vector<16xi32> to vector<1xi32>
          %squeeze3A_1750 = vector.extract %slice3A_1749[0] : i32 from vector<1xi32>
          %mul3A_1751 = arith.constant 128 : i32
          %mul3A_1752 = arith.muli %squeeze3A_1750, %mul3A_1751 : i32
          %add3A_1753 = arith.constant 0 : i32
          %add3A_1754 = arith.addi %mul3A_1752, %add3A_1753 : i32
          %get3A_1755 = arith.index_cast %add3A_1754 : i32 to index
          %get3A_1756 = tpu.vector_load %arg8[%get3A_1755] {strides = array<i32>} : memref<65536xf32, #tpu.memory_space<vmem>>, vector<16xf32>,
          %get3A_1757 = vector.shape_cast %get3A_1756 : vector<16xf32> to vector<16xf32>
          %add3A_1758 = arith.constant 1152 : i32
          %add3A_1759 = arith.addi %add3A_229, %add3A_1758 : i32
          %add3A_1760 = arith.constant 0 : i32
          %add3A_1761 = arith.addi %add3A_1759, %add3A_1760 : i32
          %get3A_1762 = arith.index_cast %add3A_1761 : i32 to index
          %get3A_1763 = tpu.vector_load %arg7[%get3A_1762] {strides = array<i32>} : memref<49152xf32, #tpu.memory_space<vmem>>, vector<16xf32>,
          %get3A_1764 = vector.shape_cast %get3A_1763 : vector<16xf32> to vector<16xf32>
          %add3A_1765 = arith.addf %get3A_1757, %get3A_1764 : vector<16xf32>
          %add3A_1766 = arith.constant 0 : i32
          %add3A_1767 = arith.addi %mul3A_1752, %add3A_1766 : i32
          %swap3A_1768 = arith.index_cast %add3A_1767 : i32 to index
          %swap3A_1769 = tpu.vector_load %arg8[%swap3A_1768] {strides = array<i32>} : memref<65536xf32, #tpu.memory_space<vmem>>, vector<16xf32>,
          %swap3A_1770 = vector.shape_cast %swap3A_1769 : vector<16xf32> to vector<16xf32>
          %swap3A_1771 = vector.shape_cast %add3A_1765 : vector<16xf32> to vector<16xf32>
          tpu.vector_store %arg8[%swap3A_1768], %swap3A_1771 {strides = array<i32>} : memref<65536xf32, #tpu.memory_space<vmem>>, vector<16xf32>,
          %add3A_1772 = arith.constant 16 : i32
          %add3A_1773 = arith.addi %mul3A_1752, %add3A_1772 : i32
          %get3A_1774 = arith.index_cast %add3A_1773 : i32 to index
          %get3A_1775 = tpu.vector_load %arg8[%get3A_1774] {strides = array<i32>} : memref<65536xf32, #tpu.memory_space<vmem>>, vector<16xf32>,
          %get3A_1776 = vector.shape_cast %get3A_1775 : vector<16xf32> to vector<16xf32>
          %add3A_1777 = arith.constant 1152 : i32
          %add3A_1778 = arith.addi %add3A_229, %add3A_1777 : i32
          %add3A_1779 = arith.constant 16 : i32
          %add3A_1780 = arith.addi %add3A_1778, %add3A_1779 : i32
          %get3A_1781 = arith.index_cast %add3A_1780 : i32 to index
          %get3A_1782 = tpu.vector_load %arg7[%get3A_1781] {strides = array<i32>} : memref<49152xf32, #tpu.memory_space<vmem>>, vector<16xf32>,
          %get3A_1783 = vector.shape_cast %get3A_1782 : vector<16xf32> to vector<16xf32>
          %add3A_1784 = arith.addf %get3A_1776, %get3A_1783 : vector<16xf32>
          %add3A_1785 = arith.constant 16 : i32
          %add3A_1786 = arith.addi %mul3A_1752, %add3A_1785 : i32
          %swap3A_1787 = arith.index_cast %add3A_1786 : i32 to index
          %swap3A_1788 = tpu.vector_load %arg8[%swap3A_1787] {strides = array<i32>} : memref<65536xf32, #tpu.memory_space<vmem>>, vector<16xf32>,
          %swap3A_1789 = vector.shape_cast %swap3A_1788 : vector<16xf32> to vector<16xf32>
          %swap3A_1790 = vector.shape_cast %add3A_1784 : vector<16xf32> to vector<16xf32>
          tpu.vector_store %arg8[%swap3A_1787], %swap3A_1790 {strides = array<i32>} : memref<65536xf32, #tpu.memory_space<vmem>>, vector<16xf32>,
          %add3A_1791 = arith.constant 32 : i32
          %add3A_1792 = arith.addi %mul3A_1752, %add3A_1791 : i32
          %get3A_1793 = arith.index_cast %add3A_1792 : i32 to index
          %get3A_1794 = tpu.vector_load %arg8[%get3A_1793] {strides = array<i32>} : memref<65536xf32, #tpu.memory_space<vmem>>, vector<16xf32>,
          %get3A_1795 = vector.shape_cast %get3A_1794 : vector<16xf32> to vector<16xf32>
          %add3A_1796 = arith.constant 1152 : i32
          %add3A_1797 = arith.addi %add3A_229, %add3A_1796 : i32
          %add3A_1798 = arith.constant 32 : i32
          %add3A_1799 = arith.addi %add3A_1797, %add3A_1798 : i32
          %get3A_1800 = arith.index_cast %add3A_1799 : i32 to index
          %get3A_1801 = tpu.vector_load %arg7[%get3A_1800] {strides = array<i32>} : memref<49152xf32, #tpu.memory_space<vmem>>, vector<16xf32>,
          %get3A_1802 = vector.shape_cast %get3A_1801 : vector<16xf32> to vector<16xf32>
          %add3A_1803 = arith.addf %get3A_1795, %get3A_1802 : vector<16xf32>
          %add3A_1804 = arith.constant 32 : i32
          %add3A_1805 = arith.addi %mul3A_1752, %add3A_1804 : i32
          %swap3A_1806 = arith.index_cast %add3A_1805 : i32 to index
          %swap3A_1807 = tpu.vector_load %arg8[%swap3A_1806] {strides = array<i32>} : memref<65536xf32, #tpu.memory_space<vmem>>, vector<16xf32>,
          %swap3A_1808 = vector.shape_cast %swap3A_1807 : vector<16xf32> to vector<16xf32>
          %swap3A_1809 = vector.shape_cast %add3A_1803 : vector<16xf32> to vector<16xf32>
          tpu.vector_store %arg8[%swap3A_1806], %swap3A_1809 {strides = array<i32>} : memref<65536xf32, #tpu.memory_space<vmem>>, vector<16xf32>,
          %add3A_1810 = arith.constant 48 : i32
          %add3A_1811 = arith.addi %mul3A_1752, %add3A_1810 : i32
          %get3A_1812 = arith.index_cast %add3A_1811 : i32 to index
          %get3A_1813 = tpu.vector_load %arg8[%get3A_1812] {strides = array<i32>} : memref<65536xf32, #tpu.memory_space<vmem>>, vector<16xf32>,
          %get3A_1814 = vector.shape_cast %get3A_1813 : vector<16xf32> to vector<16xf32>
          %add3A_1815 = arith.constant 1152 : i32
          %add3A_1816 = arith.addi %add3A_229, %add3A_1815 : i32
          %add3A_1817 = arith.constant 48 : i32
          %add3A_1818 = arith.addi %add3A_1816, %add3A_1817 : i32
          %get3A_1819 = arith.index_cast %add3A_1818 : i32 to index
          %get3A_1820 = tpu.vector_load %arg7[%get3A_1819] {strides = array<i32>} : memref<49152xf32, #tpu.memory_space<vmem>>, vector<16xf32>,
          %get3A_1821 = vector.shape_cast %get3A_1820 : vector<16xf32> to vector<16xf32>
          %add3A_1822 = arith.addf %get3A_1814, %get3A_1821 : vector<16xf32>
          %add3A_1823 = arith.constant 48 : i32
          %add3A_1824 = arith.addi %mul3A_1752, %add3A_1823 : i32
          %swap3A_1825 = arith.index_cast %add3A_1824 : i32 to index
          %swap3A_1826 = tpu.vector_load %arg8[%swap3A_1825] {strides = array<i32>} : memref<65536xf32, #tpu.memory_space<vmem>>, vector<16xf32>,
          %swap3A_1827 = vector.shape_cast %swap3A_1826 : vector<16xf32> to vector<16xf32>
          %swap3A_1828 = vector.shape_cast %add3A_1822 : vector<16xf32> to vector<16xf32>
          tpu.vector_store %arg8[%swap3A_1825], %swap3A_1828 {strides = array<i32>} : memref<65536xf32, #tpu.memory_space<vmem>>, vector<16xf32>,
          %add3A_1829 = arith.constant 64 : i32
          %add3A_1830 = arith.addi %mul3A_1752, %add3A_1829 : i32
          %get3A_1831 = arith.index_cast %add3A_1830 : i32 to index
          %get3A_1832 = tpu.vector_load %arg8[%get3A_1831] {strides = array<i32>} : memref<65536xf32, #tpu.memory_space<vmem>>, vector<16xf32>,
          %get3A_1833 = vector.shape_cast %get3A_1832 : vector<16xf32> to vector<16xf32>
          %add3A_1834 = arith.constant 1152 : i32
          %add3A_1835 = arith.addi %add3A_229, %add3A_1834 : i32
          %add3A_1836 = arith.constant 64 : i32
          %add3A_1837 = arith.addi %add3A_1835, %add3A_1836 : i32
          %get3A_1838 = arith.index_cast %add3A_1837 : i32 to index
          %get3A_1839 = tpu.vector_load %arg7[%get3A_1838] {strides = array<i32>} : memref<49152xf32, #tpu.memory_space<vmem>>, vector<16xf32>,
          %get3A_1840 = vector.shape_cast %get3A_1839 : vector<16xf32> to vector<16xf32>
          %add3A_1841 = arith.addf %get3A_1833, %get3A_1840 : vector<16xf32>
          %add3A_1842 = arith.constant 64 : i32
          %add3A_1843 = arith.addi %mul3A_1752, %add3A_1842 : i32
          %swap3A_1844 = arith.index_cast %add3A_1843 : i32 to index
          %swap3A_1845 = tpu.vector_load %arg8[%swap3A_1844] {strides = array<i32>} : memref<65536xf32, #tpu.memory_space<vmem>>, vector<16xf32>,
          %swap3A_1846 = vector.shape_cast %swap3A_1845 : vector<16xf32> to vector<16xf32>
          %swap3A_1847 = vector.shape_cast %add3A_1841 : vector<16xf32> to vector<16xf32>
          tpu.vector_store %arg8[%swap3A_1844], %swap3A_1847 {strides = array<i32>} : memref<65536xf32, #tpu.memory_space<vmem>>, vector<16xf32>,
          %add3A_1848 = arith.constant 80 : i32
          %add3A_1849 = arith.addi %mul3A_1752, %add3A_1848 : i32
          %get3A_1850 = arith.index_cast %add3A_1849 : i32 to index
          %get3A_1851 = tpu.vector_load %arg8[%get3A_1850] {strides = array<i32>} : memref<65536xf32, #tpu.memory_space<vmem>>, vector<16xf32>,
          %get3A_1852 = vector.shape_cast %get3A_1851 : vector<16xf32> to vector<16xf32>
          %add3A_1853 = arith.constant 1152 : i32
          %add3A_1854 = arith.addi %add3A_229, %add3A_1853 : i32
          %add3A_1855 = arith.constant 80 : i32
          %add3A_1856 = arith.addi %add3A_1854, %add3A_1855 : i32
          %get3A_1857 = arith.index_cast %add3A_1856 : i32 to index
          %get3A_1858 = tpu.vector_load %arg7[%get3A_1857] {strides = array<i32>} : memref<49152xf32, #tpu.memory_space<vmem>>, vector<16xf32>,
          %get3A_1859 = vector.shape_cast %get3A_1858 : vector<16xf32> to vector<16xf32>
          %add3A_1860 = arith.addf %get3A_1852, %get3A_1859 : vector<16xf32>
          %add3A_1861 = arith.constant 80 : i32
          %add3A_1862 = arith.addi %mul3A_1752, %add3A_1861 : i32
          %swap3A_1863 = arith.index_cast %add3A_1862 : i32 to index
          %swap3A_1864 = tpu.vector_load %arg8[%swap3A_1863] {strides = array<i32>} : memref<65536xf32, #tpu.memory_space<vmem>>, vector<16xf32>,
          %swap3A_1865 = vector.shape_cast %swap3A_1864 : vector<16xf32> to vector<16xf32>
          %swap3A_1866 = vector.shape_cast %add3A_1860 : vector<16xf32> to vector<16xf32>
          tpu.vector_store %arg8[%swap3A_1863], %swap3A_1866 {strides = array<i32>} : memref<65536xf32, #tpu.memory_space<vmem>>, vector<16xf32>,
          %add3A_1867 = arith.constant 96 : i32
          %add3A_1868 = arith.addi %mul3A_1752, %add3A_1867 : i32
          %get3A_1869 = arith.index_cast %add3A_1868 : i32 to index
          %get3A_1870 = tpu.vector_load %arg8[%get3A_1869] {strides = array<i32>} : memref<65536xf32, #tpu.memory_space<vmem>>, vector<16xf32>,
          %get3A_1871 = vector.shape_cast %get3A_1870 : vector<16xf32> to vector<16xf32>
          %add3A_1872 = arith.constant 1152 : i32
          %add3A_1873 = arith.addi %add3A_229, %add3A_1872 : i32
          %add3A_1874 = arith.constant 96 : i32
          %add3A_1875 = arith.addi %add3A_1873, %add3A_1874 : i32
          %get3A_1876 = arith.index_cast %add3A_1875 : i32 to index
          %get3A_1877 = tpu.vector_load %arg7[%get3A_1876] {strides = array<i32>} : memref<49152xf32, #tpu.memory_space<vmem>>, vector<16xf32>,
          %get3A_1878 = vector.shape_cast %get3A_1877 : vector<16xf32> to vector<16xf32>
          %add3A_1879 = arith.addf %get3A_1871, %get3A_1878 : vector<16xf32>
          %add3A_1880 = arith.constant 96 : i32
          %add3A_1881 = arith.addi %mul3A_1752, %add3A_1880 : i32
          %swap3A_1882 = arith.index_cast %add3A_1881 : i32 to index
          %swap3A_1883 = tpu.vector_load %arg8[%swap3A_1882] {strides = array<i32>} : memref<65536xf32, #tpu.memory_space<vmem>>, vector<16xf32>,
          %swap3A_1884 = vector.shape_cast %swap3A_1883 : vector<16xf32> to vector<16xf32>
          %swap3A_1885 = vector.shape_cast %add3A_1879 : vector<16xf32> to vector<16xf32>
          tpu.vector_store %arg8[%swap3A_1882], %swap3A_1885 {strides = array<i32>} : memref<65536xf32, #tpu.memory_space<vmem>>, vector<16xf32>,
          %add3A_1886 = arith.constant 112 : i32
          %add3A_1887 = arith.addi %mul3A_1752, %add3A_1886 : i32
          %get3A_1888 = arith.index_cast %add3A_1887 : i32 to index
          %get3A_1889 = tpu.vector_load %arg8[%get3A_1888] {strides = array<i32>} : memref<65536xf32, #tpu.memory_space<vmem>>, vector<16xf32>,
          %get3A_1890 = vector.shape_cast %get3A_1889 : vector<16xf32> to vector<16xf32>
          %add3A_1891 = arith.constant 1152 : i32
          %add3A_1892 = arith.addi %add3A_229, %add3A_1891 : i32
          %add3A_1893 = arith.constant 112 : i32
          %add3A_1894 = arith.addi %add3A_1892, %add3A_1893 : i32
          %get3A_1895 = arith.index_cast %add3A_1894 : i32 to index
          %get3A_1896 = tpu.vector_load %arg7[%get3A_1895] {strides = array<i32>} : memref<49152xf32, #tpu.memory_space<vmem>>, vector<16xf32>,
          %get3A_1897 = vector.shape_cast %get3A_1896 : vector<16xf32> to vector<16xf32>
          %add3A_1898 = arith.addf %get3A_1890, %get3A_1897 : vector<16xf32>
          %add3A_1899 = arith.constant 112 : i32
          %add3A_1900 = arith.addi %mul3A_1752, %add3A_1899 : i32
          %swap3A_1901 = arith.index_cast %add3A_1900 : i32 to index
          %swap3A_1902 = tpu.vector_load %arg8[%swap3A_1901] {strides = array<i32>} : memref<65536xf32, #tpu.memory_space<vmem>>, vector<16xf32>,
          %swap3A_1903 = vector.shape_cast %swap3A_1902 : vector<16xf32> to vector<16xf32>
          %swap3A_1904 = vector.shape_cast %add3A_1898 : vector<16xf32> to vector<16xf32>
          tpu.vector_store %arg8[%swap3A_1901], %swap3A_1904 {strides = array<i32>} : memref<65536xf32, #tpu.memory_space<vmem>>, vector<16xf32>,
          %mul3A_1905 = arith.constant 16 : i32
          %mul3A_1906 = arith.muli %squeeze3A_1750, %mul3A_1905 : i32
          %get3A_1907 = arith.index_cast %mul3A_1906 : i32 to index
          %get3A_1908 = tpu.vector_load %arg9[%get3A_1907] {strides = array<i32>} : memref<8192xf32, #tpu.memory_space<vmem>>, vector<16xf32>,
          %get3A_1909 = vector.shape_cast %get3A_1908 : vector<16xf32> to vector<16xf32>
          %add3A_1910 = arith.addf %get3A_1909, %broadcast_in_dim3A_15 : vector<16xf32>
          %mul3A_1911 = arith.constant 16 : i32
          %mul3A_1912 = arith.muli %squeeze3A_1750, %mul3A_1911 : i32
          %swap3A_1913 = arith.index_cast %mul3A_1912 : i32 to index
          %swap3A_1914 = tpu.vector_load %arg9[%swap3A_1913] {strides = array<i32>} : memref<8192xf32, #tpu.memory_space<vmem>>, vector<16xf32>,
          %swap3A_1915 = vector.shape_cast %swap3A_1914 : vector<16xf32> to vector<16xf32>
          %swap3A_1916 = vector.shape_cast %add3A_1910 : vector<16xf32> to vector<16xf32>
          tpu.vector_store %arg9[%swap3A_1913], %swap3A_1916 {strides = array<i32>} : memref<8192xf32, #tpu.memory_space<vmem>>, vector<16xf32>,
          %slice3A_1917 = vector.extract_strided_slice %get3A_222 {offsets = [10], sizes = [1], strides = [1]} : vector<16xi32> to vector<1xi32>
          %squeeze3A_1918 = vector.extract %slice3A_1917[0] : i32 from vector<1xi32>
          %mul3A_1919 = arith.constant 128 : i32
          %mul3A_1920 = arith.muli %squeeze3A_1918, %mul3A_1919 : i32
          %add3A_1921 = arith.constant 0 : i32
          %add3A_1922 = arith.addi %mul3A_1920, %add3A_1921 : i32
          %get3A_1923 = arith.index_cast %add3A_1922 : i32 to index
          %get3A_1924 = tpu.vector_load %arg8[%get3A_1923] {strides = array<i32>} : memref<65536xf32, #tpu.memory_space<vmem>>, vector<16xf32>,
          %get3A_1925 = vector.shape_cast %get3A_1924 : vector<16xf32> to vector<16xf32>
          %add3A_1926 = arith.constant 1280 : i32
          %add3A_1927 = arith.addi %add3A_229, %add3A_1926 : i32
          %add3A_1928 = arith.constant 0 : i32
          %add3A_1929 = arith.addi %add3A_1927, %add3A_1928 : i32
          %get3A_1930 = arith.index_cast %add3A_1929 : i32 to index
          %get3A_1931 = tpu.vector_load %arg7[%get3A_1930] {strides = array<i32>} : memref<49152xf32, #tpu.memory_space<vmem>>, vector<16xf32>,
          %get3A_1932 = vector.shape_cast %get3A_1931 : vector<16xf32> to vector<16xf32>
          %add3A_1933 = arith.addf %get3A_1925, %get3A_1932 : vector<16xf32>
          %add3A_1934 = arith.constant 0 : i32
          %add3A_1935 = arith.addi %mul3A_1920, %add3A_1934 : i32
          %swap3A_1936 = arith.index_cast %add3A_1935 : i32 to index
          %swap3A_1937 = tpu.vector_load %arg8[%swap3A_1936] {strides = array<i32>} : memref<65536xf32, #tpu.memory_space<vmem>>, vector<16xf32>,
          %swap3A_1938 = vector.shape_cast %swap3A_1937 : vector<16xf32> to vector<16xf32>
          %swap3A_1939 = vector.shape_cast %add3A_1933 : vector<16xf32> to vector<16xf32>
          tpu.vector_store %arg8[%swap3A_1936], %swap3A_1939 {strides = array<i32>} : memref<65536xf32, #tpu.memory_space<vmem>>, vector<16xf32>,
          %add3A_1940 = arith.constant 16 : i32
          %add3A_1941 = arith.addi %mul3A_1920, %add3A_1940 : i32
          %get3A_1942 = arith.index_cast %add3A_1941 : i32 to index
          %get3A_1943 = tpu.vector_load %arg8[%get3A_1942] {strides = array<i32>} : memref<65536xf32, #tpu.memory_space<vmem>>, vector<16xf32>,
          %get3A_1944 = vector.shape_cast %get3A_1943 : vector<16xf32> to vector<16xf32>
          %add3A_1945 = arith.constant 1280 : i32
          %add3A_1946 = arith.addi %add3A_229, %add3A_1945 : i32
          %add3A_1947 = arith.constant 16 : i32
          %add3A_1948 = arith.addi %add3A_1946, %add3A_1947 : i32
          %get3A_1949 = arith.index_cast %add3A_1948 : i32 to index
          %get3A_1950 = tpu.vector_load %arg7[%get3A_1949] {strides = array<i32>} : memref<49152xf32, #tpu.memory_space<vmem>>, vector<16xf32>,
          %get3A_1951 = vector.shape_cast %get3A_1950 : vector<16xf32> to vector<16xf32>
          %add3A_1952 = arith.addf %get3A_1944, %get3A_1951 : vector<16xf32>
          %add3A_1953 = arith.constant 16 : i32
          %add3A_1954 = arith.addi %mul3A_1920, %add3A_1953 : i32
          %swap3A_1955 = arith.index_cast %add3A_1954 : i32 to index
          %swap3A_1956 = tpu.vector_load %arg8[%swap3A_1955] {strides = array<i32>} : memref<65536xf32, #tpu.memory_space<vmem>>, vector<16xf32>,
          %swap3A_1957 = vector.shape_cast %swap3A_1956 : vector<16xf32> to vector<16xf32>
          %swap3A_1958 = vector.shape_cast %add3A_1952 : vector<16xf32> to vector<16xf32>
          tpu.vector_store %arg8[%swap3A_1955], %swap3A_1958 {strides = array<i32>} : memref<65536xf32, #tpu.memory_space<vmem>>, vector<16xf32>,
          %add3A_1959 = arith.constant 32 : i32
          %add3A_1960 = arith.addi %mul3A_1920, %add3A_1959 : i32
          %get3A_1961 = arith.index_cast %add3A_1960 : i32 to index
          %get3A_1962 = tpu.vector_load %arg8[%get3A_1961] {strides = array<i32>} : memref<65536xf32, #tpu.memory_space<vmem>>, vector<16xf32>,
          %get3A_1963 = vector.shape_cast %get3A_1962 : vector<16xf32> to vector<16xf32>
          %add3A_1964 = arith.constant 1280 : i32
          %add3A_1965 = arith.addi %add3A_229, %add3A_1964 : i32
          %add3A_1966 = arith.constant 32 : i32
          %add3A_1967 = arith.addi %add3A_1965, %add3A_1966 : i32
          %get3A_1968 = arith.index_cast %add3A_1967 : i32 to index
          %get3A_1969 = tpu.vector_load %arg7[%get3A_1968] {strides = array<i32>} : memref<49152xf32, #tpu.memory_space<vmem>>, vector<16xf32>,
          %get3A_1970 = vector.shape_cast %get3A_1969 : vector<16xf32> to vector<16xf32>
          %add3A_1971 = arith.addf %get3A_1963, %get3A_1970 : vector<16xf32>
          %add3A_1972 = arith.constant 32 : i32
          %add3A_1973 = arith.addi %mul3A_1920, %add3A_1972 : i32
          %swap3A_1974 = arith.index_cast %add3A_1973 : i32 to index
          %swap3A_1975 = tpu.vector_load %arg8[%swap3A_1974] {strides = array<i32>} : memref<65536xf32, #tpu.memory_space<vmem>>, vector<16xf32>,
          %swap3A_1976 = vector.shape_cast %swap3A_1975 : vector<16xf32> to vector<16xf32>
          %swap3A_1977 = vector.shape_cast %add3A_1971 : vector<16xf32> to vector<16xf32>
          tpu.vector_store %arg8[%swap3A_1974], %swap3A_1977 {strides = array<i32>} : memref<65536xf32, #tpu.memory_space<vmem>>, vector<16xf32>,
          %add3A_1978 = arith.constant 48 : i32
          %add3A_1979 = arith.addi %mul3A_1920, %add3A_1978 : i32
          %get3A_1980 = arith.index_cast %add3A_1979 : i32 to index
          %get3A_1981 = tpu.vector_load %arg8[%get3A_1980] {strides = array<i32>} : memref<65536xf32, #tpu.memory_space<vmem>>, vector<16xf32>,
          %get3A_1982 = vector.shape_cast %get3A_1981 : vector<16xf32> to vector<16xf32>
          %add3A_1983 = arith.constant 1280 : i32
          %add3A_1984 = arith.addi %add3A_229, %add3A_1983 : i32
          %add3A_1985 = arith.constant 48 : i32
          %add3A_1986 = arith.addi %add3A_1984, %add3A_1985 : i32
          %get3A_1987 = arith.index_cast %add3A_1986 : i32 to index
          %get3A_1988 = tpu.vector_load %arg7[%get3A_1987] {strides = array<i32>} : memref<49152xf32, #tpu.memory_space<vmem>>, vector<16xf32>,
          %get3A_1989 = vector.shape_cast %get3A_1988 : vector<16xf32> to vector<16xf32>
          %add3A_1990 = arith.addf %get3A_1982, %get3A_1989 : vector<16xf32>
          %add3A_1991 = arith.constant 48 : i32
          %add3A_1992 = arith.addi %mul3A_1920, %add3A_1991 : i32
          %swap3A_1993 = arith.index_cast %add3A_1992 : i32 to index
          %swap3A_1994 = tpu.vector_load %arg8[%swap3A_1993] {strides = array<i32>} : memref<65536xf32, #tpu.memory_space<vmem>>, vector<16xf32>,
          %swap3A_1995 = vector.shape_cast %swap3A_1994 : vector<16xf32> to vector<16xf32>
          %swap3A_1996 = vector.shape_cast %add3A_1990 : vector<16xf32> to vector<16xf32>
          tpu.vector_store %arg8[%swap3A_1993], %swap3A_1996 {strides = array<i32>} : memref<65536xf32, #tpu.memory_space<vmem>>, vector<16xf32>,
          %add3A_1997 = arith.constant 64 : i32
          %add3A_1998 = arith.addi %mul3A_1920, %add3A_1997 : i32
          %get3A_1999 = arith.index_cast %add3A_1998 : i32 to index
          %get3A_2000 = tpu.vector_load %arg8[%get3A_1999] {strides = array<i32>} : memref<65536xf32, #tpu.memory_space<vmem>>, vector<16xf32>,
          %get3A_2001 = vector.shape_cast %get3A_2000 : vector<16xf32> to vector<16xf32>
          %add3A_2002 = arith.constant 1280 : i32
          %add3A_2003 = arith.addi %add3A_229, %add3A_2002 : i32
          %add3A_2004 = arith.constant 64 : i32
          %add3A_2005 = arith.addi %add3A_2003, %add3A_2004 : i32
          %get3A_2006 = arith.index_cast %add3A_2005 : i32 to index
          %get3A_2007 = tpu.vector_load %arg7[%get3A_2006] {strides = array<i32>} : memref<49152xf32, #tpu.memory_space<vmem>>, vector<16xf32>,
          %get3A_2008 = vector.shape_cast %get3A_2007 : vector<16xf32> to vector<16xf32>
          %add3A_2009 = arith.addf %get3A_2001, %get3A_2008 : vector<16xf32>
          %add3A_2010 = arith.constant 64 : i32
          %add3A_2011 = arith.addi %mul3A_1920, %add3A_2010 : i32
          %swap3A_2012 = arith.index_cast %add3A_2011 : i32 to index
          %swap3A_2013 = tpu.vector_load %arg8[%swap3A_2012] {strides = array<i32>} : memref<65536xf32, #tpu.memory_space<vmem>>, vector<16xf32>,
          %swap3A_2014 = vector.shape_cast %swap3A_2013 : vector<16xf32> to vector<16xf32>
          %swap3A_2015 = vector.shape_cast %add3A_2009 : vector<16xf32> to vector<16xf32>
          tpu.vector_store %arg8[%swap3A_2012], %swap3A_2015 {strides = array<i32>} : memref<65536xf32, #tpu.memory_space<vmem>>, vector<16xf32>,
          %add3A_2016 = arith.constant 80 : i32
          %add3A_2017 = arith.addi %mul3A_1920, %add3A_2016 : i32
          %get3A_2018 = arith.index_cast %add3A_2017 : i32 to index
          %get3A_2019 = tpu.vector_load %arg8[%get3A_2018] {strides = array<i32>} : memref<65536xf32, #tpu.memory_space<vmem>>, vector<16xf32>,
          %get3A_2020 = vector.shape_cast %get3A_2019 : vector<16xf32> to vector<16xf32>
          %add3A_2021 = arith.constant 1280 : i32
          %add3A_2022 = arith.addi %add3A_229, %add3A_2021 : i32
          %add3A_2023 = arith.constant 80 : i32
          %add3A_2024 = arith.addi %add3A_2022, %add3A_2023 : i32
          %get3A_2025 = arith.index_cast %add3A_2024 : i32 to index
          %get3A_2026 = tpu.vector_load %arg7[%get3A_2025] {strides = array<i32>} : memref<49152xf32, #tpu.memory_space<vmem>>, vector<16xf32>,
          %get3A_2027 = vector.shape_cast %get3A_2026 : vector<16xf32> to vector<16xf32>
          %add3A_2028 = arith.addf %get3A_2020, %get3A_2027 : vector<16xf32>
          %add3A_2029 = arith.constant 80 : i32
          %add3A_2030 = arith.addi %mul3A_1920, %add3A_2029 : i32
          %swap3A_2031 = arith.index_cast %add3A_2030 : i32 to index
          %swap3A_2032 = tpu.vector_load %arg8[%swap3A_2031] {strides = array<i32>} : memref<65536xf32, #tpu.memory_space<vmem>>, vector<16xf32>,
          %swap3A_2033 = vector.shape_cast %swap3A_2032 : vector<16xf32> to vector<16xf32>
          %swap3A_2034 = vector.shape_cast %add3A_2028 : vector<16xf32> to vector<16xf32>
          tpu.vector_store %arg8[%swap3A_2031], %swap3A_2034 {strides = array<i32>} : memref<65536xf32, #tpu.memory_space<vmem>>, vector<16xf32>,
          %add3A_2035 = arith.constant 96 : i32
          %add3A_2036 = arith.addi %mul3A_1920, %add3A_2035 : i32
          %get3A_2037 = arith.index_cast %add3A_2036 : i32 to index
          %get3A_2038 = tpu.vector_load %arg8[%get3A_2037] {strides = array<i32>} : memref<65536xf32, #tpu.memory_space<vmem>>, vector<16xf32>,
          %get3A_2039 = vector.shape_cast %get3A_2038 : vector<16xf32> to vector<16xf32>
          %add3A_2040 = arith.constant 1280 : i32
          %add3A_2041 = arith.addi %add3A_229, %add3A_2040 : i32
          %add3A_2042 = arith.constant 96 : i32
          %add3A_2043 = arith.addi %add3A_2041, %add3A_2042 : i32
          %get3A_2044 = arith.index_cast %add3A_2043 : i32 to index
          %get3A_2045 = tpu.vector_load %arg7[%get3A_2044] {strides = array<i32>} : memref<49152xf32, #tpu.memory_space<vmem>>, vector<16xf32>,
          %get3A_2046 = vector.shape_cast %get3A_2045 : vector<16xf32> to vector<16xf32>
          %add3A_2047 = arith.addf %get3A_2039, %get3A_2046 : vector<16xf32>
          %add3A_2048 = arith.constant 96 : i32
          %add3A_2049 = arith.addi %mul3A_1920, %add3A_2048 : i32
          %swap3A_2050 = arith.index_cast %add3A_2049 : i32 to index
          %swap3A_2051 = tpu.vector_load %arg8[%swap3A_2050] {strides = array<i32>} : memref<65536xf32, #tpu.memory_space<vmem>>, vector<16xf32>,
          %swap3A_2052 = vector.shape_cast %swap3A_2051 : vector<16xf32> to vector<16xf32>
          %swap3A_2053 = vector.shape_cast %add3A_2047 : vector<16xf32> to vector<16xf32>
          tpu.vector_store %arg8[%swap3A_2050], %swap3A_2053 {strides = array<i32>} : memref<65536xf32, #tpu.memory_space<vmem>>, vector<16xf32>,
          %add3A_2054 = arith.constant 112 : i32
          %add3A_2055 = arith.addi %mul3A_1920, %add3A_2054 : i32
          %get3A_2056 = arith.index_cast %add3A_2055 : i32 to index
          %get3A_2057 = tpu.vector_load %arg8[%get3A_2056] {strides = array<i32>} : memref<65536xf32, #tpu.memory_space<vmem>>, vector<16xf32>,
          %get3A_2058 = vector.shape_cast %get3A_2057 : vector<16xf32> to vector<16xf32>
          %add3A_2059 = arith.constant 1280 : i32
          %add3A_2060 = arith.addi %add3A_229, %add3A_2059 : i32
          %add3A_2061 = arith.constant 112 : i32
          %add3A_2062 = arith.addi %add3A_2060, %add3A_2061 : i32
          %get3A_2063 = arith.index_cast %add3A_2062 : i32 to index
          %get3A_2064 = tpu.vector_load %arg7[%get3A_2063] {strides = array<i32>} : memref<49152xf32, #tpu.memory_space<vmem>>, vector<16xf32>,
          %get3A_2065 = vector.shape_cast %get3A_2064 : vector<16xf32> to vector<16xf32>
          %add3A_2066 = arith.addf %get3A_2058, %get3A_2065 : vector<16xf32>
          %add3A_2067 = arith.constant 112 : i32
          %add3A_2068 = arith.addi %mul3A_1920, %add3A_2067 : i32
          %swap3A_2069 = arith.index_cast %add3A_2068 : i32 to index
          %swap3A_2070 = tpu.vector_load %arg8[%swap3A_2069] {strides = array<i32>} : memref<65536xf32, #tpu.memory_space<vmem>>, vector<16xf32>,
          %swap3A_2071 = vector.shape_cast %swap3A_2070 : vector<16xf32> to vector<16xf32>
          %swap3A_2072 = vector.shape_cast %add3A_2066 : vector<16xf32> to vector<16xf32>
          tpu.vector_store %arg8[%swap3A_2069], %swap3A_2072 {strides = array<i32>} : memref<65536xf32, #tpu.memory_space<vmem>>, vector<16xf32>,
          %mul3A_2073 = arith.constant 16 : i32
          %mul3A_2074 = arith.muli %squeeze3A_1918, %mul3A_2073 : i32
          %get3A_2075 = arith.index_cast %mul3A_2074 : i32 to index
          %get3A_2076 = tpu.vector_load %arg9[%get3A_2075] {strides = array<i32>} : memref<8192xf32, #tpu.memory_space<vmem>>, vector<16xf32>,
          %get3A_2077 = vector.shape_cast %get3A_2076 : vector<16xf32> to vector<16xf32>
          %add3A_2078 = arith.addf %get3A_2077, %broadcast_in_dim3A_15 : vector<16xf32>
          %mul3A_2079 = arith.constant 16 : i32
          %mul3A_2080 = arith.muli %squeeze3A_1918, %mul3A_2079 : i32
          %swap3A_2081 = arith.index_cast %mul3A_2080 : i32 to index
          %swap3A_2082 = tpu.vector_load %arg9[%swap3A_2081] {strides = array<i32>} : memref<8192xf32, #tpu.memory_space<vmem>>, vector<16xf32>,
          %swap3A_2083 = vector.shape_cast %swap3A_2082 : vector<16xf32> to vector<16xf32>
          %swap3A_2084 = vector.shape_cast %add3A_2078 : vector<16xf32> to vector<16xf32>
          tpu.vector_store %arg9[%swap3A_2081], %swap3A_2084 {strides = array<i32>} : memref<8192xf32, #tpu.memory_space<vmem>>, vector<16xf32>,
          %slice3A_2085 = vector.extract_strided_slice %get3A_222 {offsets = [11], sizes = [1], strides = [1]} : vector<16xi32> to vector<1xi32>
          %squeeze3A_2086 = vector.extract %slice3A_2085[0] : i32 from vector<1xi32>
          %mul3A_2087 = arith.constant 128 : i32
          %mul3A_2088 = arith.muli %squeeze3A_2086, %mul3A_2087 : i32
          %add3A_2089 = arith.constant 0 : i32
          %add3A_2090 = arith.addi %mul3A_2088, %add3A_2089 : i32
          %get3A_2091 = arith.index_cast %add3A_2090 : i32 to index
          %get3A_2092 = tpu.vector_load %arg8[%get3A_2091] {strides = array<i32>} : memref<65536xf32, #tpu.memory_space<vmem>>, vector<16xf32>,
          %get3A_2093 = vector.shape_cast %get3A_2092 : vector<16xf32> to vector<16xf32>
          %add3A_2094 = arith.constant 1408 : i32
          %add3A_2095 = arith.addi %add3A_229, %add3A_2094 : i32
          %add3A_2096 = arith.constant 0 : i32
          %add3A_2097 = arith.addi %add3A_2095, %add3A_2096 : i32
          %get3A_2098 = arith.index_cast %add3A_2097 : i32 to index
          %get3A_2099 = tpu.vector_load %arg7[%get3A_2098] {strides = array<i32>} : memref<49152xf32, #tpu.memory_space<vmem>>, vector<16xf32>,
          %get3A_2100 = vector.shape_cast %get3A_2099 : vector<16xf32> to vector<16xf32>
          %add3A_2101 = arith.addf %get3A_2093, %get3A_2100 : vector<16xf32>
          %add3A_2102 = arith.constant 0 : i32
          %add3A_2103 = arith.addi %mul3A_2088, %add3A_2102 : i32
          %swap3A_2104 = arith.index_cast %add3A_2103 : i32 to index
          %swap3A_2105 = tpu.vector_load %arg8[%swap3A_2104] {strides = array<i32>} : memref<65536xf32, #tpu.memory_space<vmem>>, vector<16xf32>,
          %swap3A_2106 = vector.shape_cast %swap3A_2105 : vector<16xf32> to vector<16xf32>
          %swap3A_2107 = vector.shape_cast %add3A_2101 : vector<16xf32> to vector<16xf32>
          tpu.vector_store %arg8[%swap3A_2104], %swap3A_2107 {strides = array<i32>} : memref<65536xf32, #tpu.memory_space<vmem>>, vector<16xf32>,
          %add3A_2108 = arith.constant 16 : i32
          %add3A_2109 = arith.addi %mul3A_2088, %add3A_2108 : i32
          %get3A_2110 = arith.index_cast %add3A_2109 : i32 to index
          %get3A_2111 = tpu.vector_load %arg8[%get3A_2110] {strides = array<i32>} : memref<65536xf32, #tpu.memory_space<vmem>>, vector<16xf32>,
          %get3A_2112 = vector.shape_cast %get3A_2111 : vector<16xf32> to vector<16xf32>
          %add3A_2113 = arith.constant 1408 : i32
          %add3A_2114 = arith.addi %add3A_229, %add3A_2113 : i32
          %add3A_2115 = arith.constant 16 : i32
          %add3A_2116 = arith.addi %add3A_2114, %add3A_2115 : i32
          %get3A_2117 = arith.index_cast %add3A_2116 : i32 to index
          %get3A_2118 = tpu.vector_load %arg7[%get3A_2117] {strides = array<i32>} : memref<49152xf32, #tpu.memory_space<vmem>>, vector<16xf32>,
          %get3A_2119 = vector.shape_cast %get3A_2118 : vector<16xf32> to vector<16xf32>
          %add3A_2120 = arith.addf %get3A_2112, %get3A_2119 : vector<16xf32>
          %add3A_2121 = arith.constant 16 : i32
          %add3A_2122 = arith.addi %mul3A_2088, %add3A_2121 : i32
          %swap3A_2123 = arith.index_cast %add3A_2122 : i32 to index
          %swap3A_2124 = tpu.vector_load %arg8[%swap3A_2123] {strides = array<i32>} : memref<65536xf32, #tpu.memory_space<vmem>>, vector<16xf32>,
          %swap3A_2125 = vector.shape_cast %swap3A_2124 : vector<16xf32> to vector<16xf32>
          %swap3A_2126 = vector.shape_cast %add3A_2120 : vector<16xf32> to vector<16xf32>
          tpu.vector_store %arg8[%swap3A_2123], %swap3A_2126 {strides = array<i32>} : memref<65536xf32, #tpu.memory_space<vmem>>, vector<16xf32>,
          %add3A_2127 = arith.constant 32 : i32
          %add3A_2128 = arith.addi %mul3A_2088, %add3A_2127 : i32
          %get3A_2129 = arith.index_cast %add3A_2128 : i32 to index
          %get3A_2130 = tpu.vector_load %arg8[%get3A_2129] {strides = array<i32>} : memref<65536xf32, #tpu.memory_space<vmem>>, vector<16xf32>,
          %get3A_2131 = vector.shape_cast %get3A_2130 : vector<16xf32> to vector<16xf32>
          %add3A_2132 = arith.constant 1408 : i32
          %add3A_2133 = arith.addi %add3A_229, %add3A_2132 : i32
          %add3A_2134 = arith.constant 32 : i32
          %add3A_2135 = arith.addi %add3A_2133, %add3A_2134 : i32
          %get3A_2136 = arith.index_cast %add3A_2135 : i32 to index
          %get3A_2137 = tpu.vector_load %arg7[%get3A_2136] {strides = array<i32>} : memref<49152xf32, #tpu.memory_space<vmem>>, vector<16xf32>,
          %get3A_2138 = vector.shape_cast %get3A_2137 : vector<16xf32> to vector<16xf32>
          %add3A_2139 = arith.addf %get3A_2131, %get3A_2138 : vector<16xf32>
          %add3A_2140 = arith.constant 32 : i32
          %add3A_2141 = arith.addi %mul3A_2088, %add3A_2140 : i32
          %swap3A_2142 = arith.index_cast %add3A_2141 : i32 to index
          %swap3A_2143 = tpu.vector_load %arg8[%swap3A_2142] {strides = array<i32>} : memref<65536xf32, #tpu.memory_space<vmem>>, vector<16xf32>,
          %swap3A_2144 = vector.shape_cast %swap3A_2143 : vector<16xf32> to vector<16xf32>
          %swap3A_2145 = vector.shape_cast %add3A_2139 : vector<16xf32> to vector<16xf32>
          tpu.vector_store %arg8[%swap3A_2142], %swap3A_2145 {strides = array<i32>} : memref<65536xf32, #tpu.memory_space<vmem>>, vector<16xf32>,
          %add3A_2146 = arith.constant 48 : i32
          %add3A_2147 = arith.addi %mul3A_2088, %add3A_2146 : i32
          %get3A_2148 = arith.index_cast %add3A_2147 : i32 to index
          %get3A_2149 = tpu.vector_load %arg8[%get3A_2148] {strides = array<i32>} : memref<65536xf32, #tpu.memory_space<vmem>>, vector<16xf32>,
          %get3A_2150 = vector.shape_cast %get3A_2149 : vector<16xf32> to vector<16xf32>
          %add3A_2151 = arith.constant 1408 : i32
          %add3A_2152 = arith.addi %add3A_229, %add3A_2151 : i32
          %add3A_2153 = arith.constant 48 : i32
          %add3A_2154 = arith.addi %add3A_2152, %add3A_2153 : i32
          %get3A_2155 = arith.index_cast %add3A_2154 : i32 to index
          %get3A_2156 = tpu.vector_load %arg7[%get3A_2155] {strides = array<i32>} : memref<49152xf32, #tpu.memory_space<vmem>>, vector<16xf32>,
          %get3A_2157 = vector.shape_cast %get3A_2156 : vector<16xf32> to vector<16xf32>
          %add3A_2158 = arith.addf %get3A_2150, %get3A_2157 : vector<16xf32>
          %add3A_2159 = arith.constant 48 : i32
          %add3A_2160 = arith.addi %mul3A_2088, %add3A_2159 : i32
          %swap3A_2161 = arith.index_cast %add3A_2160 : i32 to index
          %swap3A_2162 = tpu.vector_load %arg8[%swap3A_2161] {strides = array<i32>} : memref<65536xf32, #tpu.memory_space<vmem>>, vector<16xf32>,
          %swap3A_2163 = vector.shape_cast %swap3A_2162 : vector<16xf32> to vector<16xf32>
          %swap3A_2164 = vector.shape_cast %add3A_2158 : vector<16xf32> to vector<16xf32>
          tpu.vector_store %arg8[%swap3A_2161], %swap3A_2164 {strides = array<i32>} : memref<65536xf32, #tpu.memory_space<vmem>>, vector<16xf32>,
          %add3A_2165 = arith.constant 64 : i32
          %add3A_2166 = arith.addi %mul3A_2088, %add3A_2165 : i32
          %get3A_2167 = arith.index_cast %add3A_2166 : i32 to index
          %get3A_2168 = tpu.vector_load %arg8[%get3A_2167] {strides = array<i32>} : memref<65536xf32, #tpu.memory_space<vmem>>, vector<16xf32>,
          %get3A_2169 = vector.shape_cast %get3A_2168 : vector<16xf32> to vector<16xf32>
          %add3A_2170 = arith.constant 1408 : i32
          %add3A_2171 = arith.addi %add3A_229, %add3A_2170 : i32
          %add3A_2172 = arith.constant 64 : i32
          %add3A_2173 = arith.addi %add3A_2171, %add3A_2172 : i32
          %get3A_2174 = arith.index_cast %add3A_2173 : i32 to index
          %get3A_2175 = tpu.vector_load %arg7[%get3A_2174] {strides = array<i32>} : memref<49152xf32, #tpu.memory_space<vmem>>, vector<16xf32>,
          %get3A_2176 = vector.shape_cast %get3A_2175 : vector<16xf32> to vector<16xf32>
          %add3A_2177 = arith.addf %get3A_2169, %get3A_2176 : vector<16xf32>
          %add3A_2178 = arith.constant 64 : i32
          %add3A_2179 = arith.addi %mul3A_2088, %add3A_2178 : i32
          %swap3A_2180 = arith.index_cast %add3A_2179 : i32 to index
          %swap3A_2181 = tpu.vector_load %arg8[%swap3A_2180] {strides = array<i32>} : memref<65536xf32, #tpu.memory_space<vmem>>, vector<16xf32>,
          %swap3A_2182 = vector.shape_cast %swap3A_2181 : vector<16xf32> to vector<16xf32>
          %swap3A_2183 = vector.shape_cast %add3A_2177 : vector<16xf32> to vector<16xf32>
          tpu.vector_store %arg8[%swap3A_2180], %swap3A_2183 {strides = array<i32>} : memref<65536xf32, #tpu.memory_space<vmem>>, vector<16xf32>,
          %add3A_2184 = arith.constant 80 : i32
          %add3A_2185 = arith.addi %mul3A_2088, %add3A_2184 : i32
          %get3A_2186 = arith.index_cast %add3A_2185 : i32 to index
          %get3A_2187 = tpu.vector_load %arg8[%get3A_2186] {strides = array<i32>} : memref<65536xf32, #tpu.memory_space<vmem>>, vector<16xf32>,
          %get3A_2188 = vector.shape_cast %get3A_2187 : vector<16xf32> to vector<16xf32>
          %add3A_2189 = arith.constant 1408 : i32
          %add3A_2190 = arith.addi %add3A_229, %add3A_2189 : i32
          %add3A_2191 = arith.constant 80 : i32
          %add3A_2192 = arith.addi %add3A_2190, %add3A_2191 : i32
          %get3A_2193 = arith.index_cast %add3A_2192 : i32 to index
          %get3A_2194 = tpu.vector_load %arg7[%get3A_2193] {strides = array<i32>} : memref<49152xf32, #tpu.memory_space<vmem>>, vector<16xf32>,
          %get3A_2195 = vector.shape_cast %get3A_2194 : vector<16xf32> to vector<16xf32>
          %add3A_2196 = arith.addf %get3A_2188, %get3A_2195 : vector<16xf32>
          %add3A_2197 = arith.constant 80 : i32
          %add3A_2198 = arith.addi %mul3A_2088, %add3A_2197 : i32
          %swap3A_2199 = arith.index_cast %add3A_2198 : i32 to index
          %swap3A_2200 = tpu.vector_load %arg8[%swap3A_2199] {strides = array<i32>} : memref<65536xf32, #tpu.memory_space<vmem>>, vector<16xf32>,
          %swap3A_2201 = vector.shape_cast %swap3A_2200 : vector<16xf32> to vector<16xf32>
          %swap3A_2202 = vector.shape_cast %add3A_2196 : vector<16xf32> to vector<16xf32>
          tpu.vector_store %arg8[%swap3A_2199], %swap3A_2202 {strides = array<i32>} : memref<65536xf32, #tpu.memory_space<vmem>>, vector<16xf32>,
          %add3A_2203 = arith.constant 96 : i32
          %add3A_2204 = arith.addi %mul3A_2088, %add3A_2203 : i32
          %get3A_2205 = arith.index_cast %add3A_2204 : i32 to index
          %get3A_2206 = tpu.vector_load %arg8[%get3A_2205] {strides = array<i32>} : memref<65536xf32, #tpu.memory_space<vmem>>, vector<16xf32>,
          %get3A_2207 = vector.shape_cast %get3A_2206 : vector<16xf32> to vector<16xf32>
          %add3A_2208 = arith.constant 1408 : i32
          %add3A_2209 = arith.addi %add3A_229, %add3A_2208 : i32
          %add3A_2210 = arith.constant 96 : i32
          %add3A_2211 = arith.addi %add3A_2209, %add3A_2210 : i32
          %get3A_2212 = arith.index_cast %add3A_2211 : i32 to index
          %get3A_2213 = tpu.vector_load %arg7[%get3A_2212] {strides = array<i32>} : memref<49152xf32, #tpu.memory_space<vmem>>, vector<16xf32>,
          %get3A_2214 = vector.shape_cast %get3A_2213 : vector<16xf32> to vector<16xf32>
          %add3A_2215 = arith.addf %get3A_2207, %get3A_2214 : vector<16xf32>
          %add3A_2216 = arith.constant 96 : i32
          %add3A_2217 = arith.addi %mul3A_2088, %add3A_2216 : i32
          %swap3A_2218 = arith.index_cast %add3A_2217 : i32 to index
          %swap3A_2219 = tpu.vector_load %arg8[%swap3A_2218] {strides = array<i32>} : memref<65536xf32, #tpu.memory_space<vmem>>, vector<16xf32>,
          %swap3A_2220 = vector.shape_cast %swap3A_2219 : vector<16xf32> to vector<16xf32>
          %swap3A_2221 = vector.shape_cast %add3A_2215 : vector<16xf32> to vector<16xf32>
          tpu.vector_store %arg8[%swap3A_2218], %swap3A_2221 {strides = array<i32>} : memref<65536xf32, #tpu.memory_space<vmem>>, vector<16xf32>,
          %add3A_2222 = arith.constant 112 : i32
          %add3A_2223 = arith.addi %mul3A_2088, %add3A_2222 : i32
          %get3A_2224 = arith.index_cast %add3A_2223 : i32 to index
          %get3A_2225 = tpu.vector_load %arg8[%get3A_2224] {strides = array<i32>} : memref<65536xf32, #tpu.memory_space<vmem>>, vector<16xf32>,
          %get3A_2226 = vector.shape_cast %get3A_2225 : vector<16xf32> to vector<16xf32>
          %add3A_2227 = arith.constant 1408 : i32
          %add3A_2228 = arith.addi %add3A_229, %add3A_2227 : i32
          %add3A_2229 = arith.constant 112 : i32
          %add3A_2230 = arith.addi %add3A_2228, %add3A_2229 : i32
          %get3A_2231 = arith.index_cast %add3A_2230 : i32 to index
          %get3A_2232 = tpu.vector_load %arg7[%get3A_2231] {strides = array<i32>} : memref<49152xf32, #tpu.memory_space<vmem>>, vector<16xf32>,
          %get3A_2233 = vector.shape_cast %get3A_2232 : vector<16xf32> to vector<16xf32>
          %add3A_2234 = arith.addf %get3A_2226, %get3A_2233 : vector<16xf32>
          %add3A_2235 = arith.constant 112 : i32
          %add3A_2236 = arith.addi %mul3A_2088, %add3A_2235 : i32
          %swap3A_2237 = arith.index_cast %add3A_2236 : i32 to index
          %swap3A_2238 = tpu.vector_load %arg8[%swap3A_2237] {strides = array<i32>} : memref<65536xf32, #tpu.memory_space<vmem>>, vector<16xf32>,
          %swap3A_2239 = vector.shape_cast %swap3A_2238 : vector<16xf32> to vector<16xf32>
          %swap3A_2240 = vector.shape_cast %add3A_2234 : vector<16xf32> to vector<16xf32>
          tpu.vector_store %arg8[%swap3A_2237], %swap3A_2240 {strides = array<i32>} : memref<65536xf32, #tpu.memory_space<vmem>>, vector<16xf32>,
          %mul3A_2241 = arith.constant 16 : i32
          %mul3A_2242 = arith.muli %squeeze3A_2086, %mul3A_2241 : i32
          %get3A_2243 = arith.index_cast %mul3A_2242 : i32 to index
          %get3A_2244 = tpu.vector_load %arg9[%get3A_2243] {strides = array<i32>} : memref<8192xf32, #tpu.memory_space<vmem>>, vector<16xf32>,
          %get3A_2245 = vector.shape_cast %get3A_2244 : vector<16xf32> to vector<16xf32>
          %add3A_2246 = arith.addf %get3A_2245, %broadcast_in_dim3A_15 : vector<16xf32>
          %mul3A_2247 = arith.constant 16 : i32
          %mul3A_2248 = arith.muli %squeeze3A_2086, %mul3A_2247 : i32
          %swap3A_2249 = arith.index_cast %mul3A_2248 : i32 to index
          %swap3A_2250 = tpu.vector_load %arg9[%swap3A_2249] {strides = array<i32>} : memref<8192xf32, #tpu.memory_space<vmem>>, vector<16xf32>,
          %swap3A_2251 = vector.shape_cast %swap3A_2250 : vector<16xf32> to vector<16xf32>
          %swap3A_2252 = vector.shape_cast %add3A_2246 : vector<16xf32> to vector<16xf32>
          tpu.vector_store %arg9[%swap3A_2249], %swap3A_2252 {strides = array<i32>} : memref<8192xf32, #tpu.memory_space<vmem>>, vector<16xf32>,
          %slice3A_2253 = vector.extract_strided_slice %get3A_222 {offsets = [12], sizes = [1], strides = [1]} : vector<16xi32> to vector<1xi32>
          %squeeze3A_2254 = vector.extract %slice3A_2253[0] : i32 from vector<1xi32>
          %mul3A_2255 = arith.constant 128 : i32
          %mul3A_2256 = arith.muli %squeeze3A_2254, %mul3A_2255 : i32
          %add3A_2257 = arith.constant 0 : i32
          %add3A_2258 = arith.addi %mul3A_2256, %add3A_2257 : i32
          %get3A_2259 = arith.index_cast %add3A_2258 : i32 to index
          %get3A_2260 = tpu.vector_load %arg8[%get3A_2259] {strides = array<i32>} : memref<65536xf32, #tpu.memory_space<vmem>>, vector<16xf32>,
          %get3A_2261 = vector.shape_cast %get3A_2260 : vector<16xf32> to vector<16xf32>
          %add3A_2262 = arith.constant 1536 : i32
          %add3A_2263 = arith.addi %add3A_229, %add3A_2262 : i32
          %add3A_2264 = arith.constant 0 : i32
          %add3A_2265 = arith.addi %add3A_2263, %add3A_2264 : i32
          %get3A_2266 = arith.index_cast %add3A_2265 : i32 to index
          %get3A_2267 = tpu.vector_load %arg7[%get3A_2266] {strides = array<i32>} : memref<49152xf32, #tpu.memory_space<vmem>>, vector<16xf32>,
          %get3A_2268 = vector.shape_cast %get3A_2267 : vector<16xf32> to vector<16xf32>
          %add3A_2269 = arith.addf %get3A_2261, %get3A_2268 : vector<16xf32>
          %add3A_2270 = arith.constant 0 : i32
          %add3A_2271 = arith.addi %mul3A_2256, %add3A_2270 : i32
          %swap3A_2272 = arith.index_cast %add3A_2271 : i32 to index
          %swap3A_2273 = tpu.vector_load %arg8[%swap3A_2272] {strides = array<i32>} : memref<65536xf32, #tpu.memory_space<vmem>>, vector<16xf32>,
          %swap3A_2274 = vector.shape_cast %swap3A_2273 : vector<16xf32> to vector<16xf32>
          %swap3A_2275 = vector.shape_cast %add3A_2269 : vector<16xf32> to vector<16xf32>
          tpu.vector_store %arg8[%swap3A_2272], %swap3A_2275 {strides = array<i32>} : memref<65536xf32, #tpu.memory_space<vmem>>, vector<16xf32>,
          %add3A_2276 = arith.constant 16 : i32
          %add3A_2277 = arith.addi %mul3A_2256, %add3A_2276 : i32
          %get3A_2278 = arith.index_cast %add3A_2277 : i32 to index
          %get3A_2279 = tpu.vector_load %arg8[%get3A_2278] {strides = array<i32>} : memref<65536xf32, #tpu.memory_space<vmem>>, vector<16xf32>,
          %get3A_2280 = vector.shape_cast %get3A_2279 : vector<16xf32> to vector<16xf32>
          %add3A_2281 = arith.constant 1536 : i32
          %add3A_2282 = arith.addi %add3A_229, %add3A_2281 : i32
          %add3A_2283 = arith.constant 16 : i32
          %add3A_2284 = arith.addi %add3A_2282, %add3A_2283 : i32
          %get3A_2285 = arith.index_cast %add3A_2284 : i32 to index
          %get3A_2286 = tpu.vector_load %arg7[%get3A_2285] {strides = array<i32>} : memref<49152xf32, #tpu.memory_space<vmem>>, vector<16xf32>,
          %get3A_2287 = vector.shape_cast %get3A_2286 : vector<16xf32> to vector<16xf32>
          %add3A_2288 = arith.addf %get3A_2280, %get3A_2287 : vector<16xf32>
          %add3A_2289 = arith.constant 16 : i32
          %add3A_2290 = arith.addi %mul3A_2256, %add3A_2289 : i32
          %swap3A_2291 = arith.index_cast %add3A_2290 : i32 to index
          %swap3A_2292 = tpu.vector_load %arg8[%swap3A_2291] {strides = array<i32>} : memref<65536xf32, #tpu.memory_space<vmem>>, vector<16xf32>,
          %swap3A_2293 = vector.shape_cast %swap3A_2292 : vector<16xf32> to vector<16xf32>
          %swap3A_2294 = vector.shape_cast %add3A_2288 : vector<16xf32> to vector<16xf32>
          tpu.vector_store %arg8[%swap3A_2291], %swap3A_2294 {strides = array<i32>} : memref<65536xf32, #tpu.memory_space<vmem>>, vector<16xf32>,
          %add3A_2295 = arith.constant 32 : i32
          %add3A_2296 = arith.addi %mul3A_2256, %add3A_2295 : i32
          %get3A_2297 = arith.index_cast %add3A_2296 : i32 to index
          %get3A_2298 = tpu.vector_load %arg8[%get3A_2297] {strides = array<i32>} : memref<65536xf32, #tpu.memory_space<vmem>>, vector<16xf32>,
          %get3A_2299 = vector.shape_cast %get3A_2298 : vector<16xf32> to vector<16xf32>
          %add3A_2300 = arith.constant 1536 : i32
          %add3A_2301 = arith.addi %add3A_229, %add3A_2300 : i32
          %add3A_2302 = arith.constant 32 : i32
          %add3A_2303 = arith.addi %add3A_2301, %add3A_2302 : i32
          %get3A_2304 = arith.index_cast %add3A_2303 : i32 to index
          %get3A_2305 = tpu.vector_load %arg7[%get3A_2304] {strides = array<i32>} : memref<49152xf32, #tpu.memory_space<vmem>>, vector<16xf32>,
          %get3A_2306 = vector.shape_cast %get3A_2305 : vector<16xf32> to vector<16xf32>
          %add3A_2307 = arith.addf %get3A_2299, %get3A_2306 : vector<16xf32>
          %add3A_2308 = arith.constant 32 : i32
          %add3A_2309 = arith.addi %mul3A_2256, %add3A_2308 : i32
          %swap3A_2310 = arith.index_cast %add3A_2309 : i32 to index
          %swap3A_2311 = tpu.vector_load %arg8[%swap3A_2310] {strides = array<i32>} : memref<65536xf32, #tpu.memory_space<vmem>>, vector<16xf32>,
          %swap3A_2312 = vector.shape_cast %swap3A_2311 : vector<16xf32> to vector<16xf32>
          %swap3A_2313 = vector.shape_cast %add3A_2307 : vector<16xf32> to vector<16xf32>
          tpu.vector_store %arg8[%swap3A_2310], %swap3A_2313 {strides = array<i32>} : memref<65536xf32, #tpu.memory_space<vmem>>, vector<16xf32>,
          %add3A_2314 = arith.constant 48 : i32
          %add3A_2315 = arith.addi %mul3A_2256, %add3A_2314 : i32
          %get3A_2316 = arith.index_cast %add3A_2315 : i32 to index
          %get3A_2317 = tpu.vector_load %arg8[%get3A_2316] {strides = array<i32>} : memref<65536xf32, #tpu.memory_space<vmem>>, vector<16xf32>,
          %get3A_2318 = vector.shape_cast %get3A_2317 : vector<16xf32> to vector<16xf32>
          %add3A_2319 = arith.constant 1536 : i32
          %add3A_2320 = arith.addi %add3A_229, %add3A_2319 : i32
          %add3A_2321 = arith.constant 48 : i32
          %add3A_2322 = arith.addi %add3A_2320, %add3A_2321 : i32
          %get3A_2323 = arith.index_cast %add3A_2322 : i32 to index
          %get3A_2324 = tpu.vector_load %arg7[%get3A_2323] {strides = array<i32>} : memref<49152xf32, #tpu.memory_space<vmem>>, vector<16xf32>,
          %get3A_2325 = vector.shape_cast %get3A_2324 : vector<16xf32> to vector<16xf32>
          %add3A_2326 = arith.addf %get3A_2318, %get3A_2325 : vector<16xf32>
          %add3A_2327 = arith.constant 48 : i32
          %add3A_2328 = arith.addi %mul3A_2256, %add3A_2327 : i32
          %swap3A_2329 = arith.index_cast %add3A_2328 : i32 to index
          %swap3A_2330 = tpu.vector_load %arg8[%swap3A_2329] {strides = array<i32>} : memref<65536xf32, #tpu.memory_space<vmem>>, vector<16xf32>,
          %swap3A_2331 = vector.shape_cast %swap3A_2330 : vector<16xf32> to vector<16xf32>
          %swap3A_2332 = vector.shape_cast %add3A_2326 : vector<16xf32> to vector<16xf32>
          tpu.vector_store %arg8[%swap3A_2329], %swap3A_2332 {strides = array<i32>} : memref<65536xf32, #tpu.memory_space<vmem>>, vector<16xf32>,
          %add3A_2333 = arith.constant 64 : i32
          %add3A_2334 = arith.addi %mul3A_2256, %add3A_2333 : i32
          %get3A_2335 = arith.index_cast %add3A_2334 : i32 to index
          %get3A_2336 = tpu.vector_load %arg8[%get3A_2335] {strides = array<i32>} : memref<65536xf32, #tpu.memory_space<vmem>>, vector<16xf32>,
          %get3A_2337 = vector.shape_cast %get3A_2336 : vector<16xf32> to vector<16xf32>
          %add3A_2338 = arith.constant 1536 : i32
          %add3A_2339 = arith.addi %add3A_229, %add3A_2338 : i32
          %add3A_2340 = arith.constant 64 : i32
          %add3A_2341 = arith.addi %add3A_2339, %add3A_2340 : i32
          %get3A_2342 = arith.index_cast %add3A_2341 : i32 to index
          %get3A_2343 = tpu.vector_load %arg7[%get3A_2342] {strides = array<i32>} : memref<49152xf32, #tpu.memory_space<vmem>>, vector<16xf32>,
          %get3A_2344 = vector.shape_cast %get3A_2343 : vector<16xf32> to vector<16xf32>
          %add3A_2345 = arith.addf %get3A_2337, %get3A_2344 : vector<16xf32>
          %add3A_2346 = arith.constant 64 : i32
          %add3A_2347 = arith.addi %mul3A_2256, %add3A_2346 : i32
          %swap3A_2348 = arith.index_cast %add3A_2347 : i32 to index
          %swap3A_2349 = tpu.vector_load %arg8[%swap3A_2348] {strides = array<i32>} : memref<65536xf32, #tpu.memory_space<vmem>>, vector<16xf32>,
          %swap3A_2350 = vector.shape_cast %swap3A_2349 : vector<16xf32> to vector<16xf32>
          %swap3A_2351 = vector.shape_cast %add3A_2345 : vector<16xf32> to vector<16xf32>
          tpu.vector_store %arg8[%swap3A_2348], %swap3A_2351 {strides = array<i32>} : memref<65536xf32, #tpu.memory_space<vmem>>, vector<16xf32>,
          %add3A_2352 = arith.constant 80 : i32
          %add3A_2353 = arith.addi %mul3A_2256, %add3A_2352 : i32
          %get3A_2354 = arith.index_cast %add3A_2353 : i32 to index
          %get3A_2355 = tpu.vector_load %arg8[%get3A_2354] {strides = array<i32>} : memref<65536xf32, #tpu.memory_space<vmem>>, vector<16xf32>,
          %get3A_2356 = vector.shape_cast %get3A_2355 : vector<16xf32> to vector<16xf32>
          %add3A_2357 = arith.constant 1536 : i32
          %add3A_2358 = arith.addi %add3A_229, %add3A_2357 : i32
          %add3A_2359 = arith.constant 80 : i32
          %add3A_2360 = arith.addi %add3A_2358, %add3A_2359 : i32
          %get3A_2361 = arith.index_cast %add3A_2360 : i32 to index
          %get3A_2362 = tpu.vector_load %arg7[%get3A_2361] {strides = array<i32>} : memref<49152xf32, #tpu.memory_space<vmem>>, vector<16xf32>,
          %get3A_2363 = vector.shape_cast %get3A_2362 : vector<16xf32> to vector<16xf32>
          %add3A_2364 = arith.addf %get3A_2356, %get3A_2363 : vector<16xf32>
          %add3A_2365 = arith.constant 80 : i32
          %add3A_2366 = arith.addi %mul3A_2256, %add3A_2365 : i32
          %swap3A_2367 = arith.index_cast %add3A_2366 : i32 to index
          %swap3A_2368 = tpu.vector_load %arg8[%swap3A_2367] {strides = array<i32>} : memref<65536xf32, #tpu.memory_space<vmem>>, vector<16xf32>,
          %swap3A_2369 = vector.shape_cast %swap3A_2368 : vector<16xf32> to vector<16xf32>
          %swap3A_2370 = vector.shape_cast %add3A_2364 : vector<16xf32> to vector<16xf32>
          tpu.vector_store %arg8[%swap3A_2367], %swap3A_2370 {strides = array<i32>} : memref<65536xf32, #tpu.memory_space<vmem>>, vector<16xf32>,
          %add3A_2371 = arith.constant 96 : i32
          %add3A_2372 = arith.addi %mul3A_2256, %add3A_2371 : i32
          %get3A_2373 = arith.index_cast %add3A_2372 : i32 to index
          %get3A_2374 = tpu.vector_load %arg8[%get3A_2373] {strides = array<i32>} : memref<65536xf32, #tpu.memory_space<vmem>>, vector<16xf32>,
          %get3A_2375 = vector.shape_cast %get3A_2374 : vector<16xf32> to vector<16xf32>
          %add3A_2376 = arith.constant 1536 : i32
          %add3A_2377 = arith.addi %add3A_229, %add3A_2376 : i32
          %add3A_2378 = arith.constant 96 : i32
          %add3A_2379 = arith.addi %add3A_2377, %add3A_2378 : i32
          %get3A_2380 = arith.index_cast %add3A_2379 : i32 to index
          %get3A_2381 = tpu.vector_load %arg7[%get3A_2380] {strides = array<i32>} : memref<49152xf32, #tpu.memory_space<vmem>>, vector<16xf32>,
          %get3A_2382 = vector.shape_cast %get3A_2381 : vector<16xf32> to vector<16xf32>
          %add3A_2383 = arith.addf %get3A_2375, %get3A_2382 : vector<16xf32>
          %add3A_2384 = arith.constant 96 : i32
          %add3A_2385 = arith.addi %mul3A_2256, %add3A_2384 : i32
          %swap3A_2386 = arith.index_cast %add3A_2385 : i32 to index
          %swap3A_2387 = tpu.vector_load %arg8[%swap3A_2386] {strides = array<i32>} : memref<65536xf32, #tpu.memory_space<vmem>>, vector<16xf32>,
          %swap3A_2388 = vector.shape_cast %swap3A_2387 : vector<16xf32> to vector<16xf32>
          %swap3A_2389 = vector.shape_cast %add3A_2383 : vector<16xf32> to vector<16xf32>
          tpu.vector_store %arg8[%swap3A_2386], %swap3A_2389 {strides = array<i32>} : memref<65536xf32, #tpu.memory_space<vmem>>, vector<16xf32>,
          %add3A_2390 = arith.constant 112 : i32
          %add3A_2391 = arith.addi %mul3A_2256, %add3A_2390 : i32
          %get3A_2392 = arith.index_cast %add3A_2391 : i32 to index
          %get3A_2393 = tpu.vector_load %arg8[%get3A_2392] {strides = array<i32>} : memref<65536xf32, #tpu.memory_space<vmem>>, vector<16xf32>,
          %get3A_2394 = vector.shape_cast %get3A_2393 : vector<16xf32> to vector<16xf32>
          %add3A_2395 = arith.constant 1536 : i32
          %add3A_2396 = arith.addi %add3A_229, %add3A_2395 : i32
          %add3A_2397 = arith.constant 112 : i32
          %add3A_2398 = arith.addi %add3A_2396, %add3A_2397 : i32
          %get3A_2399 = arith.index_cast %add3A_2398 : i32 to index
          %get3A_2400 = tpu.vector_load %arg7[%get3A_2399] {strides = array<i32>} : memref<49152xf32, #tpu.memory_space<vmem>>, vector<16xf32>,
          %get3A_2401 = vector.shape_cast %get3A_2400 : vector<16xf32> to vector<16xf32>
          %add3A_2402 = arith.addf %get3A_2394, %get3A_2401 : vector<16xf32>
          %add3A_2403 = arith.constant 112 : i32
          %add3A_2404 = arith.addi %mul3A_2256, %add3A_2403 : i32
          %swap3A_2405 = arith.index_cast %add3A_2404 : i32 to index
          %swap3A_2406 = tpu.vector_load %arg8[%swap3A_2405] {strides = array<i32>} : memref<65536xf32, #tpu.memory_space<vmem>>, vector<16xf32>,
          %swap3A_2407 = vector.shape_cast %swap3A_2406 : vector<16xf32> to vector<16xf32>
          %swap3A_2408 = vector.shape_cast %add3A_2402 : vector<16xf32> to vector<16xf32>
          tpu.vector_store %arg8[%swap3A_2405], %swap3A_2408 {strides = array<i32>} : memref<65536xf32, #tpu.memory_space<vmem>>, vector<16xf32>,
          %mul3A_2409 = arith.constant 16 : i32
          %mul3A_2410 = arith.muli %squeeze3A_2254, %mul3A_2409 : i32
          %get3A_2411 = arith.index_cast %mul3A_2410 : i32 to index
          %get3A_2412 = tpu.vector_load %arg9[%get3A_2411] {strides = array<i32>} : memref<8192xf32, #tpu.memory_space<vmem>>, vector<16xf32>,
          %get3A_2413 = vector.shape_cast %get3A_2412 : vector<16xf32> to vector<16xf32>
          %add3A_2414 = arith.addf %get3A_2413, %broadcast_in_dim3A_15 : vector<16xf32>
          %mul3A_2415 = arith.constant 16 : i32
          %mul3A_2416 = arith.muli %squeeze3A_2254, %mul3A_2415 : i32
          %swap3A_2417 = arith.index_cast %mul3A_2416 : i32 to index
          %swap3A_2418 = tpu.vector_load %arg9[%swap3A_2417] {strides = array<i32>} : memref<8192xf32, #tpu.memory_space<vmem>>, vector<16xf32>,
          %swap3A_2419 = vector.shape_cast %swap3A_2418 : vector<16xf32> to vector<16xf32>
          %swap3A_2420 = vector.shape_cast %add3A_2414 : vector<16xf32> to vector<16xf32>
          tpu.vector_store %arg9[%swap3A_2417], %swap3A_2420 {strides = array<i32>} : memref<8192xf32, #tpu.memory_space<vmem>>, vector<16xf32>,
          %slice3A_2421 = vector.extract_strided_slice %get3A_222 {offsets = [13], sizes = [1], strides = [1]} : vector<16xi32> to vector<1xi32>
          %squeeze3A_2422 = vector.extract %slice3A_2421[0] : i32 from vector<1xi32>
          %mul3A_2423 = arith.constant 128 : i32
          %mul3A_2424 = arith.muli %squeeze3A_2422, %mul3A_2423 : i32
          %add3A_2425 = arith.constant 0 : i32
          %add3A_2426 = arith.addi %mul3A_2424, %add3A_2425 : i32
          %get3A_2427 = arith.index_cast %add3A_2426 : i32 to index
          %get3A_2428 = tpu.vector_load %arg8[%get3A_2427] {strides = array<i32>} : memref<65536xf32, #tpu.memory_space<vmem>>, vector<16xf32>,
          %get3A_2429 = vector.shape_cast %get3A_2428 : vector<16xf32> to vector<16xf32>
          %add3A_2430 = arith.constant 1664 : i32
          %add3A_2431 = arith.addi %add3A_229, %add3A_2430 : i32
          %add3A_2432 = arith.constant 0 : i32
          %add3A_2433 = arith.addi %add3A_2431, %add3A_2432 : i32
          %get3A_2434 = arith.index_cast %add3A_2433 : i32 to index
          %get3A_2435 = tpu.vector_load %arg7[%get3A_2434] {strides = array<i32>} : memref<49152xf32, #tpu.memory_space<vmem>>, vector<16xf32>,
          %get3A_2436 = vector.shape_cast %get3A_2435 : vector<16xf32> to vector<16xf32>
          %add3A_2437 = arith.addf %get3A_2429, %get3A_2436 : vector<16xf32>
          %add3A_2438 = arith.constant 0 : i32
          %add3A_2439 = arith.addi %mul3A_2424, %add3A_2438 : i32
          %swap3A_2440 = arith.index_cast %add3A_2439 : i32 to index
          %swap3A_2441 = tpu.vector_load %arg8[%swap3A_2440] {strides = array<i32>} : memref<65536xf32, #tpu.memory_space<vmem>>, vector<16xf32>,
          %swap3A_2442 = vector.shape_cast %swap3A_2441 : vector<16xf32> to vector<16xf32>
          %swap3A_2443 = vector.shape_cast %add3A_2437 : vector<16xf32> to vector<16xf32>
          tpu.vector_store %arg8[%swap3A_2440], %swap3A_2443 {strides = array<i32>} : memref<65536xf32, #tpu.memory_space<vmem>>, vector<16xf32>,
          %add3A_2444 = arith.constant 16 : i32
          %add3A_2445 = arith.addi %mul3A_2424, %add3A_2444 : i32
          %get3A_2446 = arith.index_cast %add3A_2445 : i32 to index
          %get3A_2447 = tpu.vector_load %arg8[%get3A_2446] {strides = array<i32>} : memref<65536xf32, #tpu.memory_space<vmem>>, vector<16xf32>,
          %get3A_2448 = vector.shape_cast %get3A_2447 : vector<16xf32> to vector<16xf32>
          %add3A_2449 = arith.constant 1664 : i32
          %add3A_2450 = arith.addi %add3A_229, %add3A_2449 : i32
          %add3A_2451 = arith.constant 16 : i32
          %add3A_2452 = arith.addi %add3A_2450, %add3A_2451 : i32
          %get3A_2453 = arith.index_cast %add3A_2452 : i32 to index
          %get3A_2454 = tpu.vector_load %arg7[%get3A_2453] {strides = array<i32>} : memref<49152xf32, #tpu.memory_space<vmem>>, vector<16xf32>,
          %get3A_2455 = vector.shape_cast %get3A_2454 : vector<16xf32> to vector<16xf32>
          %add3A_2456 = arith.addf %get3A_2448, %get3A_2455 : vector<16xf32>
          %add3A_2457 = arith.constant 16 : i32
          %add3A_2458 = arith.addi %mul3A_2424, %add3A_2457 : i32
          %swap3A_2459 = arith.index_cast %add3A_2458 : i32 to index
          %swap3A_2460 = tpu.vector_load %arg8[%swap3A_2459] {strides = array<i32>} : memref<65536xf32, #tpu.memory_space<vmem>>, vector<16xf32>,
          %swap3A_2461 = vector.shape_cast %swap3A_2460 : vector<16xf32> to vector<16xf32>
          %swap3A_2462 = vector.shape_cast %add3A_2456 : vector<16xf32> to vector<16xf32>
          tpu.vector_store %arg8[%swap3A_2459], %swap3A_2462 {strides = array<i32>} : memref<65536xf32, #tpu.memory_space<vmem>>, vector<16xf32>,
          %add3A_2463 = arith.constant 32 : i32
          %add3A_2464 = arith.addi %mul3A_2424, %add3A_2463 : i32
          %get3A_2465 = arith.index_cast %add3A_2464 : i32 to index
          %get3A_2466 = tpu.vector_load %arg8[%get3A_2465] {strides = array<i32>} : memref<65536xf32, #tpu.memory_space<vmem>>, vector<16xf32>,
          %get3A_2467 = vector.shape_cast %get3A_2466 : vector<16xf32> to vector<16xf32>
          %add3A_2468 = arith.constant 1664 : i32
          %add3A_2469 = arith.addi %add3A_229, %add3A_2468 : i32
          %add3A_2470 = arith.constant 32 : i32
          %add3A_2471 = arith.addi %add3A_2469, %add3A_2470 : i32
          %get3A_2472 = arith.index_cast %add3A_2471 : i32 to index
          %get3A_2473 = tpu.vector_load %arg7[%get3A_2472] {strides = array<i32>} : memref<49152xf32, #tpu.memory_space<vmem>>, vector<16xf32>,
          %get3A_2474 = vector.shape_cast %get3A_2473 : vector<16xf32> to vector<16xf32>
          %add3A_2475 = arith.addf %get3A_2467, %get3A_2474 : vector<16xf32>
          %add3A_2476 = arith.constant 32 : i32
          %add3A_2477 = arith.addi %mul3A_2424, %add3A_2476 : i32
          %swap3A_2478 = arith.index_cast %add3A_2477 : i32 to index
          %swap3A_2479 = tpu.vector_load %arg8[%swap3A_2478] {strides = array<i32>} : memref<65536xf32, #tpu.memory_space<vmem>>, vector<16xf32>,
          %swap3A_2480 = vector.shape_cast %swap3A_2479 : vector<16xf32> to vector<16xf32>
          %swap3A_2481 = vector.shape_cast %add3A_2475 : vector<16xf32> to vector<16xf32>
          tpu.vector_store %arg8[%swap3A_2478], %swap3A_2481 {strides = array<i32>} : memref<65536xf32, #tpu.memory_space<vmem>>, vector<16xf32>,
          %add3A_2482 = arith.constant 48 : i32
          %add3A_2483 = arith.addi %mul3A_2424, %add3A_2482 : i32
          %get3A_2484 = arith.index_cast %add3A_2483 : i32 to index
          %get3A_2485 = tpu.vector_load %arg8[%get3A_2484] {strides = array<i32>} : memref<65536xf32, #tpu.memory_space<vmem>>, vector<16xf32>,
          %get3A_2486 = vector.shape_cast %get3A_2485 : vector<16xf32> to vector<16xf32>
          %add3A_2487 = arith.constant 1664 : i32
          %add3A_2488 = arith.addi %add3A_229, %add3A_2487 : i32
          %add3A_2489 = arith.constant 48 : i32
          %add3A_2490 = arith.addi %add3A_2488, %add3A_2489 : i32
          %get3A_2491 = arith.index_cast %add3A_2490 : i32 to index
          %get3A_2492 = tpu.vector_load %arg7[%get3A_2491] {strides = array<i32>} : memref<49152xf32, #tpu.memory_space<vmem>>, vector<16xf32>,
          %get3A_2493 = vector.shape_cast %get3A_2492 : vector<16xf32> to vector<16xf32>
          %add3A_2494 = arith.addf %get3A_2486, %get3A_2493 : vector<16xf32>
          %add3A_2495 = arith.constant 48 : i32
          %add3A_2496 = arith.addi %mul3A_2424, %add3A_2495 : i32
          %swap3A_2497 = arith.index_cast %add3A_2496 : i32 to index
          %swap3A_2498 = tpu.vector_load %arg8[%swap3A_2497] {strides = array<i32>} : memref<65536xf32, #tpu.memory_space<vmem>>, vector<16xf32>,
          %swap3A_2499 = vector.shape_cast %swap3A_2498 : vector<16xf32> to vector<16xf32>
          %swap3A_2500 = vector.shape_cast %add3A_2494 : vector<16xf32> to vector<16xf32>
          tpu.vector_store %arg8[%swap3A_2497], %swap3A_2500 {strides = array<i32>} : memref<65536xf32, #tpu.memory_space<vmem>>, vector<16xf32>,
          %add3A_2501 = arith.constant 64 : i32
          %add3A_2502 = arith.addi %mul3A_2424, %add3A_2501 : i32
          %get3A_2503 = arith.index_cast %add3A_2502 : i32 to index
          %get3A_2504 = tpu.vector_load %arg8[%get3A_2503] {strides = array<i32>} : memref<65536xf32, #tpu.memory_space<vmem>>, vector<16xf32>,
          %get3A_2505 = vector.shape_cast %get3A_2504 : vector<16xf32> to vector<16xf32>
          %add3A_2506 = arith.constant 1664 : i32
          %add3A_2507 = arith.addi %add3A_229, %add3A_2506 : i32
          %add3A_2508 = arith.constant 64 : i32
          %add3A_2509 = arith.addi %add3A_2507, %add3A_2508 : i32
          %get3A_2510 = arith.index_cast %add3A_2509 : i32 to index
          %get3A_2511 = tpu.vector_load %arg7[%get3A_2510] {strides = array<i32>} : memref<49152xf32, #tpu.memory_space<vmem>>, vector<16xf32>,
          %get3A_2512 = vector.shape_cast %get3A_2511 : vector<16xf32> to vector<16xf32>
          %add3A_2513 = arith.addf %get3A_2505, %get3A_2512 : vector<16xf32>
          %add3A_2514 = arith.constant 64 : i32
          %add3A_2515 = arith.addi %mul3A_2424, %add3A_2514 : i32
          %swap3A_2516 = arith.index_cast %add3A_2515 : i32 to index
          %swap3A_2517 = tpu.vector_load %arg8[%swap3A_2516] {strides = array<i32>} : memref<65536xf32, #tpu.memory_space<vmem>>, vector<16xf32>,
          %swap3A_2518 = vector.shape_cast %swap3A_2517 : vector<16xf32> to vector<16xf32>
          %swap3A_2519 = vector.shape_cast %add3A_2513 : vector<16xf32> to vector<16xf32>
          tpu.vector_store %arg8[%swap3A_2516], %swap3A_2519 {strides = array<i32>} : memref<65536xf32, #tpu.memory_space<vmem>>, vector<16xf32>,
          %add3A_2520 = arith.constant 80 : i32
          %add3A_2521 = arith.addi %mul3A_2424, %add3A_2520 : i32
          %get3A_2522 = arith.index_cast %add3A_2521 : i32 to index
          %get3A_2523 = tpu.vector_load %arg8[%get3A_2522] {strides = array<i32>} : memref<65536xf32, #tpu.memory_space<vmem>>, vector<16xf32>,
          %get3A_2524 = vector.shape_cast %get3A_2523 : vector<16xf32> to vector<16xf32>
          %add3A_2525 = arith.constant 1664 : i32
          %add3A_2526 = arith.addi %add3A_229, %add3A_2525 : i32
          %add3A_2527 = arith.constant 80 : i32
          %add3A_2528 = arith.addi %add3A_2526, %add3A_2527 : i32
          %get3A_2529 = arith.index_cast %add3A_2528 : i32 to index
          %get3A_2530 = tpu.vector_load %arg7[%get3A_2529] {strides = array<i32>} : memref<49152xf32, #tpu.memory_space<vmem>>, vector<16xf32>,
          %get3A_2531 = vector.shape_cast %get3A_2530 : vector<16xf32> to vector<16xf32>
          %add3A_2532 = arith.addf %get3A_2524, %get3A_2531 : vector<16xf32>
          %add3A_2533 = arith.constant 80 : i32
          %add3A_2534 = arith.addi %mul3A_2424, %add3A_2533 : i32
          %swap3A_2535 = arith.index_cast %add3A_2534 : i32 to index
          %swap3A_2536 = tpu.vector_load %arg8[%swap3A_2535] {strides = array<i32>} : memref<65536xf32, #tpu.memory_space<vmem>>, vector<16xf32>,
          %swap3A_2537 = vector.shape_cast %swap3A_2536 : vector<16xf32> to vector<16xf32>
          %swap3A_2538 = vector.shape_cast %add3A_2532 : vector<16xf32> to vector<16xf32>
          tpu.vector_store %arg8[%swap3A_2535], %swap3A_2538 {strides = array<i32>} : memref<65536xf32, #tpu.memory_space<vmem>>, vector<16xf32>,
          %add3A_2539 = arith.constant 96 : i32
          %add3A_2540 = arith.addi %mul3A_2424, %add3A_2539 : i32
          %get3A_2541 = arith.index_cast %add3A_2540 : i32 to index
          %get3A_2542 = tpu.vector_load %arg8[%get3A_2541] {strides = array<i32>} : memref<65536xf32, #tpu.memory_space<vmem>>, vector<16xf32>,
          %get3A_2543 = vector.shape_cast %get3A_2542 : vector<16xf32> to vector<16xf32>
          %add3A_2544 = arith.constant 1664 : i32
          %add3A_2545 = arith.addi %add3A_229, %add3A_2544 : i32
          %add3A_2546 = arith.constant 96 : i32
          %add3A_2547 = arith.addi %add3A_2545, %add3A_2546 : i32
          %get3A_2548 = arith.index_cast %add3A_2547 : i32 to index
          %get3A_2549 = tpu.vector_load %arg7[%get3A_2548] {strides = array<i32>} : memref<49152xf32, #tpu.memory_space<vmem>>, vector<16xf32>,
          %get3A_2550 = vector.shape_cast %get3A_2549 : vector<16xf32> to vector<16xf32>
          %add3A_2551 = arith.addf %get3A_2543, %get3A_2550 : vector<16xf32>
          %add3A_2552 = arith.constant 96 : i32
          %add3A_2553 = arith.addi %mul3A_2424, %add3A_2552 : i32
          %swap3A_2554 = arith.index_cast %add3A_2553 : i32 to index
          %swap3A_2555 = tpu.vector_load %arg8[%swap3A_2554] {strides = array<i32>} : memref<65536xf32, #tpu.memory_space<vmem>>, vector<16xf32>,
          %swap3A_2556 = vector.shape_cast %swap3A_2555 : vector<16xf32> to vector<16xf32>
          %swap3A_2557 = vector.shape_cast %add3A_2551 : vector<16xf32> to vector<16xf32>
          tpu.vector_store %arg8[%swap3A_2554], %swap3A_2557 {strides = array<i32>} : memref<65536xf32, #tpu.memory_space<vmem>>, vector<16xf32>,
          %add3A_2558 = arith.constant 112 : i32
          %add3A_2559 = arith.addi %mul3A_2424, %add3A_2558 : i32
          %get3A_2560 = arith.index_cast %add3A_2559 : i32 to index
          %get3A_2561 = tpu.vector_load %arg8[%get3A_2560] {strides = array<i32>} : memref<65536xf32, #tpu.memory_space<vmem>>, vector<16xf32>,
          %get3A_2562 = vector.shape_cast %get3A_2561 : vector<16xf32> to vector<16xf32>
          %add3A_2563 = arith.constant 1664 : i32
          %add3A_2564 = arith.addi %add3A_229, %add3A_2563 : i32
          %add3A_2565 = arith.constant 112 : i32
          %add3A_2566 = arith.addi %add3A_2564, %add3A_2565 : i32
          %get3A_2567 = arith.index_cast %add3A_2566 : i32 to index
          %get3A_2568 = tpu.vector_load %arg7[%get3A_2567] {strides = array<i32>} : memref<49152xf32, #tpu.memory_space<vmem>>, vector<16xf32>,
          %get3A_2569 = vector.shape_cast %get3A_2568 : vector<16xf32> to vector<16xf32>
          %add3A_2570 = arith.addf %get3A_2562, %get3A_2569 : vector<16xf32>
          %add3A_2571 = arith.constant 112 : i32
          %add3A_2572 = arith.addi %mul3A_2424, %add3A_2571 : i32
          %swap3A_2573 = arith.index_cast %add3A_2572 : i32 to index
          %swap3A_2574 = tpu.vector_load %arg8[%swap3A_2573] {strides = array<i32>} : memref<65536xf32, #tpu.memory_space<vmem>>, vector<16xf32>,
          %swap3A_2575 = vector.shape_cast %swap3A_2574 : vector<16xf32> to vector<16xf32>
          %swap3A_2576 = vector.shape_cast %add3A_2570 : vector<16xf32> to vector<16xf32>
          tpu.vector_store %arg8[%swap3A_2573], %swap3A_2576 {strides = array<i32>} : memref<65536xf32, #tpu.memory_space<vmem>>, vector<16xf32>,
          %mul3A_2577 = arith.constant 16 : i32
          %mul3A_2578 = arith.muli %squeeze3A_2422, %mul3A_2577 : i32
          %get3A_2579 = arith.index_cast %mul3A_2578 : i32 to index
          %get3A_2580 = tpu.vector_load %arg9[%get3A_2579] {strides = array<i32>} : memref<8192xf32, #tpu.memory_space<vmem>>, vector<16xf32>,
          %get3A_2581 = vector.shape_cast %get3A_2580 : vector<16xf32> to vector<16xf32>
          %add3A_2582 = arith.addf %get3A_2581, %broadcast_in_dim3A_15 : vector<16xf32>
          %mul3A_2583 = arith.constant 16 : i32
          %mul3A_2584 = arith.muli %squeeze3A_2422, %mul3A_2583 : i32
          %swap3A_2585 = arith.index_cast %mul3A_2584 : i32 to index
          %swap3A_2586 = tpu.vector_load %arg9[%swap3A_2585] {strides = array<i32>} : memref<8192xf32, #tpu.memory_space<vmem>>, vector<16xf32>,
          %swap3A_2587 = vector.shape_cast %swap3A_2586 : vector<16xf32> to vector<16xf32>
          %swap3A_2588 = vector.shape_cast %add3A_2582 : vector<16xf32> to vector<16xf32>
          tpu.vector_store %arg9[%swap3A_2585], %swap3A_2588 {strides = array<i32>} : memref<8192xf32, #tpu.memory_space<vmem>>, vector<16xf32>,
          %slice3A_2589 = vector.extract_strided_slice %get3A_222 {offsets = [14], sizes = [1], strides = [1]} : vector<16xi32> to vector<1xi32>
          %squeeze3A_2590 = vector.extract %slice3A_2589[0] : i32 from vector<1xi32>
          %mul3A_2591 = arith.constant 128 : i32
          %mul3A_2592 = arith.muli %squeeze3A_2590, %mul3A_2591 : i32
          %add3A_2593 = arith.constant 0 : i32
          %add3A_2594 = arith.addi %mul3A_2592, %add3A_2593 : i32
          %get3A_2595 = arith.index_cast %add3A_2594 : i32 to index
          %get3A_2596 = tpu.vector_load %arg8[%get3A_2595] {strides = array<i32>} : memref<65536xf32, #tpu.memory_space<vmem>>, vector<16xf32>,
          %get3A_2597 = vector.shape_cast %get3A_2596 : vector<16xf32> to vector<16xf32>
          %add3A_2598 = arith.constant 1792 : i32
          %add3A_2599 = arith.addi %add3A_229, %add3A_2598 : i32
          %add3A_2600 = arith.constant 0 : i32
          %add3A_2601 = arith.addi %add3A_2599, %add3A_2600 : i32
          %get3A_2602 = arith.index_cast %add3A_2601 : i32 to index
          %get3A_2603 = tpu.vector_load %arg7[%get3A_2602] {strides = array<i32>} : memref<49152xf32, #tpu.memory_space<vmem>>, vector<16xf32>,
          %get3A_2604 = vector.shape_cast %get3A_2603 : vector<16xf32> to vector<16xf32>
          %add3A_2605 = arith.addf %get3A_2597, %get3A_2604 : vector<16xf32>
          %add3A_2606 = arith.constant 0 : i32
          %add3A_2607 = arith.addi %mul3A_2592, %add3A_2606 : i32
          %swap3A_2608 = arith.index_cast %add3A_2607 : i32 to index
          %swap3A_2609 = tpu.vector_load %arg8[%swap3A_2608] {strides = array<i32>} : memref<65536xf32, #tpu.memory_space<vmem>>, vector<16xf32>,
          %swap3A_2610 = vector.shape_cast %swap3A_2609 : vector<16xf32> to vector<16xf32>
          %swap3A_2611 = vector.shape_cast %add3A_2605 : vector<16xf32> to vector<16xf32>
          tpu.vector_store %arg8[%swap3A_2608], %swap3A_2611 {strides = array<i32>} : memref<65536xf32, #tpu.memory_space<vmem>>, vector<16xf32>,
          %add3A_2612 = arith.constant 16 : i32
          %add3A_2613 = arith.addi %mul3A_2592, %add3A_2612 : i32
          %get3A_2614 = arith.index_cast %add3A_2613 : i32 to index
          %get3A_2615 = tpu.vector_load %arg8[%get3A_2614] {strides = array<i32>} : memref<65536xf32, #tpu.memory_space<vmem>>, vector<16xf32>,
          %get3A_2616 = vector.shape_cast %get3A_2615 : vector<16xf32> to vector<16xf32>
          %add3A_2617 = arith.constant 1792 : i32
          %add3A_2618 = arith.addi %add3A_229, %add3A_2617 : i32
          %add3A_2619 = arith.constant 16 : i32
          %add3A_2620 = arith.addi %add3A_2618, %add3A_2619 : i32
          %get3A_2621 = arith.index_cast %add3A_2620 : i32 to index
          %get3A_2622 = tpu.vector_load %arg7[%get3A_2621] {strides = array<i32>} : memref<49152xf32, #tpu.memory_space<vmem>>, vector<16xf32>,
          %get3A_2623 = vector.shape_cast %get3A_2622 : vector<16xf32> to vector<16xf32>
          %add3A_2624 = arith.addf %get3A_2616, %get3A_2623 : vector<16xf32>
          %add3A_2625 = arith.constant 16 : i32
          %add3A_2626 = arith.addi %mul3A_2592, %add3A_2625 : i32
          %swap3A_2627 = arith.index_cast %add3A_2626 : i32 to index
          %swap3A_2628 = tpu.vector_load %arg8[%swap3A_2627] {strides = array<i32>} : memref<65536xf32, #tpu.memory_space<vmem>>, vector<16xf32>,
          %swap3A_2629 = vector.shape_cast %swap3A_2628 : vector<16xf32> to vector<16xf32>
          %swap3A_2630 = vector.shape_cast %add3A_2624 : vector<16xf32> to vector<16xf32>
          tpu.vector_store %arg8[%swap3A_2627], %swap3A_2630 {strides = array<i32>} : memref<65536xf32, #tpu.memory_space<vmem>>, vector<16xf32>,
          %add3A_2631 = arith.constant 32 : i32
          %add3A_2632 = arith.addi %mul3A_2592, %add3A_2631 : i32
          %get3A_2633 = arith.index_cast %add3A_2632 : i32 to index
          %get3A_2634 = tpu.vector_load %arg8[%get3A_2633] {strides = array<i32>} : memref<65536xf32, #tpu.memory_space<vmem>>, vector<16xf32>,
          %get3A_2635 = vector.shape_cast %get3A_2634 : vector<16xf32> to vector<16xf32>
          %add3A_2636 = arith.constant 1792 : i32
          %add3A_2637 = arith.addi %add3A_229, %add3A_2636 : i32
          %add3A_2638 = arith.constant 32 : i32
          %add3A_2639 = arith.addi %add3A_2637, %add3A_2638 : i32
          %get3A_2640 = arith.index_cast %add3A_2639 : i32 to index
          %get3A_2641 = tpu.vector_load %arg7[%get3A_2640] {strides = array<i32>} : memref<49152xf32, #tpu.memory_space<vmem>>, vector<16xf32>,
          %get3A_2642 = vector.shape_cast %get3A_2641 : vector<16xf32> to vector<16xf32>
          %add3A_2643 = arith.addf %get3A_2635, %get3A_2642 : vector<16xf32>
          %add3A_2644 = arith.constant 32 : i32
          %add3A_2645 = arith.addi %mul3A_2592, %add3A_2644 : i32
          %swap3A_2646 = arith.index_cast %add3A_2645 : i32 to index
          %swap3A_2647 = tpu.vector_load %arg8[%swap3A_2646] {strides = array<i32>} : memref<65536xf32, #tpu.memory_space<vmem>>, vector<16xf32>,
          %swap3A_2648 = vector.shape_cast %swap3A_2647 : vector<16xf32> to vector<16xf32>
          %swap3A_2649 = vector.shape_cast %add3A_2643 : vector<16xf32> to vector<16xf32>
          tpu.vector_store %arg8[%swap3A_2646], %swap3A_2649 {strides = array<i32>} : memref<65536xf32, #tpu.memory_space<vmem>>, vector<16xf32>,
          %add3A_2650 = arith.constant 48 : i32
          %add3A_2651 = arith.addi %mul3A_2592, %add3A_2650 : i32
          %get3A_2652 = arith.index_cast %add3A_2651 : i32 to index
          %get3A_2653 = tpu.vector_load %arg8[%get3A_2652] {strides = array<i32>} : memref<65536xf32, #tpu.memory_space<vmem>>, vector<16xf32>,
          %get3A_2654 = vector.shape_cast %get3A_2653 : vector<16xf32> to vector<16xf32>
          %add3A_2655 = arith.constant 1792 : i32
          %add3A_2656 = arith.addi %add3A_229, %add3A_2655 : i32
          %add3A_2657 = arith.constant 48 : i32
          %add3A_2658 = arith.addi %add3A_2656, %add3A_2657 : i32
          %get3A_2659 = arith.index_cast %add3A_2658 : i32 to index
          %get3A_2660 = tpu.vector_load %arg7[%get3A_2659] {strides = array<i32>} : memref<49152xf32, #tpu.memory_space<vmem>>, vector<16xf32>,
          %get3A_2661 = vector.shape_cast %get3A_2660 : vector<16xf32> to vector<16xf32>
          %add3A_2662 = arith.addf %get3A_2654, %get3A_2661 : vector<16xf32>
          %add3A_2663 = arith.constant 48 : i32
          %add3A_2664 = arith.addi %mul3A_2592, %add3A_2663 : i32
          %swap3A_2665 = arith.index_cast %add3A_2664 : i32 to index
          %swap3A_2666 = tpu.vector_load %arg8[%swap3A_2665] {strides = array<i32>} : memref<65536xf32, #tpu.memory_space<vmem>>, vector<16xf32>,
          %swap3A_2667 = vector.shape_cast %swap3A_2666 : vector<16xf32> to vector<16xf32>
          %swap3A_2668 = vector.shape_cast %add3A_2662 : vector<16xf32> to vector<16xf32>
          tpu.vector_store %arg8[%swap3A_2665], %swap3A_2668 {strides = array<i32>} : memref<65536xf32, #tpu.memory_space<vmem>>, vector<16xf32>,
          %add3A_2669 = arith.constant 64 : i32
          %add3A_2670 = arith.addi %mul3A_2592, %add3A_2669 : i32
          %get3A_2671 = arith.index_cast %add3A_2670 : i32 to index
          %get3A_2672 = tpu.vector_load %arg8[%get3A_2671] {strides = array<i32>} : memref<65536xf32, #tpu.memory_space<vmem>>, vector<16xf32>,
          %get3A_2673 = vector.shape_cast %get3A_2672 : vector<16xf32> to vector<16xf32>
          %add3A_2674 = arith.constant 1792 : i32
          %add3A_2675 = arith.addi %add3A_229, %add3A_2674 : i32
          %add3A_2676 = arith.constant 64 : i32
          %add3A_2677 = arith.addi %add3A_2675, %add3A_2676 : i32
          %get3A_2678 = arith.index_cast %add3A_2677 : i32 to index
          %get3A_2679 = tpu.vector_load %arg7[%get3A_2678] {strides = array<i32>} : memref<49152xf32, #tpu.memory_space<vmem>>, vector<16xf32>,
          %get3A_2680 = vector.shape_cast %get3A_2679 : vector<16xf32> to vector<16xf32>
          %add3A_2681 = arith.addf %get3A_2673, %get3A_2680 : vector<16xf32>
          %add3A_2682 = arith.constant 64 : i32
          %add3A_2683 = arith.addi %mul3A_2592, %add3A_2682 : i32
          %swap3A_2684 = arith.index_cast %add3A_2683 : i32 to index
          %swap3A_2685 = tpu.vector_load %arg8[%swap3A_2684] {strides = array<i32>} : memref<65536xf32, #tpu.memory_space<vmem>>, vector<16xf32>,
          %swap3A_2686 = vector.shape_cast %swap3A_2685 : vector<16xf32> to vector<16xf32>
          %swap3A_2687 = vector.shape_cast %add3A_2681 : vector<16xf32> to vector<16xf32>
          tpu.vector_store %arg8[%swap3A_2684], %swap3A_2687 {strides = array<i32>} : memref<65536xf32, #tpu.memory_space<vmem>>, vector<16xf32>,
          %add3A_2688 = arith.constant 80 : i32
          %add3A_2689 = arith.addi %mul3A_2592, %add3A_2688 : i32
          %get3A_2690 = arith.index_cast %add3A_2689 : i32 to index
          %get3A_2691 = tpu.vector_load %arg8[%get3A_2690] {strides = array<i32>} : memref<65536xf32, #tpu.memory_space<vmem>>, vector<16xf32>,
          %get3A_2692 = vector.shape_cast %get3A_2691 : vector<16xf32> to vector<16xf32>
          %add3A_2693 = arith.constant 1792 : i32
          %add3A_2694 = arith.addi %add3A_229, %add3A_2693 : i32
          %add3A_2695 = arith.constant 80 : i32
          %add3A_2696 = arith.addi %add3A_2694, %add3A_2695 : i32
          %get3A_2697 = arith.index_cast %add3A_2696 : i32 to index
          %get3A_2698 = tpu.vector_load %arg7[%get3A_2697] {strides = array<i32>} : memref<49152xf32, #tpu.memory_space<vmem>>, vector<16xf32>,
          %get3A_2699 = vector.shape_cast %get3A_2698 : vector<16xf32> to vector<16xf32>
          %add3A_2700 = arith.addf %get3A_2692, %get3A_2699 : vector<16xf32>
          %add3A_2701 = arith.constant 80 : i32
          %add3A_2702 = arith.addi %mul3A_2592, %add3A_2701 : i32
          %swap3A_2703 = arith.index_cast %add3A_2702 : i32 to index
          %swap3A_2704 = tpu.vector_load %arg8[%swap3A_2703] {strides = array<i32>} : memref<65536xf32, #tpu.memory_space<vmem>>, vector<16xf32>,
          %swap3A_2705 = vector.shape_cast %swap3A_2704 : vector<16xf32> to vector<16xf32>
          %swap3A_2706 = vector.shape_cast %add3A_2700 : vector<16xf32> to vector<16xf32>
          tpu.vector_store %arg8[%swap3A_2703], %swap3A_2706 {strides = array<i32>} : memref<65536xf32, #tpu.memory_space<vmem>>, vector<16xf32>,
          %add3A_2707 = arith.constant 96 : i32
          %add3A_2708 = arith.addi %mul3A_2592, %add3A_2707 : i32
          %get3A_2709 = arith.index_cast %add3A_2708 : i32 to index
          %get3A_2710 = tpu.vector_load %arg8[%get3A_2709] {strides = array<i32>} : memref<65536xf32, #tpu.memory_space<vmem>>, vector<16xf32>,
          %get3A_2711 = vector.shape_cast %get3A_2710 : vector<16xf32> to vector<16xf32>
          %add3A_2712 = arith.constant 1792 : i32
          %add3A_2713 = arith.addi %add3A_229, %add3A_2712 : i32
          %add3A_2714 = arith.constant 96 : i32
          %add3A_2715 = arith.addi %add3A_2713, %add3A_2714 : i32
          %get3A_2716 = arith.index_cast %add3A_2715 : i32 to index
          %get3A_2717 = tpu.vector_load %arg7[%get3A_2716] {strides = array<i32>} : memref<49152xf32, #tpu.memory_space<vmem>>, vector<16xf32>,
          %get3A_2718 = vector.shape_cast %get3A_2717 : vector<16xf32> to vector<16xf32>
          %add3A_2719 = arith.addf %get3A_2711, %get3A_2718 : vector<16xf32>
          %add3A_2720 = arith.constant 96 : i32
          %add3A_2721 = arith.addi %mul3A_2592, %add3A_2720 : i32
          %swap3A_2722 = arith.index_cast %add3A_2721 : i32 to index
          %swap3A_2723 = tpu.vector_load %arg8[%swap3A_2722] {strides = array<i32>} : memref<65536xf32, #tpu.memory_space<vmem>>, vector<16xf32>,
          %swap3A_2724 = vector.shape_cast %swap3A_2723 : vector<16xf32> to vector<16xf32>
          %swap3A_2725 = vector.shape_cast %add3A_2719 : vector<16xf32> to vector<16xf32>
          tpu.vector_store %arg8[%swap3A_2722], %swap3A_2725 {strides = array<i32>} : memref<65536xf32, #tpu.memory_space<vmem>>, vector<16xf32>,
          %add3A_2726 = arith.constant 112 : i32
          %add3A_2727 = arith.addi %mul3A_2592, %add3A_2726 : i32
          %get3A_2728 = arith.index_cast %add3A_2727 : i32 to index
          %get3A_2729 = tpu.vector_load %arg8[%get3A_2728] {strides = array<i32>} : memref<65536xf32, #tpu.memory_space<vmem>>, vector<16xf32>,
          %get3A_2730 = vector.shape_cast %get3A_2729 : vector<16xf32> to vector<16xf32>
          %add3A_2731 = arith.constant 1792 : i32
          %add3A_2732 = arith.addi %add3A_229, %add3A_2731 : i32
          %add3A_2733 = arith.constant 112 : i32
          %add3A_2734 = arith.addi %add3A_2732, %add3A_2733 : i32
          %get3A_2735 = arith.index_cast %add3A_2734 : i32 to index
          %get3A_2736 = tpu.vector_load %arg7[%get3A_2735] {strides = array<i32>} : memref<49152xf32, #tpu.memory_space<vmem>>, vector<16xf32>,
          %get3A_2737 = vector.shape_cast %get3A_2736 : vector<16xf32> to vector<16xf32>
          %add3A_2738 = arith.addf %get3A_2730, %get3A_2737 : vector<16xf32>
          %add3A_2739 = arith.constant 112 : i32
          %add3A_2740 = arith.addi %mul3A_2592, %add3A_2739 : i32
          %swap3A_2741 = arith.index_cast %add3A_2740 : i32 to index
          %swap3A_2742 = tpu.vector_load %arg8[%swap3A_2741] {strides = array<i32>} : memref<65536xf32, #tpu.memory_space<vmem>>, vector<16xf32>,
          %swap3A_2743 = vector.shape_cast %swap3A_2742 : vector<16xf32> to vector<16xf32>
          %swap3A_2744 = vector.shape_cast %add3A_2738 : vector<16xf32> to vector<16xf32>
          tpu.vector_store %arg8[%swap3A_2741], %swap3A_2744 {strides = array<i32>} : memref<65536xf32, #tpu.memory_space<vmem>>, vector<16xf32>,
          %mul3A_2745 = arith.constant 16 : i32
          %mul3A_2746 = arith.muli %squeeze3A_2590, %mul3A_2745 : i32
          %get3A_2747 = arith.index_cast %mul3A_2746 : i32 to index
          %get3A_2748 = tpu.vector_load %arg9[%get3A_2747] {strides = array<i32>} : memref<8192xf32, #tpu.memory_space<vmem>>, vector<16xf32>,
          %get3A_2749 = vector.shape_cast %get3A_2748 : vector<16xf32> to vector<16xf32>
          %add3A_2750 = arith.addf %get3A_2749, %broadcast_in_dim3A_15 : vector<16xf32>
          %mul3A_2751 = arith.constant 16 : i32
          %mul3A_2752 = arith.muli %squeeze3A_2590, %mul3A_2751 : i32
          %swap3A_2753 = arith.index_cast %mul3A_2752 : i32 to index
          %swap3A_2754 = tpu.vector_load %arg9[%swap3A_2753] {strides = array<i32>} : memref<8192xf32, #tpu.memory_space<vmem>>, vector<16xf32>,
          %swap3A_2755 = vector.shape_cast %swap3A_2754 : vector<16xf32> to vector<16xf32>
          %swap3A_2756 = vector.shape_cast %add3A_2750 : vector<16xf32> to vector<16xf32>
          tpu.vector_store %arg9[%swap3A_2753], %swap3A_2756 {strides = array<i32>} : memref<8192xf32, #tpu.memory_space<vmem>>, vector<16xf32>,
          %slice3A_2757 = vector.extract_strided_slice %get3A_222 {offsets = [15], sizes = [1], strides = [1]} : vector<16xi32> to vector<1xi32>
          %squeeze3A_2758 = vector.extract %slice3A_2757[0] : i32 from vector<1xi32>
          %mul3A_2759 = arith.constant 128 : i32
          %mul3A_2760 = arith.muli %squeeze3A_2758, %mul3A_2759 : i32
          %add3A_2761 = arith.constant 0 : i32
          %add3A_2762 = arith.addi %mul3A_2760, %add3A_2761 : i32
          %get3A_2763 = arith.index_cast %add3A_2762 : i32 to index
          %get3A_2764 = tpu.vector_load %arg8[%get3A_2763] {strides = array<i32>} : memref<65536xf32, #tpu.memory_space<vmem>>, vector<16xf32>,
          %get3A_2765 = vector.shape_cast %get3A_2764 : vector<16xf32> to vector<16xf32>
          %add3A_2766 = arith.constant 1920 : i32
          %add3A_2767 = arith.addi %add3A_229, %add3A_2766 : i32
          %add3A_2768 = arith.constant 0 : i32
          %add3A_2769 = arith.addi %add3A_2767, %add3A_2768 : i32
          %get3A_2770 = arith.index_cast %add3A_2769 : i32 to index
          %get3A_2771 = tpu.vector_load %arg7[%get3A_2770] {strides = array<i32>} : memref<49152xf32, #tpu.memory_space<vmem>>, vector<16xf32>,
          %get3A_2772 = vector.shape_cast %get3A_2771 : vector<16xf32> to vector<16xf32>
          %add3A_2773 = arith.addf %get3A_2765, %get3A_2772 : vector<16xf32>
          %add3A_2774 = arith.constant 0 : i32
          %add3A_2775 = arith.addi %mul3A_2760, %add3A_2774 : i32
          %swap3A_2776 = arith.index_cast %add3A_2775 : i32 to index
          %swap3A_2777 = tpu.vector_load %arg8[%swap3A_2776] {strides = array<i32>} : memref<65536xf32, #tpu.memory_space<vmem>>, vector<16xf32>,
          %swap3A_2778 = vector.shape_cast %swap3A_2777 : vector<16xf32> to vector<16xf32>
          %swap3A_2779 = vector.shape_cast %add3A_2773 : vector<16xf32> to vector<16xf32>
          tpu.vector_store %arg8[%swap3A_2776], %swap3A_2779 {strides = array<i32>} : memref<65536xf32, #tpu.memory_space<vmem>>, vector<16xf32>,
          %add3A_2780 = arith.constant 16 : i32
          %add3A_2781 = arith.addi %mul3A_2760, %add3A_2780 : i32
          %get3A_2782 = arith.index_cast %add3A_2781 : i32 to index
          %get3A_2783 = tpu.vector_load %arg8[%get3A_2782] {strides = array<i32>} : memref<65536xf32, #tpu.memory_space<vmem>>, vector<16xf32>,
          %get3A_2784 = vector.shape_cast %get3A_2783 : vector<16xf32> to vector<16xf32>
          %add3A_2785 = arith.constant 1920 : i32
          %add3A_2786 = arith.addi %add3A_229, %add3A_2785 : i32
          %add3A_2787 = arith.constant 16 : i32
          %add3A_2788 = arith.addi %add3A_2786, %add3A_2787 : i32
          %get3A_2789 = arith.index_cast %add3A_2788 : i32 to index
          %get3A_2790 = tpu.vector_load %arg7[%get3A_2789] {strides = array<i32>} : memref<49152xf32, #tpu.memory_space<vmem>>, vector<16xf32>,
          %get3A_2791 = vector.shape_cast %get3A_2790 : vector<16xf32> to vector<16xf32>
          %add3A_2792 = arith.addf %get3A_2784, %get3A_2791 : vector<16xf32>
          %add3A_2793 = arith.constant 16 : i32
          %add3A_2794 = arith.addi %mul3A_2760, %add3A_2793 : i32
          %swap3A_2795 = arith.index_cast %add3A_2794 : i32 to index
          %swap3A_2796 = tpu.vector_load %arg8[%swap3A_2795] {strides = array<i32>} : memref<65536xf32, #tpu.memory_space<vmem>>, vector<16xf32>,
          %swap3A_2797 = vector.shape_cast %swap3A_2796 : vector<16xf32> to vector<16xf32>
          %swap3A_2798 = vector.shape_cast %add3A_2792 : vector<16xf32> to vector<16xf32>
          tpu.vector_store %arg8[%swap3A_2795], %swap3A_2798 {strides = array<i32>} : memref<65536xf32, #tpu.memory_space<vmem>>, vector<16xf32>,
          %add3A_2799 = arith.constant 32 : i32
          %add3A_2800 = arith.addi %mul3A_2760, %add3A_2799 : i32
          %get3A_2801 = arith.index_cast %add3A_2800 : i32 to index
          %get3A_2802 = tpu.vector_load %arg8[%get3A_2801] {strides = array<i32>} : memref<65536xf32, #tpu.memory_space<vmem>>, vector<16xf32>,
          %get3A_2803 = vector.shape_cast %get3A_2802 : vector<16xf32> to vector<16xf32>
          %add3A_2804 = arith.constant 1920 : i32
          %add3A_2805 = arith.addi %add3A_229, %add3A_2804 : i32
          %add3A_2806 = arith.constant 32 : i32
          %add3A_2807 = arith.addi %add3A_2805, %add3A_2806 : i32
          %get3A_2808 = arith.index_cast %add3A_2807 : i32 to index
          %get3A_2809 = tpu.vector_load %arg7[%get3A_2808] {strides = array<i32>} : memref<49152xf32, #tpu.memory_space<vmem>>, vector<16xf32>,
          %get3A_2810 = vector.shape_cast %get3A_2809 : vector<16xf32> to vector<16xf32>
          %add3A_2811 = arith.addf %get3A_2803, %get3A_2810 : vector<16xf32>
          %add3A_2812 = arith.constant 32 : i32
          %add3A_2813 = arith.addi %mul3A_2760, %add3A_2812 : i32
          %swap3A_2814 = arith.index_cast %add3A_2813 : i32 to index
          %swap3A_2815 = tpu.vector_load %arg8[%swap3A_2814] {strides = array<i32>} : memref<65536xf32, #tpu.memory_space<vmem>>, vector<16xf32>,
          %swap3A_2816 = vector.shape_cast %swap3A_2815 : vector<16xf32> to vector<16xf32>
          %swap3A_2817 = vector.shape_cast %add3A_2811 : vector<16xf32> to vector<16xf32>
          tpu.vector_store %arg8[%swap3A_2814], %swap3A_2817 {strides = array<i32>} : memref<65536xf32, #tpu.memory_space<vmem>>, vector<16xf32>,
          %add3A_2818 = arith.constant 48 : i32
          %add3A_2819 = arith.addi %mul3A_2760, %add3A_2818 : i32
          %get3A_2820 = arith.index_cast %add3A_2819 : i32 to index
          %get3A_2821 = tpu.vector_load %arg8[%get3A_2820] {strides = array<i32>} : memref<65536xf32, #tpu.memory_space<vmem>>, vector<16xf32>,
          %get3A_2822 = vector.shape_cast %get3A_2821 : vector<16xf32> to vector<16xf32>
          %add3A_2823 = arith.constant 1920 : i32
          %add3A_2824 = arith.addi %add3A_229, %add3A_2823 : i32
          %add3A_2825 = arith.constant 48 : i32
          %add3A_2826 = arith.addi %add3A_2824, %add3A_2825 : i32
          %get3A_2827 = arith.index_cast %add3A_2826 : i32 to index
          %get3A_2828 = tpu.vector_load %arg7[%get3A_2827] {strides = array<i32>} : memref<49152xf32, #tpu.memory_space<vmem>>, vector<16xf32>,
          %get3A_2829 = vector.shape_cast %get3A_2828 : vector<16xf32> to vector<16xf32>
          %add3A_2830 = arith.addf %get3A_2822, %get3A_2829 : vector<16xf32>
          %add3A_2831 = arith.constant 48 : i32
          %add3A_2832 = arith.addi %mul3A_2760, %add3A_2831 : i32
          %swap3A_2833 = arith.index_cast %add3A_2832 : i32 to index
          %swap3A_2834 = tpu.vector_load %arg8[%swap3A_2833] {strides = array<i32>} : memref<65536xf32, #tpu.memory_space<vmem>>, vector<16xf32>,
          %swap3A_2835 = vector.shape_cast %swap3A_2834 : vector<16xf32> to vector<16xf32>
          %swap3A_2836 = vector.shape_cast %add3A_2830 : vector<16xf32> to vector<16xf32>
          tpu.vector_store %arg8[%swap3A_2833], %swap3A_2836 {strides = array<i32>} : memref<65536xf32, #tpu.memory_space<vmem>>, vector<16xf32>,
          %add3A_2837 = arith.constant 64 : i32
          %add3A_2838 = arith.addi %mul3A_2760, %add3A_2837 : i32
          %get3A_2839 = arith.index_cast %add3A_2838 : i32 to index
          %get3A_2840 = tpu.vector_load %arg8[%get3A_2839] {strides = array<i32>} : memref<65536xf32, #tpu.memory_space<vmem>>, vector<16xf32>,
          %get3A_2841 = vector.shape_cast %get3A_2840 : vector<16xf32> to vector<16xf32>
          %add3A_2842 = arith.constant 1920 : i32
          %add3A_2843 = arith.addi %add3A_229, %add3A_2842 : i32
          %add3A_2844 = arith.constant 64 : i32
          %add3A_2845 = arith.addi %add3A_2843, %add3A_2844 : i32
          %get3A_2846 = arith.index_cast %add3A_2845 : i32 to index
          %get3A_2847 = tpu.vector_load %arg7[%get3A_2846] {strides = array<i32>} : memref<49152xf32, #tpu.memory_space<vmem>>, vector<16xf32>,
          %get3A_2848 = vector.shape_cast %get3A_2847 : vector<16xf32> to vector<16xf32>
          %add3A_2849 = arith.addf %get3A_2841, %get3A_2848 : vector<16xf32>
          %add3A_2850 = arith.constant 64 : i32
          %add3A_2851 = arith.addi %mul3A_2760, %add3A_2850 : i32
          %swap3A_2852 = arith.index_cast %add3A_2851 : i32 to index
          %swap3A_2853 = tpu.vector_load %arg8[%swap3A_2852] {strides = array<i32>} : memref<65536xf32, #tpu.memory_space<vmem>>, vector<16xf32>,
          %swap3A_2854 = vector.shape_cast %swap3A_2853 : vector<16xf32> to vector<16xf32>
          %swap3A_2855 = vector.shape_cast %add3A_2849 : vector<16xf32> to vector<16xf32>
          tpu.vector_store %arg8[%swap3A_2852], %swap3A_2855 {strides = array<i32>} : memref<65536xf32, #tpu.memory_space<vmem>>, vector<16xf32>,
          %add3A_2856 = arith.constant 80 : i32
          %add3A_2857 = arith.addi %mul3A_2760, %add3A_2856 : i32
          %get3A_2858 = arith.index_cast %add3A_2857 : i32 to index
          %get3A_2859 = tpu.vector_load %arg8[%get3A_2858] {strides = array<i32>} : memref<65536xf32, #tpu.memory_space<vmem>>, vector<16xf32>,
          %get3A_2860 = vector.shape_cast %get3A_2859 : vector<16xf32> to vector<16xf32>
          %add3A_2861 = arith.constant 1920 : i32
          %add3A_2862 = arith.addi %add3A_229, %add3A_2861 : i32
          %add3A_2863 = arith.constant 80 : i32
          %add3A_2864 = arith.addi %add3A_2862, %add3A_2863 : i32
          %get3A_2865 = arith.index_cast %add3A_2864 : i32 to index
          %get3A_2866 = tpu.vector_load %arg7[%get3A_2865] {strides = array<i32>} : memref<49152xf32, #tpu.memory_space<vmem>>, vector<16xf32>,
          %get3A_2867 = vector.shape_cast %get3A_2866 : vector<16xf32> to vector<16xf32>
          %add3A_2868 = arith.addf %get3A_2860, %get3A_2867 : vector<16xf32>
          %add3A_2869 = arith.constant 80 : i32
          %add3A_2870 = arith.addi %mul3A_2760, %add3A_2869 : i32
          %swap3A_2871 = arith.index_cast %add3A_2870 : i32 to index
          %swap3A_2872 = tpu.vector_load %arg8[%swap3A_2871] {strides = array<i32>} : memref<65536xf32, #tpu.memory_space<vmem>>, vector<16xf32>,
          %swap3A_2873 = vector.shape_cast %swap3A_2872 : vector<16xf32> to vector<16xf32>
          %swap3A_2874 = vector.shape_cast %add3A_2868 : vector<16xf32> to vector<16xf32>
          tpu.vector_store %arg8[%swap3A_2871], %swap3A_2874 {strides = array<i32>} : memref<65536xf32, #tpu.memory_space<vmem>>, vector<16xf32>,
          %add3A_2875 = arith.constant 96 : i32
          %add3A_2876 = arith.addi %mul3A_2760, %add3A_2875 : i32
          %get3A_2877 = arith.index_cast %add3A_2876 : i32 to index
          %get3A_2878 = tpu.vector_load %arg8[%get3A_2877] {strides = array<i32>} : memref<65536xf32, #tpu.memory_space<vmem>>, vector<16xf32>,
          %get3A_2879 = vector.shape_cast %get3A_2878 : vector<16xf32> to vector<16xf32>
          %add3A_2880 = arith.constant 1920 : i32
          %add3A_2881 = arith.addi %add3A_229, %add3A_2880 : i32
          %add3A_2882 = arith.constant 96 : i32
          %add3A_2883 = arith.addi %add3A_2881, %add3A_2882 : i32
          %get3A_2884 = arith.index_cast %add3A_2883 : i32 to index
          %get3A_2885 = tpu.vector_load %arg7[%get3A_2884] {strides = array<i32>} : memref<49152xf32, #tpu.memory_space<vmem>>, vector<16xf32>,
          %get3A_2886 = vector.shape_cast %get3A_2885 : vector<16xf32> to vector<16xf32>
          %add3A_2887 = arith.addf %get3A_2879, %get3A_2886 : vector<16xf32>
          %add3A_2888 = arith.constant 96 : i32
          %add3A_2889 = arith.addi %mul3A_2760, %add3A_2888 : i32
          %swap3A_2890 = arith.index_cast %add3A_2889 : i32 to index
          %swap3A_2891 = tpu.vector_load %arg8[%swap3A_2890] {strides = array<i32>} : memref<65536xf32, #tpu.memory_space<vmem>>, vector<16xf32>,
          %swap3A_2892 = vector.shape_cast %swap3A_2891 : vector<16xf32> to vector<16xf32>
          %swap3A_2893 = vector.shape_cast %add3A_2887 : vector<16xf32> to vector<16xf32>
          tpu.vector_store %arg8[%swap3A_2890], %swap3A_2893 {strides = array<i32>} : memref<65536xf32, #tpu.memory_space<vmem>>, vector<16xf32>,
          %add3A_2894 = arith.constant 112 : i32
          %add3A_2895 = arith.addi %mul3A_2760, %add3A_2894 : i32
          %get3A_2896 = arith.index_cast %add3A_2895 : i32 to index
          %get3A_2897 = tpu.vector_load %arg8[%get3A_2896] {strides = array<i32>} : memref<65536xf32, #tpu.memory_space<vmem>>, vector<16xf32>,
          %get3A_2898 = vector.shape_cast %get3A_2897 : vector<16xf32> to vector<16xf32>
          %add3A_2899 = arith.constant 1920 : i32
          %add3A_2900 = arith.addi %add3A_229, %add3A_2899 : i32
          %add3A_2901 = arith.constant 112 : i32
          %add3A_2902 = arith.addi %add3A_2900, %add3A_2901 : i32
          %get3A_2903 = arith.index_cast %add3A_2902 : i32 to index
          %get3A_2904 = tpu.vector_load %arg7[%get3A_2903] {strides = array<i32>} : memref<49152xf32, #tpu.memory_space<vmem>>, vector<16xf32>,
          %get3A_2905 = vector.shape_cast %get3A_2904 : vector<16xf32> to vector<16xf32>
          %add3A_2906 = arith.addf %get3A_2898, %get3A_2905 : vector<16xf32>
          %add3A_2907 = arith.constant 112 : i32
          %add3A_2908 = arith.addi %mul3A_2760, %add3A_2907 : i32
          %swap3A_2909 = arith.index_cast %add3A_2908 : i32 to index
          %swap3A_2910 = tpu.vector_load %arg8[%swap3A_2909] {strides = array<i32>} : memref<65536xf32, #tpu.memory_space<vmem>>, vector<16xf32>,
          %swap3A_2911 = vector.shape_cast %swap3A_2910 : vector<16xf32> to vector<16xf32>
          %swap3A_2912 = vector.shape_cast %add3A_2906 : vector<16xf32> to vector<16xf32>
          tpu.vector_store %arg8[%swap3A_2909], %swap3A_2912 {strides = array<i32>} : memref<65536xf32, #tpu.memory_space<vmem>>, vector<16xf32>,
          %mul3A_2913 = arith.constant 16 : i32
          %mul3A_2914 = arith.muli %squeeze3A_2758, %mul3A_2913 : i32
          %get3A_2915 = arith.index_cast %mul3A_2914 : i32 to index
          %get3A_2916 = tpu.vector_load %arg9[%get3A_2915] {strides = array<i32>} : memref<8192xf32, #tpu.memory_space<vmem>>, vector<16xf32>,
          %get3A_2917 = vector.shape_cast %get3A_2916 : vector<16xf32> to vector<16xf32>
          %add3A_2918 = arith.addf %get3A_2917, %broadcast_in_dim3A_15 : vector<16xf32>
          %mul3A_2919 = arith.constant 16 : i32
          %mul3A_2920 = arith.muli %squeeze3A_2758, %mul3A_2919 : i32
          %swap3A_2921 = arith.index_cast %mul3A_2920 : i32 to index
          %swap3A_2922 = tpu.vector_load %arg9[%swap3A_2921] {strides = array<i32>} : memref<8192xf32, #tpu.memory_space<vmem>>, vector<16xf32>,
          %swap3A_2923 = vector.shape_cast %swap3A_2922 : vector<16xf32> to vector<16xf32>
          %swap3A_2924 = vector.shape_cast %add3A_2918 : vector<16xf32> to vector<16xf32>
          tpu.vector_store %arg9[%swap3A_2921], %swap3A_2924 {strides = array<i32>} : memref<8192xf32, #tpu.memory_space<vmem>>, vector<16xf32>,
        } else {
        }
      }
      %scan3A_207 = arith.constant 8 : i32
      %scan3A_208 = arith.constant 0 : i32
      scf.yield %scan3A_208 : i32
    }
    %scan3A_115 = arith.constant 25 : i32
    %mul3A_116 = arith.constant 65536 : i32
    %mul3A_117 = arith.muli %add3A, %mul3A_116 : i32
    %dma_start3A_118 = arith.constant 0 : i32
    %dma_start3A_119 = tpu.memref_slice %arg4[%mul3A_117] : memref<2097152xf32, #tpu.memory_space<hbm>> -> memref<65536xf32, #tpu.memory_space<hbm>>
    %dma_start3A_120 = tpu.memref_slice %arg11[%dma_start3A_118] : memref<2x!tpu.dma_semaphore, #tpu.memory_space<semaphore_mem>> -> memref<1x!tpu.dma_semaphore, #tpu.memory_space<semaphore_mem>>
    %dma_start3A_121 = tpu.memref_squeeze %dma_start3A_120 : memref<1x!tpu.dma_semaphore, #tpu.memory_space<semaphore_mem>> -> memref<!tpu.dma_semaphore, #tpu.memory_space<semaphore_mem>>
    %dma_start3A_122 = tpu.memref_slice %arg4[%mul3A_117] : memref<2097152xf32, #tpu.memory_space<hbm>> -> memref<65536xf32, #tpu.memory_space<hbm>>
    tpu.enqueue_dma source(%arg8 : memref<65536xf32, #tpu.memory_space<vmem>>) target(%dma_start3A_122 : memref<65536xf32, #tpu.memory_space<hbm>>) target_semaphore(%dma_start3A_121 : memref<!tpu.dma_semaphore, #tpu.memory_space<semaphore_mem>>)
    %dma_start3A_123 = arith.constant 1 : i32
    %dma_start3A_124 = arith.constant 0 : i32
    %dma_start3A_125 = tpu.memref_slice %arg5[%add3A, %dma_start3A_124] : memref<32x8192xf32, #tpu.memory_space<hbm>> -> memref<1x8192xf32, #tpu.memory_space<hbm>>
    %dma_start3A_126 = tpu.memref_squeeze %dma_start3A_125 : memref<1x8192xf32, #tpu.memory_space<hbm>> -> memref<8192xf32, #tpu.memory_space<hbm>>
    %dma_start3A_127 = tpu.memref_slice %arg11[%dma_start3A_123] : memref<2x!tpu.dma_semaphore, #tpu.memory_space<semaphore_mem>> -> memref<1x!tpu.dma_semaphore, #tpu.memory_space<semaphore_mem>>
    %dma_start3A_128 = tpu.memref_squeeze %dma_start3A_127 : memref<1x!tpu.dma_semaphore, #tpu.memory_space<semaphore_mem>> -> memref<!tpu.dma_semaphore, #tpu.memory_space<semaphore_mem>>
    %dma_start3A_129 = arith.constant 0 : i32
    %dma_start3A_130 = tpu.memref_slice %arg5[%add3A, %dma_start3A_129] : memref<32x8192xf32, #tpu.memory_space<hbm>> -> memref<1x8192xf32, #tpu.memory_space<hbm>>
    %dma_start3A_131 = tpu.memref_squeeze %dma_start3A_130 : memref<1x8192xf32, #tpu.memory_space<hbm>> -> memref<8192xf32, #tpu.memory_space<hbm>>
    tpu.enqueue_dma source(%arg9 : memref<8192xf32, #tpu.memory_space<vmem>>) target(%dma_start3A_131 : memref<8192xf32, #tpu.memory_space<hbm>>) target_semaphore(%dma_start3A_128 : memref<!tpu.dma_semaphore, #tpu.memory_space<semaphore_mem>>)
    %dma_wait3A_132 = arith.constant 0 : i32
    %dma_wait3A_133 = tpu.memref_slice %arg4[%mul3A_117] : memref<2097152xf32, #tpu.memory_space<hbm>> -> memref<65536xf32, #tpu.memory_space<hbm>>
    %dma_wait3A_134 = tpu.memref_slice %arg11[%dma_wait3A_132] : memref<2x!tpu.dma_semaphore, #tpu.memory_space<semaphore_mem>> -> memref<1x!tpu.dma_semaphore, #tpu.memory_space<semaphore_mem>>
    %dma_wait3A_135 = tpu.memref_squeeze %dma_wait3A_134 : memref<1x!tpu.dma_semaphore, #tpu.memory_space<semaphore_mem>> -> memref<!tpu.dma_semaphore, #tpu.memory_space<semaphore_mem>>
    %dma_wait3A_136 = tpu.memref_slice %arg4[%mul3A_117] : memref<2097152xf32, #tpu.memory_space<hbm>> -> memref<65536xf32, #tpu.memory_space<hbm>>
    tpu.wait_dma2 semaphore(%dma_wait3A_135 : memref<!tpu.dma_semaphore, #tpu.memory_space<semaphore_mem>>) src(%arg8 : memref<65536xf32, #tpu.memory_space<vmem>>) dst(%dma_wait3A_136 : memref<65536xf32, #tpu.memory_space<hbm>>)
    %dma_wait3A_137 = arith.constant 1 : i32
    %dma_wait3A_138 = arith.constant 0 : i32
    %dma_wait3A_139 = tpu.memref_slice %arg5[%add3A, %dma_wait3A_138] : memref<32x8192xf32, #tpu.memory_space<hbm>> -> memref<1x8192xf32, #tpu.memory_space<hbm>>
    %dma_wait3A_140 = tpu.memref_squeeze %dma_wait3A_139 : memref<1x8192xf32, #tpu.memory_space<hbm>> -> memref<8192xf32, #tpu.memory_space<hbm>>
    %dma_wait3A_141 = tpu.memref_slice %arg11[%dma_wait3A_137] : memref<2x!tpu.dma_semaphore, #tpu.memory_space<semaphore_mem>> -> memref<1x!tpu.dma_semaphore, #tpu.memory_space<semaphore_mem>>
    %dma_wait3A_142 = tpu.memref_squeeze %dma_wait3A_141 : memref<1x!tpu.dma_semaphore, #tpu.memory_space<semaphore_mem>> -> memref<!tpu.dma_semaphore, #tpu.memory_space<semaphore_mem>>
    %dma_wait3A_143 = arith.constant 0 : i32
    %dma_wait3A_144 = tpu.memref_slice %arg5[%add3A, %dma_wait3A_143] : memref<32x8192xf32, #tpu.memory_space<hbm>> -> memref<1x8192xf32, #tpu.memory_space<hbm>>
    %dma_wait3A_145 = tpu.memref_squeeze %dma_wait3A_144 : memref<1x8192xf32, #tpu.memory_space<hbm>> -> memref<8192xf32, #tpu.memory_space<hbm>>
    tpu.wait_dma2 semaphore(%dma_wait3A_142 : memref<!tpu.dma_semaphore, #tpu.memory_space<semaphore_mem>>) src(%arg9 : memref<8192xf32, #tpu.memory_space<vmem>>) dst(%dma_wait3A_145 : memref<8192xf32, #tpu.memory_space<hbm>>)
    return
  }
}

module attributes {stable_mosaic.version = 14 : i64} {
  func.func @_combine_body(%arg0: i32, %arg1: memref<128x128xf32, #tpu.memory_space<vmem>>, %arg2: memref<32x128x128xf32, #tpu.memory_space<vmem>>, %arg3: memref<32x128x16xf32, #tpu.memory_space<vmem>>, %arg4: memref<128x128xf32, #tpu.memory_space<vmem>>) attributes {dimension_semantics = [#tpu.dimension_semantics<arbitrary>], iteration_bounds = array<i64: 4>, scalar_prefetch = 0 : i64, scratch_operands = 0 : i64, tpu.core_type = #tpu.core_type<tc>, window_params = [{transform_indices = @transform_0, window_bounds = array<i64: 128, 128>}, {transform_indices = @transform_1, window_bounds = array<i64: 32, 128, 128>}, {transform_indices = @transform_2, window_bounds = array<i64: 32, 128, 16>}, {transform_indices = @transform_3, window_bounds = array<i64: 128, 128>}]} {
    %get3A = arith.constant 0 : index
    %get3A_0 = arith.constant 0 : index
    %get3A_1 = arith.constant 0 : index
    %get3A_2 = vector.load %arg2[%get3A, %get3A_0, %get3A_1] : memref<32x128x128xf32, #tpu.memory_space<vmem>>, vector<32x128x128xf32>
    %reduce_sum3A = arith.constant dense<0.000000e+00> : vector<128x128xf32>
    %reduce_sum3A_3 = vector.multi_reduction <add>, %get3A_2, %reduce_sum3A [0] : vector<32x128x128xf32> to vector<128x128xf32>
    %get3A_4 = arith.constant 0 : index
    %get3A_5 = arith.constant 0 : index
    %get3A_6 = arith.constant 0 : index
    %get3A_7 = vector.load %arg3[%get3A_4, %get3A_5, %get3A_6] : memref<32x128x16xf32, #tpu.memory_space<vmem>>, vector<32x128x16xf32>
    %reduce_sum3A_8 = arith.constant dense<0.000000e+00> : vector<128x16xf32>
    %reduce_sum3A_9 = vector.multi_reduction <add>, %get3A_7, %reduce_sum3A_8 [0] : vector<32x128x16xf32> to vector<128x16xf32>
    %slice3A = vector.extract_strided_slice %reduce_sum3A_9 {offsets = [0, 0], sizes = [128, 1], strides = [1, 1]} : vector<128x16xf32> to vector<128x1xf32>
    %max3A = arith.constant 1.000000e+00 : f32
    %max3A_10 = vector.broadcast %max3A : f32 to vector<128x1xf32>
    %max3A_11 = arith.maximumf %slice3A, %max3A_10 : vector<128x1xf32>
    %get3A_12 = arith.constant 0 : index
    %get3A_13 = arith.constant 0 : index
    %get3A_14 = vector.load %arg1[%get3A_12, %get3A_13] : memref<128x128xf32, #tpu.memory_space<vmem>>, vector<128x128xf32>
    %div3A = vector.broadcast %max3A_11 : vector<128x1xf32> to vector<128x128xf32>
    %div3A_15 = arith.divf %reduce_sum3A_3, %div3A : vector<128x128xf32>
    %add3A = arith.addf %get3A_14, %div3A_15 : vector<128x128xf32>
    %swap3A = arith.constant 0 : index
    %swap3A_16 = arith.constant 0 : index
    %swap3A_17 = vector.load %arg4[%swap3A, %swap3A_16] : memref<128x128xf32, #tpu.memory_space<vmem>>, vector<128x128xf32>
    tpu.vector_store %arg4[%swap3A, %swap3A_16], %add3A {strides = array<i32>} : memref<128x128xf32, #tpu.memory_space<vmem>>, vector<128x128xf32>,
    return
  }
  func.func @transform_0(%arg0: i32) -> (i32, i32) {
    %c0_i32 = arith.constant 0 : i32
    %c0_i32_0 = arith.constant 0 : i32
    return %arg0, %c0_i32 : i32, i32
  }
  func.func @transform_1(%arg0: i32) -> (i32, i32, i32) {
    %c0_i32 = arith.constant 0 : i32
    %c0_i32_0 = arith.constant 0 : i32
    %c0_i32_1 = arith.constant 0 : i32
    return %c0_i32, %arg0, %c0_i32_0 : i32, i32, i32
  }
  func.func @transform_2(%arg0: i32) -> (i32, i32, i32) {
    %c0_i32 = arith.constant 0 : i32
    %c0_i32_0 = arith.constant 0 : i32
    %c0_i32_1 = arith.constant 0 : i32
    return %c0_i32, %arg0, %c0_i32_0 : i32, i32, i32
  }
  func.func @transform_3(%arg0: i32) -> (i32, i32) {
    %c0_i32 = arith.constant 0 : i32
    %c0_i32_0 = arith.constant 0 : i32
    return %arg0, %c0_i32 : i32, i32
  }
}

</mosaic_0001>

<sc_bundles>
// kernel: kernel.4.cloned.1.call-start
scs
__scs_entry_jumppad:
0x0: {  	(pc) =	sbr.rel $0x88, $3  }
0x1: {  	(tag) =	ssettag $0x0;
	lr =	simm.s32 $0x1  }
0x2: {  	[smem:$0x3F9E] =	sst lr;
	_ =	strace $0xD0000000  }
0x3: {  	_ = 	snop  }
0x4: {  	_ = 	snop  }
0x5: {  	_ = 	snop  }
0x6: {  	_ = 	snop  }
0x7: {  	_ = 	snop  }
__scs_overlays_trampoline_lowered:
0x8: {  	[smem:$0x3FAD] =	sst s0  }
0x9: {  	[smem:$0x3FAE] =	sst s1  }
0xa: {  	[smem:$0x3FAF] =	sst s2  }
0xb: {  	[smem:$0x3FB0] =	sst s3  }
0xc: {  	[smem:$0x3FB1] =	sst s4  }
0xd: {  	[smem:$0x3FB2] =	sst s5  }
0xe: {  	[smem:$0x3FB3] =	sst s6  }
0xf: {  	[smem:$0x3FB4] =	sst s7  }
0x10: {  	[smem:$0x3FB5] =	sst s8  }
0x11: {  	[smem:$0x3FB6] =	sst s9;
	s0 =	simm.s32 @!p0 $0x0  }
0x12: {  	s1 =	sld [smem:$0x3F9C];
	s0 =	simm.s32 @p0 $0x1  }
0x13: {  	[smem:$0x3FB7] =	sst s0;
	s0 =	simm.s32 @!p1 $0x0  }
0x14: {  	s2 =	sld [smem:$0x3F9B];
	s0 =	simm.s32 @p1 $0x1  }
0x15: {  	[smem:$0x3FB8] =	sst s0;
	s0 =	simm.s32 @!p2 $0x0  }
0x16: {  	s3 =	sld [smem:$0x3FDB];
	s0 =	simm.s32 @p2 $0x1  }
0x17: {  	s4 =	simm.s32 $0x1BF5;
	[smem:$0x3FBA] =	sst s0  }
0x18: {  	s0 =	sld [smem:$0x3F9D];
	_ =	swait.ge [sflag:s4], $0x0  }
0x19: {  	s7 =	sld [smem:$0x3F9E]  }
0x1a: {  	s8 =	sadd.s32 $0xFFFFE003, lr  }
0x1b: {  	s9 =	sadd.s32 $0xFFFFFEF7, lr;
	s5 =	simm.s32 $0xFFFFFFFF;
	p2 =	slt.u32 s8, $0xFFFFF086  }
0x1c: {  	p1 =	slt.u32 s9, $0xF7A;
	s5 =	simm.s32 @!p2 $0x0  }
0x1d: {  	s5 =	simm.s32 @p1 $0x1;
	p0 =	seq.s32 s7, s2  }
0x1e: {  	s7 =	smul.u32 @!p0 $0xF7A, s2;
	p2 =	seq.s32 @!p0 s5, $0x0  }
0x1f: {  	s9 =	smul.u32 $0xF7A, s1;
	s8 =	simm.s32 @!p0 $0x1BF5;
	p2 =	por !p2, p0  }
0x20: {  	[sflag:s8] =	ssyncset.s32 @!p0 $0xFFFFF086;
	s6 =	sadd.s32 @!p0 s3, s7;
	s7 =	simm.s32 @!p0 $0x108  }
0x21: {  	s3 =	sadd.s32 s3, s9;
	s6 =	sadd.s32 @!p0 $0x88, s6;
	s7 =	simm.s32 @p2 $0x1082  }
0x22: {  	[simem:s7], [sflag:s8] =	dma.local @!p0 [hbm:s6], $0xF7A  }
0x23: {  	s9 =	sor.u32 $0xD0000000, s2;
	s6 =	simm.s32 $0x108;
	_ =	swait.ge @!p0 [sflag:s8], $0x0  }
0x24: {  	s3 =	sadd.s32 $0x88, s3;
	s6 =	simm.s32 @!p1 $0x1082;
	[sflag:s4] =	ssyncset.s32 $0xFFFFF086  }
0x25: {  	[simem:s6], [sflag:s4] =	dma.local [hbm:s3], $0xF7A  }
0x26: {  	[smem:$0x3F9E] =	sst s1;
	(tag) =	ssettag s2;
	_ =	strace s9  }
0x27: {  	s1 =	sld [smem:$0x3FAE]  }
0x28: {  	s2 =	sld [smem:$0x3FAF]  }
0x29: {  	s4 =	sld [smem:$0x3FB1]  }
0x2a: {  	p0 =	seq.s32 s5, $0x0;
	s5 =	sld [smem:$0x3FB2]  }
0x2b: {  	s6 =	sld [smem:$0x3FB3]  }
0x2c: {  	s7 =	sld [smem:$0x3FB4]  }
0x2d: {  	s3 =	simm.s32 $0x108;
	s8 =	sld [smem:$0x3FB5]  }
0x2e: {  	s3 =	simm.s32 @!p0 $0x1082;
	s9 =	sld [smem:$0x3FB6]  }
0x2f: {  	lr =	sadd.s32 s0, s3;
	s0 =	sld [smem:$0x3FAD]  }
0x30: {  	s3 =	sld [smem:$0x3FB0]  }
0x31: {  	[smem:$0x3FB9] =	sst s10  }
0x32: {  	s10 =	sld [smem:$0x3FB7];
	_ =	sdelay $0x3  }
0x33: {  	p0 =	seq.s32 s10, $0x1;
	s10 =	sld [smem:$0x3FB9];
	_ =	sdelay $0x3  }
0x34: {  	[smem:$0x3FB9] =	sst s10  }
0x35: {  	s10 =	sld [smem:$0x3FB8];
	_ =	sdelay $0x3  }
0x36: {  	p1 =	seq.s32 s10, $0x1;
	s10 =	sld [smem:$0x3FB9];
	_ =	sdelay $0x3  }
0x37: {  	[smem:$0x3FB9] =	sst s10  }
0x38: {  	s10 =	sld [smem:$0x3FBA]  }
0x39: {  	_ = 	snop;
	(pc) =	sbr.ind lr, $3  }
0x3a: {  	_ = 	snop  }
0x3b: {  	_ = 	snop  }
0x3c: {  	p2 =	seq.s32 s10, $0x1;
	s10 =	sld [smem:$0x3FB9]  }
0x3d: {  	_ =	shalt  }
0x3e: {  	_ =	shalt  }
0x3f: {  	_ =	shalt  }
0x40: {  	_ =	shalt  }
0x41: {  	_ =	shalt  }
0x42: {  	_ =	shalt  }
0x43: {  	_ =	shalt  }
0x44: {  	_ =	shalt  }
0x45: {  	_ =	shalt  }
0x46: {  	_ =	shalt  }
0x47: {  	_ =	shalt  }
0x48: {  	_ =	shalt  }
0x49: {  	_ =	shalt  }
0x4a: {  	_ =	shalt  }
0x4b: {  	_ =	shalt  }
0x4c: {  	_ =	shalt  }
0x4d: {  	_ =	shalt  }
0x4e: {  	_ =	shalt  }
0x4f: {  	_ =	shalt  }
0x50: {  	_ =	shalt  }
0x51: {  	_ =	shalt  }
0x52: {  	_ =	shalt  }
0x53: {  	_ =	shalt  }
0x54: {  	_ =	shalt  }
0x55: {  	_ =	shalt  }
0x56: {  	_ =	shalt  }
0x57: {  	_ =	shalt  }
0x58: {  	_ =	shalt  }
0x59: {  	_ =	shalt  }
0x5a: {  	_ =	shalt  }
0x5b: {  	_ =	shalt  }
0x5c: {  	_ =	shalt  }
0x5d: {  	_ =	shalt  }
0x5e: {  	_ =	shalt  }
0x5f: {  	_ =	shalt  }
0x60: {  	_ =	shalt  }
0x61: {  	_ =	shalt  }
0x62: {  	_ =	shalt  }
0x63: {  	_ =	shalt  }
0x64: {  	_ =	shalt  }
0x65: {  	_ =	shalt  }
0x66: {  	_ =	shalt  }
0x67: {  	_ =	shalt  }
0x68: {  	_ =	shalt  }
0x69: {  	_ =	shalt  }
0x6a: {  	_ =	shalt  }
0x6b: {  	_ =	shalt  }
0x6c: {  	_ =	shalt  }
0x6d: {  	_ =	shalt  }
0x6e: {  	_ =	shalt  }
0x6f: {  	_ =	shalt  }
0x70: {  	_ =	shalt  }
0x71: {  	_ =	shalt  }
0x72: {  	_ =	shalt  }
0x73: {  	_ =	shalt  }
0x74: {  	_ =	shalt  }
0x75: {  	_ =	shalt  }
0x76: {  	_ =	shalt  }
0x77: {  	_ =	shalt  }
0x78: {  	_ =	shalt  }
0x79: {  	_ =	shalt  }
0x7a: {  	_ =	shalt  }
0x7b: {  	_ =	shalt  }
0x7c: {  	_ =	shalt  }
0x7d: {  	_ =	shalt  }
0x7e: {  	_ =	shalt  }
0x7f: {  	_ =	shalt  }
0x80: {  	_ =	shalt  }
0x81: {  	_ =	shalt  }
0x82: {  	_ =	shalt  }
0x83: {  	_ =	shalt  }
0x84: {  	_ =	shalt  }
0x85: {  	_ =	shalt  }
0x86: {  	_ =	shalt  }
0x87: {  	_ =	shalt  }
.Lfunc_end0:
.L_simem_size_0:
called_computation_lowered:
.L_overlay_start_0:
0x88: {  	s2 =	sld [smem:$0x3FD9]  }
0x89: {  	s3 =	sld [smem:$0x3FFE];
	_ =	sdelay $0x1  }
0x8a: {  	s1 =	srdreg.scid  }
0x8b: {  	s0 =	sand.u32 $0x1, s1  }
0x8c: {  	s17 =	sshll.u32 s0, $0xA;
	s2 =	sadd.s32 s3, s2  }
0x8d: {  	s2 =	sadd.s32 s2, s17  }
0x8e: {  	[smem:$0x3FC5] =	sst s2  }
0x8f: {  	_ = 	snop  }
0x90: {  	s2 =	sld [smem:$0x3FC8]  }
0x91: {  	s18 =	sld [smem:$0x3FC7];
	(tm) =	ssettm $0x1  }
0x92: {  	s4 =	sld [smem:$0x3FFB];
	_ =	sdelay $0x3  }
0x93: {  	_ =	strace s4  }
0x94: {  	s4 =	sld [smem:$0x3FFC];
	_ =	sdelay $0x3  }
0x95: {  	_ =	strace s4  }
0x96: {  	s4 =	sld [smem:$0x3FFD];
	_ =	sdelay $0x3  }
0x97: {  	_ =	strace s4  }
0x98: {  	_ =	strace $0x8FFFFFFF  }
0x99: {  	s19 =	sld [smem:$0x3FDB];
	_ =	sdelay $0x1  }
0x9a: {  	s5 =	simm.s32 $_scs_section_size  }
0x9b: {  	s6 =	simm.s32 $_size__tile_overlayer_lowered;
	s7 =	simm.s32 $_tile_overlayer_lowered  }
0x9c: {  	s22 =	simm.s32 $0x1BFF;
	s21 =	sshll.u32 s7, $0x1;
	s4 =	sadd.s32 s5, s19  }
0x9d: {  	s8 =	simm.s32 $0x0;
	s20 =	sshll.u32 s6, $0x1;
	s6 =	sadd.s32 s21, s4  }
0x9e: {  	[timem:s8], [sflag:s22] =	dma.local [hbm:s6], s20  }
0x9f: {  	_ =	swait.ge [sflag:s22], s20  }
0xa0: {  	s5 =	ssub.s32 $0x0, s20;
	[sflag:s22] =	ssyncset.done $0x0  }
0xa1: {  	[sflag:s22] =	ssyncadd.s32 s5;
	_ =	sdelay $0x1  }
0xa2: {  	s23 =	simm.s32 $0x1B8B  }
0xa3: {  	_ =	swait.ge [sflag:s23], $0x1  }
0xa4: {  	[sflag:s23] =	ssyncset.done $0x0  }
0xa5: {  	s25 =	simm.s32 $0x1B8E;
	s24 =	sld [smem:$0x3FFE];
	[sflag:s23] =	ssyncadd.s32 $0xFFFFFFFF  }
0xa6: {  	s26 =	simm.s32 $execute0_lowered;
	[smem:$0x3FD2] =	sst s25  }
0xa7: {  	s6 =	sshll.u32 s26, $0x1;
	_ =	strace $0x80000046;
	[dreg:$0x1] =	wrdreg $0xFFFFFFFF  }
0xa8: {  	s28 =	simm.s32 $_size_execute0_lowered;
	s4 =	sadd.s32 s4, s6;
	[dreg:$0x0] =	wrdreg $0x0  }
0xa9: {  	s6 =	sshll.u32 s28, $0x1;
	[dreg:$0x2] =	wrdreg s4  }
0xaa: {  	[dreg:$0x3] =	wrdreg s6  }
0xab: {  	[dreg:$0x4] =	wrdreg $0xC0  }
0xac: {  	_ =	task [dreg:s8], $0x5FFFF  }
0xad: {  	[dreg:$0x1] =	wrdreg $0xFFFFFFFF  }
0xae: {  	[dreg:$0x0] =	wrdreg $0x60  }
0xaf: {  	[dreg:$0x2] =	wrdreg s2  }
0xb0: {  	[dreg:$0x3] =	wrdreg s18  }
0xb1: {  	[dreg:$0x4] =	wrdreg s24  }
0xb2: {  	[dreg:$0x5] =	wrdreg $0x9  }
0xb3: {  	_ =	task.clear_ibuf [dreg:s8], $0x6FFFF;
	_ =	strace $0x90000046  }
0xb4: {  	s29 =	simm.s32 $0x9;
	_ =	strace $0x80000048  }
0xb5: {  	_ =	swait.ge [sflag:s29], $0x1  }
0xb6: {  	[sflag:s29] =	ssyncadd.s32 $0xFFFFFFFF  }
0xb7: {  	_ =	strace $0x90000048  }
0xb8: {  	_ =	sfence  }
0xb9: {  	s30 =	sld [smem:$0x0];
	_ =	sdelay $0x2  }
0xba: {  	s31 =	sshll.u32 s1, $0xD;
	s1 =	sshrl.u32 s1, $0x2  }
0xbb: {  	s3 =	sand.u32 $0x4000, s31;
	s1 =	sadd.s32 s1, s30  }
0xbc: {  	s0 =	sor.u32 s3, s0;
	s1 =	sshll.u32 s1, $0x11  }
0xbd: {  	s0 =	sor.u32 s1, s0  }
0xbe: {  	s0 =	sadd.s32 $0x8F2B, s0  }
0xbf: {  	[sflag:s0] =	ssyncadd.remote.s32 $0x1  }
0xc0: {  	_ =	sfence.sel $0xFFFF  }
0xc1: {  	[dreg:$0x0] =	wrdreg $0xFFFFFFFF;
	(pc) =	sbr.abs _section_cstart, $3  }
0xc2: {  	[dreg:$0x1] =	wrdreg $0xFFFFFFFF  }
0xc3: {  	_ =	task.clear_ibuf [dreg:s8], $0x2FFFF;
	_ =	strace $0x9FFFFFFF  }
0xc4: {  	(tm) =	ssettm $0x7FFFFFFF  }
0xc5: {  	_ =	shalt  }
tec
execute0_lowered:
.L_overlay_start_1:
0x0: {  	(tag) =	ssettag $0x1  }
0x1: {  	s1 =	rddreg [dreg:$0x0]  }
0x2: {  	s10 =	rddreg [dreg:$0x1];
	s2 =	srdreg.scid  }
0x3: {  	s0 =	stileid.u32;
	s4 =	rddreg [dreg:$0x2]  }
0x4: {  	s17 =	simm.s32 $0x4;
	s18 =	simm.s32 $0xCC80;
	s19 =	simm.s32 $0x80  }
0x5: {  	s20 =	simm.s32 $0x400;
	s21 =	simm.s32 $0x1CC80;
	s22 =	simm.s32 $0x5  }
0x6: {  	s23 =	simm.s32 $0x0;
	s5 =	sand.u32 $0x1, s2;
	s3 =	sshll.u32 s0, $0x1  }
0x7: {  	p0 =	slt.u32 s0, $0x5;
	s6 =	sor.u32 s5, s3;
	s3 =	simm.s32 $0x0  }
0x8: {  	s5 =	ssub.s32 $0x2, s5;
	s7 =	sshll.u32 s6, $0xD;
	s8 =	sshll.u32 s6, $0x7  }
0x9: {  	[smem:$0x7FF] =	sst s3;
	s29 =	sshrl.u32 s5, $0x1;
	s30 =	smul.u32 $0xC3, s6  }
0xa: {  	s6 =	smin.u32 s6, $0xA;
	s8 =	sor.u32 s8, s7;
	_ =	strace $0x80000047  }
0xb: {  	s12 =	sadd.s32 s7, s4;
	s14 =	ssub.s32 s5, s29;
	s8 =	sand.u32 $0x30380, s8  }
0xc: {  	s12 =	sadd.s32 $0x9200, s12;
	s14 =	smax.u32 s14, $0x1;
	s28 =	sshrl.u32 s8, $0x3  }
0xd: {  	s8 =	sadd.s32 s6, s30;
	s13 =	sadd.s32 s28, s4;
	s4 =	simm.s32 $0xC4  }
.Ltmp0:
0xe: {  	s5 =	sshll.u32 s8, $0x4;
	s31 =	sshll.u32 s8, $0x8;
	(pc) =	sbr.rel .LBB2_1-.Ltmp0, $4  }
0xf: {  	s9 =	sshll.u32 s8, $0x1;
	s4 =	simm.s32 @!p0 $0xC3;
	s7 =	sadd.s32 s1, s31  }
0x10: {  	s11 =	sshrl.u32 s5, $0x3;
	s9 =	sadd.s32 s10, s9;
	s13 =	sadd.s32 $0x1200, s13  }
0x11: {  	p0 =	sgt.u32 s0, $0x4;
	s6 =	sshll.u32 s4, $0x4;
	s10 =	sadd.s32 s10, s11  }
0x12: {  	v0 =	vimm.f32 $0.0e+00;
	s8 =	sadd.s32 $0x800, s7;
	s11 =	sadd.s32 $0xFFFFFFE8, s4;
	s10 =	sadd.s32 $0x186, s10  }
.LBB2_11:
0x13: {  	[hbm4b:s12+s3] =	stream.linear.scatter [tilespmem:s18], [sflag:$0x4], $0x10000, $0x38;
	[tilespmem:$0x1EC80] =	vst v63  }
0x14: {  	s23 =	sadd.s32 $0x1, s23  }
0x15: {  	[hbm4b:s13+s19] =	stream.strided.scatter [tilespmem:s21], [sflag:$0x5], $0x2000, s20, s19, $0x38;
	[tilespmem:$0x1EC80] =	vst v63  }
0x16: {  	p1 =	sne.s32 s23, s14;
	_ =	swait.ge [sflag:s17], $0x10000  }
.Ltmp1:
0x17: {  	[sflag:s17] =	ssyncset.done $0x0;
	(pc) =	sbr.rel @!p1 .LBB2_12-.Ltmp1, $4  }
0x18: {  	[sflag:s17] =	ssyncadd.s32 $0xFFFF0000  }
0x19: {  	_ =	swait.ge [sflag:s22], $0x2000  }
0x1a: {  	[sflag:s22] =	ssyncset.done $0x0  }
0x1b: {  	v0 =	vimm.f32 $0.0e+00;
	[sflag:s22] =	ssyncadd.s32 $0xFFFFE000  }
.LBB2_1:
0x1c: {  	s0 =	simm.s32 $0xC80  }
0x1d: {  	[tilespmem:s0], [sflag:$0x1] =	stream.linear.gather [hbm4b:s7+s3], $0x4000, $0x38;
	[tilespmem:$0x1EC80] =	vst v63  }
0x1e: {  	s31 =	simm.s32 $0x4C80  }
0x1f: {  	[tilespmem:s31], [sflag:$0x2] =	stream.linear.gather [hbm4b:s8+s3], $0x4000, $0x38;
	[tilespmem:$0x1EC80] =	vst v63  }
0x20: {  	_ = 	snop  }
0x21: {  	[tilespmem:s3], [sflag:$0x4] =	stream.linear.gather [hbm4b:s9+s3], $0xC30, $0x38;
	[tilespmem:$0x1EC80] =	vst v63  }
0x22: {  	s24 =	simm.s32 @!p0 $0x0;
	s25 =	simm.s32 @!p0 $0xC30  }
0x23: {  	[tilespmem:s25], [sflag:$0x5] =	stream.linear.gather @!p0 [hbm4b:s10+s24], $0x10, $0x38;
	[tilespmem:$0x1EC80] =	vst v63  }
0x24: {  	s24 =	simm.s32 $0xCCC0  }
0x25: {  	[tilespmem:s24+$0xFFFFFFD0] =	vst v0  }
0x26: {  	[tilespmem:s24+$0xFFFFFFE0] =	vst v0  }
0x27: {  	[tilespmem:s24+$0xFFFFFFF0] =	vst v0  }
0x28: {  	[tilespmem:s24+$0x0] =	vst v0  }
0x29: {  	[tilespmem:s24+$0x10] =	vst v0  }
0x2a: {  	[tilespmem:s24+$0x20] =	vst v0  }
0x2b: {  	[tilespmem:s24+$0x30] =	vst v0  }
0x2c: {  	s26 =	simm.s32 $0x0;
	s25 =	simm.s32 $0x40;
	[tilespmem:s24+$0xFFFFFFC0] =	vst v0  }
.LBB2_2:
0x2d: {  	p1 =	sne.s32 s25, $0x7FC0;
	[tilespmem:s26+$0x1CC80] =	vst v0;
	s24 =	sadd.s32 $0x80, s24  }
0x2e: {  	[tilespmem:s24+$0xFFFFFFD0] =	vst v0  }
0x2f: {  	[tilespmem:s24+$0xFFFFFFE0] =	vst v0  }
0x30: {  	[tilespmem:s24+$0xFFFFFFF0] =	vst v0  }
.Ltmp2:
0x31: {  	[tilespmem:s24+$0x0] =	vst v0;
	(pc) =	sbr.rel @p1 .LBB2_2-.Ltmp2, $4  }
0x32: {  	[tilespmem:s24+$0x10] =	vst v0  }
0x33: {  	[tilespmem:s24+$0x20] =	vst v0  }
0x34: {  	[tilespmem:s24+$0x30] =	vst v0  }
0x35: {  	s26 =	sshra.s32 s25, $0x2;
	s25 =	sadd.s32 $0x40, s25;
	[tilespmem:s24+$0xFFFFFFC0] =	vst v0  }
0x36: {  	[tilespmem:s26+$0x1CC80] =	vst v0  }
0x37: {  	_ =	swait.ge [sflag:s17], $0xC30  }
.Ltmp3:
0x38: {  	[sflag:s17] =	ssyncset.done $0x0;
	(pc) =	sbr.rel .LBB2_5-.Ltmp3, $4  }
0x39: {  	s24 =	simm.s32 @!p0 $0x5;
	[sflag:s17] =	ssyncadd.s32 $0xFFFFF3D0  }
0x3a: {  	_ =	swait.ge @!p0 [sflag:s24], $0x10  }
0x3b: {  	[sflag:s24] =	ssyncset.done @!p0 $0x0  }
0x3c: {  	[sflag:s24] =	ssyncadd.s32 @!p0 $0xFFFFFFF0;
	s24 =	simm.s32 $0x0  }
.LBB2_4:
0x3d: {  	p1 =	seq.s32 s24, $0x19  }
.Ltmp4:
0x3e: {  	_ = 	snop;
	(pc) =	sbr.rel @p1 .LBB2_11-.Ltmp4, $1  }
0x3f: {  	_ =	sdelay $0x3  }
.LBB2_5:
0x40: {  	s31 =	smul.u32 $0xAB, s24;
	_ =	sdelay $0x1  }
0x41: {  	s25 =	smov.u32 s24;
	s24 =	sshrl.u32 s31, $0x9  }
0x42: {  	s24 =	sand.u32 $0x7F, s24  }
0x43: {  	s26 =	smul.u32 $0x3, s24  }
0x44: {  	s24 =	sadd.s32 $0x1, s25  }
0x45: {  	s28 =	sshll.u32 s24, $0x3;
	s26 =	ssub.s32 s25, s26  }
0x46: {  	s30 =	sadd.s32 $0x2, s25;
	p1 =	slt.u32 s4, s28;
	s26 =	sand.u32 $0xFF, s26  }
0x47: {  	s29 =	sshll.u32 s25, $0x7;
	s2 =	smul.u32 $0xAB, s30;
	s28 =	sadd.s32 @!p1 $0x1, s26  }
0x48: {  	s31 =	ssub.s32 s6, s29;
	_ =	swait.ge @!p1 [sflag:s28], $0x4000  }
0x49: {  	p2 =	seq.s32 s31, $0x40;
	s2 =	sshrl.u32 s2, $0x9;
	[sflag:s28] =	ssyncset.done @!p1 $0x0  }
0x4a: {  	s2 =	sand.u32 $0x7F, s2;
	[sflag:s28] =	ssyncadd.s32 @!p1 $0xFFFFC000;
	s28 =	sadd.s32 @p2 $0x1, s26  }
0x4b: {  	s2 =	smul.u32 $0x3, s2;
	p1 =	sne.s32 @!p2 s31, $0x30;
	_ =	swait.ge @p2 [sflag:s28], $0x2000  }
0x4c: {  	s25 =	sshll.u32 s25, $0x3;
	p1 =	por p1, p2;
	[sflag:s28] =	ssyncset.done @p2 $0x0  }
0x4d: {  	s2 =	ssub.s32 s30, s2;
	[sflag:s28] =	ssyncadd.s32 @p2 $0xFFFFE000;
	s28 =	sadd.s32 @!p1 $0x1, s26  }
0x4e: {  	s2 =	sand.u32 $0xFF, s2;
	p2 =	sgt.u32 s25, s11;
	_ =	swait.ge @!p1 [sflag:s28], $0x1800  }
0x4f: {  	s31 =	sshll.u32 @!p2 s2, $0xE;
	[sflag:s28] =	ssyncset.done @!p1 $0x0  }
0x50: {  	[sflag:s28] =	ssyncadd.s32 @!p1 $0xFFFFE800;
	s28 =	sor.u32 @!p2 $0xC80, s31;
	s31 =	sshll.u32 @!p2 s30, $0xB  }
0x51: {  	s0 =	sadd.s32 @!p2 $0x1, s2;
	s15 =	simm.s32 @!p2 $0x0;
	s31 =	sadd.s32 @!p2 s31, s7  }
0x52: {  	[tilespmem:s28], [sflag:s0] =	stream.linear.gather @!p2 [hbm4b:s31+s15], $0x4000, $0x38;
	[tilespmem:$0x1EC80] =	vst v63  }
0x53: {  	s0 =	sshll.u32 s30, $0x7  }
0x54: {  	s15 =	ssub.s32 s6, s0  }
0x55: {  	p1 =	seq.s32 s15, $0x40  }
0x56: {  	s28 =	sadd.s32 @p1 s5, s0  }
0x57: {  	s30 =	sshll.u32 @p1 s2, $0xE;
	s28 =	sshll.u32 @p1 s28, $0x4  }
0x58: {  	s31 =	sadd.s32 @p1 $0x1, s2;
	s16 =	simm.s32 @p1 $0x0;
	s28 =	sand.u32 @p1 $0x1FFFFF00, s28  }
0x59: {  	p2 =	sne.s32 @!p1 s15, $0x30;
	s30 =	sor.u32 @p1 $0xC80, s30;
	s28 =	sadd.s32 @p1 s1, s28  }
0x5a: {  	[tilespmem:s30], [sflag:s31] =	stream.linear.gather @p1 [hbm4b:s28+s16], $0x2000, $0x38;
	[tilespmem:$0x1EC80] =	vst v63  }
0x5b: {  	p1 =	por p2, p1  }
.Ltmp5:
0x5c: {  	s0 =	sadd.s32 @!p1 s5, s0;
	(pc) =	sbr.rel .LBB2_6-.Ltmp5, $4  }
0x5d: {  	s26 =	sshll.u32 s26, $0xE;
	s28 =	simm.s32 $0x0;
	s0 =	sshll.u32 @!p1 s0, $0x4  }
0x5e: {  	v0 =	vmov s29;
	s15 =	sshll.u32 @!p1 s2, $0xE;
	s2 =	sadd.s32 @!p1 $0x1, s2;
	s0 =	sand.u32 @!p1 $0x1FFFFF00, s0  }
0x5f: {  	[tilespmem:$0x1FFF0] =	vst v0;
	s16 =	simm.s32 @!p1 $0x0;
	s15 =	sor.u32 @!p1 $0xC80, s15;
	s0 =	sadd.s32 @!p1 s1, s0  }
0x60: {  	[tilespmem:s15], [sflag:s2] =	stream.linear.gather @!p1 [hbm4b:s0+s16], $0x1800, $0x38;
	[tilespmem:$0x1EC80] =	vst v63  }
.LBB2_10:
0x61: {  	s28 =	sadd.s32 $0x1, s28  }
0x62: {  	p1 =	seq.s32 s28, $0x8  }
.Ltmp6:
0x63: {  	_ = 	snop;
	(pc) =	sbr.rel @p1 .LBB2_4-.Ltmp6, $1  }
0x64: {  	_ =	sdelay $0x3  }
.LBB2_6:
0x65: {  	v0 =	vld [tilespmem:$0x1FFF0];
	_ =	sdelay $0x5  }
0x66: {  	s0 =	sshll.u32 s28, $0x4  }
0x67: {  	s0 =	sand.u32 $0x3FFFFFF0, s0  }
0x68: {  	v2 =	vld.idx.msk [tilespmem:v0+s0+$0x0 ss:$0x1], $0xffff;
	_ =	sdelay $0x4  }
0x69: {  	(v2sf) =	vpush v2, $0x0  }
0x6a: {  	(v2sf) =	vpush v2, $0xF;
	_ =	sdelay $0xd  }
0x6b: {  	s15 =	sor.u32 s25, s28;
	s31 =	spop (v2sf)  }
0x6c: {  	p1 =	sge.u32 s15, s4;
	s29 =	spop (v2sf)  }
0x6d: {  	p2 =	sne.s32 @!p1 s31, s29  }
0x6e: {  	p2 =	por p1, p2  }
.Ltmp7:
0x6f: {  	_ = 	snop;
	(pc) =	sbr.rel @p2 .LBB2_8-.Ltmp7, $3  }
0x70: {  	_ =	sdelay $0x1  }
0x71: {  	s16 =	sshll.u32 s28, $0xB  }
0x72: {  	s30 =	sadd.s32 s26, s16  }
0x73: {  	v3 =	vld [tilespmem:s30+$0xC80]  }
0x74: {  	v4 =	vld [tilespmem:s30+$0xC90]  }
0x75: {  	v5 =	vld [tilespmem:s30+$0xCA0]  }
0x76: {  	v6 =	vld [tilespmem:s30+$0xCB0]  }
0x77: {  	v7 =	vld [tilespmem:s30+$0xCC0]  }
0x78: {  	v8 =	vld [tilespmem:s30+$0xCD0]  }
0x79: {  	v9 =	vld [tilespmem:s30+$0xCE0]  }
0x7a: {  	v10 =	vld [tilespmem:s30+$0xCF0]  }
0x7b: {  	v11 =	vld [tilespmem:s30+$0xD00]  }
0x7c: {  	v12 =	vld [tilespmem:s30+$0xD10]  }
0x7d: {  	v13 =	vld [tilespmem:s30+$0xD20]  }
0x7e: {  	v14 =	vld [tilespmem:s30+$0xD30]  }
0x7f: {  	v15 =	vld [tilespmem:s30+$0xD40]  }
0x80: {  	v16 =	vld [tilespmem:s30+$0xD50]  }
0x81: {  	v17 =	vld [tilespmem:s30+$0xD60]  }
0x82: {  	v18 =	vld [tilespmem:s30+$0xD70]  }
0x83: {  	v19 =	vld [tilespmem:s30+$0xD80]  }
0x84: {  	v20 =	vld [tilespmem:s30+$0xD90]  }
0x85: {  	v21 =	vld [tilespmem:s30+$0xDA0]  }
0x86: {  	v22 =	vld [tilespmem:s30+$0xDB0]  }
0x87: {  	v23 =	vld [tilespmem:s30+$0xDC0]  }
0x88: {  	v24 =	vld [tilespmem:s30+$0xDD0]  }
0x89: {  	v25 =	vld [tilespmem:s30+$0xDE0]  }
0x8a: {  	v26 =	vld [tilespmem:s30+$0xDF0]  }
0x8b: {  	v27 =	vld [tilespmem:s30+$0xE00]  }
0x8c: {  	v28 =	vld [tilespmem:s30+$0xE10]  }
0x8d: {  	v29 =	vld [tilespmem:s30+$0xE20]  }
0x8e: {  	v30 =	vld [tilespmem:s30+$0xE30]  }
0x8f: {  	v31 =	vld [tilespmem:s30+$0xE40]  }
0x90: {  	v32 =	vld [tilespmem:s30+$0xE50]  }
0x91: {  	v33 =	vld [tilespmem:s30+$0xE60]  }
0x92: {  	v34 =	vld [tilespmem:s30+$0xE70]  }
0x93: {  	v35 =	vld [tilespmem:s30+$0xE80]  }
0x94: {  	v36 =	vld [tilespmem:s30+$0xE90]  }
0x95: {  	v37 =	vld [tilespmem:s30+$0xEA0]  }
0x96: {  	v38 =	vld [tilespmem:s30+$0xEB0]  }
0x97: {  	v39 =	vld [tilespmem:s30+$0xEC0]  }
0x98: {  	v40 =	vld [tilespmem:s30+$0xED0]  }
0x99: {  	v41 =	vld [tilespmem:s30+$0xEE0]  }
0x9a: {  	v42 =	vld [tilespmem:s30+$0xEF0]  }
0x9b: {  	v43 =	vld [tilespmem:s30+$0xF00]  }
0x9c: {  	v44 =	vld [tilespmem:s30+$0xF10]  }
0x9d: {  	v45 =	vld [tilespmem:s30+$0xF20]  }
0x9e: {  	v46 =	vld [tilespmem:s30+$0xF30]  }
0x9f: {  	v47 =	vld [tilespmem:s30+$0xF40]  }
0xa0: {  	v48 =	vld [tilespmem:s30+$0xF50]  }
0xa1: {  	v49 =	vld [tilespmem:s30+$0xF60]  }
0xa2: {  	v50 =	vld [tilespmem:s30+$0xF70]  }
0xa3: {  	v51 =	vld [tilespmem:s30+$0xF80]  }
0xa4: {  	v52 =	vld [tilespmem:s30+$0xF90]  }
0xa5: {  	v53 =	vld [tilespmem:s30+$0xFA0]  }
0xa6: {  	v54 =	vld [tilespmem:s30+$0xFB0]  }
0xa7: {  	v55 =	vld [tilespmem:s30+$0xFC0]  }
0xa8: {  	v56 =	vld [tilespmem:s30+$0xFD0]  }
0xa9: {  	v57 =	vld [tilespmem:s30+$0xFE0]  }
0xaa: {  	v58 =	vld [tilespmem:s30+$0xFF0]  }
0xab: {  	v59 =	vld [tilespmem:s30+$0x1000]  }
0xac: {  	v60 =	vld [tilespmem:s30+$0x1010]  }
0xad: {  	v0 =	vld [tilespmem:s30+$0x1060]  }
0xae: {  	v61 =	vld [tilespmem:s30+$0x1020]  }
0xaf: {  	v62 =	vld [tilespmem:s30+$0x1030]  }
0xb0: {  	v63 =	vld [tilespmem:s30+$0x1040]  }
0xb1: {  	v1 =	vld [tilespmem:s30+$0x1050]  }
0xb2: {  	[tilespmem:$0x1FF10] =	vst v0;
	v0 =	vld [tilespmem:s30+$0x1070]  }
0xb3: {  	v3 =	vadd.f32 v11, v3;
	v11 =	vld [tilespmem:s30+$0x1140]  }
0xb4: {  	v4 =	vadd.f32 v12, v4;
	v12 =	vld [tilespmem:s30+$0x1150]  }
0xb5: {  	v5 =	vadd.f32 v13, v5;
	v13 =	vld [tilespmem:s30+$0x1160]  }
0xb6: {  	v6 =	vadd.f32 v14, v6;
	v14 =	vld [tilespmem:s30+$0x1170]  }
0xb7: {  	[tilespmem:$0x1FF20] =	vst v0;
	v0 =	vld [tilespmem:s30+$0x1080]  }
0xb8: {  	v7 =	vadd.f32 v15, v7;
	v15 =	vld [tilespmem:s30+$0x1180]  }
0xb9: {  	v8 =	vadd.f32 v16, v8;
	v16 =	vld [tilespmem:s30+$0x1190]  }
0xba: {  	v9 =	vadd.f32 v17, v9;
	v17 =	vld [tilespmem:s30+$0x11A0]  }
0xbb: {  	v10 =	vadd.f32 v18, v10;
	v18 =	vld [tilespmem:s30+$0x11B0]  }
0xbc: {  	[tilespmem:$0x1FF30] =	vst v0;
	v0 =	vld [tilespmem:s30+$0x1090]  }
0xbd: {  	v3 =	vadd.f32 v19, v3;
	v19 =	vld [tilespmem:s30+$0x11C0]  }
0xbe: {  	v4 =	vadd.f32 v20, v4;
	v20 =	vld [tilespmem:s30+$0x11D0]  }
0xbf: {  	v5 =	vadd.f32 v21, v5;
	v21 =	vld [tilespmem:s30+$0x11E0]  }
0xc0: {  	v6 =	vadd.f32 v22, v6;
	v22 =	vld [tilespmem:s30+$0x11F0]  }
0xc1: {  	[tilespmem:$0x1FF40] =	vst v0;
	v0 =	vld [tilespmem:s30+$0x10A0]  }
0xc2: {  	v7 =	vadd.f32 v23, v7;
	v23 =	vld [tilespmem:s30+$0x1200]  }
0xc3: {  	v8 =	vadd.f32 v24, v8;
	v24 =	vld [tilespmem:s30+$0x1210]  }
0xc4: {  	v9 =	vadd.f32 v25, v9;
	v25 =	vld [tilespmem:s30+$0x1220]  }
0xc5: {  	v10 =	vadd.f32 v26, v10;
	v26 =	vld [tilespmem:s30+$0x1230]  }
0xc6: {  	[tilespmem:$0x1FF50] =	vst v0;
	v0 =	vld [tilespmem:s30+$0x10B0]  }
0xc7: {  	v3 =	vadd.f32 v27, v3;
	v27 =	vld [tilespmem:s30+$0x1240]  }
0xc8: {  	v4 =	vadd.f32 v28, v4;
	v28 =	vld [tilespmem:s30+$0x1250]  }
0xc9: {  	v5 =	vadd.f32 v29, v5;
	v29 =	vld [tilespmem:s30+$0x1260]  }
0xca: {  	v6 =	vadd.f32 v30, v6;
	v30 =	vld [tilespmem:s30+$0x1270]  }
0xcb: {  	[tilespmem:$0x1FF60] =	vst v0;
	v0 =	vld [tilespmem:s30+$0x10C0]  }
0xcc: {  	v7 =	vadd.f32 v31, v7;
	v31 =	vld [tilespmem:s30+$0x1280]  }
0xcd: {  	v8 =	vadd.f32 v32, v8;
	v32 =	vld [tilespmem:s30+$0x1290]  }
0xce: {  	v9 =	vadd.f32 v33, v9;
	v33 =	vld [tilespmem:s30+$0x12A0]  }
0xcf: {  	v10 =	vadd.f32 v34, v10;
	v34 =	vld [tilespmem:s30+$0x12B0]  }
0xd0: {  	[tilespmem:$0x1FF70] =	vst v0;
	v0 =	vld [tilespmem:s30+$0x10D0]  }
0xd1: {  	v3 =	vadd.f32 v35, v3;
	v35 =	vld [tilespmem:s30+$0x12C0]  }
0xd2: {  	v4 =	vadd.f32 v36, v4;
	v36 =	vld [tilespmem:s30+$0x12D0]  }
0xd3: {  	v9 =	vadd.f32 v41, v9;
	v41 =	vld [tilespmem:$0x1FF20]  }
0xd4: {  	v5 =	vadd.f32 v37, v5;
	v37 =	vld [tilespmem:s30+$0x1300]  }
0xd5: {  	[tilespmem:$0x1FF80] =	vst v0;
	v0 =	vld [tilespmem:s30+$0x10E0]  }
0xd6: {  	v6 =	vadd.f32 v38, v6;
	v38 =	vld [tilespmem:s30+$0x1310]  }
0xd7: {  	v7 =	vadd.f32 v39, v7;
	v39 =	vld [tilespmem:s30+$0x1320];
	v4 =	vadd.f32 v44, v4  }
0xd8: {  	v8 =	vadd.f32 v40, v8;
	v40 =	vld [tilespmem:s30+$0x1330]  }
0xd9: {  	v7 =	vadd.f32 v47, v7;
	v4 =	vadd.f32 v52, v4;
	v52 =	vld [tilespmem:s30+$0x1340]  }
0xda: {  	v10 =	vadd.f32 v42, v10;
	v8 =	vadd.f32 v48, v8;
	[tilespmem:$0x1FF90] =	vst v0;
	v0 =	vld [tilespmem:s30+$0x10F0]  }
0xdb: {  	v9 =	vadd.f32 v49, v9;
	v7 =	vadd.f32 v55, v7;
	v55 =	vld [tilespmem:s30+$0x1350]  }
0xdc: {  	v10 =	vadd.f32 v50, v10;
	v8 =	vadd.f32 v56, v8;
	v56 =	vld [tilespmem:s30+$0x1360]  }
0xdd: {  	v9 =	vadd.f32 v57, v9;
	v57 =	vld [tilespmem:s30+$0x1370]  }
0xde: {  	v10 =	vadd.f32 v58, v10;
	v58 =	vld [tilespmem:s30+$0x1380]  }
0xdf: {  	[tilespmem:$0x1FFA0] =	vst v0;
	v0 =	vld [tilespmem:s30+$0x1100]  }
0xe0: {  	v42 =	vld [tilespmem:$0x1FF30]  }
0xe1: {  	v3 =	vadd.f32 v43, v3;
	v1 =	vadd.f32 v1, v8;
	v8 =	vld [tilespmem:s30+$0x12E0]  }
0xe2: {  	v5 =	vadd.f32 v45, v5;
	v6 =	vadd.f32 v46, v6;
	v46 =	vld [tilespmem:$0x1FF70]  }
0xe3: {  	v47 =	vld [tilespmem:$0x1FF80]  }
0xe4: {  	v3 =	vadd.f32 v51, v3;
	v5 =	vadd.f32 v53, v5;
	[tilespmem:$0x1FFB0] =	vst v0;
	v0 =	vld [tilespmem:s30+$0x1110]  }
0xe5: {  	v6 =	vadd.f32 v54, v6;
	v7 =	vadd.f32 v63, v7;
	v43 =	vld [tilespmem:$0x1FF40]  }
0xe6: {  	v3 =	vadd.f32 v59, v3;
	v4 =	vadd.f32 v60, v4;
	v50 =	vld [tilespmem:$0x1FFB0]  }
0xe7: {  	v5 =	vadd.f32 v61, v5;
	v44 =	vld [tilespmem:$0x1FF50];
	v7 =	vadd.f32 v46, v7  }
0xe8: {  	v6 =	vadd.f32 v62, v6;
	v45 =	vld [tilespmem:$0x1FF60];
	v1 =	vadd.f32 v47, v1  }
0xe9: {  	v3 =	vadd.f32 v42, v3;
	v7 =	vadd.f32 v11, v7;
	[tilespmem:$0x1FFC0] =	vst v0;
	v0 =	vld [tilespmem:s30+$0x1120]  }
0xea: {  	v59 =	vld [tilespmem:s30+$0x1390];
	v4 =	vadd.f32 v43, v4;
	v1 =	vadd.f32 v12, v1  }
0xeb: {  	v7 =	vadd.f32 v19, v7;
	v3 =	vadd.f32 v50, v3;
	v51 =	vld [tilespmem:$0x1FFC0]  }
0xec: {  	v60 =	vld [tilespmem:s30+$0x13A0];
	v5 =	vadd.f32 v44, v5;
	v1 =	vadd.f32 v20, v1  }
0xed: {  	v62 =	vld [tilespmem:s30+$0x13C0];
	v7 =	vadd.f32 v27, v7;
	v3 =	vadd.f32 v15, v3  }
0xee: {  	v6 =	vadd.f32 v45, v6;
	v1 =	vadd.f32 v28, v1;
	[tilespmem:$0x1FFD0] =	vst v0;
	v0 =	vld [tilespmem:s30+$0x1130]  }
0xef: {  	v63 =	vld [tilespmem:s30+$0x13D0];
	v7 =	vadd.f32 v35, v7;
	v3 =	vadd.f32 v23, v3  }
0xf0: {  	v1 =	vadd.f32 v36, v1;
	v4 =	vadd.f32 v51, v4;
	v53 =	vld [tilespmem:$0x1FFD0]  }
0xf1: {  	v7 =	vadd.f32 v52, v7;
	v51 =	vld [tilespmem:s30+$0x1450];
	v3 =	vadd.f32 v31, v3  }
0xf2: {  	v45 =	vld [tilespmem:s30+$0x1400];
	v1 =	vadd.f32 v55, v1;
	v4 =	vadd.f32 v16, v4  }
0xf3: {  	v7 =	vadd.f32 v62, v7;
	v3 =	vadd.f32 v37, v3;
	[tilespmem:$0x1FFE0] =	vst v0;
	v0 =	vld [tilespmem:$0x1FF10]  }
0xf4: {  	v48 =	vld [tilespmem:$0x1FF90];
	v1 =	vadd.f32 v63, v1;
	v4 =	vadd.f32 v24, v4  }
0xf5: {  	v5 =	vadd.f32 v53, v5;
	v54 =	vld [tilespmem:$0x1FFE0];
	v3 =	vadd.f32 v58, v3  }
0xf6: {  	v49 =	vld [tilespmem:$0x1FFA0];
	v1 =	vadd.f32 v51, v1;
	v4 =	vadd.f32 v32, v4  }
0xf7: {  	v61 =	vld [tilespmem:s30+$0x13B0];
	v5 =	vadd.f32 v17, v5;
	v3 =	vadd.f32 v45, v3  }
0xf8: {  	v43 =	vld [tilespmem:s30+$0x13E0];
	v4 =	vadd.f32 v38, v4;
	v0 =	vadd.f32 v0, v9  }
0xf9: {  	v46 =	vld [tilespmem:s30+$0x1410];
	v9 =	vadd.f32 v41, v10;
	v5 =	vadd.f32 v25, v5  }
0xfa: {  	s0 =	sshll.u32 s31, $0x9;
	v44 =	vld [tilespmem:s30+$0x13F0];
	v6 =	vadd.f32 v54, v6;
	v0 =	vadd.f32 v48, v0  }
0xfb: {  	s0 =	sshra.s32 s0, $0x2;
	v47 =	vld [tilespmem:s30+$0x1420];
	v4 =	vadd.f32 v59, v4;
	v9 =	vadd.f32 v49, v9  }
0xfc: {  	v55 =	vld [tilespmem:s0+$0xCC90];
	v5 =	vadd.f32 v33, v5;
	v0 =	vadd.f32 v13, v0  }
0xfd: {  	v52 =	vld [tilespmem:s30+$0x1460];
	v6 =	vadd.f32 v18, v6;
	v9 =	vadd.f32 v14, v9  }
0xfe: {  	v10 =	vld [tilespmem:s30+$0x12F0];
	v4 =	vadd.f32 v46, v4;
	v0 =	vadd.f32 v21, v0  }
0xff: {  	v50 =	vld [tilespmem:s30+$0x1440];
	v5 =	vadd.f32 v39, v5;
	v9 =	vadd.f32 v22, v9  }
0x100: {  	v54 =	vld [tilespmem:s0+$0xCC80];
	v6 =	vadd.f32 v26, v6;
	v0 =	vadd.f32 v29, v0  }
0x101: {  	v59 =	vld [tilespmem:s0+$0xCCD0];
	v4 =	vadd.f32 v55, v4;
	v9 =	vadd.f32 v30, v9  }
0x102: {  	v53 =	vld [tilespmem:s30+$0x1470];
	v6 =	vadd.f32 v34, v6;
	v0 =	vadd.f32 v8, v0  }
0x103: {  	v49 =	vld [tilespmem:s30+$0x1430];
	v5 =	vadd.f32 v60, v5;
	v48 =	vadd.f32 v10, v9  }
0x104: {  	v6 =	vadd.f32 v40, v6;
	v0 =	vadd.f32 v56, v0;
	v56 =	vld [tilespmem:s0+$0xCCA0]  }
0x105: {  	v3 =	vadd.f32 v54, v3;
	v8 =	vadd.f32 v57, v48;
	v57 =	vld [tilespmem:s0+$0xCCB0]  }
0x106: {  	v60 =	vld [tilespmem:s0+$0xCCE0];
	v1 =	vadd.f32 v59, v1;
	v6 =	vadd.f32 v61, v6  }
0x107: {  	v5 =	vadd.f32 v47, v5;
	v61 =	vld [tilespmem:s0+$0xCCF0];
	v0 =	vadd.f32 v43, v0  }
0x108: {  	v58 =	vld [tilespmem:s0+$0xCCC0];
	[tilespmem:s0+$0xCC90] =	vst v4;
	v6 =	vadd.f32 v49, v6;
	v8 =	vadd.f32 v44, v8  }
0x109: {  	[tilespmem:s0+$0xCC80] =	vst v3;
	v0 =	vadd.f32 v52, v0;
	v3 =	vadd.f32 v56, v5  }
0x10a: {  	[tilespmem:s0+$0xCCD0] =	vst v1;
	v63 =	vadd.f32 v53, v8;
	v62 =	vadd.f32 v57, v6  }
0x10b: {  	v7 =	vadd.f32 v50, v7;
	v0 =	vadd.f32 v60, v0;
	[tilespmem:s0+$0xCCA0] =	vst v3  }
0x10c: {  	v1 =	vadd.f32 v61, v63;
	[tilespmem:s0+$0xCCB0] =	vst v62  }
0x10d: {  	v3 =	vadd.f32 v58, v7;
	[tilespmem:s0+$0xCCE0] =	vst v0  }
0x10e: {  	s2 =	sshll.u32 s31, $0x6;
	[tilespmem:s0+$0xCCF0] =	vst v1  }
0x10f: {  	s16 =	sshra.s32 s2, $0x2;
	[tilespmem:s0+$0xCCC0] =	vst v3  }
0x110: {  	v0 =	vld [tilespmem:s16+$0x1CC80];
	_ =	sdelay $0x4  }
0x111: {  	v0 =	vadd.f32 $1.600000000e+01, v0;
	_ =	sdelay $0x1  }
0x112: {  	[tilespmem:s16+$0x1CC80] =	vst v0  }
.LBB2_8:
0x113: {  	p2 =	seq.s32 @!p1 s31, s29  }
0x114: {  	p1 =	por p1, p2  }
.Ltmp8:
0x115: {  	_ = 	snop;
	(pc) =	sbr.rel @p1 .LBB2_10-.Ltmp8, $1  }
0x116: {  	_ =	sdelay $0x3  }
0x117: {  	s0 =	sshll.u32 s31, $0x9  }
0x118: {  	v1 =	vld [tilespmem:s30+$0xC80];
	s0 =	sshra.s32 s0, $0x2  }
0x119: {  	v0 =	vld [tilespmem:s0+$0xCC80];
	_ =	sdelay $0x4  }
0x11a: {  	v0 =	vadd.f32 v1, v0;
	_ =	sdelay $0x1  }
0x11b: {  	v5 =	vld [tilespmem:s0+$0xCC90];
	[tilespmem:s0+$0xCC80] =	vst v0  }
0x11c: {  	v6 =	vld [tilespmem:s30+$0xC90];
	_ =	sdelay $0x4  }
0x11d: {  	v0 =	vadd.f32 v6, v5;
	_ =	sdelay $0x1  }
0x11e: {  	v7 =	vld [tilespmem:s0+$0xCCA0];
	[tilespmem:s0+$0xCC90] =	vst v0  }
0x11f: {  	v8 =	vld [tilespmem:s30+$0xCA0];
	_ =	sdelay $0x4  }
0x120: {  	v0 =	vadd.f32 v8, v7;
	_ =	sdelay $0x1  }
0x121: {  	v9 =	vld [tilespmem:s0+$0xCCB0];
	[tilespmem:s0+$0xCCA0] =	vst v0  }
0x122: {  	v10 =	vld [tilespmem:s30+$0xCB0];
	_ =	sdelay $0x4  }
0x123: {  	v0 =	vadd.f32 v10, v9;
	_ =	sdelay $0x1  }
0x124: {  	v11 =	vld [tilespmem:s0+$0xCCC0];
	[tilespmem:s0+$0xCCB0] =	vst v0  }
0x125: {  	v12 =	vld [tilespmem:s30+$0xCC0];
	_ =	sdelay $0x4  }
0x126: {  	v0 =	vadd.f32 v12, v11;
	_ =	sdelay $0x1  }
0x127: {  	v13 =	vld [tilespmem:s0+$0xCCD0];
	[tilespmem:s0+$0xCCC0] =	vst v0  }
0x128: {  	v14 =	vld [tilespmem:s30+$0xCD0];
	_ =	sdelay $0x4  }
0x129: {  	v0 =	vadd.f32 v14, v13;
	_ =	sdelay $0x1  }
0x12a: {  	v15 =	vld [tilespmem:s0+$0xCCE0];
	[tilespmem:s0+$0xCCD0] =	vst v0  }
0x12b: {  	v16 =	vld [tilespmem:s30+$0xCE0];
	_ =	sdelay $0x4  }
0x12c: {  	v0 =	vadd.f32 v16, v15  }
0x12d: {  	(v2sf) =	vpush v2, $0x1  }
0x12e: {  	v17 =	vld [tilespmem:s0+$0xCCF0];
	[tilespmem:s0+$0xCCE0] =	vst v0  }
0x12f: {  	v18 =	vld [tilespmem:s30+$0xCF0];
	_ =	sdelay $0x4  }
0x130: {  	v0 =	vadd.f32 v18, v17  }
0x131: {  	s2 =	sshll.u32 s31, $0x6  }
0x132: {  	s2 =	sshra.s32 s2, $0x2;
	[tilespmem:s0+$0xCCF0] =	vst v0  }
0x133: {  	v0 =	vld [tilespmem:s2+$0x1CC80];
	_ =	sdelay $0x4  }
0x134: {  	s16 =	spop (v2sf);
	v0 =	vadd.f32 $1.000000000e+00, v0  }
0x135: {  	s15 =	sshll.u32 s16, $0x9  }
0x136: {  	s31 =	sshra.s32 s15, $0x2;
	[tilespmem:s2+$0x1CC80] =	vst v0  }
0x137: {  	v0 =	vld [tilespmem:s31+$0xCC80]  }
0x138: {  	v19 =	vld [tilespmem:s30+$0xD00];
	_ =	sdelay $0x4  }
0x139: {  	v0 =	vadd.f32 v19, v0;
	_ =	sdelay $0x1  }
0x13a: {  	v20 =	vld [tilespmem:s31+$0xCC90];
	[tilespmem:s31+$0xCC80] =	vst v0  }
0x13b: {  	v21 =	vld [tilespmem:s30+$0xD10];
	_ =	sdelay $0x4  }
0x13c: {  	v0 =	vadd.f32 v21, v20;
	_ =	sdelay $0x1  }
0x13d: {  	v22 =	vld [tilespmem:s31+$0xCCA0];
	[tilespmem:s31+$0xCC90] =	vst v0  }
0x13e: {  	v23 =	vld [tilespmem:s30+$0xD20];
	_ =	sdelay $0x4  }
0x13f: {  	v0 =	vadd.f32 v23, v22;
	_ =	sdelay $0x1  }
0x140: {  	v24 =	vld [tilespmem:s31+$0xCCB0];
	[tilespmem:s31+$0xCCA0] =	vst v0  }
0x141: {  	v25 =	vld [tilespmem:s30+$0xD30];
	_ =	sdelay $0x4  }
0x142: {  	v0 =	vadd.f32 v25, v24;
	_ =	sdelay $0x1  }
0x143: {  	v26 =	vld [tilespmem:s31+$0xCCC0];
	[tilespmem:s31+$0xCCB0] =	vst v0  }
0x144: {  	v27 =	vld [tilespmem:s30+$0xD40];
	_ =	sdelay $0x4  }
0x145: {  	v0 =	vadd.f32 v27, v26;
	_ =	sdelay $0x1  }
0x146: {  	v28 =	vld [tilespmem:s31+$0xCCD0];
	[tilespmem:s31+$0xCCC0] =	vst v0  }
0x147: {  	v29 =	vld [tilespmem:s30+$0xD50];
	_ =	sdelay $0x4  }
0x148: {  	v0 =	vadd.f32 v29, v28;
	_ =	sdelay $0x1  }
0x149: {  	v30 =	vld [tilespmem:s31+$0xCCE0];
	[tilespmem:s31+$0xCCD0] =	vst v0  }
0x14a: {  	v31 =	vld [tilespmem:s30+$0xD60];
	_ =	sdelay $0x4  }
0x14b: {  	v0 =	vadd.f32 v31, v30  }
0x14c: {  	(v2sf) =	vpush v2, $0x2  }
0x14d: {  	v32 =	vld [tilespmem:s31+$0xCCF0];
	[tilespmem:s31+$0xCCE0] =	vst v0  }
0x14e: {  	v33 =	vld [tilespmem:s30+$0xD70];
	_ =	sdelay $0x4  }
0x14f: {  	v0 =	vadd.f32 v33, v32  }
0x150: {  	s2 =	sshll.u32 s16, $0x6  }
0x151: {  	s15 =	sshra.s32 s2, $0x2;
	[tilespmem:s31+$0xCCF0] =	vst v0  }
0x152: {  	v0 =	vld [tilespmem:s15+$0x1CC80];
	_ =	sdelay $0x4  }
0x153: {  	s2 =	spop (v2sf);
	v0 =	vadd.f32 $1.000000000e+00, v0  }
0x154: {  	s16 =	sshll.u32 s2, $0x9  }
0x155: {  	s31 =	sshra.s32 s16, $0x2;
	[tilespmem:s15+$0x1CC80] =	vst v0  }
0x156: {  	v0 =	vld [tilespmem:s31+$0xCC80]  }
0x157: {  	v34 =	vld [tilespmem:s30+$0xD80];
	_ =	sdelay $0x4  }
0x158: {  	v0 =	vadd.f32 v34, v0;
	_ =	sdelay $0x1  }
0x159: {  	v35 =	vld [tilespmem:s31+$0xCC90];
	[tilespmem:s31+$0xCC80] =	vst v0  }
0x15a: {  	v36 =	vld [tilespmem:s30+$0xD90];
	_ =	sdelay $0x4  }
0x15b: {  	v0 =	vadd.f32 v36, v35;
	_ =	sdelay $0x1  }
0x15c: {  	v37 =	vld [tilespmem:s31+$0xCCA0];
	[tilespmem:s31+$0xCC90] =	vst v0  }
0x15d: {  	v38 =	vld [tilespmem:s30+$0xDA0];
	_ =	sdelay $0x4  }
0x15e: {  	v0 =	vadd.f32 v38, v37;
	_ =	sdelay $0x1  }
0x15f: {  	v39 =	vld [tilespmem:s31+$0xCCB0];
	[tilespmem:s31+$0xCCA0] =	vst v0  }
0x160: {  	v40 =	vld [tilespmem:s30+$0xDB0];
	_ =	sdelay $0x4  }
0x161: {  	v0 =	vadd.f32 v40, v39;
	_ =	sdelay $0x1  }
0x162: {  	v41 =	vld [tilespmem:s31+$0xCCC0];
	[tilespmem:s31+$0xCCB0] =	vst v0  }
0x163: {  	v42 =	vld [tilespmem:s30+$0xDC0];
	_ =	sdelay $0x4  }
0x164: {  	v0 =	vadd.f32 v42, v41;
	_ =	sdelay $0x1  }
0x165: {  	v43 =	vld [tilespmem:s31+$0xCCD0];
	[tilespmem:s31+$0xCCC0] =	vst v0  }
0x166: {  	v44 =	vld [tilespmem:s30+$0xDD0];
	_ =	sdelay $0x4  }
0x167: {  	v0 =	vadd.f32 v44, v43;
	_ =	sdelay $0x1  }
0x168: {  	v45 =	vld [tilespmem:s31+$0xCCE0];
	[tilespmem:s31+$0xCCD0] =	vst v0  }
0x169: {  	v46 =	vld [tilespmem:s30+$0xDE0];
	_ =	sdelay $0x4  }
0x16a: {  	v0 =	vadd.f32 v46, v45  }
0x16b: {  	(v2sf) =	vpush v2, $0x3  }
0x16c: {  	v47 =	vld [tilespmem:s31+$0xCCF0];
	[tilespmem:s31+$0xCCE0] =	vst v0  }
0x16d: {  	v48 =	vld [tilespmem:s30+$0xDF0];
	_ =	sdelay $0x4  }
0x16e: {  	v0 =	vadd.f32 v48, v47  }
0x16f: {  	s2 =	sshll.u32 s2, $0x6  }
0x170: {  	s15 =	sshra.s32 s2, $0x2;
	[tilespmem:s31+$0xCCF0] =	vst v0  }
0x171: {  	v0 =	vld [tilespmem:s15+$0x1CC80];
	_ =	sdelay $0x4  }
0x172: {  	s2 =	spop (v2sf);
	v0 =	vadd.f32 $1.000000000e+00, v0  }
0x173: {  	s16 =	sshll.u32 s2, $0x9  }
0x174: {  	s31 =	sshra.s32 s16, $0x2;
	[tilespmem:s15+$0x1CC80] =	vst v0  }
0x175: {  	v0 =	vld [tilespmem:s31+$0xCC80]  }
0x176: {  	v49 =	vld [tilespmem:s30+$0xE00];
	_ =	sdelay $0x4  }
0x177: {  	v0 =	vadd.f32 v49, v0;
	_ =	sdelay $0x1  }
0x178: {  	v50 =	vld [tilespmem:s31+$0xCC90];
	[tilespmem:s31+$0xCC80] =	vst v0  }
0x179: {  	v51 =	vld [tilespmem:s30+$0xE10];
	_ =	sdelay $0x4  }
0x17a: {  	v0 =	vadd.f32 v51, v50;
	_ =	sdelay $0x1  }
0x17b: {  	v52 =	vld [tilespmem:s31+$0xCCA0];
	[tilespmem:s31+$0xCC90] =	vst v0  }
0x17c: {  	v53 =	vld [tilespmem:s30+$0xE20];
	_ =	sdelay $0x4  }
0x17d: {  	v0 =	vadd.f32 v53, v52;
	_ =	sdelay $0x1  }
0x17e: {  	v54 =	vld [tilespmem:s31+$0xCCB0];
	[tilespmem:s31+$0xCCA0] =	vst v0  }
0x17f: {  	v55 =	vld [tilespmem:s30+$0xE30];
	_ =	sdelay $0x4  }
0x180: {  	v0 =	vadd.f32 v55, v54;
	_ =	sdelay $0x1  }
0x181: {  	v56 =	vld [tilespmem:s31+$0xCCC0];
	[tilespmem:s31+$0xCCB0] =	vst v0  }
0x182: {  	v57 =	vld [tilespmem:s30+$0xE40];
	_ =	sdelay $0x4  }
0x183: {  	v0 =	vadd.f32 v57, v56;
	_ =	sdelay $0x1  }
0x184: {  	v58 =	vld [tilespmem:s31+$0xCCD0];
	[tilespmem:s31+$0xCCC0] =	vst v0  }
0x185: {  	v59 =	vld [tilespmem:s30+$0xE50];
	_ =	sdelay $0x4  }
0x186: {  	v0 =	vadd.f32 v59, v58;
	_ =	sdelay $0x1  }
0x187: {  	v60 =	vld [tilespmem:s31+$0xCCE0];
	[tilespmem:s31+$0xCCD0] =	vst v0  }
0x188: {  	v61 =	vld [tilespmem:s30+$0xE60];
	_ =	sdelay $0x4  }
0x189: {  	v0 =	vadd.f32 v61, v60  }
0x18a: {  	(v2sf) =	vpush v2, $0x4  }
0x18b: {  	v62 =	vld [tilespmem:s31+$0xCCF0];
	[tilespmem:s31+$0xCCE0] =	vst v0  }
0x18c: {  	v63 =	vld [tilespmem:s30+$0xE70];
	_ =	sdelay $0x4  }
0x18d: {  	v0 =	vadd.f32 v63, v62  }
0x18e: {  	s2 =	sshll.u32 s2, $0x6  }
0x18f: {  	s15 =	sshra.s32 s2, $0x2;
	[tilespmem:s31+$0xCCF0] =	vst v0  }
0x190: {  	v0 =	vld [tilespmem:s15+$0x1CC80];
	_ =	sdelay $0x4  }
0x191: {  	s2 =	spop (v2sf);
	v0 =	vadd.f32 $1.000000000e+00, v0  }
0x192: {  	s16 =	sshll.u32 s2, $0x9  }
0x193: {  	s31 =	sshra.s32 s16, $0x2;
	[tilespmem:s15+$0x1CC80] =	vst v0  }
0x194: {  	v0 =	vld [tilespmem:s31+$0xCC80]  }
0x195: {  	v4 =	vld [tilespmem:s30+$0xE80];
	_ =	sdelay $0x4  }
0x196: {  	v0 =	vadd.f32 v4, v0;
	_ =	sdelay $0x1  }
0x197: {  	v5 =	vld [tilespmem:s31+$0xCC90];
	[tilespmem:s31+$0xCC80] =	vst v0  }
0x198: {  	v6 =	vld [tilespmem:s30+$0xE90];
	_ =	sdelay $0x4  }
0x199: {  	v0 =	vadd.f32 v6, v5;
	_ =	sdelay $0x1  }
0x19a: {  	v7 =	vld [tilespmem:s31+$0xCCA0];
	[tilespmem:s31+$0xCC90] =	vst v0  }
0x19b: {  	v8 =	vld [tilespmem:s30+$0xEA0];
	_ =	sdelay $0x4  }
0x19c: {  	v0 =	vadd.f32 v8, v7;
	_ =	sdelay $0x1  }
0x19d: {  	v9 =	vld [tilespmem:s31+$0xCCB0];
	[tilespmem:s31+$0xCCA0] =	vst v0  }
0x19e: {  	v10 =	vld [tilespmem:s30+$0xEB0];
	_ =	sdelay $0x4  }
0x19f: {  	v0 =	vadd.f32 v10, v9;
	_ =	sdelay $0x1  }
0x1a0: {  	v11 =	vld [tilespmem:s31+$0xCCC0];
	[tilespmem:s31+$0xCCB0] =	vst v0  }
0x1a1: {  	v12 =	vld [tilespmem:s30+$0xEC0];
	_ =	sdelay $0x4  }
0x1a2: {  	v0 =	vadd.f32 v12, v11;
	_ =	sdelay $0x1  }
0x1a3: {  	v13 =	vld [tilespmem:s31+$0xCCD0];
	[tilespmem:s31+$0xCCC0] =	vst v0  }
0x1a4: {  	v14 =	vld [tilespmem:s30+$0xED0];
	_ =	sdelay $0x4  }
0x1a5: {  	v0 =	vadd.f32 v14, v13;
	_ =	sdelay $0x1  }
0x1a6: {  	v15 =	vld [tilespmem:s31+$0xCCE0];
	[tilespmem:s31+$0xCCD0] =	vst v0  }
0x1a7: {  	v16 =	vld [tilespmem:s30+$0xEE0];
	_ =	sdelay $0x4  }
0x1a8: {  	v0 =	vadd.f32 v16, v15  }
0x1a9: {  	(v2sf) =	vpush v2, $0x5  }
0x1aa: {  	v17 =	vld [tilespmem:s31+$0xCCF0];
	[tilespmem:s31+$0xCCE0] =	vst v0  }
0x1ab: {  	v18 =	vld [tilespmem:s30+$0xEF0];
	_ =	sdelay $0x4  }
0x1ac: {  	v0 =	vadd.f32 v18, v17  }
0x1ad: {  	s2 =	sshll.u32 s2, $0x6  }
0x1ae: {  	s15 =	sshra.s32 s2, $0x2;
	[tilespmem:s31+$0xCCF0] =	vst v0  }
0x1af: {  	v0 =	vld [tilespmem:s15+$0x1CC80];
	_ =	sdelay $0x4  }
0x1b0: {  	s2 =	spop (v2sf);
	v0 =	vadd.f32 $1.000000000e+00, v0  }
0x1b1: {  	s16 =	sshll.u32 s2, $0x9  }
0x1b2: {  	s31 =	sshra.s32 s16, $0x2;
	[tilespmem:s15+$0x1CC80] =	vst v0  }
0x1b3: {  	v0 =	vld [tilespmem:s31+$0xCC80]  }
0x1b4: {  	v19 =	vld [tilespmem:s30+$0xF00];
	_ =	sdelay $0x4  }
0x1b5: {  	v0 =	vadd.f32 v19, v0;
	_ =	sdelay $0x1  }
0x1b6: {  	v20 =	vld [tilespmem:s31+$0xCC90];
	[tilespmem:s31+$0xCC80] =	vst v0  }
0x1b7: {  	v21 =	vld [tilespmem:s30+$0xF10];
	_ =	sdelay $0x4  }
0x1b8: {  	v0 =	vadd.f32 v21, v20;
	_ =	sdelay $0x1  }
0x1b9: {  	v22 =	vld [tilespmem:s31+$0xCCA0];
	[tilespmem:s31+$0xCC90] =	vst v0  }
0x1ba: {  	v23 =	vld [tilespmem:s30+$0xF20];
	_ =	sdelay $0x4  }
0x1bb: {  	v0 =	vadd.f32 v23, v22;
	_ =	sdelay $0x1  }
0x1bc: {  	v24 =	vld [tilespmem:s31+$0xCCB0];
	[tilespmem:s31+$0xCCA0] =	vst v0  }
0x1bd: {  	v25 =	vld [tilespmem:s30+$0xF30];
	_ =	sdelay $0x4  }
0x1be: {  	v0 =	vadd.f32 v25, v24;
	_ =	sdelay $0x1  }
0x1bf: {  	v26 =	vld [tilespmem:s31+$0xCCC0];
	[tilespmem:s31+$0xCCB0] =	vst v0  }
0x1c0: {  	v27 =	vld [tilespmem:s30+$0xF40];
	_ =	sdelay $0x4  }
0x1c1: {  	v0 =	vadd.f32 v27, v26;
	_ =	sdelay $0x1  }
0x1c2: {  	v28 =	vld [tilespmem:s31+$0xCCD0];
	[tilespmem:s31+$0xCCC0] =	vst v0  }
0x1c3: {  	v29 =	vld [tilespmem:s30+$0xF50];
	_ =	sdelay $0x4  }
0x1c4: {  	v0 =	vadd.f32 v29, v28;
	_ =	sdelay $0x1  }
0x1c5: {  	v30 =	vld [tilespmem:s31+$0xCCE0];
	[tilespmem:s31+$0xCCD0] =	vst v0  }
0x1c6: {  	v31 =	vld [tilespmem:s30+$0xF60];
	_ =	sdelay $0x4  }
0x1c7: {  	v0 =	vadd.f32 v31, v30  }
0x1c8: {  	(v2sf) =	vpush v2, $0x6  }
0x1c9: {  	v32 =	vld [tilespmem:s31+$0xCCF0];
	[tilespmem:s31+$0xCCE0] =	vst v0  }
0x1ca: {  	v33 =	vld [tilespmem:s30+$0xF70];
	_ =	sdelay $0x4  }
0x1cb: {  	v0 =	vadd.f32 v33, v32  }
0x1cc: {  	s2 =	sshll.u32 s2, $0x6  }
0x1cd: {  	s15 =	sshra.s32 s2, $0x2;
	[tilespmem:s31+$0xCCF0] =	vst v0  }
0x1ce: {  	v0 =	vld [tilespmem:s15+$0x1CC80];
	_ =	sdelay $0x4  }
0x1cf: {  	s2 =	spop (v2sf);
	v0 =	vadd.f32 $1.000000000e+00, v0  }
0x1d0: {  	s16 =	sshll.u32 s2, $0x9  }
0x1d1: {  	s31 =	sshra.s32 s16, $0x2;
	[tilespmem:s15+$0x1CC80] =	vst v0  }
0x1d2: {  	v0 =	vld [tilespmem:s31+$0xCC80]  }
0x1d3: {  	v34 =	vld [tilespmem:s30+$0xF80];
	_ =	sdelay $0x4  }
0x1d4: {  	v0 =	vadd.f32 v34, v0;
	_ =	sdelay $0x1  }
0x1d5: {  	v35 =	vld [tilespmem:s31+$0xCC90];
	[tilespmem:s31+$0xCC80] =	vst v0  }
0x1d6: {  	v36 =	vld [tilespmem:s30+$0xF90];
	_ =	sdelay $0x4  }
0x1d7: {  	v0 =	vadd.f32 v36, v35;
	_ =	sdelay $0x1  }
0x1d8: {  	v37 =	vld [tilespmem:s31+$0xCCA0];
	[tilespmem:s31+$0xCC90] =	vst v0  }
0x1d9: {  	v38 =	vld [tilespmem:s30+$0xFA0];
	_ =	sdelay $0x4  }
0x1da: {  	v0 =	vadd.f32 v38, v37;
	_ =	sdelay $0x1  }
0x1db: {  	v39 =	vld [tilespmem:s31+$0xCCB0];
	[tilespmem:s31+$0xCCA0] =	vst v0  }
0x1dc: {  	v40 =	vld [tilespmem:s30+$0xFB0];
	_ =	sdelay $0x4  }
0x1dd: {  	v0 =	vadd.f32 v40, v39;
	_ =	sdelay $0x1  }
0x1de: {  	v41 =	vld [tilespmem:s31+$0xCCC0];
	[tilespmem:s31+$0xCCB0] =	vst v0  }
0x1df: {  	v42 =	vld [tilespmem:s30+$0xFC0];
	_ =	sdelay $0x4  }
0x1e0: {  	v0 =	vadd.f32 v42, v41;
	_ =	sdelay $0x1  }
0x1e1: {  	v43 =	vld [tilespmem:s31+$0xCCD0];
	[tilespmem:s31+$0xCCC0] =	vst v0  }
0x1e2: {  	v44 =	vld [tilespmem:s30+$0xFD0];
	_ =	sdelay $0x4  }
0x1e3: {  	v0 =	vadd.f32 v44, v43;
	_ =	sdelay $0x1  }
0x1e4: {  	v45 =	vld [tilespmem:s31+$0xCCE0];
	[tilespmem:s31+$0xCCD0] =	vst v0  }
0x1e5: {  	v46 =	vld [tilespmem:s30+$0xFE0];
	_ =	sdelay $0x4  }
0x1e6: {  	v0 =	vadd.f32 v46, v45  }
0x1e7: {  	(v2sf) =	vpush v2, $0x7  }
0x1e8: {  	v47 =	vld [tilespmem:s31+$0xCCF0];
	[tilespmem:s31+$0xCCE0] =	vst v0  }
0x1e9: {  	v48 =	vld [tilespmem:s30+$0xFF0];
	_ =	sdelay $0x4  }
0x1ea: {  	v0 =	vadd.f32 v48, v47  }
0x1eb: {  	s2 =	sshll.u32 s2, $0x6  }
0x1ec: {  	s15 =	sshra.s32 s2, $0x2;
	[tilespmem:s31+$0xCCF0] =	vst v0  }
0x1ed: {  	v0 =	vld [tilespmem:s15+$0x1CC80];
	_ =	sdelay $0x4  }
0x1ee: {  	s2 =	spop (v2sf);
	v0 =	vadd.f32 $1.000000000e+00, v0  }
0x1ef: {  	s16 =	sshll.u32 s2, $0x9  }
0x1f0: {  	s31 =	sshra.s32 s16, $0x2;
	[tilespmem:s15+$0x1CC80] =	vst v0  }
0x1f1: {  	v0 =	vld [tilespmem:s31+$0xCC80]  }
0x1f2: {  	v49 =	vld [tilespmem:s30+$0x1000];
	_ =	sdelay $0x4  }
0x1f3: {  	v0 =	vadd.f32 v49, v0;
	_ =	sdelay $0x1  }
0x1f4: {  	v50 =	vld [tilespmem:s31+$0xCC90];
	[tilespmem:s31+$0xCC80] =	vst v0  }
0x1f5: {  	v51 =	vld [tilespmem:s30+$0x1010];
	_ =	sdelay $0x4  }
0x1f6: {  	v0 =	vadd.f32 v51, v50;
	_ =	sdelay $0x1  }
0x1f7: {  	v52 =	vld [tilespmem:s31+$0xCCA0];
	[tilespmem:s31+$0xCC90] =	vst v0  }
0x1f8: {  	v53 =	vld [tilespmem:s30+$0x1020];
	_ =	sdelay $0x4  }
0x1f9: {  	v0 =	vadd.f32 v53, v52;
	_ =	sdelay $0x1  }
0x1fa: {  	v54 =	vld [tilespmem:s31+$0xCCB0];
	[tilespmem:s31+$0xCCA0] =	vst v0  }
0x1fb: {  	v55 =	vld [tilespmem:s30+$0x1030];
	_ =	sdelay $0x4  }
0x1fc: {  	v0 =	vadd.f32 v55, v54;
	_ =	sdelay $0x1  }
0x1fd: {  	v56 =	vld [tilespmem:s31+$0xCCC0];
	[tilespmem:s31+$0xCCB0] =	vst v0  }
0x1fe: {  	v57 =	vld [tilespmem:s30+$0x1040];
	_ =	sdelay $0x4  }
0x1ff: {  	v0 =	vadd.f32 v57, v56;
	_ =	sdelay $0x1  }
0x200: {  	v58 =	vld [tilespmem:s31+$0xCCD0];
	[tilespmem:s31+$0xCCC0] =	vst v0  }
0x201: {  	v59 =	vld [tilespmem:s30+$0x1050];
	_ =	sdelay $0x4  }
0x202: {  	v0 =	vadd.f32 v59, v58;
	_ =	sdelay $0x1  }
0x203: {  	v60 =	vld [tilespmem:s31+$0xCCE0];
	[tilespmem:s31+$0xCCD0] =	vst v0  }
0x204: {  	v61 =	vld [tilespmem:s30+$0x1060];
	_ =	sdelay $0x4  }
0x205: {  	v0 =	vadd.f32 v61, v60  }
0x206: {  	(v2sf) =	vpush v2, $0x8  }
0x207: {  	v62 =	vld [tilespmem:s31+$0xCCF0];
	[tilespmem:s31+$0xCCE0] =	vst v0  }
0x208: {  	v63 =	vld [tilespmem:s30+$0x1070];
	_ =	sdelay $0x4  }
0x209: {  	v0 =	vadd.f32 v63, v62  }
0x20a: {  	s2 =	sshll.u32 s2, $0x6  }
0x20b: {  	s15 =	sshra.s32 s2, $0x2;
	[tilespmem:s31+$0xCCF0] =	vst v0  }
0x20c: {  	v0 =	vld [tilespmem:s15+$0x1CC80];
	_ =	sdelay $0x4  }
0x20d: {  	s2 =	spop (v2sf);
	v0 =	vadd.f32 $1.000000000e+00, v0  }
0x20e: {  	s16 =	sshll.u32 s2, $0x9  }
0x20f: {  	s31 =	sshra.s32 s16, $0x2;
	[tilespmem:s15+$0x1CC80] =	vst v0  }
0x210: {  	v0 =	vld [tilespmem:s31+$0xCC80]  }
0x211: {  	v4 =	vld [tilespmem:s30+$0x1080];
	_ =	sdelay $0x4  }
0x212: {  	v0 =	vadd.f32 v4, v0;
	_ =	sdelay $0x1  }
0x213: {  	v5 =	vld [tilespmem:s31+$0xCC90];
	[tilespmem:s31+$0xCC80] =	vst v0  }
0x214: {  	v6 =	vld [tilespmem:s30+$0x1090];
	_ =	sdelay $0x4  }
0x215: {  	v0 =	vadd.f32 v6, v5;
	_ =	sdelay $0x1  }
0x216: {  	v7 =	vld [tilespmem:s31+$0xCCA0];
	[tilespmem:s31+$0xCC90] =	vst v0  }
0x217: {  	v8 =	vld [tilespmem:s30+$0x10A0];
	_ =	sdelay $0x4  }
0x218: {  	v0 =	vadd.f32 v8, v7;
	_ =	sdelay $0x1  }
0x219: {  	v9 =	vld [tilespmem:s31+$0xCCB0];
	[tilespmem:s31+$0xCCA0] =	vst v0  }
0x21a: {  	v10 =	vld [tilespmem:s30+$0x10B0];
	_ =	sdelay $0x4  }
0x21b: {  	v0 =	vadd.f32 v10, v9;
	_ =	sdelay $0x1  }
0x21c: {  	v11 =	vld [tilespmem:s31+$0xCCC0];
	[tilespmem:s31+$0xCCB0] =	vst v0  }
0x21d: {  	v12 =	vld [tilespmem:s30+$0x10C0];
	_ =	sdelay $0x4  }
0x21e: {  	v0 =	vadd.f32 v12, v11;
	_ =	sdelay $0x1  }
0x21f: {  	v13 =	vld [tilespmem:s31+$0xCCD0];
	[tilespmem:s31+$0xCCC0] =	vst v0  }
0x220: {  	v14 =	vld [tilespmem:s30+$0x10D0];
	_ =	sdelay $0x4  }
0x221: {  	v0 =	vadd.f32 v14, v13;
	_ =	sdelay $0x1  }
0x222: {  	v15 =	vld [tilespmem:s31+$0xCCE0];
	[tilespmem:s31+$0xCCD0] =	vst v0  }
0x223: {  	v16 =	vld [tilespmem:s30+$0x10E0];
	_ =	sdelay $0x4  }
0x224: {  	v0 =	vadd.f32 v16, v15  }
0x225: {  	(v2sf) =	vpush v2, $0x9  }
0x226: {  	v17 =	vld [tilespmem:s31+$0xCCF0];
	[tilespmem:s31+$0xCCE0] =	vst v0  }
0x227: {  	v18 =	vld [tilespmem:s30+$0x10F0];
	_ =	sdelay $0x4  }
0x228: {  	v0 =	vadd.f32 v18, v17  }
0x229: {  	s2 =	sshll.u32 s2, $0x6  }
0x22a: {  	s15 =	sshra.s32 s2, $0x2;
	[tilespmem:s31+$0xCCF0] =	vst v0  }
0x22b: {  	v0 =	vld [tilespmem:s15+$0x1CC80];
	_ =	sdelay $0x4  }
0x22c: {  	s2 =	spop (v2sf);
	v0 =	vadd.f32 $1.000000000e+00, v0  }
0x22d: {  	s16 =	sshll.u32 s2, $0x9  }
0x22e: {  	s31 =	sshra.s32 s16, $0x2;
	[tilespmem:s15+$0x1CC80] =	vst v0  }
0x22f: {  	v0 =	vld [tilespmem:s31+$0xCC80]  }
0x230: {  	v19 =	vld [tilespmem:s30+$0x1100];
	_ =	sdelay $0x4  }
0x231: {  	v0 =	vadd.f32 v19, v0;
	_ =	sdelay $0x1  }
0x232: {  	v20 =	vld [tilespmem:s31+$0xCC90];
	[tilespmem:s31+$0xCC80] =	vst v0  }
0x233: {  	v21 =	vld [tilespmem:s30+$0x1110];
	_ =	sdelay $0x4  }
0x234: {  	v0 =	vadd.f32 v21, v20;
	_ =	sdelay $0x1  }
0x235: {  	v22 =	vld [tilespmem:s31+$0xCCA0];
	[tilespmem:s31+$0xCC90] =	vst v0  }
0x236: {  	v23 =	vld [tilespmem:s30+$0x1120];
	_ =	sdelay $0x4  }
0x237: {  	v0 =	vadd.f32 v23, v22;
	_ =	sdelay $0x1  }
0x238: {  	v24 =	vld [tilespmem:s31+$0xCCB0];
	[tilespmem:s31+$0xCCA0] =	vst v0  }
0x239: {  	v25 =	vld [tilespmem:s30+$0x1130];
	_ =	sdelay $0x4  }
0x23a: {  	v0 =	vadd.f32 v25, v24;
	_ =	sdelay $0x1  }
0x23b: {  	v26 =	vld [tilespmem:s31+$0xCCC0];
	[tilespmem:s31+$0xCCB0] =	vst v0  }
0x23c: {  	v27 =	vld [tilespmem:s30+$0x1140];
	_ =	sdelay $0x4  }
0x23d: {  	v0 =	vadd.f32 v27, v26;
	_ =	sdelay $0x1  }
0x23e: {  	v28 =	vld [tilespmem:s31+$0xCCD0];
	[tilespmem:s31+$0xCCC0] =	vst v0  }
0x23f: {  	v29 =	vld [tilespmem:s30+$0x1150];
	_ =	sdelay $0x4  }
0x240: {  	v0 =	vadd.f32 v29, v28;
	_ =	sdelay $0x1  }
0x241: {  	v30 =	vld [tilespmem:s31+$0xCCE0];
	[tilespmem:s31+$0xCCD0] =	vst v0  }
0x242: {  	v31 =	vld [tilespmem:s30+$0x1160];
	_ =	sdelay $0x4  }
0x243: {  	v0 =	vadd.f32 v31, v30  }
0x244: {  	(v2sf) =	vpush v2, $0xA  }
0x245: {  	v32 =	vld [tilespmem:s31+$0xCCF0];
	[tilespmem:s31+$0xCCE0] =	vst v0  }
0x246: {  	v33 =	vld [tilespmem:s30+$0x1170];
	_ =	sdelay $0x4  }
0x247: {  	v0 =	vadd.f32 v33, v32  }
0x248: {  	s2 =	sshll.u32 s2, $0x6  }
0x249: {  	s15 =	sshra.s32 s2, $0x2;
	[tilespmem:s31+$0xCCF0] =	vst v0  }
0x24a: {  	v0 =	vld [tilespmem:s15+$0x1CC80];
	_ =	sdelay $0x4  }
0x24b: {  	s2 =	spop (v2sf);
	v0 =	vadd.f32 $1.000000000e+00, v0  }
0x24c: {  	s16 =	sshll.u32 s2, $0x9  }
0x24d: {  	s31 =	sshra.s32 s16, $0x2;
	[tilespmem:s15+$0x1CC80] =	vst v0  }
0x24e: {  	v0 =	vld [tilespmem:s31+$0xCC80]  }
0x24f: {  	v34 =	vld [tilespmem:s30+$0x1180];
	_ =	sdelay $0x4  }
0x250: {  	v0 =	vadd.f32 v34, v0;
	_ =	sdelay $0x1  }
0x251: {  	v35 =	vld [tilespmem:s31+$0xCC90];
	[tilespmem:s31+$0xCC80] =	vst v0  }
0x252: {  	v36 =	vld [tilespmem:s30+$0x1190];
	_ =	sdelay $0x4  }
0x253: {  	v0 =	vadd.f32 v36, v35;
	_ =	sdelay $0x1  }
0x254: {  	v37 =	vld [tilespmem:s31+$0xCCA0];
	[tilespmem:s31+$0xCC90] =	vst v0  }
0x255: {  	v38 =	vld [tilespmem:s30+$0x11A0];
	_ =	sdelay $0x4  }
0x256: {  	v0 =	vadd.f32 v38, v37;
	_ =	sdelay $0x1  }
0x257: {  	v39 =	vld [tilespmem:s31+$0xCCB0];
	[tilespmem:s31+$0xCCA0] =	vst v0  }
0x258: {  	v40 =	vld [tilespmem:s30+$0x11B0];
	_ =	sdelay $0x4  }
0x259: {  	v0 =	vadd.f32 v40, v39;
	_ =	sdelay $0x1  }
0x25a: {  	v41 =	vld [tilespmem:s31+$0xCCC0];
	[tilespmem:s31+$0xCCB0] =	vst v0  }
0x25b: {  	v42 =	vld [tilespmem:s30+$0x11C0];
	_ =	sdelay $0x4  }
0x25c: {  	v0 =	vadd.f32 v42, v41;
	_ =	sdelay $0x1  }
0x25d: {  	v43 =	vld [tilespmem:s31+$0xCCD0];
	[tilespmem:s31+$0xCCC0] =	vst v0  }
0x25e: {  	v44 =	vld [tilespmem:s30+$0x11D0];
	_ =	sdelay $0x4  }
0x25f: {  	v0 =	vadd.f32 v44, v43;
	_ =	sdelay $0x1  }
0x260: {  	v45 =	vld [tilespmem:s31+$0xCCE0];
	[tilespmem:s31+$0xCCD0] =	vst v0  }
0x261: {  	v46 =	vld [tilespmem:s30+$0x11E0];
	_ =	sdelay $0x4  }
0x262: {  	v0 =	vadd.f32 v46, v45  }
0x263: {  	(v2sf) =	vpush v2, $0xB  }
0x264: {  	v47 =	vld [tilespmem:s31+$0xCCF0];
	[tilespmem:s31+$0xCCE0] =	vst v0  }
0x265: {  	v48 =	vld [tilespmem:s30+$0x11F0];
	_ =	sdelay $0x4  }
0x266: {  	v0 =	vadd.f32 v48, v47  }
0x267: {  	s2 =	sshll.u32 s2, $0x6  }
0x268: {  	s15 =	sshra.s32 s2, $0x2;
	[tilespmem:s31+$0xCCF0] =	vst v0  }
0x269: {  	v0 =	vld [tilespmem:s15+$0x1CC80];
	_ =	sdelay $0x4  }
0x26a: {  	s2 =	spop (v2sf);
	v0 =	vadd.f32 $1.000000000e+00, v0  }
0x26b: {  	s16 =	sshll.u32 s2, $0x9  }
0x26c: {  	s31 =	sshra.s32 s16, $0x2;
	[tilespmem:s15+$0x1CC80] =	vst v0  }
0x26d: {  	v0 =	vld [tilespmem:s31+$0xCC80]  }
0x26e: {  	v49 =	vld [tilespmem:s30+$0x1200];
	_ =	sdelay $0x4  }
0x26f: {  	v0 =	vadd.f32 v49, v0;
	_ =	sdelay $0x1  }
0x270: {  	v50 =	vld [tilespmem:s31+$0xCC90];
	[tilespmem:s31+$0xCC80] =	vst v0  }
0x271: {  	v51 =	vld [tilespmem:s30+$0x1210];
	_ =	sdelay $0x4  }
0x272: {  	v0 =	vadd.f32 v51, v50;
	_ =	sdelay $0x1  }
0x273: {  	v52 =	vld [tilespmem:s31+$0xCCA0];
	[tilespmem:s31+$0xCC90] =	vst v0  }
0x274: {  	v53 =	vld [tilespmem:s30+$0x1220];
	_ =	sdelay $0x4  }
0x275: {  	v0 =	vadd.f32 v53, v52;
	_ =	sdelay $0x1  }
0x276: {  	v54 =	vld [tilespmem:s31+$0xCCB0];
	[tilespmem:s31+$0xCCA0] =	vst v0  }
0x277: {  	v55 =	vld [tilespmem:s30+$0x1230];
	_ =	sdelay $0x4  }
0x278: {  	v0 =	vadd.f32 v55, v54;
	_ =	sdelay $0x1  }
0x279: {  	v56 =	vld [tilespmem:s31+$0xCCC0];
	[tilespmem:s31+$0xCCB0] =	vst v0  }
0x27a: {  	v57 =	vld [tilespmem:s30+$0x1240];
	_ =	sdelay $0x4  }
0x27b: {  	v0 =	vadd.f32 v57, v56;
	_ =	sdelay $0x1  }
0x27c: {  	v58 =	vld [tilespmem:s31+$0xCCD0];
	[tilespmem:s31+$0xCCC0] =	vst v0  }
0x27d: {  	v59 =	vld [tilespmem:s30+$0x1250];
	_ =	sdelay $0x4  }
0x27e: {  	v0 =	vadd.f32 v59, v58;
	_ =	sdelay $0x1  }
0x27f: {  	v60 =	vld [tilespmem:s31+$0xCCE0];
	[tilespmem:s31+$0xCCD0] =	vst v0  }
0x280: {  	v61 =	vld [tilespmem:s30+$0x1260];
	_ =	sdelay $0x4  }
0x281: {  	v0 =	vadd.f32 v61, v60  }
0x282: {  	(v2sf) =	vpush v2, $0xC  }
0x283: {  	v62 =	vld [tilespmem:s31+$0xCCF0];
	[tilespmem:s31+$0xCCE0] =	vst v0  }
0x284: {  	v63 =	vld [tilespmem:s30+$0x1270];
	_ =	sdelay $0x4  }
0x285: {  	v0 =	vadd.f32 v63, v62  }
0x286: {  	s2 =	sshll.u32 s2, $0x6  }
0x287: {  	s15 =	sshra.s32 s2, $0x2;
	[tilespmem:s31+$0xCCF0] =	vst v0  }
0x288: {  	v0 =	vld [tilespmem:s15+$0x1CC80];
	_ =	sdelay $0x4  }
0x289: {  	s2 =	spop (v2sf);
	v0 =	vadd.f32 $1.000000000e+00, v0  }
0x28a: {  	s16 =	sshll.u32 s2, $0x9  }
0x28b: {  	s31 =	sshra.s32 s16, $0x2;
	[tilespmem:s15+$0x1CC80] =	vst v0  }
0x28c: {  	v0 =	vld [tilespmem:s31+$0xCC80]  }
0x28d: {  	v4 =	vld [tilespmem:s30+$0x1280];
	_ =	sdelay $0x4  }
0x28e: {  	v0 =	vadd.f32 v4, v0;
	_ =	sdelay $0x1  }
0x28f: {  	v5 =	vld [tilespmem:s31+$0xCC90];
	[tilespmem:s31+$0xCC80] =	vst v0  }
0x290: {  	v6 =	vld [tilespmem:s30+$0x1290];
	_ =	sdelay $0x4  }
0x291: {  	v0 =	vadd.f32 v6, v5;
	_ =	sdelay $0x1  }
0x292: {  	v7 =	vld [tilespmem:s31+$0xCCA0];
	[tilespmem:s31+$0xCC90] =	vst v0  }
0x293: {  	v8 =	vld [tilespmem:s30+$0x12A0];
	_ =	sdelay $0x4  }
0x294: {  	v0 =	vadd.f32 v8, v7;
	_ =	sdelay $0x1  }
0x295: {  	v9 =	vld [tilespmem:s31+$0xCCB0];
	[tilespmem:s31+$0xCCA0] =	vst v0  }
0x296: {  	v10 =	vld [tilespmem:s30+$0x12B0];
	_ =	sdelay $0x4  }
0x297: {  	v0 =	vadd.f32 v10, v9;
	_ =	sdelay $0x1  }
0x298: {  	v11 =	vld [tilespmem:s31+$0xCCC0];
	[tilespmem:s31+$0xCCB0] =	vst v0  }
0x299: {  	v12 =	vld [tilespmem:s30+$0x12C0];
	_ =	sdelay $0x4  }
0x29a: {  	v0 =	vadd.f32 v12, v11;
	_ =	sdelay $0x1  }
0x29b: {  	v13 =	vld [tilespmem:s31+$0xCCD0];
	[tilespmem:s31+$0xCCC0] =	vst v0  }
0x29c: {  	v14 =	vld [tilespmem:s30+$0x12D0];
	_ =	sdelay $0x4  }
0x29d: {  	v0 =	vadd.f32 v14, v13;
	_ =	sdelay $0x1  }
0x29e: {  	v15 =	vld [tilespmem:s31+$0xCCE0];
	[tilespmem:s31+$0xCCD0] =	vst v0  }
0x29f: {  	v16 =	vld [tilespmem:s30+$0x12E0];
	_ =	sdelay $0x4  }
0x2a0: {  	v0 =	vadd.f32 v16, v15  }
0x2a1: {  	(v2sf) =	vpush v2, $0xD  }
0x2a2: {  	v17 =	vld [tilespmem:s31+$0xCCF0];
	[tilespmem:s31+$0xCCE0] =	vst v0  }
0x2a3: {  	v18 =	vld [tilespmem:s30+$0x12F0];
	_ =	sdelay $0x4  }
0x2a4: {  	v0 =	vadd.f32 v18, v17  }
0x2a5: {  	s2 =	sshll.u32 s2, $0x6  }
0x2a6: {  	s15 =	sshra.s32 s2, $0x2;
	[tilespmem:s31+$0xCCF0] =	vst v0  }
0x2a7: {  	v0 =	vld [tilespmem:s15+$0x1CC80];
	_ =	sdelay $0x4  }
0x2a8: {  	s2 =	spop (v2sf);
	v0 =	vadd.f32 $1.000000000e+00, v0  }
0x2a9: {  	s16 =	sshll.u32 s2, $0x9  }
0x2aa: {  	s31 =	sshra.s32 s16, $0x2;
	[tilespmem:s15+$0x1CC80] =	vst v0  }
0x2ab: {  	v0 =	vld [tilespmem:s31+$0xCC80]  }
0x2ac: {  	v19 =	vld [tilespmem:s30+$0x1300];
	_ =	sdelay $0x4  }
0x2ad: {  	v0 =	vadd.f32 v19, v0;
	_ =	sdelay $0x1  }
0x2ae: {  	v20 =	vld [tilespmem:s31+$0xCC90];
	[tilespmem:s31+$0xCC80] =	vst v0  }
0x2af: {  	v21 =	vld [tilespmem:s30+$0x1310];
	_ =	sdelay $0x4  }
0x2b0: {  	v0 =	vadd.f32 v21, v20;
	_ =	sdelay $0x1  }
0x2b1: {  	v22 =	vld [tilespmem:s31+$0xCCA0];
	[tilespmem:s31+$0xCC90] =	vst v0  }
0x2b2: {  	v23 =	vld [tilespmem:s30+$0x1320];
	_ =	sdelay $0x4  }
0x2b3: {  	v0 =	vadd.f32 v23, v22;
	_ =	sdelay $0x1  }
0x2b4: {  	v24 =	vld [tilespmem:s31+$0xCCB0];
	[tilespmem:s31+$0xCCA0] =	vst v0  }
0x2b5: {  	v25 =	vld [tilespmem:s30+$0x1330];
	_ =	sdelay $0x4  }
0x2b6: {  	v0 =	vadd.f32 v25, v24;
	_ =	sdelay $0x1  }
0x2b7: {  	v26 =	vld [tilespmem:s31+$0xCCC0];
	[tilespmem:s31+$0xCCB0] =	vst v0  }
0x2b8: {  	v27 =	vld [tilespmem:s30+$0x1340];
	_ =	sdelay $0x4  }
0x2b9: {  	v0 =	vadd.f32 v27, v26;
	_ =	sdelay $0x1  }
0x2ba: {  	v28 =	vld [tilespmem:s31+$0xCCD0];
	[tilespmem:s31+$0xCCC0] =	vst v0  }
0x2bb: {  	v29 =	vld [tilespmem:s30+$0x1350];
	_ =	sdelay $0x4  }
0x2bc: {  	v0 =	vadd.f32 v29, v28;
	_ =	sdelay $0x1  }
0x2bd: {  	v30 =	vld [tilespmem:s31+$0xCCE0];
	[tilespmem:s31+$0xCCD0] =	vst v0  }
0x2be: {  	v31 =	vld [tilespmem:s30+$0x1360];
	_ =	sdelay $0x4  }
0x2bf: {  	v0 =	vadd.f32 v31, v30  }
0x2c0: {  	(v2sf) =	vpush v2, $0xE  }
0x2c1: {  	v32 =	vld [tilespmem:s31+$0xCCF0];
	[tilespmem:s31+$0xCCE0] =	vst v0  }
0x2c2: {  	v33 =	vld [tilespmem:s30+$0x1370];
	_ =	sdelay $0x4  }
0x2c3: {  	v0 =	vadd.f32 v33, v32  }
0x2c4: {  	s2 =	sshll.u32 s2, $0x6  }
0x2c5: {  	s15 =	sshra.s32 s2, $0x2;
	[tilespmem:s31+$0xCCF0] =	vst v0  }
0x2c6: {  	v0 =	vld [tilespmem:s15+$0x1CC80];
	_ =	sdelay $0x4  }
0x2c7: {  	s2 =	spop (v2sf);
	v0 =	vadd.f32 $1.000000000e+00, v0  }
0x2c8: {  	s16 =	sshll.u32 s2, $0x9  }
0x2c9: {  	s31 =	sshra.s32 s16, $0x2;
	[tilespmem:s15+$0x1CC80] =	vst v0  }
0x2ca: {  	v0 =	vld [tilespmem:s31+$0xCC80]  }
0x2cb: {  	v34 =	vld [tilespmem:s30+$0x1380];
	_ =	sdelay $0x4  }
0x2cc: {  	v0 =	vadd.f32 v34, v0;
	_ =	sdelay $0x1  }
0x2cd: {  	v35 =	vld [tilespmem:s31+$0xCC90];
	[tilespmem:s31+$0xCC80] =	vst v0  }
0x2ce: {  	v36 =	vld [tilespmem:s30+$0x1390];
	_ =	sdelay $0x4  }
0x2cf: {  	v0 =	vadd.f32 v36, v35;
	_ =	sdelay $0x1  }
0x2d0: {  	v37 =	vld [tilespmem:s31+$0xCCA0];
	[tilespmem:s31+$0xCC90] =	vst v0  }
0x2d1: {  	v38 =	vld [tilespmem:s30+$0x13A0];
	_ =	sdelay $0x4  }
0x2d2: {  	v0 =	vadd.f32 v38, v37;
	_ =	sdelay $0x1  }
0x2d3: {  	v39 =	vld [tilespmem:s31+$0xCCB0];
	[tilespmem:s31+$0xCCA0] =	vst v0  }
0x2d4: {  	v40 =	vld [tilespmem:s30+$0x13B0];
	_ =	sdelay $0x4  }
0x2d5: {  	v0 =	vadd.f32 v40, v39;
	_ =	sdelay $0x1  }
0x2d6: {  	v41 =	vld [tilespmem:s31+$0xCCC0];
	[tilespmem:s31+$0xCCB0] =	vst v0  }
0x2d7: {  	v42 =	vld [tilespmem:s30+$0x13C0];
	_ =	sdelay $0x4  }
0x2d8: {  	v0 =	vadd.f32 v42, v41;
	_ =	sdelay $0x1  }
0x2d9: {  	v43 =	vld [tilespmem:s31+$0xCCD0];
	[tilespmem:s31+$0xCCC0] =	vst v0  }
0x2da: {  	v44 =	vld [tilespmem:s30+$0x13D0];
	_ =	sdelay $0x4  }
0x2db: {  	v0 =	vadd.f32 v44, v43;
	_ =	sdelay $0x1  }
0x2dc: {  	v45 =	vld [tilespmem:s31+$0xCCE0];
	[tilespmem:s31+$0xCCD0] =	vst v0  }
0x2dd: {  	v46 =	vld [tilespmem:s30+$0x13E0];
	_ =	sdelay $0x4  }
0x2de: {  	v0 =	vadd.f32 v46, v45;
	_ =	sdelay $0x1  }
0x2df: {  	v47 =	vld [tilespmem:s31+$0xCCF0];
	[tilespmem:s31+$0xCCE0] =	vst v0  }
0x2e0: {  	v48 =	vld [tilespmem:s30+$0x13F0];
	_ =	sdelay $0x4  }
0x2e1: {  	v0 =	vadd.f32 v48, v47  }
0x2e2: {  	s2 =	sshll.u32 s2, $0x6  }
0x2e3: {  	s2 =	sshra.s32 s2, $0x2;
	[tilespmem:s31+$0xCCF0] =	vst v0  }
0x2e4: {  	v0 =	vld [tilespmem:s2+$0x1CC80];
	_ =	sdelay $0x4  }
0x2e5: {  	v0 =	vadd.f32 $1.000000000e+00, v0  }
0x2e6: {  	s15 =	sshll.u32 s29, $0x9  }
0x2e7: {  	s16 =	sshra.s32 s15, $0x2;
	[tilespmem:s2+$0x1CC80] =	vst v0  }
0x2e8: {  	v0 =	vld [tilespmem:s16+$0xCC80]  }
0x2e9: {  	v49 =	vld [tilespmem:s30+$0x1400];
	_ =	sdelay $0x4  }
0x2ea: {  	v0 =	vadd.f32 v49, v0;
	_ =	sdelay $0x1  }
0x2eb: {  	v50 =	vld [tilespmem:s16+$0xCC90];
	[tilespmem:s16+$0xCC80] =	vst v0  }
0x2ec: {  	v51 =	vld [tilespmem:s30+$0x1410];
	_ =	sdelay $0x4  }
0x2ed: {  	v0 =	vadd.f32 v51, v50;
	_ =	sdelay $0x1  }
0x2ee: {  	v52 =	vld [tilespmem:s16+$0xCCA0];
	[tilespmem:s16+$0xCC90] =	vst v0  }
0x2ef: {  	v53 =	vld [tilespmem:s30+$0x1420];
	_ =	sdelay $0x4  }
0x2f0: {  	v0 =	vadd.f32 v53, v52;
	_ =	sdelay $0x1  }
0x2f1: {  	v54 =	vld [tilespmem:s16+$0xCCB0];
	[tilespmem:s16+$0xCCA0] =	vst v0  }
0x2f2: {  	v55 =	vld [tilespmem:s30+$0x1430];
	_ =	sdelay $0x4  }
0x2f3: {  	v0 =	vadd.f32 v55, v54;
	_ =	sdelay $0x1  }
0x2f4: {  	v56 =	vld [tilespmem:s16+$0xCCC0];
	[tilespmem:s16+$0xCCB0] =	vst v0  }
0x2f5: {  	v57 =	vld [tilespmem:s30+$0x1440];
	_ =	sdelay $0x4  }
0x2f6: {  	v0 =	vadd.f32 v57, v56;
	_ =	sdelay $0x1  }
0x2f7: {  	v58 =	vld [tilespmem:s16+$0xCCD0];
	[tilespmem:s16+$0xCCC0] =	vst v0  }
0x2f8: {  	v59 =	vld [tilespmem:s30+$0x1450];
	_ =	sdelay $0x4  }
0x2f9: {  	v0 =	vadd.f32 v59, v58;
	_ =	sdelay $0x1  }
0x2fa: {  	v60 =	vld [tilespmem:s16+$0xCCE0];
	[tilespmem:s16+$0xCCD0] =	vst v0  }
0x2fb: {  	v61 =	vld [tilespmem:s30+$0x1460];
	_ =	sdelay $0x4  }
0x2fc: {  	v0 =	vadd.f32 v61, v60;
	_ =	sdelay $0x1  }
0x2fd: {  	v62 =	vld [tilespmem:s16+$0xCCF0];
	[tilespmem:s16+$0xCCE0] =	vst v0  }
0x2fe: {  	v63 =	vld [tilespmem:s30+$0x1470];
	_ =	sdelay $0x4  }
0x2ff: {  	v0 =	vadd.f32 v63, v62  }
0x300: {  	s30 =	sshll.u32 s29, $0x6  }
0x301: {  	s31 =	sshra.s32 s30, $0x2;
	[tilespmem:s16+$0xCCF0] =	vst v0  }
0x302: {  	v0 =	vld [tilespmem:s31+$0x1CC80];
	_ =	sdelay $0x2  }
.Ltmp9:
0x303: {  	_ = 	snop;
	(pc) =	sbr.rel .LBB2_10-.Ltmp9, $3  }
0x304: {  	_ = 	snop  }
0x305: {  	v0 =	vadd.f32 $1.000000000e+00, v0;
	_ =	sdelay $0x1  }
0x306: {  	[tilespmem:s31+$0x1CC80] =	vst v0  }
.LBB2_12:
0x307: {  	_ =	sfence.sel $0x180000  }
0x308: {  	[bflag:$0x0] =	sbarrier.arrive $0xFFFF  }
0x309: {  	_ =	strace $0x90000047  }
0x30a: {  	s0 =	stileid.u32;
	[bflag:$0x2] =	sbarrier.arrive $0xFFFF  }
0x30b: {  	p0 =	sne.s32 s0, $0x0;
	s0 =	rddreg [dreg:$0x3]  }
0x30c: {  	s0 =	sadd.s32 @!p0 $0x100000, s0  }
0x30d: {  	[sflag:s0] =	ssyncadd.tile.s32 @!p0 $0x1;
	_ =	shalt  }
.Lfunc_end2:
_tile_overlayer_lowered:
.L_overlay_start_2:
0x30e: {  	(tag) =	ssettag $0x2  }
0x30f: {  	s0 =	rddreg [dreg:$0x0];
	s2 =	stileid.u32  }
0x310: {  	s1 =	rddreg [dreg:$0x1];
	p0 =	sne.s32 s2, $0x0  }
0x311: {  	s3 =	rddreg [dreg:$0x2];
	[bflag:$0x3] =	sbarrier.arrive $0xFFFF;
	s2 =	simm.s32 @!p0 $0x1C06  }
0x312: {  	[timem:s3], [sflag:s2] =	dma.local @!p0 [hbm:s0], s1  }
0x313: {  	s0 =	simm.s32 @!p0 $0x6  }
0x314: {  	_ =	swait.ge @!p0 [sflag:s0], s1  }
0x315: {  	s1 =	ssub.s32 @!p0 $0x0, s1;
	[sflag:s0] =	ssyncset.done @!p0 $0x0  }
0x316: {  	[sflag:s0] =	ssyncadd.s32 @!p0 s1  }
0x317: {  	[bflag:$0x3] =	sbarrier.arrive $0xFFFF  }
0x318: {  	_ =	shalt  }

</sc_bundles>
